<compile_context>
chip_gen: v7x
topology: tpu7x:2x2x1
jax: 0.10.2.dev20260603
libtpu: 0.0.44.dev20260713+nightly
codegen_flags: <defaults>
</compile_context>

<pallas_src>
import functools

import jax
import jax.numpy as jnp
from jax import lax
from jax.experimental import pallas as pl
from jax.experimental.pallas import tpu as pltpu
from jax.experimental.pallas import tpu_sc as plsc

M = 320000
D = 128
T = 1280000

NC = 2
NS = 16
L = 16

R_USE = 8000
NCHUNK = M // R_USE
CHUNK_PER_SC = NCHUNK // NC
ACC_ROWS = 8192
GARBAGE_ROW = R_USE

TPW = T // NS
BLK_T = 1600
assert BLK_T % (2 * L) == 0 and (T // NS) % BLK_T == 0
NBLK = TPW // BLK_T
C = 192
FLUSH_AT = C - L

MLP_BLK = 2000


def _mlp_body(x_ref, w1a, b1a, w2a, b2a, w1b, b1b, w2b, b2b, o1_ref, o2_ref):
    x = x_ref[...]
    h = jnp.maximum(jnp.dot(x, w1a[...], preferred_element_type=jnp.float32)
                    + b1a[...], 0.0)
    o1_ref[...] = jnp.dot(h, w2a[...], preferred_element_type=jnp.float32) + b2a[...]
    h = jnp.maximum(jnp.dot(x, w1b[...], preferred_element_type=jnp.float32)
                    + b1b[...], 0.0)
    o2_ref[...] = jnp.dot(h, w2b[...], preferred_element_type=jnp.float32) + b2b[...]


def _mlps(X, W1a, b1a, W2a, b2a, W1b, b1b, W2b, b2b):
    n = X.shape[0]
    w_spec = pl.BlockSpec((D, D), lambda i: (0, 0))
    b_spec = pl.BlockSpec((1, D), lambda i: (0, 0))
    x_spec = pl.BlockSpec((MLP_BLK, D), lambda i: (i, 0))
    return pl.pallas_call(
        _mlp_body,
        grid=(n // MLP_BLK,),
        in_specs=[x_spec, w_spec, b_spec, w_spec, b_spec,
                  w_spec, b_spec, w_spec, b_spec],
        out_specs=[x_spec, x_spec],
        out_shape=[jax.ShapeDtypeStruct((n, D), jnp.float32),
                   jax.ShapeDtypeStruct((n, D), jnp.float32)],
    )(X, W1a, b1a.reshape(1, D), W2a, b2a.reshape(1, D),
      W1b, b1b.reshape(1, D), W2b, b2b.reshape(1, D))


def _msgpass_body(x1_hbm, x2_hbm, tar_hbm, s1_hbm, s2_hbm, zeros_hbm, out_hbm,
                  tarv, s1v, s2v, mtar, ms1, ms2, rows1, rows2,
                  acc, sem1, sem2, sem3, gsem1, gsem2):
    core = lax.axis_index("c")
    sub = lax.axis_index("s")
    zvec_i = jnp.zeros((L,), jnp.int32)
    gvec_i = jnp.full((L,), GARBAGE_ROW, jnp.int32)

    rows_per_sub_acc = ACC_ROWS // NS

    def zero_own_region():
        pltpu.sync_copy(zeros_hbm,
                        acc.at[pl.ds(sub * rows_per_sub_acc, rows_per_sub_acc)])

    def refill_buffers(q):
        for j in range(C // L):
            sl = pl.ds(j * L, L)
            mtar[q, sl] = gvec_i
            ms1[q, sl] = zvec_i
            ms2[q, sl] = zvec_i

    def issue_gathers(q):
        pltpu.async_copy(x1_hbm.at[ms1.at[q]], rows1, gsem1)
        pltpu.async_copy(x2_hbm.at[ms2.at[q]], rows2, gsem2)

    def drain_process(q):
        pltpu.make_async_copy(x1_hbm.at[ms1.at[q]], rows1, gsem1).wait()
        pltpu.make_async_copy(x2_hbm.at[ms2.at[q]], rows2, gsem2).wait()

        @plsc.parallel_loop(0, C, step=1, unroll=8)
        def _(r):
            for v in range(D // L):
                sl = pl.ds(v * L, L)
                rows1[r, sl] = rows1[r, sl] * rows2[r, sl]
        pltpu.sync_copy(rows1, acc.at[mtar.at[q]], add=True)
        refill_buffers(q)

    zero_own_region()
    refill_buffers(0)
    refill_buffers(1)
    plsc.subcore_barrier()

    iota = lax.iota(jnp.int32, L)

    def pass_body(p, _):
        chunk = core * CHUNK_PER_SC + p
        lo = chunk * R_USE

        off0 = sub * TPW
        pltpu.async_copy(tar_hbm.at[pl.ds(off0, BLK_T)], tarv.at[0], sem1)
        pltpu.async_copy(s1_hbm.at[pl.ds(off0, BLK_T)], s1v.at[0], sem2)
        pltpu.async_copy(s2_hbm.at[pl.ds(off0, BLK_T)], s2v.at[0], sem3)

        def blk_body(b, carry):
            qb = lax.rem(b, 2)
            pltpu.make_async_copy(tar_hbm.at[pl.ds(0, BLK_T)],
                                  tarv.at[qb], sem1).wait()
            pltpu.make_async_copy(s1_hbm.at[pl.ds(0, BLK_T)],
                                  s1v.at[qb], sem2).wait()
            pltpu.make_async_copy(s2_hbm.at[pl.ds(0, BLK_T)],
                                  s2v.at[qb], sem3).wait()

            @pl.when(b + 1 < NBLK)
            def _():
                off2 = sub * TPW + (b + 1) * BLK_T
                pltpu.async_copy(tar_hbm.at[pl.ds(off2, BLK_T)],
                                 tarv.at[1 - qb], sem1)
                pltpu.async_copy(s1_hbm.at[pl.ds(off2, BLK_T)],
                                 s1v.at[1 - qb], sem2)
                pltpu.async_copy(s2_hbm.at[pl.ds(off2, BLK_T)],
                                 s2v.at[1 - qb], sem3)

            def scan_one(ii, state):
                wp, par, pend = state
                sl = pl.ds(ii * L, L)
                rel = tarv[qb, sl] - lo
                m = plsc.bitcast(rel, jnp.uint32) < jnp.uint32(R_USE)
                cnt = plsc.all_reduce_population_count(m)[0]
                has = cnt > 0
                need_flush = has & (wp > FLUSH_AT)

                @pl.when(need_flush)
                def _():
                    @pl.when(pend == 1)
                    def _():
                        drain_process(1 - par)
                    issue_gathers(par)

                par = jnp.where(need_flush, 1 - par, par)
                pend = jnp.where(need_flush, 1, pend)
                wp = jnp.where(need_flush, 0, wp)

                @pl.when(has)
                def _():
                    _, relC, mo = plsc.sort_key_val(iota, rel, mask=m)
                    _, s1C, _ = plsc.sort_key_val(iota, s1v[qb, sl], mask=m)
                    _, s2C, _ = plsc.sort_key_val(iota, s2v[qb, sl], mask=m)
                    mtar[par, pl.ds(wp, L)] = jnp.where(mo, relC, GARBAGE_ROW)
                    ms1[par, pl.ds(wp, L)] = jnp.where(mo, s1C, 0)
                    ms2[par, pl.ds(wp, L)] = jnp.where(mo, s2C, 0)

                return (wp + cnt, par, pend)

            def scan_iter(i, state):
                for h in range(2):
                    state = scan_one(i * 2 + h, state)
                return state

            return lax.fori_loop(0, BLK_T // (2 * L), scan_iter, carry)

        wp, par, pend = lax.fori_loop(0, NBLK, blk_body, (0, 0, 0))

        @pl.when(pend == 1)
        def _():
            drain_process(1 - par)

        @pl.when(wp > 0)
        def _():
            issue_gathers(par)
            drain_process(par)

        plsc.subcore_barrier()
        rows_per_sub = R_USE // NS
        pltpu.sync_copy(acc.at[pl.ds(sub * rows_per_sub, rows_per_sub)],
                        out_hbm.at[pl.ds(lo + sub * rows_per_sub, rows_per_sub)])
        plsc.subcore_barrier()
        zero_own_region()
        plsc.subcore_barrier()
        return 0

    lax.fori_loop(0, CHUNK_PER_SC, pass_body, 0)


def _msgpass(X1, X2, tar_ind, src1_ind, src2_ind):
    mesh = plsc.VectorSubcoreMesh(core_axis_name="c", subcore_axis_name="s")
    f = pl.kernel(
        _msgpass_body,
        out_type=jax.ShapeDtypeStruct((M, D), jnp.float32),
        mesh=mesh,
        compiler_params=pltpu.CompilerParams(needs_layout_passes=False,
                                             use_tc_tiling_on_sc=False),
        scratch_types=[
            pltpu.VMEM((2, BLK_T), jnp.int32),
            pltpu.VMEM((2, BLK_T), jnp.int32),
            pltpu.VMEM((2, BLK_T), jnp.int32),
            pltpu.VMEM((2, C), jnp.int32),
            pltpu.VMEM((2, C), jnp.int32),
            pltpu.VMEM((2, C), jnp.int32),
            pltpu.VMEM((C, D), jnp.float32),
            pltpu.VMEM((C, D), jnp.float32),
            pltpu.VMEM_SHARED((ACC_ROWS, D), jnp.float32),
            pltpu.SemaphoreType.DMA,
            pltpu.SemaphoreType.DMA,
            pltpu.SemaphoreType.DMA,
            pltpu.SemaphoreType.DMA,
            pltpu.SemaphoreType.DMA,
        ],
    )
    zeros = jnp.zeros((ACC_ROWS // NS, D), jnp.float32)
    return f(X1, X2, tar_ind, src1_ind, src2_ind, zeros)


def kernel(X, tar_ind, src1_ind, src2_ind,
           W1a, b1a, W2a, b2a, W1b, b1b, W2b, b2b):
    assert X.shape == (M, D) and tar_ind.shape == (T,)
    X1, X2 = _mlps(X, W1a, b1a, W2a, b2a, W1b, b1b, W2b, b2b)
    return _msgpass(X1, X2,
                    tar_ind.astype(jnp.int32),
                    src1_ind.astype(jnp.int32),
                    src2_ind.astype(jnp.int32))

# --- scband reference (transcript-rebuilt; emitter-appended) ---
"""Pipeline reference for scband-two-fwlconv-33844342293141 (READ-ONLY COPY).

The authoritative reference and input builder live on the scoring server;
editing this copy changes nothing except your own understanding.
"""

import jax, jax.numpy as jnp
import numpy as np

M = 320000   # number of sparse 2-tuples (nonzeros of SparseTensor X)
D = 128      # emb_dim
T = 1280000  # number of (i,k),(k,j)->(i,j) message triples


def _mlp(x, W1, b1, W2, b2):
    # 2-layer MLP (mlplayer=2) with ReLU, as in lin1/lin2 applied tuplewise
    h = jax.nn.relu(x @ W1 + b1)
    return h @ W2 + b2


def setup_inputs(seed: int = 0) -> dict:
    key = jax.random.key(seed)
    ks = jax.random.split(key, 12)
    X = jax.random.normal(ks[0], (M, D), dtype=jnp.float32)
    # messagepassing_tuple structure: for each output tuple t=(i,j) and each k
    # with (i,k),(k,j) present, gather src1=(i,k) from X1 and src2=(k,j) from X2,
    # multiply elementwise, scatter-add into tar=(i,j).
    tar_ind = jax.random.randint(ks[1], (T,), 0, M)
    src1_ind = jax.random.randint(ks[2], (T,), 0, M)
    src2_ind = jax.random.randint(ks[3], (T,), 0, M)
    s = 1.0 / np.sqrt(D)
    W1a = jax.random.normal(ks[4], (D, D), dtype=jnp.float32) * s
    b1a = jnp.zeros((D,), dtype=jnp.float32)
    W2a = jax.random.normal(ks[5], (D, D), dtype=jnp.float32) * s
    b2a = jnp.zeros((D,), dtype=jnp.float32)
    W1b = jax.random.normal(ks[6], (D, D), dtype=jnp.float32) * s
    b1b = jnp.zeros((D,), dtype=jnp.float32)
    W2b = jax.random.normal(ks[7], (D, D), dtype=jnp.float32) * s
    b2b = jnp.zeros((D,), dtype=jnp.float32)
    return {
        "X": X,
        "tar_ind": tar_ind,
        "src1_ind": src1_ind,
        "src2_ind": src2_ind,
        "W1a": W1a, "b1a": b1a, "W2a": W2a, "b2a": b2a,
        "W1b": W1b, "b1b": b1b, "W2b": W2b, "b2b": b2b,
    }


def reference(X, tar_ind, src1_ind, src2_ind,
              W1a, b1a, W2a, b2a, W1b, b1b, W2b, b2b):
    # X1 = X.tuplewiseapply(lin1); X2 = X.tuplewiseapply(lin2)
    X1 = _mlp(X, W1a, b1a, W2a, b2a)
    X2 = _mlp(X, W1b, b1b, W2b, b2b)
    # messagepassing_tuple(X1, 1, X2, 0, 'X_1_X_0', datadict, 'sum'):
    # out[(i,j)] = sum_k X1[(i,k)] * X2[(k,j)]
    msg = jnp.take(X1, src1_ind, axis=0) * jnp.take(X2, src2_ind, axis=0)
    out = jax.ops.segment_sum(msg, tar_ind, num_segments=M)
    return out

if __name__ == "__main__":
    import jax
    _d = setup_inputs()
    print(jax.jit(kernel)(*tuple(_d.values())))

</pallas_src>

<mosaic_0001>
#map = affine_map<(d0, d1) -> (0, 0)>
#map1 = affine_map<(d0, d1) -> (0)>
module attributes {stable_mosaic.version = 14 : i64} {
  func.func @_msgpass_body(%arg0: i32, %arg1: i32, %arg2: memref<320000x128xf32, #tpu.memory_space<hbm>>, %arg3: memref<320000x128xf32, #tpu.memory_space<hbm>>, %arg4: memref<1280000xi32, #tpu.memory_space<hbm>>, %arg5: memref<1280000xi32, #tpu.memory_space<hbm>>, %arg6: memref<1280000xi32, #tpu.memory_space<hbm>>, %arg7: memref<512x128xf32, #tpu.memory_space<hbm>>, %arg8: memref<320000x128xf32, #tpu.memory_space<hbm>>, %arg9: memref<2x1600xi32, #tpu.memory_space<vmem>>, %arg10: memref<2x1600xi32, #tpu.memory_space<vmem>>, %arg11: memref<2x1600xi32, #tpu.memory_space<vmem>>, %arg12: memref<2x192xi32, #tpu.memory_space<vmem>>, %arg13: memref<2x192xi32, #tpu.memory_space<vmem>>, %arg14: memref<2x192xi32, #tpu.memory_space<vmem>>, %arg15: memref<192x128xf32, #tpu.memory_space<vmem>>, %arg16: memref<192x128xf32, #tpu.memory_space<vmem>>, %arg17: memref<8192x128xf32, #tpu.memory_space<vmem_shared>>, %arg18: memref<!tpu.dma_semaphore, #tpu.memory_space<semaphore_mem>>, %arg19: memref<!tpu.dma_semaphore, #tpu.memory_space<semaphore_mem>>, %arg20: memref<!tpu.dma_semaphore, #tpu.memory_space<semaphore_mem>>, %arg21: memref<!tpu.dma_semaphore, #tpu.memory_space<semaphore_mem>>, %arg22: memref<!tpu.dma_semaphore, #tpu.memory_space<semaphore_mem>>) attributes {dimension_semantics = [#tpu.dimension_semantics<core_parallel>, #tpu.dimension_semantics<subcore_parallel>], iteration_bounds = array<i64: 2, 16>, scalar_prefetch = 0 : i64, scratch_operands = 14 : i64, tpu.core_type = #tpu.core_type<sc_vector_subcore>, window_params = [{transform_indices = #map}, {transform_indices = #map}, {transform_indices = #map1}, {transform_indices = #map1}, {transform_indices = #map1}, {transform_indices = #map}, {transform_indices = #map}]} {
    %broadcast_in_dim3A = arith.constant 0 : i32
    %broadcast_in_dim3A_0 = vector.broadcast %broadcast_in_dim3A : i32 to vector<16xi32>
    %broadcast_in_dim3A_1 = arith.constant 8000 : i32
    %broadcast_in_dim3A_2 = vector.broadcast %broadcast_in_dim3A_1 : i32 to vector<16xi32>
    %mul3A = arith.constant 512 : i32
    %mul3A_3 = arith.muli %arg1, %mul3A : i32
    "tpu.region"() ({
      %run_scoped3A = tpu.sem_alloc : memref<!tpu.dma_semaphore, #tpu.memory_space<semaphore_mem>>
      %dma_start3A = arith.constant 0 : i32
      %dma_start3A_297 = tpu.memref_slice %arg17[%mul3A_3, %dma_start3A] : memref<8192x128xf32, #tpu.memory_space<vmem_shared>> -> memref<512x128xf32, #tpu.memory_space<vmem_shared>>
      tpu.enqueue_dma source(%arg7 : memref<512x128xf32, #tpu.memory_space<hbm>>) target(%dma_start3A_297 : memref<512x128xf32, #tpu.memory_space<vmem_shared>>) target_semaphore(%run_scoped3A : memref<!tpu.dma_semaphore, #tpu.memory_space<semaphore_mem>>)
      %dma_wait3A = arith.constant 0 : i32
      %dma_wait3A_298 = tpu.memref_slice %arg17[%mul3A_3, %dma_wait3A] : memref<8192x128xf32, #tpu.memory_space<vmem_shared>> -> memref<512x128xf32, #tpu.memory_space<vmem_shared>>
      tpu.wait_dma2 semaphore(%run_scoped3A : memref<!tpu.dma_semaphore, #tpu.memory_space<semaphore_mem>>) src(%arg7 : memref<512x128xf32, #tpu.memory_space<hbm>>) dst(%dma_wait3A_298 : memref<512x128xf32, #tpu.memory_space<vmem_shared>>)
      tpu.yield
    }) : () -> ()
    %swap3A = arith.constant 0 : i32
    %swap3A_4 = arith.index_cast %swap3A : i32 to index
    %swap3A_5 = arith.constant 0 : index
    %swap3A_6 = tpu.vector_load %arg12[%swap3A_4, %swap3A_5] {strides = array<i32>} : memref<2x192xi32, #tpu.memory_space<vmem>>, vector<16xi32>,
    tpu.vector_store %arg12[%swap3A_4, %swap3A_5], %broadcast_in_dim3A_2 {strides = array<i32>} : memref<2x192xi32, #tpu.memory_space<vmem>>, vector<16xi32>,
    %swap3A_7 = arith.constant 0 : i32
    %swap3A_8 = arith.index_cast %swap3A_7 : i32 to index
    %swap3A_9 = arith.constant 0 : index
    %swap3A_10 = tpu.vector_load %arg13[%swap3A_8, %swap3A_9] {strides = array<i32>} : memref<2x192xi32, #tpu.memory_space<vmem>>, vector<16xi32>,
    tpu.vector_store %arg13[%swap3A_8, %swap3A_9], %broadcast_in_dim3A_0 {strides = array<i32>} : memref<2x192xi32, #tpu.memory_space<vmem>>, vector<16xi32>,
    %swap3A_11 = arith.constant 0 : i32
    %swap3A_12 = arith.index_cast %swap3A_11 : i32 to index
    %swap3A_13 = arith.constant 0 : index
    %swap3A_14 = tpu.vector_load %arg14[%swap3A_12, %swap3A_13] {strides = array<i32>} : memref<2x192xi32, #tpu.memory_space<vmem>>, vector<16xi32>,
    tpu.vector_store %arg14[%swap3A_12, %swap3A_13], %broadcast_in_dim3A_0 {strides = array<i32>} : memref<2x192xi32, #tpu.memory_space<vmem>>, vector<16xi32>,
    %swap3A_15 = arith.constant 0 : i32
    %swap3A_16 = arith.index_cast %swap3A_15 : i32 to index
    %swap3A_17 = arith.constant 16 : index
    %swap3A_18 = tpu.vector_load %arg12[%swap3A_16, %swap3A_17] {strides = array<i32>} : memref<2x192xi32, #tpu.memory_space<vmem>>, vector<16xi32>,
    tpu.vector_store %arg12[%swap3A_16, %swap3A_17], %broadcast_in_dim3A_2 {strides = array<i32>} : memref<2x192xi32, #tpu.memory_space<vmem>>, vector<16xi32>,
    %swap3A_19 = arith.constant 0 : i32
    %swap3A_20 = arith.index_cast %swap3A_19 : i32 to index
    %swap3A_21 = arith.constant 16 : index
    %swap3A_22 = tpu.vector_load %arg13[%swap3A_20, %swap3A_21] {strides = array<i32>} : memref<2x192xi32, #tpu.memory_space<vmem>>, vector<16xi32>,
    tpu.vector_store %arg13[%swap3A_20, %swap3A_21], %broadcast_in_dim3A_0 {strides = array<i32>} : memref<2x192xi32, #tpu.memory_space<vmem>>, vector<16xi32>,
    %swap3A_23 = arith.constant 0 : i32
    %swap3A_24 = arith.index_cast %swap3A_23 : i32 to index
    %swap3A_25 = arith.constant 16 : index
    %swap3A_26 = tpu.vector_load %arg14[%swap3A_24, %swap3A_25] {strides = array<i32>} : memref<2x192xi32, #tpu.memory_space<vmem>>, vector<16xi32>,
    tpu.vector_store %arg14[%swap3A_24, %swap3A_25], %broadcast_in_dim3A_0 {strides = array<i32>} : memref<2x192xi32, #tpu.memory_space<vmem>>, vector<16xi32>,
    %swap3A_27 = arith.constant 0 : i32
    %swap3A_28 = arith.index_cast %swap3A_27 : i32 to index
    %swap3A_29 = arith.constant 32 : index
    %swap3A_30 = tpu.vector_load %arg12[%swap3A_28, %swap3A_29] {strides = array<i32>} : memref<2x192xi32, #tpu.memory_space<vmem>>, vector<16xi32>,
    tpu.vector_store %arg12[%swap3A_28, %swap3A_29], %broadcast_in_dim3A_2 {strides = array<i32>} : memref<2x192xi32, #tpu.memory_space<vmem>>, vector<16xi32>,
    %swap3A_31 = arith.constant 0 : i32
    %swap3A_32 = arith.index_cast %swap3A_31 : i32 to index
    %swap3A_33 = arith.constant 32 : index
    %swap3A_34 = tpu.vector_load %arg13[%swap3A_32, %swap3A_33] {strides = array<i32>} : memref<2x192xi32, #tpu.memory_space<vmem>>, vector<16xi32>,
    tpu.vector_store %arg13[%swap3A_32, %swap3A_33], %broadcast_in_dim3A_0 {strides = array<i32>} : memref<2x192xi32, #tpu.memory_space<vmem>>, vector<16xi32>,
    %swap3A_35 = arith.constant 0 : i32
    %swap3A_36 = arith.index_cast %swap3A_35 : i32 to index
    %swap3A_37 = arith.constant 32 : index
    %swap3A_38 = tpu.vector_load %arg14[%swap3A_36, %swap3A_37] {strides = array<i32>} : memref<2x192xi32, #tpu.memory_space<vmem>>, vector<16xi32>,
    tpu.vector_store %arg14[%swap3A_36, %swap3A_37], %broadcast_in_dim3A_0 {strides = array<i32>} : memref<2x192xi32, #tpu.memory_space<vmem>>, vector<16xi32>,
    %swap3A_39 = arith.constant 0 : i32
    %swap3A_40 = arith.index_cast %swap3A_39 : i32 to index
    %swap3A_41 = arith.constant 48 : index
    %swap3A_42 = tpu.vector_load %arg12[%swap3A_40, %swap3A_41] {strides = array<i32>} : memref<2x192xi32, #tpu.memory_space<vmem>>, vector<16xi32>,
    tpu.vector_store %arg12[%swap3A_40, %swap3A_41], %broadcast_in_dim3A_2 {strides = array<i32>} : memref<2x192xi32, #tpu.memory_space<vmem>>, vector<16xi32>,
    %swap3A_43 = arith.constant 0 : i32
    %swap3A_44 = arith.index_cast %swap3A_43 : i32 to index
    %swap3A_45 = arith.constant 48 : index
    %swap3A_46 = tpu.vector_load %arg13[%swap3A_44, %swap3A_45] {strides = array<i32>} : memref<2x192xi32, #tpu.memory_space<vmem>>, vector<16xi32>,
    tpu.vector_store %arg13[%swap3A_44, %swap3A_45], %broadcast_in_dim3A_0 {strides = array<i32>} : memref<2x192xi32, #tpu.memory_space<vmem>>, vector<16xi32>,
    %swap3A_47 = arith.constant 0 : i32
    %swap3A_48 = arith.index_cast %swap3A_47 : i32 to index
    %swap3A_49 = arith.constant 48 : index
    %swap3A_50 = tpu.vector_load %arg14[%swap3A_48, %swap3A_49] {strides = array<i32>} : memref<2x192xi32, #tpu.memory_space<vmem>>, vector<16xi32>,
    tpu.vector_store %arg14[%swap3A_48, %swap3A_49], %broadcast_in_dim3A_0 {strides = array<i32>} : memref<2x192xi32, #tpu.memory_space<vmem>>, vector<16xi32>,
    %swap3A_51 = arith.constant 0 : i32
    %swap3A_52 = arith.index_cast %swap3A_51 : i32 to index
    %swap3A_53 = arith.constant 64 : index
    %swap3A_54 = tpu.vector_load %arg12[%swap3A_52, %swap3A_53] {strides = array<i32>} : memref<2x192xi32, #tpu.memory_space<vmem>>, vector<16xi32>,
    tpu.vector_store %arg12[%swap3A_52, %swap3A_53], %broadcast_in_dim3A_2 {strides = array<i32>} : memref<2x192xi32, #tpu.memory_space<vmem>>, vector<16xi32>,
    %swap3A_55 = arith.constant 0 : i32
    %swap3A_56 = arith.index_cast %swap3A_55 : i32 to index
    %swap3A_57 = arith.constant 64 : index
    %swap3A_58 = tpu.vector_load %arg13[%swap3A_56, %swap3A_57] {strides = array<i32>} : memref<2x192xi32, #tpu.memory_space<vmem>>, vector<16xi32>,
    tpu.vector_store %arg13[%swap3A_56, %swap3A_57], %broadcast_in_dim3A_0 {strides = array<i32>} : memref<2x192xi32, #tpu.memory_space<vmem>>, vector<16xi32>,
    %swap3A_59 = arith.constant 0 : i32
    %swap3A_60 = arith.index_cast %swap3A_59 : i32 to index
    %swap3A_61 = arith.constant 64 : index
    %swap3A_62 = tpu.vector_load %arg14[%swap3A_60, %swap3A_61] {strides = array<i32>} : memref<2x192xi32, #tpu.memory_space<vmem>>, vector<16xi32>,
    tpu.vector_store %arg14[%swap3A_60, %swap3A_61], %broadcast_in_dim3A_0 {strides = array<i32>} : memref<2x192xi32, #tpu.memory_space<vmem>>, vector<16xi32>,
    %swap3A_63 = arith.constant 0 : i32
    %swap3A_64 = arith.index_cast %swap3A_63 : i32 to index
    %swap3A_65 = arith.constant 80 : index
    %swap3A_66 = tpu.vector_load %arg12[%swap3A_64, %swap3A_65] {strides = array<i32>} : memref<2x192xi32, #tpu.memory_space<vmem>>, vector<16xi32>,
    tpu.vector_store %arg12[%swap3A_64, %swap3A_65], %broadcast_in_dim3A_2 {strides = array<i32>} : memref<2x192xi32, #tpu.memory_space<vmem>>, vector<16xi32>,
    %swap3A_67 = arith.constant 0 : i32
    %swap3A_68 = arith.index_cast %swap3A_67 : i32 to index
    %swap3A_69 = arith.constant 80 : index
    %swap3A_70 = tpu.vector_load %arg13[%swap3A_68, %swap3A_69] {strides = array<i32>} : memref<2x192xi32, #tpu.memory_space<vmem>>, vector<16xi32>,
    tpu.vector_store %arg13[%swap3A_68, %swap3A_69], %broadcast_in_dim3A_0 {strides = array<i32>} : memref<2x192xi32, #tpu.memory_space<vmem>>, vector<16xi32>,
    %swap3A_71 = arith.constant 0 : i32
    %swap3A_72 = arith.index_cast %swap3A_71 : i32 to index
    %swap3A_73 = arith.constant 80 : index
    %swap3A_74 = tpu.vector_load %arg14[%swap3A_72, %swap3A_73] {strides = array<i32>} : memref<2x192xi32, #tpu.memory_space<vmem>>, vector<16xi32>,
    tpu.vector_store %arg14[%swap3A_72, %swap3A_73], %broadcast_in_dim3A_0 {strides = array<i32>} : memref<2x192xi32, #tpu.memory_space<vmem>>, vector<16xi32>,
    %swap3A_75 = arith.constant 0 : i32
    %swap3A_76 = arith.index_cast %swap3A_75 : i32 to index
    %swap3A_77 = arith.constant 96 : index
    %swap3A_78 = tpu.vector_load %arg12[%swap3A_76, %swap3A_77] {strides = array<i32>} : memref<2x192xi32, #tpu.memory_space<vmem>>, vector<16xi32>,
    tpu.vector_store %arg12[%swap3A_76, %swap3A_77], %broadcast_in_dim3A_2 {strides = array<i32>} : memref<2x192xi32, #tpu.memory_space<vmem>>, vector<16xi32>,
    %swap3A_79 = arith.constant 0 : i32
    %swap3A_80 = arith.index_cast %swap3A_79 : i32 to index
    %swap3A_81 = arith.constant 96 : index
    %swap3A_82 = tpu.vector_load %arg13[%swap3A_80, %swap3A_81] {strides = array<i32>} : memref<2x192xi32, #tpu.memory_space<vmem>>, vector<16xi32>,
    tpu.vector_store %arg13[%swap3A_80, %swap3A_81], %broadcast_in_dim3A_0 {strides = array<i32>} : memref<2x192xi32, #tpu.memory_space<vmem>>, vector<16xi32>,
    %swap3A_83 = arith.constant 0 : i32
    %swap3A_84 = arith.index_cast %swap3A_83 : i32 to index
    %swap3A_85 = arith.constant 96 : index
    %swap3A_86 = tpu.vector_load %arg14[%swap3A_84, %swap3A_85] {strides = array<i32>} : memref<2x192xi32, #tpu.memory_space<vmem>>, vector<16xi32>,
    tpu.vector_store %arg14[%swap3A_84, %swap3A_85], %broadcast_in_dim3A_0 {strides = array<i32>} : memref<2x192xi32, #tpu.memory_space<vmem>>, vector<16xi32>,
    %swap3A_87 = arith.constant 0 : i32
    %swap3A_88 = arith.index_cast %swap3A_87 : i32 to index
    %swap3A_89 = arith.constant 112 : index
    %swap3A_90 = tpu.vector_load %arg12[%swap3A_88, %swap3A_89] {strides = array<i32>} : memref<2x192xi32, #tpu.memory_space<vmem>>, vector<16xi32>,
    tpu.vector_store %arg12[%swap3A_88, %swap3A_89], %broadcast_in_dim3A_2 {strides = array<i32>} : memref<2x192xi32, #tpu.memory_space<vmem>>, vector<16xi32>,
    %swap3A_91 = arith.constant 0 : i32
    %swap3A_92 = arith.index_cast %swap3A_91 : i32 to index
    %swap3A_93 = arith.constant 112 : index
    %swap3A_94 = tpu.vector_load %arg13[%swap3A_92, %swap3A_93] {strides = array<i32>} : memref<2x192xi32, #tpu.memory_space<vmem>>, vector<16xi32>,
    tpu.vector_store %arg13[%swap3A_92, %swap3A_93], %broadcast_in_dim3A_0 {strides = array<i32>} : memref<2x192xi32, #tpu.memory_space<vmem>>, vector<16xi32>,
    %swap3A_95 = arith.constant 0 : i32
    %swap3A_96 = arith.index_cast %swap3A_95 : i32 to index
    %swap3A_97 = arith.constant 112 : index
    %swap3A_98 = tpu.vector_load %arg14[%swap3A_96, %swap3A_97] {strides = array<i32>} : memref<2x192xi32, #tpu.memory_space<vmem>>, vector<16xi32>,
    tpu.vector_store %arg14[%swap3A_96, %swap3A_97], %broadcast_in_dim3A_0 {strides = array<i32>} : memref<2x192xi32, #tpu.memory_space<vmem>>, vector<16xi32>,
    %swap3A_99 = arith.constant 0 : i32
    %swap3A_100 = arith.index_cast %swap3A_99 : i32 to index
    %swap3A_101 = arith.constant 128 : index
    %swap3A_102 = tpu.vector_load %arg12[%swap3A_100, %swap3A_101] {strides = array<i32>} : memref<2x192xi32, #tpu.memory_space<vmem>>, vector<16xi32>,
    tpu.vector_store %arg12[%swap3A_100, %swap3A_101], %broadcast_in_dim3A_2 {strides = array<i32>} : memref<2x192xi32, #tpu.memory_space<vmem>>, vector<16xi32>,
    %swap3A_103 = arith.constant 0 : i32
    %swap3A_104 = arith.index_cast %swap3A_103 : i32 to index
    %swap3A_105 = arith.constant 128 : index
    %swap3A_106 = tpu.vector_load %arg13[%swap3A_104, %swap3A_105] {strides = array<i32>} : memref<2x192xi32, #tpu.memory_space<vmem>>, vector<16xi32>,
    tpu.vector_store %arg13[%swap3A_104, %swap3A_105], %broadcast_in_dim3A_0 {strides = array<i32>} : memref<2x192xi32, #tpu.memory_space<vmem>>, vector<16xi32>,
    %swap3A_107 = arith.constant 0 : i32
    %swap3A_108 = arith.index_cast %swap3A_107 : i32 to index
    %swap3A_109 = arith.constant 128 : index
    %swap3A_110 = tpu.vector_load %arg14[%swap3A_108, %swap3A_109] {strides = array<i32>} : memref<2x192xi32, #tpu.memory_space<vmem>>, vector<16xi32>,
    tpu.vector_store %arg14[%swap3A_108, %swap3A_109], %broadcast_in_dim3A_0 {strides = array<i32>} : memref<2x192xi32, #tpu.memory_space<vmem>>, vector<16xi32>,
    %swap3A_111 = arith.constant 0 : i32
    %swap3A_112 = arith.index_cast %swap3A_111 : i32 to index
    %swap3A_113 = arith.constant 144 : index
    %swap3A_114 = tpu.vector_load %arg12[%swap3A_112, %swap3A_113] {strides = array<i32>} : memref<2x192xi32, #tpu.memory_space<vmem>>, vector<16xi32>,
    tpu.vector_store %arg12[%swap3A_112, %swap3A_113], %broadcast_in_dim3A_2 {strides = array<i32>} : memref<2x192xi32, #tpu.memory_space<vmem>>, vector<16xi32>,
    %swap3A_115 = arith.constant 0 : i32
    %swap3A_116 = arith.index_cast %swap3A_115 : i32 to index
    %swap3A_117 = arith.constant 144 : index
    %swap3A_118 = tpu.vector_load %arg13[%swap3A_116, %swap3A_117] {strides = array<i32>} : memref<2x192xi32, #tpu.memory_space<vmem>>, vector<16xi32>,
    tpu.vector_store %arg13[%swap3A_116, %swap3A_117], %broadcast_in_dim3A_0 {strides = array<i32>} : memref<2x192xi32, #tpu.memory_space<vmem>>, vector<16xi32>,
    %swap3A_119 = arith.constant 0 : i32
    %swap3A_120 = arith.index_cast %swap3A_119 : i32 to index
    %swap3A_121 = arith.constant 144 : index
    %swap3A_122 = tpu.vector_load %arg14[%swap3A_120, %swap3A_121] {strides = array<i32>} : memref<2x192xi32, #tpu.memory_space<vmem>>, vector<16xi32>,
    tpu.vector_store %arg14[%swap3A_120, %swap3A_121], %broadcast_in_dim3A_0 {strides = array<i32>} : memref<2x192xi32, #tpu.memory_space<vmem>>, vector<16xi32>,
    %swap3A_123 = arith.constant 0 : i32
    %swap3A_124 = arith.index_cast %swap3A_123 : i32 to index
    %swap3A_125 = arith.constant 160 : index
    %swap3A_126 = tpu.vector_load %arg12[%swap3A_124, %swap3A_125] {strides = array<i32>} : memref<2x192xi32, #tpu.memory_space<vmem>>, vector<16xi32>,
    tpu.vector_store %arg12[%swap3A_124, %swap3A_125], %broadcast_in_dim3A_2 {strides = array<i32>} : memref<2x192xi32, #tpu.memory_space<vmem>>, vector<16xi32>,
    %swap3A_127 = arith.constant 0 : i32
    %swap3A_128 = arith.index_cast %swap3A_127 : i32 to index
    %swap3A_129 = arith.constant 160 : index
    %swap3A_130 = tpu.vector_load %arg13[%swap3A_128, %swap3A_129] {strides = array<i32>} : memref<2x192xi32, #tpu.memory_space<vmem>>, vector<16xi32>,
    tpu.vector_store %arg13[%swap3A_128, %swap3A_129], %broadcast_in_dim3A_0 {strides = array<i32>} : memref<2x192xi32, #tpu.memory_space<vmem>>, vector<16xi32>,
    %swap3A_131 = arith.constant 0 : i32
    %swap3A_132 = arith.index_cast %swap3A_131 : i32 to index
    %swap3A_133 = arith.constant 160 : index
    %swap3A_134 = tpu.vector_load %arg14[%swap3A_132, %swap3A_133] {strides = array<i32>} : memref<2x192xi32, #tpu.memory_space<vmem>>, vector<16xi32>,
    tpu.vector_store %arg14[%swap3A_132, %swap3A_133], %broadcast_in_dim3A_0 {strides = array<i32>} : memref<2x192xi32, #tpu.memory_space<vmem>>, vector<16xi32>,
    %swap3A_135 = arith.constant 0 : i32
    %swap3A_136 = arith.index_cast %swap3A_135 : i32 to index
    %swap3A_137 = arith.constant 176 : index
    %swap3A_138 = tpu.vector_load %arg12[%swap3A_136, %swap3A_137] {strides = array<i32>} : memref<2x192xi32, #tpu.memory_space<vmem>>, vector<16xi32>,
    tpu.vector_store %arg12[%swap3A_136, %swap3A_137], %broadcast_in_dim3A_2 {strides = array<i32>} : memref<2x192xi32, #tpu.memory_space<vmem>>, vector<16xi32>,
    %swap3A_139 = arith.constant 0 : i32
    %swap3A_140 = arith.index_cast %swap3A_139 : i32 to index
    %swap3A_141 = arith.constant 176 : index
    %swap3A_142 = tpu.vector_load %arg13[%swap3A_140, %swap3A_141] {strides = array<i32>} : memref<2x192xi32, #tpu.memory_space<vmem>>, vector<16xi32>,
    tpu.vector_store %arg13[%swap3A_140, %swap3A_141], %broadcast_in_dim3A_0 {strides = array<i32>} : memref<2x192xi32, #tpu.memory_space<vmem>>, vector<16xi32>,
    %swap3A_143 = arith.constant 0 : i32
    %swap3A_144 = arith.index_cast %swap3A_143 : i32 to index
    %swap3A_145 = arith.constant 176 : index
    %swap3A_146 = tpu.vector_load %arg14[%swap3A_144, %swap3A_145] {strides = array<i32>} : memref<2x192xi32, #tpu.memory_space<vmem>>, vector<16xi32>,
    tpu.vector_store %arg14[%swap3A_144, %swap3A_145], %broadcast_in_dim3A_0 {strides = array<i32>} : memref<2x192xi32, #tpu.memory_space<vmem>>, vector<16xi32>,
    %swap3A_147 = arith.constant 1 : i32
    %swap3A_148 = arith.index_cast %swap3A_147 : i32 to index
    %swap3A_149 = arith.constant 0 : index
    %swap3A_150 = tpu.vector_load %arg12[%swap3A_148, %swap3A_149] {strides = array<i32>} : memref<2x192xi32, #tpu.memory_space<vmem>>, vector<16xi32>,
    tpu.vector_store %arg12[%swap3A_148, %swap3A_149], %broadcast_in_dim3A_2 {strides = array<i32>} : memref<2x192xi32, #tpu.memory_space<vmem>>, vector<16xi32>,
    %swap3A_151 = arith.constant 1 : i32
    %swap3A_152 = arith.index_cast %swap3A_151 : i32 to index
    %swap3A_153 = arith.constant 0 : index
    %swap3A_154 = tpu.vector_load %arg13[%swap3A_152, %swap3A_153] {strides = array<i32>} : memref<2x192xi32, #tpu.memory_space<vmem>>, vector<16xi32>,
    tpu.vector_store %arg13[%swap3A_152, %swap3A_153], %broadcast_in_dim3A_0 {strides = array<i32>} : memref<2x192xi32, #tpu.memory_space<vmem>>, vector<16xi32>,
    %swap3A_155 = arith.constant 1 : i32
    %swap3A_156 = arith.index_cast %swap3A_155 : i32 to index
    %swap3A_157 = arith.constant 0 : index
    %swap3A_158 = tpu.vector_load %arg14[%swap3A_156, %swap3A_157] {strides = array<i32>} : memref<2x192xi32, #tpu.memory_space<vmem>>, vector<16xi32>,
    tpu.vector_store %arg14[%swap3A_156, %swap3A_157], %broadcast_in_dim3A_0 {strides = array<i32>} : memref<2x192xi32, #tpu.memory_space<vmem>>, vector<16xi32>,
    %swap3A_159 = arith.constant 1 : i32
    %swap3A_160 = arith.index_cast %swap3A_159 : i32 to index
    %swap3A_161 = arith.constant 16 : index
    %swap3A_162 = tpu.vector_load %arg12[%swap3A_160, %swap3A_161] {strides = array<i32>} : memref<2x192xi32, #tpu.memory_space<vmem>>, vector<16xi32>,
    tpu.vector_store %arg12[%swap3A_160, %swap3A_161], %broadcast_in_dim3A_2 {strides = array<i32>} : memref<2x192xi32, #tpu.memory_space<vmem>>, vector<16xi32>,
    %swap3A_163 = arith.constant 1 : i32
    %swap3A_164 = arith.index_cast %swap3A_163 : i32 to index
    %swap3A_165 = arith.constant 16 : index
    %swap3A_166 = tpu.vector_load %arg13[%swap3A_164, %swap3A_165] {strides = array<i32>} : memref<2x192xi32, #tpu.memory_space<vmem>>, vector<16xi32>,
    tpu.vector_store %arg13[%swap3A_164, %swap3A_165], %broadcast_in_dim3A_0 {strides = array<i32>} : memref<2x192xi32, #tpu.memory_space<vmem>>, vector<16xi32>,
    %swap3A_167 = arith.constant 1 : i32
    %swap3A_168 = arith.index_cast %swap3A_167 : i32 to index
    %swap3A_169 = arith.constant 16 : index
    %swap3A_170 = tpu.vector_load %arg14[%swap3A_168, %swap3A_169] {strides = array<i32>} : memref<2x192xi32, #tpu.memory_space<vmem>>, vector<16xi32>,
    tpu.vector_store %arg14[%swap3A_168, %swap3A_169], %broadcast_in_dim3A_0 {strides = array<i32>} : memref<2x192xi32, #tpu.memory_space<vmem>>, vector<16xi32>,
    %swap3A_171 = arith.constant 1 : i32
    %swap3A_172 = arith.index_cast %swap3A_171 : i32 to index
    %swap3A_173 = arith.constant 32 : index
    %swap3A_174 = tpu.vector_load %arg12[%swap3A_172, %swap3A_173] {strides = array<i32>} : memref<2x192xi32, #tpu.memory_space<vmem>>, vector<16xi32>,
    tpu.vector_store %arg12[%swap3A_172, %swap3A_173], %broadcast_in_dim3A_2 {strides = array<i32>} : memref<2x192xi32, #tpu.memory_space<vmem>>, vector<16xi32>,
    %swap3A_175 = arith.constant 1 : i32
    %swap3A_176 = arith.index_cast %swap3A_175 : i32 to index
    %swap3A_177 = arith.constant 32 : index
    %swap3A_178 = tpu.vector_load %arg13[%swap3A_176, %swap3A_177] {strides = array<i32>} : memref<2x192xi32, #tpu.memory_space<vmem>>, vector<16xi32>,
    tpu.vector_store %arg13[%swap3A_176, %swap3A_177], %broadcast_in_dim3A_0 {strides = array<i32>} : memref<2x192xi32, #tpu.memory_space<vmem>>, vector<16xi32>,
    %swap3A_179 = arith.constant 1 : i32
    %swap3A_180 = arith.index_cast %swap3A_179 : i32 to index
    %swap3A_181 = arith.constant 32 : index
    %swap3A_182 = tpu.vector_load %arg14[%swap3A_180, %swap3A_181] {strides = array<i32>} : memref<2x192xi32, #tpu.memory_space<vmem>>, vector<16xi32>,
    tpu.vector_store %arg14[%swap3A_180, %swap3A_181], %broadcast_in_dim3A_0 {strides = array<i32>} : memref<2x192xi32, #tpu.memory_space<vmem>>, vector<16xi32>,
    %swap3A_183 = arith.constant 1 : i32
    %swap3A_184 = arith.index_cast %swap3A_183 : i32 to index
    %swap3A_185 = arith.constant 48 : index
    %swap3A_186 = tpu.vector_load %arg12[%swap3A_184, %swap3A_185] {strides = array<i32>} : memref<2x192xi32, #tpu.memory_space<vmem>>, vector<16xi32>,
    tpu.vector_store %arg12[%swap3A_184, %swap3A_185], %broadcast_in_dim3A_2 {strides = array<i32>} : memref<2x192xi32, #tpu.memory_space<vmem>>, vector<16xi32>,
    %swap3A_187 = arith.constant 1 : i32
    %swap3A_188 = arith.index_cast %swap3A_187 : i32 to index
    %swap3A_189 = arith.constant 48 : index
    %swap3A_190 = tpu.vector_load %arg13[%swap3A_188, %swap3A_189] {strides = array<i32>} : memref<2x192xi32, #tpu.memory_space<vmem>>, vector<16xi32>,
    tpu.vector_store %arg13[%swap3A_188, %swap3A_189], %broadcast_in_dim3A_0 {strides = array<i32>} : memref<2x192xi32, #tpu.memory_space<vmem>>, vector<16xi32>,
    %swap3A_191 = arith.constant 1 : i32
    %swap3A_192 = arith.index_cast %swap3A_191 : i32 to index
    %swap3A_193 = arith.constant 48 : index
    %swap3A_194 = tpu.vector_load %arg14[%swap3A_192, %swap3A_193] {strides = array<i32>} : memref<2x192xi32, #tpu.memory_space<vmem>>, vector<16xi32>,
    tpu.vector_store %arg14[%swap3A_192, %swap3A_193], %broadcast_in_dim3A_0 {strides = array<i32>} : memref<2x192xi32, #tpu.memory_space<vmem>>, vector<16xi32>,
    %swap3A_195 = arith.constant 1 : i32
    %swap3A_196 = arith.index_cast %swap3A_195 : i32 to index
    %swap3A_197 = arith.constant 64 : index
    %swap3A_198 = tpu.vector_load %arg12[%swap3A_196, %swap3A_197] {strides = array<i32>} : memref<2x192xi32, #tpu.memory_space<vmem>>, vector<16xi32>,
    tpu.vector_store %arg12[%swap3A_196, %swap3A_197], %broadcast_in_dim3A_2 {strides = array<i32>} : memref<2x192xi32, #tpu.memory_space<vmem>>, vector<16xi32>,
    %swap3A_199 = arith.constant 1 : i32
    %swap3A_200 = arith.index_cast %swap3A_199 : i32 to index
    %swap3A_201 = arith.constant 64 : index
    %swap3A_202 = tpu.vector_load %arg13[%swap3A_200, %swap3A_201] {strides = array<i32>} : memref<2x192xi32, #tpu.memory_space<vmem>>, vector<16xi32>,
    tpu.vector_store %arg13[%swap3A_200, %swap3A_201], %broadcast_in_dim3A_0 {strides = array<i32>} : memref<2x192xi32, #tpu.memory_space<vmem>>, vector<16xi32>,
    %swap3A_203 = arith.constant 1 : i32
    %swap3A_204 = arith.index_cast %swap3A_203 : i32 to index
    %swap3A_205 = arith.constant 64 : index
    %swap3A_206 = tpu.vector_load %arg14[%swap3A_204, %swap3A_205] {strides = array<i32>} : memref<2x192xi32, #tpu.memory_space<vmem>>, vector<16xi32>,
    tpu.vector_store %arg14[%swap3A_204, %swap3A_205], %broadcast_in_dim3A_0 {strides = array<i32>} : memref<2x192xi32, #tpu.memory_space<vmem>>, vector<16xi32>,
    %swap3A_207 = arith.constant 1 : i32
    %swap3A_208 = arith.index_cast %swap3A_207 : i32 to index
    %swap3A_209 = arith.constant 80 : index
    %swap3A_210 = tpu.vector_load %arg12[%swap3A_208, %swap3A_209] {strides = array<i32>} : memref<2x192xi32, #tpu.memory_space<vmem>>, vector<16xi32>,
    tpu.vector_store %arg12[%swap3A_208, %swap3A_209], %broadcast_in_dim3A_2 {strides = array<i32>} : memref<2x192xi32, #tpu.memory_space<vmem>>, vector<16xi32>,
    %swap3A_211 = arith.constant 1 : i32
    %swap3A_212 = arith.index_cast %swap3A_211 : i32 to index
    %swap3A_213 = arith.constant 80 : index
    %swap3A_214 = tpu.vector_load %arg13[%swap3A_212, %swap3A_213] {strides = array<i32>} : memref<2x192xi32, #tpu.memory_space<vmem>>, vector<16xi32>,
    tpu.vector_store %arg13[%swap3A_212, %swap3A_213], %broadcast_in_dim3A_0 {strides = array<i32>} : memref<2x192xi32, #tpu.memory_space<vmem>>, vector<16xi32>,
    %swap3A_215 = arith.constant 1 : i32
    %swap3A_216 = arith.index_cast %swap3A_215 : i32 to index
    %swap3A_217 = arith.constant 80 : index
    %swap3A_218 = tpu.vector_load %arg14[%swap3A_216, %swap3A_217] {strides = array<i32>} : memref<2x192xi32, #tpu.memory_space<vmem>>, vector<16xi32>,
    tpu.vector_store %arg14[%swap3A_216, %swap3A_217], %broadcast_in_dim3A_0 {strides = array<i32>} : memref<2x192xi32, #tpu.memory_space<vmem>>, vector<16xi32>,
    %swap3A_219 = arith.constant 1 : i32
    %swap3A_220 = arith.index_cast %swap3A_219 : i32 to index
    %swap3A_221 = arith.constant 96 : index
    %swap3A_222 = tpu.vector_load %arg12[%swap3A_220, %swap3A_221] {strides = array<i32>} : memref<2x192xi32, #tpu.memory_space<vmem>>, vector<16xi32>,
    tpu.vector_store %arg12[%swap3A_220, %swap3A_221], %broadcast_in_dim3A_2 {strides = array<i32>} : memref<2x192xi32, #tpu.memory_space<vmem>>, vector<16xi32>,
    %swap3A_223 = arith.constant 1 : i32
    %swap3A_224 = arith.index_cast %swap3A_223 : i32 to index
    %swap3A_225 = arith.constant 96 : index
    %swap3A_226 = tpu.vector_load %arg13[%swap3A_224, %swap3A_225] {strides = array<i32>} : memref<2x192xi32, #tpu.memory_space<vmem>>, vector<16xi32>,
    tpu.vector_store %arg13[%swap3A_224, %swap3A_225], %broadcast_in_dim3A_0 {strides = array<i32>} : memref<2x192xi32, #tpu.memory_space<vmem>>, vector<16xi32>,
    %swap3A_227 = arith.constant 1 : i32
    %swap3A_228 = arith.index_cast %swap3A_227 : i32 to index
    %swap3A_229 = arith.constant 96 : index
    %swap3A_230 = tpu.vector_load %arg14[%swap3A_228, %swap3A_229] {strides = array<i32>} : memref<2x192xi32, #tpu.memory_space<vmem>>, vector<16xi32>,
    tpu.vector_store %arg14[%swap3A_228, %swap3A_229], %broadcast_in_dim3A_0 {strides = array<i32>} : memref<2x192xi32, #tpu.memory_space<vmem>>, vector<16xi32>,
    %swap3A_231 = arith.constant 1 : i32
    %swap3A_232 = arith.index_cast %swap3A_231 : i32 to index
    %swap3A_233 = arith.constant 112 : index
    %swap3A_234 = tpu.vector_load %arg12[%swap3A_232, %swap3A_233] {strides = array<i32>} : memref<2x192xi32, #tpu.memory_space<vmem>>, vector<16xi32>,
    tpu.vector_store %arg12[%swap3A_232, %swap3A_233], %broadcast_in_dim3A_2 {strides = array<i32>} : memref<2x192xi32, #tpu.memory_space<vmem>>, vector<16xi32>,
    %swap3A_235 = arith.constant 1 : i32
    %swap3A_236 = arith.index_cast %swap3A_235 : i32 to index
    %swap3A_237 = arith.constant 112 : index
    %swap3A_238 = tpu.vector_load %arg13[%swap3A_236, %swap3A_237] {strides = array<i32>} : memref<2x192xi32, #tpu.memory_space<vmem>>, vector<16xi32>,
    tpu.vector_store %arg13[%swap3A_236, %swap3A_237], %broadcast_in_dim3A_0 {strides = array<i32>} : memref<2x192xi32, #tpu.memory_space<vmem>>, vector<16xi32>,
    %swap3A_239 = arith.constant 1 : i32
    %swap3A_240 = arith.index_cast %swap3A_239 : i32 to index
    %swap3A_241 = arith.constant 112 : index
    %swap3A_242 = tpu.vector_load %arg14[%swap3A_240, %swap3A_241] {strides = array<i32>} : memref<2x192xi32, #tpu.memory_space<vmem>>, vector<16xi32>,
    tpu.vector_store %arg14[%swap3A_240, %swap3A_241], %broadcast_in_dim3A_0 {strides = array<i32>} : memref<2x192xi32, #tpu.memory_space<vmem>>, vector<16xi32>,
    %swap3A_243 = arith.constant 1 : i32
    %swap3A_244 = arith.index_cast %swap3A_243 : i32 to index
    %swap3A_245 = arith.constant 128 : index
    %swap3A_246 = tpu.vector_load %arg12[%swap3A_244, %swap3A_245] {strides = array<i32>} : memref<2x192xi32, #tpu.memory_space<vmem>>, vector<16xi32>,
    tpu.vector_store %arg12[%swap3A_244, %swap3A_245], %broadcast_in_dim3A_2 {strides = array<i32>} : memref<2x192xi32, #tpu.memory_space<vmem>>, vector<16xi32>,
    %swap3A_247 = arith.constant 1 : i32
    %swap3A_248 = arith.index_cast %swap3A_247 : i32 to index
    %swap3A_249 = arith.constant 128 : index
    %swap3A_250 = tpu.vector_load %arg13[%swap3A_248, %swap3A_249] {strides = array<i32>} : memref<2x192xi32, #tpu.memory_space<vmem>>, vector<16xi32>,
    tpu.vector_store %arg13[%swap3A_248, %swap3A_249], %broadcast_in_dim3A_0 {strides = array<i32>} : memref<2x192xi32, #tpu.memory_space<vmem>>, vector<16xi32>,
    %swap3A_251 = arith.constant 1 : i32
    %swap3A_252 = arith.index_cast %swap3A_251 : i32 to index
    %swap3A_253 = arith.constant 128 : index
    %swap3A_254 = tpu.vector_load %arg14[%swap3A_252, %swap3A_253] {strides = array<i32>} : memref<2x192xi32, #tpu.memory_space<vmem>>, vector<16xi32>,
    tpu.vector_store %arg14[%swap3A_252, %swap3A_253], %broadcast_in_dim3A_0 {strides = array<i32>} : memref<2x192xi32, #tpu.memory_space<vmem>>, vector<16xi32>,
    %swap3A_255 = arith.constant 1 : i32
    %swap3A_256 = arith.index_cast %swap3A_255 : i32 to index
    %swap3A_257 = arith.constant 144 : index
    %swap3A_258 = tpu.vector_load %arg12[%swap3A_256, %swap3A_257] {strides = array<i32>} : memref<2x192xi32, #tpu.memory_space<vmem>>, vector<16xi32>,
    tpu.vector_store %arg12[%swap3A_256, %swap3A_257], %broadcast_in_dim3A_2 {strides = array<i32>} : memref<2x192xi32, #tpu.memory_space<vmem>>, vector<16xi32>,
    %swap3A_259 = arith.constant 1 : i32
    %swap3A_260 = arith.index_cast %swap3A_259 : i32 to index
    %swap3A_261 = arith.constant 144 : index
    %swap3A_262 = tpu.vector_load %arg13[%swap3A_260, %swap3A_261] {strides = array<i32>} : memref<2x192xi32, #tpu.memory_space<vmem>>, vector<16xi32>,
    tpu.vector_store %arg13[%swap3A_260, %swap3A_261], %broadcast_in_dim3A_0 {strides = array<i32>} : memref<2x192xi32, #tpu.memory_space<vmem>>, vector<16xi32>,
    %swap3A_263 = arith.constant 1 : i32
    %swap3A_264 = arith.index_cast %swap3A_263 : i32 to index
    %swap3A_265 = arith.constant 144 : index
    %swap3A_266 = tpu.vector_load %arg14[%swap3A_264, %swap3A_265] {strides = array<i32>} : memref<2x192xi32, #tpu.memory_space<vmem>>, vector<16xi32>,
    tpu.vector_store %arg14[%swap3A_264, %swap3A_265], %broadcast_in_dim3A_0 {strides = array<i32>} : memref<2x192xi32, #tpu.memory_space<vmem>>, vector<16xi32>,
    %swap3A_267 = arith.constant 1 : i32
    %swap3A_268 = arith.index_cast %swap3A_267 : i32 to index
    %swap3A_269 = arith.constant 160 : index
    %swap3A_270 = tpu.vector_load %arg12[%swap3A_268, %swap3A_269] {strides = array<i32>} : memref<2x192xi32, #tpu.memory_space<vmem>>, vector<16xi32>,
    tpu.vector_store %arg12[%swap3A_268, %swap3A_269], %broadcast_in_dim3A_2 {strides = array<i32>} : memref<2x192xi32, #tpu.memory_space<vmem>>, vector<16xi32>,
    %swap3A_271 = arith.constant 1 : i32
    %swap3A_272 = arith.index_cast %swap3A_271 : i32 to index
    %swap3A_273 = arith.constant 160 : index
    %swap3A_274 = tpu.vector_load %arg13[%swap3A_272, %swap3A_273] {strides = array<i32>} : memref<2x192xi32, #tpu.memory_space<vmem>>, vector<16xi32>,
    tpu.vector_store %arg13[%swap3A_272, %swap3A_273], %broadcast_in_dim3A_0 {strides = array<i32>} : memref<2x192xi32, #tpu.memory_space<vmem>>, vector<16xi32>,
    %swap3A_275 = arith.constant 1 : i32
    %swap3A_276 = arith.index_cast %swap3A_275 : i32 to index
    %swap3A_277 = arith.constant 160 : index
    %swap3A_278 = tpu.vector_load %arg14[%swap3A_276, %swap3A_277] {strides = array<i32>} : memref<2x192xi32, #tpu.memory_space<vmem>>, vector<16xi32>,
    tpu.vector_store %arg14[%swap3A_276, %swap3A_277], %broadcast_in_dim3A_0 {strides = array<i32>} : memref<2x192xi32, #tpu.memory_space<vmem>>, vector<16xi32>,
    %swap3A_279 = arith.constant 1 : i32
    %swap3A_280 = arith.index_cast %swap3A_279 : i32 to index
    %swap3A_281 = arith.constant 176 : index
    %swap3A_282 = tpu.vector_load %arg12[%swap3A_280, %swap3A_281] {strides = array<i32>} : memref<2x192xi32, #tpu.memory_space<vmem>>, vector<16xi32>,
    tpu.vector_store %arg12[%swap3A_280, %swap3A_281], %broadcast_in_dim3A_2 {strides = array<i32>} : memref<2x192xi32, #tpu.memory_space<vmem>>, vector<16xi32>,
    %swap3A_283 = arith.constant 1 : i32
    %swap3A_284 = arith.index_cast %swap3A_283 : i32 to index
    %swap3A_285 = arith.constant 176 : index
    %swap3A_286 = tpu.vector_load %arg13[%swap3A_284, %swap3A_285] {strides = array<i32>} : memref<2x192xi32, #tpu.memory_space<vmem>>, vector<16xi32>,
    tpu.vector_store %arg13[%swap3A_284, %swap3A_285], %broadcast_in_dim3A_0 {strides = array<i32>} : memref<2x192xi32, #tpu.memory_space<vmem>>, vector<16xi32>,
    %swap3A_287 = arith.constant 1 : i32
    %swap3A_288 = arith.index_cast %swap3A_287 : i32 to index
    %swap3A_289 = arith.constant 176 : index
    %swap3A_290 = tpu.vector_load %arg14[%swap3A_288, %swap3A_289] {strides = array<i32>} : memref<2x192xi32, #tpu.memory_space<vmem>>, vector<16xi32>,
    tpu.vector_store %arg14[%swap3A_288, %swap3A_289], %broadcast_in_dim3A_0 {strides = array<i32>} : memref<2x192xi32, #tpu.memory_space<vmem>>, vector<16xi32>,
    %barrier3A = arith.constant 0 : index
    tpu.barrier barrier_id(%barrier3A)
    %iota3A = tpu.iota {dimensions = array<i32: 0>} : vector<16xi32>
    %scan3A = arith.constant 0 : i32
    %scan3A_291 = arith.constant 0 : i32
    %scan3A_292 = arith.constant 20 : i32
    %scan3A_293 = arith.addi %scan3A_291, %scan3A_292 : i32
    %scan3A_294 = arith.constant 1 : i32
    %scan3A_295 = scf.for %scan3A_297 = %scan3A_291 to %scan3A_293 step %scan3A_294 iter_args(%scan3A_298 = %scan3A) -> (i32)  : i32 {
      %mul3A_299 = arith.constant 20 : i32
      %mul3A_300 = arith.muli %arg0, %mul3A_299 : i32
      %add3A = arith.addi %mul3A_300, %scan3A_297 : i32
      %mul3A_301 = arith.constant 8000 : i32
      %mul3A_302 = arith.muli %add3A, %mul3A_301 : i32
      %mul3A_303 = arith.constant 80000 : i32
      %mul3A_304 = arith.muli %arg1, %mul3A_303 : i32
      %dma_start3A = arith.constant 0 : i32
      %dma_start3A_305 = arith.constant 0 : i32
      %dma_start3A_306 = tpu.memref_slice %arg9[%dma_start3A, %dma_start3A_305] : memref<2x1600xi32, #tpu.memory_space<vmem>> -> memref<1x1600xi32, #tpu.memory_space<vmem>>
      %dma_start3A_307 = tpu.memref_squeeze %dma_start3A_306 : memref<1x1600xi32, #tpu.memory_space<vmem>> -> memref<1600xi32, #tpu.memory_space<vmem>>
      %dma_start3A_308 = tpu.memref_slice %arg4[%mul3A_304] : memref<1280000xi32, #tpu.memory_space<hbm>> -> memref<1600xi32, #tpu.memory_space<hbm>>
      %dma_start3A_309 = arith.constant 0 : i32
      %dma_start3A_310 = tpu.memref_slice %arg9[%dma_start3A, %dma_start3A_309] : memref<2x1600xi32, #tpu.memory_space<vmem>> -> memref<1x1600xi32, #tpu.memory_space<vmem>>
      %dma_start3A_311 = tpu.memref_squeeze %dma_start3A_310 : memref<1x1600xi32, #tpu.memory_space<vmem>> -> memref<1600xi32, #tpu.memory_space<vmem>>
      %dma_start3A_312 = tpu.memref_slice %arg4[%mul3A_304] : memref<1280000xi32, #tpu.memory_space<hbm>> -> memref<1600xi32, #tpu.memory_space<hbm>>
      tpu.enqueue_dma source(%dma_start3A_312 : memref<1600xi32, #tpu.memory_space<hbm>>) target(%dma_start3A_311 : memref<1600xi32, #tpu.memory_space<vmem>>) target_semaphore(%arg18 : memref<!tpu.dma_semaphore, #tpu.memory_space<semaphore_mem>>)
      %dma_start3A_313 = arith.constant 0 : i32
      %dma_start3A_314 = arith.constant 0 : i32
      %dma_start3A_315 = tpu.memref_slice %arg10[%dma_start3A_313, %dma_start3A_314] : memref<2x1600xi32, #tpu.memory_space<vmem>> -> memref<1x1600xi32, #tpu.memory_space<vmem>>
      %dma_start3A_316 = tpu.memref_squeeze %dma_start3A_315 : memref<1x1600xi32, #tpu.memory_space<vmem>> -> memref<1600xi32, #tpu.memory_space<vmem>>
      %dma_start3A_317 = tpu.memref_slice %arg5[%mul3A_304] : memref<1280000xi32, #tpu.memory_space<hbm>> -> memref<1600xi32, #tpu.memory_space<hbm>>
      %dma_start3A_318 = arith.constant 0 : i32
      %dma_start3A_319 = tpu.memref_slice %arg10[%dma_start3A_313, %dma_start3A_318] : memref<2x1600xi32, #tpu.memory_space<vmem>> -> memref<1x1600xi32, #tpu.memory_space<vmem>>
      %dma_start3A_320 = tpu.memref_squeeze %dma_start3A_319 : memref<1x1600xi32, #tpu.memory_space<vmem>> -> memref<1600xi32, #tpu.memory_space<vmem>>
      %dma_start3A_321 = tpu.memref_slice %arg5[%mul3A_304] : memref<1280000xi32, #tpu.memory_space<hbm>> -> memref<1600xi32, #tpu.memory_space<hbm>>
      tpu.enqueue_dma source(%dma_start3A_321 : memref<1600xi32, #tpu.memory_space<hbm>>) target(%dma_start3A_320 : memref<1600xi32, #tpu.memory_space<vmem>>) target_semaphore(%arg19 : memref<!tpu.dma_semaphore, #tpu.memory_space<semaphore_mem>>)
      %dma_start3A_322 = arith.constant 0 : i32
      %dma_start3A_323 = arith.constant 0 : i32
      %dma_start3A_324 = tpu.memref_slice %arg11[%dma_start3A_322, %dma_start3A_323] : memref<2x1600xi32, #tpu.memory_space<vmem>> -> memref<1x1600xi32, #tpu.memory_space<vmem>>
      %dma_start3A_325 = tpu.memref_squeeze %dma_start3A_324 : memref<1x1600xi32, #tpu.memory_space<vmem>> -> memref<1600xi32, #tpu.memory_space<vmem>>
      %dma_start3A_326 = tpu.memref_slice %arg6[%mul3A_304] : memref<1280000xi32, #tpu.memory_space<hbm>> -> memref<1600xi32, #tpu.memory_space<hbm>>
      %dma_start3A_327 = arith.constant 0 : i32
      %dma_start3A_328 = tpu.memref_slice %arg11[%dma_start3A_322, %dma_start3A_327] : memref<2x1600xi32, #tpu.memory_space<vmem>> -> memref<1x1600xi32, #tpu.memory_space<vmem>>
      %dma_start3A_329 = tpu.memref_squeeze %dma_start3A_328 : memref<1x1600xi32, #tpu.memory_space<vmem>> -> memref<1600xi32, #tpu.memory_space<vmem>>
      %dma_start3A_330 = tpu.memref_slice %arg6[%mul3A_304] : memref<1280000xi32, #tpu.memory_space<hbm>> -> memref<1600xi32, #tpu.memory_space<hbm>>
      tpu.enqueue_dma source(%dma_start3A_330 : memref<1600xi32, #tpu.memory_space<hbm>>) target(%dma_start3A_329 : memref<1600xi32, #tpu.memory_space<vmem>>) target_semaphore(%arg20 : memref<!tpu.dma_semaphore, #tpu.memory_space<semaphore_mem>>)
      %scan3A_331 = arith.constant 0 : i32
      %scan3A_332 = arith.constant 0 : i32
      %scan3A_333 = arith.constant 0 : i32
      %scan3A_334 = arith.constant 0 : i32
      %scan3A_335 = arith.constant 50 : i32
      %scan3A_336 = arith.addi %scan3A_334, %scan3A_335 : i32
      %scan3A_337 = arith.constant 1 : i32
      %scan3A_338:3 = scf.for %scan3A_357 = %scan3A_334 to %scan3A_336 step %scan3A_337 iter_args(%scan3A_358 = %scan3A_331, %scan3A_359 = %scan3A_332, %scan3A_360 = %scan3A_333) -> (i32, i32, i32)  : i32 {
        %rem3A = arith.constant 2 : i32
        %rem3A_361 = arith.remsi %scan3A_357, %rem3A : i32
        %dma_wait3A = arith.constant 0 : i32
        %dma_wait3A_362 = tpu.memref_slice %arg9[%rem3A_361, %dma_wait3A] : memref<2x1600xi32, #tpu.memory_space<vmem>> -> memref<1x1600xi32, #tpu.memory_space<vmem>>
        %dma_wait3A_363 = tpu.memref_squeeze %dma_wait3A_362 : memref<1x1600xi32, #tpu.memory_space<vmem>> -> memref<1600xi32, #tpu.memory_space<vmem>>
        %dma_wait3A_364 = arith.constant 0 : i32
        %dma_wait3A_365 = tpu.memref_slice %arg4[%dma_wait3A_364] : memref<1280000xi32, #tpu.memory_space<hbm>> -> memref<1600xi32, #tpu.memory_space<hbm>>
        %dma_wait3A_366 = arith.constant 0 : i32
        %dma_wait3A_367 = tpu.memref_slice %arg9[%rem3A_361, %dma_wait3A_366] : memref<2x1600xi32, #tpu.memory_space<vmem>> -> memref<1x1600xi32, #tpu.memory_space<vmem>>
        %dma_wait3A_368 = tpu.memref_squeeze %dma_wait3A_367 : memref<1x1600xi32, #tpu.memory_space<vmem>> -> memref<1600xi32, #tpu.memory_space<vmem>>
        %dma_wait3A_369 = arith.constant 0 : i32
        %dma_wait3A_370 = tpu.memref_slice %arg4[%dma_wait3A_369] : memref<1280000xi32, #tpu.memory_space<hbm>> -> memref<1600xi32, #tpu.memory_space<hbm>>
        tpu.wait_dma2 semaphore(%arg18 : memref<!tpu.dma_semaphore, #tpu.memory_space<semaphore_mem>>) src(%dma_wait3A_370 : memref<1600xi32, #tpu.memory_space<hbm>>) dst(%dma_wait3A_368 : memref<1600xi32, #tpu.memory_space<vmem>>)
        %dma_wait3A_371 = arith.constant 0 : i32
        %dma_wait3A_372 = tpu.memref_slice %arg10[%rem3A_361, %dma_wait3A_371] : memref<2x1600xi32, #tpu.memory_space<vmem>> -> memref<1x1600xi32, #tpu.memory_space<vmem>>
        %dma_wait3A_373 = tpu.memref_squeeze %dma_wait3A_372 : memref<1x1600xi32, #tpu.memory_space<vmem>> -> memref<1600xi32, #tpu.memory_space<vmem>>
        %dma_wait3A_374 = arith.constant 0 : i32
        %dma_wait3A_375 = tpu.memref_slice %arg5[%dma_wait3A_374] : memref<1280000xi32, #tpu.memory_space<hbm>> -> memref<1600xi32, #tpu.memory_space<hbm>>
        %dma_wait3A_376 = arith.constant 0 : i32
        %dma_wait3A_377 = tpu.memref_slice %arg10[%rem3A_361, %dma_wait3A_376] : memref<2x1600xi32, #tpu.memory_space<vmem>> -> memref<1x1600xi32, #tpu.memory_space<vmem>>
        %dma_wait3A_378 = tpu.memref_squeeze %dma_wait3A_377 : memref<1x1600xi32, #tpu.memory_space<vmem>> -> memref<1600xi32, #tpu.memory_space<vmem>>
        %dma_wait3A_379 = arith.constant 0 : i32
        %dma_wait3A_380 = tpu.memref_slice %arg5[%dma_wait3A_379] : memref<1280000xi32, #tpu.memory_space<hbm>> -> memref<1600xi32, #tpu.memory_space<hbm>>
        tpu.wait_dma2 semaphore(%arg19 : memref<!tpu.dma_semaphore, #tpu.memory_space<semaphore_mem>>) src(%dma_wait3A_380 : memref<1600xi32, #tpu.memory_space<hbm>>) dst(%dma_wait3A_378 : memref<1600xi32, #tpu.memory_space<vmem>>)
        %dma_wait3A_381 = arith.constant 0 : i32
        %dma_wait3A_382 = tpu.memref_slice %arg11[%rem3A_361, %dma_wait3A_381] : memref<2x1600xi32, #tpu.memory_space<vmem>> -> memref<1x1600xi32, #tpu.memory_space<vmem>>
        %dma_wait3A_383 = tpu.memref_squeeze %dma_wait3A_382 : memref<1x1600xi32, #tpu.memory_space<vmem>> -> memref<1600xi32, #tpu.memory_space<vmem>>
        %dma_wait3A_384 = arith.constant 0 : i32
        %dma_wait3A_385 = tpu.memref_slice %arg6[%dma_wait3A_384] : memref<1280000xi32, #tpu.memory_space<hbm>> -> memref<1600xi32, #tpu.memory_space<hbm>>
        %dma_wait3A_386 = arith.constant 0 : i32
        %dma_wait3A_387 = tpu.memref_slice %arg11[%rem3A_361, %dma_wait3A_386] : memref<2x1600xi32, #tpu.memory_space<vmem>> -> memref<1x1600xi32, #tpu.memory_space<vmem>>
        %dma_wait3A_388 = tpu.memref_squeeze %dma_wait3A_387 : memref<1x1600xi32, #tpu.memory_space<vmem>> -> memref<1600xi32, #tpu.memory_space<vmem>>
        %dma_wait3A_389 = arith.constant 0 : i32
        %dma_wait3A_390 = tpu.memref_slice %arg6[%dma_wait3A_389] : memref<1280000xi32, #tpu.memory_space<hbm>> -> memref<1600xi32, #tpu.memory_space<hbm>>
        tpu.wait_dma2 semaphore(%arg20 : memref<!tpu.dma_semaphore, #tpu.memory_space<semaphore_mem>>) src(%dma_wait3A_390 : memref<1600xi32, #tpu.memory_space<hbm>>) dst(%dma_wait3A_388 : memref<1600xi32, #tpu.memory_space<vmem>>)
        %add3A_391 = arith.constant 1 : i32
        %add3A_392 = arith.addi %scan3A_357, %add3A_391 : i32
        %lt3A = arith.constant 50 : i32
        %lt3A_393 = arith.cmpi slt, %add3A_392, %lt3A : i32
        %convert_element_type3A_394 = arith.extui %lt3A_393 : i1 to i32
        %cond3A_395 = arith.constant 0 : i32
        %cond3A_396 = arith.cmpi ne, %convert_element_type3A_394, %cond3A_395 : i32
        scf.if %cond3A_396 {
          %mul3A_403 = arith.constant 80000 : i32
          %mul3A_404 = arith.muli %arg1, %mul3A_403 : i32
          %add3A_405 = arith.constant 1 : i32
          %add3A_406 = arith.addi %scan3A_357, %add3A_405 : i32
          %mul3A_407 = arith.constant 1600 : i32
          %mul3A_408 = arith.muli %add3A_406, %mul3A_407 : i32
          %add3A_409 = arith.addi %mul3A_404, %mul3A_408 : i32
          %sub3A = arith.constant 1 : i32
          %sub3A_410 = arith.subi %sub3A, %rem3A_361 : i32
          %dma_start3A_411 = arith.constant 0 : i32
          %dma_start3A_412 = tpu.memref_slice %arg9[%sub3A_410, %dma_start3A_411] : memref<2x1600xi32, #tpu.memory_space<vmem>> -> memref<1x1600xi32, #tpu.memory_space<vmem>>
          %dma_start3A_413 = tpu.memref_squeeze %dma_start3A_412 : memref<1x1600xi32, #tpu.memory_space<vmem>> -> memref<1600xi32, #tpu.memory_space<vmem>>
          %dma_start3A_414 = tpu.memref_slice %arg4[%add3A_409] : memref<1280000xi32, #tpu.memory_space<hbm>> -> memref<1600xi32, #tpu.memory_space<hbm>>
          %dma_start3A_415 = arith.constant 0 : i32
          %dma_start3A_416 = tpu.memref_slice %arg9[%sub3A_410, %dma_start3A_415] : memref<2x1600xi32, #tpu.memory_space<vmem>> -> memref<1x1600xi32, #tpu.memory_space<vmem>>
          %dma_start3A_417 = tpu.memref_squeeze %dma_start3A_416 : memref<1x1600xi32, #tpu.memory_space<vmem>> -> memref<1600xi32, #tpu.memory_space<vmem>>
          %dma_start3A_418 = tpu.memref_slice %arg4[%add3A_409] : memref<1280000xi32, #tpu.memory_space<hbm>> -> memref<1600xi32, #tpu.memory_space<hbm>>
          tpu.enqueue_dma source(%dma_start3A_418 : memref<1600xi32, #tpu.memory_space<hbm>>) target(%dma_start3A_417 : memref<1600xi32, #tpu.memory_space<vmem>>) target_semaphore(%arg18 : memref<!tpu.dma_semaphore, #tpu.memory_space<semaphore_mem>>)
          %sub3A_419 = arith.constant 1 : i32
          %sub3A_420 = arith.subi %sub3A_419, %rem3A_361 : i32
          %dma_start3A_421 = arith.constant 0 : i32
          %dma_start3A_422 = tpu.memref_slice %arg10[%sub3A_420, %dma_start3A_421] : memref<2x1600xi32, #tpu.memory_space<vmem>> -> memref<1x1600xi32, #tpu.memory_space<vmem>>
          %dma_start3A_423 = tpu.memref_squeeze %dma_start3A_422 : memref<1x1600xi32, #tpu.memory_space<vmem>> -> memref<1600xi32, #tpu.memory_space<vmem>>
          %dma_start3A_424 = tpu.memref_slice %arg5[%add3A_409] : memref<1280000xi32, #tpu.memory_space<hbm>> -> memref<1600xi32, #tpu.memory_space<hbm>>
          %dma_start3A_425 = arith.constant 0 : i32
          %dma_start3A_426 = tpu.memref_slice %arg10[%sub3A_420, %dma_start3A_425] : memref<2x1600xi32, #tpu.memory_space<vmem>> -> memref<1x1600xi32, #tpu.memory_space<vmem>>
          %dma_start3A_427 = tpu.memref_squeeze %dma_start3A_426 : memref<1x1600xi32, #tpu.memory_space<vmem>> -> memref<1600xi32, #tpu.memory_space<vmem>>
          %dma_start3A_428 = tpu.memref_slice %arg5[%add3A_409] : memref<1280000xi32, #tpu.memory_space<hbm>> -> memref<1600xi32, #tpu.memory_space<hbm>>
          tpu.enqueue_dma source(%dma_start3A_428 : memref<1600xi32, #tpu.memory_space<hbm>>) target(%dma_start3A_427 : memref<1600xi32, #tpu.memory_space<vmem>>) target_semaphore(%arg19 : memref<!tpu.dma_semaphore, #tpu.memory_space<semaphore_mem>>)
          %sub3A_429 = arith.constant 1 : i32
          %sub3A_430 = arith.subi %sub3A_429, %rem3A_361 : i32
          %dma_start3A_431 = arith.constant 0 : i32
          %dma_start3A_432 = tpu.memref_slice %arg11[%sub3A_430, %dma_start3A_431] : memref<2x1600xi32, #tpu.memory_space<vmem>> -> memref<1x1600xi32, #tpu.memory_space<vmem>>
          %dma_start3A_433 = tpu.memref_squeeze %dma_start3A_432 : memref<1x1600xi32, #tpu.memory_space<vmem>> -> memref<1600xi32, #tpu.memory_space<vmem>>
          %dma_start3A_434 = tpu.memref_slice %arg6[%add3A_409] : memref<1280000xi32, #tpu.memory_space<hbm>> -> memref<1600xi32, #tpu.memory_space<hbm>>
          %dma_start3A_435 = arith.constant 0 : i32
          %dma_start3A_436 = tpu.memref_slice %arg11[%sub3A_430, %dma_start3A_435] : memref<2x1600xi32, #tpu.memory_space<vmem>> -> memref<1x1600xi32, #tpu.memory_space<vmem>>
          %dma_start3A_437 = tpu.memref_squeeze %dma_start3A_436 : memref<1x1600xi32, #tpu.memory_space<vmem>> -> memref<1600xi32, #tpu.memory_space<vmem>>
          %dma_start3A_438 = tpu.memref_slice %arg6[%add3A_409] : memref<1280000xi32, #tpu.memory_space<hbm>> -> memref<1600xi32, #tpu.memory_space<hbm>>
          tpu.enqueue_dma source(%dma_start3A_438 : memref<1600xi32, #tpu.memory_space<hbm>>) target(%dma_start3A_437 : memref<1600xi32, #tpu.memory_space<vmem>>) target_semaphore(%arg20 : memref<!tpu.dma_semaphore, #tpu.memory_space<semaphore_mem>>)
        } else {
        }
        %scan3A_397 = arith.constant 0 : i32
        %scan3A_398 = arith.constant 50 : i32
        %scan3A_399 = arith.addi %scan3A_397, %scan3A_398 : i32
        %scan3A_400 = arith.constant 1 : i32
        %scan3A_401:3 = scf.for %scan3A_403 = %scan3A_397 to %scan3A_399 step %scan3A_400 iter_args(%scan3A_404 = %scan3A_358, %scan3A_405 = %scan3A_359, %scan3A_406 = %scan3A_360) -> (i32, i32, i32)  : i32 {
          %mul3A_407 = arith.constant 2 : i32
          %mul3A_408 = arith.muli %scan3A_403, %mul3A_407 : i32
          %add3A_409 = arith.constant 0 : i32
          %add3A_410 = arith.addi %mul3A_408, %add3A_409 : i32
          %mul3A_411 = arith.constant 16 : i32
          %mul3A_412 = arith.muli %add3A_410, %mul3A_411 : i32
          %get3A = arith.index_cast %rem3A_361 : i32 to index
          %get3A_413 = arith.index_cast %mul3A_412 : i32 to index
          %get3A_414 = tpu.vector_load %arg9[%get3A, %get3A_413] {strides = array<i32>} : memref<2x1600xi32, #tpu.memory_space<vmem>>, vector<16xi32>,
          %sub3A = vector.broadcast %mul3A_302 : i32 to vector<16xi32>
          %sub3A_415 = arith.subi %get3A_414, %sub3A : vector<16xi32>
          %bitcast3A = vector.bitcast %sub3A_415 : vector<16xi32> to vector<16xi32>
          %lt3A_416 = arith.constant 8000 : i32
          %lt3A_417 = vector.broadcast %lt3A_416 : i32 to vector<16xi32>
          %lt3A_418 = arith.cmpi ult, %bitcast3A, %lt3A_417 : vector<16xi32>
          %all_reduce_population_count3A = tpu.all_reduce %lt3A_418 {dim = 0 : i64, kind = #tpu.reduction_kind<sum>} : vector<16xi1> -> vector<16xi32>
          %slice3A = vector.extract_strided_slice %all_reduce_population_count3A {offsets = [0], sizes = [1], strides = [1]} : vector<16xi32> to vector<1xi32>
          %squeeze3A = vector.extract %slice3A[0] : i32 from vector<1xi32>
          %gt3A_419 = arith.constant 0 : i32
          %gt3A_420 = arith.cmpi sgt, %squeeze3A, %gt3A_419 : i32
          %gt3A_421 = arith.constant 176 : i32
          %gt3A_422 = arith.cmpi sgt, %scan3A_404, %gt3A_421 : i32
          %and3A = arith.andi %gt3A_420, %gt3A_422 : i1
          %convert_element_type3A_423 = arith.extui %and3A : i1 to i32
          %cond3A_424 = arith.constant 0 : i32
          %cond3A_425 = arith.cmpi ne, %convert_element_type3A_423, %cond3A_424 : i32
          scf.if %cond3A_425 {
            %eq3A_472 = arith.constant 1 : i32
            %eq3A_473 = arith.cmpi eq, %scan3A_406, %eq3A_472 : i32
            %convert_element_type3A_474 = arith.extui %eq3A_473 : i1 to i32
            %cond3A_475 = arith.constant 0 : i32
            %cond3A_476 = arith.cmpi ne, %convert_element_type3A_474, %cond3A_475 : i32
            scf.if %cond3A_476 {
              %sub3A_489 = arith.constant 1 : i32
              %sub3A_490 = arith.subi %sub3A_489, %scan3A_405 : i32
              %dma_wait3A_491 = arith.constant 0 : i32
              %dma_wait3A_492 = tpu.memref_slice %arg13[%sub3A_490, %dma_wait3A_491] : memref<2x192xi32, #tpu.memory_space<vmem>> -> memref<1x192xi32, #tpu.memory_space<vmem>>
              %dma_wait3A_493 = tpu.memref_squeeze %dma_wait3A_492 : memref<1x192xi32, #tpu.memory_space<vmem>> -> memref<192xi32, #tpu.memory_space<vmem>>
              %dma_wait3A_494 = arith.constant 0 : i32
              %dma_wait3A_495 = arith.constant 0 : i32
              %dma_wait3A_496 = tpu.memref_slice %arg2[%dma_wait3A_494, %dma_wait3A_495] : memref<320000x128xf32, #tpu.memory_space<hbm>> -> memref<320000x128xf32, #tpu.memory_space<hbm>>
              tpu.wait_indirect_dma semaphore(%arg21 : memref<!tpu.dma_semaphore, #tpu.memory_space<semaphore_mem>>) src(%dma_wait3A_496 : memref<320000x128xf32, #tpu.memory_space<hbm>>) dst(%arg15 : memref<192x128xf32, #tpu.memory_space<vmem>>)
              %dma_wait3A_497 = arith.constant 0 : i32
              %dma_wait3A_498 = tpu.memref_slice %arg14[%sub3A_490, %dma_wait3A_497] : memref<2x192xi32, #tpu.memory_space<vmem>> -> memref<1x192xi32, #tpu.memory_space<vmem>>
              %dma_wait3A_499 = tpu.memref_squeeze %dma_wait3A_498 : memref<1x192xi32, #tpu.memory_space<vmem>> -> memref<192xi32, #tpu.memory_space<vmem>>
              %dma_wait3A_500 = arith.constant 0 : i32
              %dma_wait3A_501 = arith.constant 0 : i32
              %dma_wait3A_502 = tpu.memref_slice %arg3[%dma_wait3A_500, %dma_wait3A_501] : memref<320000x128xf32, #tpu.memory_space<hbm>> -> memref<320000x128xf32, #tpu.memory_space<hbm>>
              tpu.wait_indirect_dma semaphore(%arg22 : memref<!tpu.dma_semaphore, #tpu.memory_space<semaphore_mem>>) src(%dma_wait3A_502 : memref<320000x128xf32, #tpu.memory_space<hbm>>) dst(%arg16 : memref<192x128xf32, #tpu.memory_space<vmem>>)
              %parallel_loop3A = arith.constant 0 : i32
              %parallel_loop3A_503 = arith.constant 192 : i32
              %parallel_loop3A_504 = arith.constant 1 : i32
              scf.for %parallel_loop3A_613 = %parallel_loop3A to %parallel_loop3A_503 step %parallel_loop3A_504  : i32 {
                %parallel_loop3A_614 = arith.index_cast %parallel_loop3A_613 : i32 to index
                %parallel_loop3A_615 = arith.constant 0 : index
                %parallel_loop3A_616 = tpu.vector_load %arg15[%parallel_loop3A_614, %parallel_loop3A_615] {strides = array<i32>} : memref<192x128xf32, #tpu.memory_space<vmem>>, vector<16xf32>,
                %parallel_loop3A_617 = arith.index_cast %parallel_loop3A_613 : i32 to index
                %parallel_loop3A_618 = arith.constant 0 : index
                %parallel_loop3A_619 = tpu.vector_load %arg16[%parallel_loop3A_617, %parallel_loop3A_618] {strides = array<i32>} : memref<192x128xf32, #tpu.memory_space<vmem>>, vector<16xf32>,
                %parallel_loop3A_620 = arith.mulf %parallel_loop3A_616, %parallel_loop3A_619 : vector<16xf32>
                %parallel_loop3A_621 = arith.index_cast %parallel_loop3A_613 : i32 to index
                %parallel_loop3A_622 = arith.constant 0 : index
                %parallel_loop3A_623 = tpu.vector_load %arg15[%parallel_loop3A_621, %parallel_loop3A_622] {strides = array<i32>} : memref<192x128xf32, #tpu.memory_space<vmem>>, vector<16xf32>,
                tpu.vector_store %arg15[%parallel_loop3A_621, %parallel_loop3A_622], %parallel_loop3A_620 {strides = array<i32>} : memref<192x128xf32, #tpu.memory_space<vmem>>, vector<16xf32>,
                %parallel_loop3A_624 = arith.index_cast %parallel_loop3A_613 : i32 to index
                %parallel_loop3A_625 = arith.constant 16 : index
                %parallel_loop3A_626 = tpu.vector_load %arg15[%parallel_loop3A_624, %parallel_loop3A_625] {strides = array<i32>} : memref<192x128xf32, #tpu.memory_space<vmem>>, vector<16xf32>,
                %parallel_loop3A_627 = arith.index_cast %parallel_loop3A_613 : i32 to index
                %parallel_loop3A_628 = arith.constant 16 : index
                %parallel_loop3A_629 = tpu.vector_load %arg16[%parallel_loop3A_627, %parallel_loop3A_628] {strides = array<i32>} : memref<192x128xf32, #tpu.memory_space<vmem>>, vector<16xf32>,
                %parallel_loop3A_630 = arith.mulf %parallel_loop3A_626, %parallel_loop3A_629 : vector<16xf32>
                %parallel_loop3A_631 = arith.index_cast %parallel_loop3A_613 : i32 to index
                %parallel_loop3A_632 = arith.constant 16 : index
                %parallel_loop3A_633 = tpu.vector_load %arg15[%parallel_loop3A_631, %parallel_loop3A_632] {strides = array<i32>} : memref<192x128xf32, #tpu.memory_space<vmem>>, vector<16xf32>,
                tpu.vector_store %arg15[%parallel_loop3A_631, %parallel_loop3A_632], %parallel_loop3A_630 {strides = array<i32>} : memref<192x128xf32, #tpu.memory_space<vmem>>, vector<16xf32>,
                %parallel_loop3A_634 = arith.index_cast %parallel_loop3A_613 : i32 to index
                %parallel_loop3A_635 = arith.constant 32 : index
                %parallel_loop3A_636 = tpu.vector_load %arg15[%parallel_loop3A_634, %parallel_loop3A_635] {strides = array<i32>} : memref<192x128xf32, #tpu.memory_space<vmem>>, vector<16xf32>,
                %parallel_loop3A_637 = arith.index_cast %parallel_loop3A_613 : i32 to index
                %parallel_loop3A_638 = arith.constant 32 : index
                %parallel_loop3A_639 = tpu.vector_load %arg16[%parallel_loop3A_637, %parallel_loop3A_638] {strides = array<i32>} : memref<192x128xf32, #tpu.memory_space<vmem>>, vector<16xf32>,
                %parallel_loop3A_640 = arith.mulf %parallel_loop3A_636, %parallel_loop3A_639 : vector<16xf32>
                %parallel_loop3A_641 = arith.index_cast %parallel_loop3A_613 : i32 to index
                %parallel_loop3A_642 = arith.constant 32 : index
                %parallel_loop3A_643 = tpu.vector_load %arg15[%parallel_loop3A_641, %parallel_loop3A_642] {strides = array<i32>} : memref<192x128xf32, #tpu.memory_space<vmem>>, vector<16xf32>,
                tpu.vector_store %arg15[%parallel_loop3A_641, %parallel_loop3A_642], %parallel_loop3A_640 {strides = array<i32>} : memref<192x128xf32, #tpu.memory_space<vmem>>, vector<16xf32>,
                %parallel_loop3A_644 = arith.index_cast %parallel_loop3A_613 : i32 to index
                %parallel_loop3A_645 = arith.constant 48 : index
                %parallel_loop3A_646 = tpu.vector_load %arg15[%parallel_loop3A_644, %parallel_loop3A_645] {strides = array<i32>} : memref<192x128xf32, #tpu.memory_space<vmem>>, vector<16xf32>,
                %parallel_loop3A_647 = arith.index_cast %parallel_loop3A_613 : i32 to index
                %parallel_loop3A_648 = arith.constant 48 : index
                %parallel_loop3A_649 = tpu.vector_load %arg16[%parallel_loop3A_647, %parallel_loop3A_648] {strides = array<i32>} : memref<192x128xf32, #tpu.memory_space<vmem>>, vector<16xf32>,
                %parallel_loop3A_650 = arith.mulf %parallel_loop3A_646, %parallel_loop3A_649 : vector<16xf32>
                %parallel_loop3A_651 = arith.index_cast %parallel_loop3A_613 : i32 to index
                %parallel_loop3A_652 = arith.constant 48 : index
                %parallel_loop3A_653 = tpu.vector_load %arg15[%parallel_loop3A_651, %parallel_loop3A_652] {strides = array<i32>} : memref<192x128xf32, #tpu.memory_space<vmem>>, vector<16xf32>,
                tpu.vector_store %arg15[%parallel_loop3A_651, %parallel_loop3A_652], %parallel_loop3A_650 {strides = array<i32>} : memref<192x128xf32, #tpu.memory_space<vmem>>, vector<16xf32>,
                %parallel_loop3A_654 = arith.index_cast %parallel_loop3A_613 : i32 to index
                %parallel_loop3A_655 = arith.constant 64 : index
                %parallel_loop3A_656 = tpu.vector_load %arg15[%parallel_loop3A_654, %parallel_loop3A_655] {strides = array<i32>} : memref<192x128xf32, #tpu.memory_space<vmem>>, vector<16xf32>,
                %parallel_loop3A_657 = arith.index_cast %parallel_loop3A_613 : i32 to index
                %parallel_loop3A_658 = arith.constant 64 : index
                %parallel_loop3A_659 = tpu.vector_load %arg16[%parallel_loop3A_657, %parallel_loop3A_658] {strides = array<i32>} : memref<192x128xf32, #tpu.memory_space<vmem>>, vector<16xf32>,
                %parallel_loop3A_660 = arith.mulf %parallel_loop3A_656, %parallel_loop3A_659 : vector<16xf32>
                %parallel_loop3A_661 = arith.index_cast %parallel_loop3A_613 : i32 to index
                %parallel_loop3A_662 = arith.constant 64 : index
                %parallel_loop3A_663 = tpu.vector_load %arg15[%parallel_loop3A_661, %parallel_loop3A_662] {strides = array<i32>} : memref<192x128xf32, #tpu.memory_space<vmem>>, vector<16xf32>,
                tpu.vector_store %arg15[%parallel_loop3A_661, %parallel_loop3A_662], %parallel_loop3A_660 {strides = array<i32>} : memref<192x128xf32, #tpu.memory_space<vmem>>, vector<16xf32>,
                %parallel_loop3A_664 = arith.index_cast %parallel_loop3A_613 : i32 to index
                %parallel_loop3A_665 = arith.constant 80 : index
                %parallel_loop3A_666 = tpu.vector_load %arg15[%parallel_loop3A_664, %parallel_loop3A_665] {strides = array<i32>} : memref<192x128xf32, #tpu.memory_space<vmem>>, vector<16xf32>,
                %parallel_loop3A_667 = arith.index_cast %parallel_loop3A_613 : i32 to index
                %parallel_loop3A_668 = arith.constant 80 : index
                %parallel_loop3A_669 = tpu.vector_load %arg16[%parallel_loop3A_667, %parallel_loop3A_668] {strides = array<i32>} : memref<192x128xf32, #tpu.memory_space<vmem>>, vector<16xf32>,
                %parallel_loop3A_670 = arith.mulf %parallel_loop3A_666, %parallel_loop3A_669 : vector<16xf32>
                %parallel_loop3A_671 = arith.index_cast %parallel_loop3A_613 : i32 to index
                %parallel_loop3A_672 = arith.constant 80 : index
                %parallel_loop3A_673 = tpu.vector_load %arg15[%parallel_loop3A_671, %parallel_loop3A_672] {strides = array<i32>} : memref<192x128xf32, #tpu.memory_space<vmem>>, vector<16xf32>,
                tpu.vector_store %arg15[%parallel_loop3A_671, %parallel_loop3A_672], %parallel_loop3A_670 {strides = array<i32>} : memref<192x128xf32, #tpu.memory_space<vmem>>, vector<16xf32>,
                %parallel_loop3A_674 = arith.index_cast %parallel_loop3A_613 : i32 to index
                %parallel_loop3A_675 = arith.constant 96 : index
                %parallel_loop3A_676 = tpu.vector_load %arg15[%parallel_loop3A_674, %parallel_loop3A_675] {strides = array<i32>} : memref<192x128xf32, #tpu.memory_space<vmem>>, vector<16xf32>,
                %parallel_loop3A_677 = arith.index_cast %parallel_loop3A_613 : i32 to index
                %parallel_loop3A_678 = arith.constant 96 : index
                %parallel_loop3A_679 = tpu.vector_load %arg16[%parallel_loop3A_677, %parallel_loop3A_678] {strides = array<i32>} : memref<192x128xf32, #tpu.memory_space<vmem>>, vector<16xf32>,
                %parallel_loop3A_680 = arith.mulf %parallel_loop3A_676, %parallel_loop3A_679 : vector<16xf32>
                %parallel_loop3A_681 = arith.index_cast %parallel_loop3A_613 : i32 to index
                %parallel_loop3A_682 = arith.constant 96 : index
                %parallel_loop3A_683 = tpu.vector_load %arg15[%parallel_loop3A_681, %parallel_loop3A_682] {strides = array<i32>} : memref<192x128xf32, #tpu.memory_space<vmem>>, vector<16xf32>,
                tpu.vector_store %arg15[%parallel_loop3A_681, %parallel_loop3A_682], %parallel_loop3A_680 {strides = array<i32>} : memref<192x128xf32, #tpu.memory_space<vmem>>, vector<16xf32>,
                %parallel_loop3A_684 = arith.index_cast %parallel_loop3A_613 : i32 to index
                %parallel_loop3A_685 = arith.constant 112 : index
                %parallel_loop3A_686 = tpu.vector_load %arg15[%parallel_loop3A_684, %parallel_loop3A_685] {strides = array<i32>} : memref<192x128xf32, #tpu.memory_space<vmem>>, vector<16xf32>,
                %parallel_loop3A_687 = arith.index_cast %parallel_loop3A_613 : i32 to index
                %parallel_loop3A_688 = arith.constant 112 : index
                %parallel_loop3A_689 = tpu.vector_load %arg16[%parallel_loop3A_687, %parallel_loop3A_688] {strides = array<i32>} : memref<192x128xf32, #tpu.memory_space<vmem>>, vector<16xf32>,
                %parallel_loop3A_690 = arith.mulf %parallel_loop3A_686, %parallel_loop3A_689 : vector<16xf32>
                %parallel_loop3A_691 = arith.index_cast %parallel_loop3A_613 : i32 to index
                %parallel_loop3A_692 = arith.constant 112 : index
                %parallel_loop3A_693 = tpu.vector_load %arg15[%parallel_loop3A_691, %parallel_loop3A_692] {strides = array<i32>} : memref<192x128xf32, #tpu.memory_space<vmem>>, vector<16xf32>,
                tpu.vector_store %arg15[%parallel_loop3A_691, %parallel_loop3A_692], %parallel_loop3A_690 {strides = array<i32>} : memref<192x128xf32, #tpu.memory_space<vmem>>, vector<16xf32>,
              } {sc.loop_unroll_factor = 8 : i64, sc.parallel_access}
              "tpu.region"() ({
                %run_scoped3A = tpu.sem_alloc : memref<!tpu.dma_semaphore, #tpu.memory_space<semaphore_mem>>
                %dma_start3A_613 = arith.constant 0 : i32
                %dma_start3A_614 = tpu.memref_slice %arg12[%sub3A_490, %dma_start3A_613] : memref<2x192xi32, #tpu.memory_space<vmem>> -> memref<1x192xi32, #tpu.memory_space<vmem>>
                %dma_start3A_615 = tpu.memref_squeeze %dma_start3A_614 : memref<1x192xi32, #tpu.memory_space<vmem>> -> memref<192xi32, #tpu.memory_space<vmem>>
                %dma_start3A_616 = arith.constant 0 : i32
                %dma_start3A_617 = arith.constant 0 : i32
                %dma_start3A_618 = tpu.memref_slice %arg17[%dma_start3A_616, %dma_start3A_617] : memref<8192x128xf32, #tpu.memory_space<vmem_shared>> -> memref<8192x128xf32, #tpu.memory_space<vmem_shared>>
                tpu.enqueue_indirect_dma source(%arg15 : memref<192x128xf32, #tpu.memory_space<vmem>>) target(%dma_start3A_618 : memref<8192x128xf32, #tpu.memory_space<vmem_shared>>) offsets(%dma_start3A_615 : memref<192xi32, #tpu.memory_space<vmem>>) semaphore(%run_scoped3A : memref<!tpu.dma_semaphore, #tpu.memory_space<semaphore_mem>>) {add = true}
                %dma_wait3A_619 = arith.constant 0 : i32
                %dma_wait3A_620 = tpu.memref_slice %arg12[%sub3A_490, %dma_wait3A_619] : memref<2x192xi32, #tpu.memory_space<vmem>> -> memref<1x192xi32, #tpu.memory_space<vmem>>
                %dma_wait3A_621 = tpu.memref_squeeze %dma_wait3A_620 : memref<1x192xi32, #tpu.memory_space<vmem>> -> memref<192xi32, #tpu.memory_space<vmem>>
                %dma_wait3A_622 = arith.constant 0 : i32
                %dma_wait3A_623 = arith.constant 0 : i32
                %dma_wait3A_624 = tpu.memref_slice %arg17[%dma_wait3A_622, %dma_wait3A_623] : memref<8192x128xf32, #tpu.memory_space<vmem_shared>> -> memref<8192x128xf32, #tpu.memory_space<vmem_shared>>
                tpu.wait_indirect_dma semaphore(%run_scoped3A : memref<!tpu.dma_semaphore, #tpu.memory_space<semaphore_mem>>) src(%arg15 : memref<192x128xf32, #tpu.memory_space<vmem>>) dst(%dma_wait3A_624 : memref<8192x128xf32, #tpu.memory_space<vmem_shared>>)
                tpu.yield
              }) : () -> ()
              %swap3A_505 = arith.index_cast %sub3A_490 : i32 to index
              %swap3A_506 = arith.constant 0 : index
              %swap3A_507 = tpu.vector_load %arg12[%swap3A_505, %swap3A_506] {strides = array<i32>} : memref<2x192xi32, #tpu.memory_space<vmem>>, vector<16xi32>,
              tpu.vector_store %arg12[%swap3A_505, %swap3A_506], %broadcast_in_dim3A_2 {strides = array<i32>} : memref<2x192xi32, #tpu.memory_space<vmem>>, vector<16xi32>,
              %swap3A_508 = arith.index_cast %sub3A_490 : i32 to index
              %swap3A_509 = arith.constant 0 : index
              %swap3A_510 = tpu.vector_load %arg13[%swap3A_508, %swap3A_509] {strides = array<i32>} : memref<2x192xi32, #tpu.memory_space<vmem>>, vector<16xi32>,
              tpu.vector_store %arg13[%swap3A_508, %swap3A_509], %broadcast_in_dim3A_0 {strides = array<i32>} : memref<2x192xi32, #tpu.memory_space<vmem>>, vector<16xi32>,
              %swap3A_511 = arith.index_cast %sub3A_490 : i32 to index
              %swap3A_512 = arith.constant 0 : index
              %swap3A_513 = tpu.vector_load %arg14[%swap3A_511, %swap3A_512] {strides = array<i32>} : memref<2x192xi32, #tpu.memory_space<vmem>>, vector<16xi32>,
              tpu.vector_store %arg14[%swap3A_511, %swap3A_512], %broadcast_in_dim3A_0 {strides = array<i32>} : memref<2x192xi32, #tpu.memory_space<vmem>>, vector<16xi32>,
              %swap3A_514 = arith.index_cast %sub3A_490 : i32 to index
              %swap3A_515 = arith.constant 16 : index
              %swap3A_516 = tpu.vector_load %arg12[%swap3A_514, %swap3A_515] {strides = array<i32>} : memref<2x192xi32, #tpu.memory_space<vmem>>, vector<16xi32>,
              tpu.vector_store %arg12[%swap3A_514, %swap3A_515], %broadcast_in_dim3A_2 {strides = array<i32>} : memref<2x192xi32, #tpu.memory_space<vmem>>, vector<16xi32>,
              %swap3A_517 = arith.index_cast %sub3A_490 : i32 to index
              %swap3A_518 = arith.constant 16 : index
              %swap3A_519 = tpu.vector_load %arg13[%swap3A_517, %swap3A_518] {strides = array<i32>} : memref<2x192xi32, #tpu.memory_space<vmem>>, vector<16xi32>,
              tpu.vector_store %arg13[%swap3A_517, %swap3A_518], %broadcast_in_dim3A_0 {strides = array<i32>} : memref<2x192xi32, #tpu.memory_space<vmem>>, vector<16xi32>,
              %swap3A_520 = arith.index_cast %sub3A_490 : i32 to index
              %swap3A_521 = arith.constant 16 : index
              %swap3A_522 = tpu.vector_load %arg14[%swap3A_520, %swap3A_521] {strides = array<i32>} : memref<2x192xi32, #tpu.memory_space<vmem>>, vector<16xi32>,
              tpu.vector_store %arg14[%swap3A_520, %swap3A_521], %broadcast_in_dim3A_0 {strides = array<i32>} : memref<2x192xi32, #tpu.memory_space<vmem>>, vector<16xi32>,
              %swap3A_523 = arith.index_cast %sub3A_490 : i32 to index
              %swap3A_524 = arith.constant 32 : index
              %swap3A_525 = tpu.vector_load %arg12[%swap3A_523, %swap3A_524] {strides = array<i32>} : memref<2x192xi32, #tpu.memory_space<vmem>>, vector<16xi32>,
              tpu.vector_store %arg12[%swap3A_523, %swap3A_524], %broadcast_in_dim3A_2 {strides = array<i32>} : memref<2x192xi32, #tpu.memory_space<vmem>>, vector<16xi32>,
              %swap3A_526 = arith.index_cast %sub3A_490 : i32 to index
              %swap3A_527 = arith.constant 32 : index
              %swap3A_528 = tpu.vector_load %arg13[%swap3A_526, %swap3A_527] {strides = array<i32>} : memref<2x192xi32, #tpu.memory_space<vmem>>, vector<16xi32>,
              tpu.vector_store %arg13[%swap3A_526, %swap3A_527], %broadcast_in_dim3A_0 {strides = array<i32>} : memref<2x192xi32, #tpu.memory_space<vmem>>, vector<16xi32>,
              %swap3A_529 = arith.index_cast %sub3A_490 : i32 to index
              %swap3A_530 = arith.constant 32 : index
              %swap3A_531 = tpu.vector_load %arg14[%swap3A_529, %swap3A_530] {strides = array<i32>} : memref<2x192xi32, #tpu.memory_space<vmem>>, vector<16xi32>,
              tpu.vector_store %arg14[%swap3A_529, %swap3A_530], %broadcast_in_dim3A_0 {strides = array<i32>} : memref<2x192xi32, #tpu.memory_space<vmem>>, vector<16xi32>,
              %swap3A_532 = arith.index_cast %sub3A_490 : i32 to index
              %swap3A_533 = arith.constant 48 : index
              %swap3A_534 = tpu.vector_load %arg12[%swap3A_532, %swap3A_533] {strides = array<i32>} : memref<2x192xi32, #tpu.memory_space<vmem>>, vector<16xi32>,
              tpu.vector_store %arg12[%swap3A_532, %swap3A_533], %broadcast_in_dim3A_2 {strides = array<i32>} : memref<2x192xi32, #tpu.memory_space<vmem>>, vector<16xi32>,
              %swap3A_535 = arith.index_cast %sub3A_490 : i32 to index
              %swap3A_536 = arith.constant 48 : index
              %swap3A_537 = tpu.vector_load %arg13[%swap3A_535, %swap3A_536] {strides = array<i32>} : memref<2x192xi32, #tpu.memory_space<vmem>>, vector<16xi32>,
              tpu.vector_store %arg13[%swap3A_535, %swap3A_536], %broadcast_in_dim3A_0 {strides = array<i32>} : memref<2x192xi32, #tpu.memory_space<vmem>>, vector<16xi32>,
              %swap3A_538 = arith.index_cast %sub3A_490 : i32 to index
              %swap3A_539 = arith.constant 48 : index
              %swap3A_540 = tpu.vector_load %arg14[%swap3A_538, %swap3A_539] {strides = array<i32>} : memref<2x192xi32, #tpu.memory_space<vmem>>, vector<16xi32>,
              tpu.vector_store %arg14[%swap3A_538, %swap3A_539], %broadcast_in_dim3A_0 {strides = array<i32>} : memref<2x192xi32, #tpu.memory_space<vmem>>, vector<16xi32>,
              %swap3A_541 = arith.index_cast %sub3A_490 : i32 to index
              %swap3A_542 = arith.constant 64 : index
              %swap3A_543 = tpu.vector_load %arg12[%swap3A_541, %swap3A_542] {strides = array<i32>} : memref<2x192xi32, #tpu.memory_space<vmem>>, vector<16xi32>,
              tpu.vector_store %arg12[%swap3A_541, %swap3A_542], %broadcast_in_dim3A_2 {strides = array<i32>} : memref<2x192xi32, #tpu.memory_space<vmem>>, vector<16xi32>,
              %swap3A_544 = arith.index_cast %sub3A_490 : i32 to index
              %swap3A_545 = arith.constant 64 : index
              %swap3A_546 = tpu.vector_load %arg13[%swap3A_544, %swap3A_545] {strides = array<i32>} : memref<2x192xi32, #tpu.memory_space<vmem>>, vector<16xi32>,
              tpu.vector_store %arg13[%swap3A_544, %swap3A_545], %broadcast_in_dim3A_0 {strides = array<i32>} : memref<2x192xi32, #tpu.memory_space<vmem>>, vector<16xi32>,
              %swap3A_547 = arith.index_cast %sub3A_490 : i32 to index
              %swap3A_548 = arith.constant 64 : index
              %swap3A_549 = tpu.vector_load %arg14[%swap3A_547, %swap3A_548] {strides = array<i32>} : memref<2x192xi32, #tpu.memory_space<vmem>>, vector<16xi32>,
              tpu.vector_store %arg14[%swap3A_547, %swap3A_548], %broadcast_in_dim3A_0 {strides = array<i32>} : memref<2x192xi32, #tpu.memory_space<vmem>>, vector<16xi32>,
              %swap3A_550 = arith.index_cast %sub3A_490 : i32 to index
              %swap3A_551 = arith.constant 80 : index
              %swap3A_552 = tpu.vector_load %arg12[%swap3A_550, %swap3A_551] {strides = array<i32>} : memref<2x192xi32, #tpu.memory_space<vmem>>, vector<16xi32>,
              tpu.vector_store %arg12[%swap3A_550, %swap3A_551], %broadcast_in_dim3A_2 {strides = array<i32>} : memref<2x192xi32, #tpu.memory_space<vmem>>, vector<16xi32>,
              %swap3A_553 = arith.index_cast %sub3A_490 : i32 to index
              %swap3A_554 = arith.constant 80 : index
              %swap3A_555 = tpu.vector_load %arg13[%swap3A_553, %swap3A_554] {strides = array<i32>} : memref<2x192xi32, #tpu.memory_space<vmem>>, vector<16xi32>,
              tpu.vector_store %arg13[%swap3A_553, %swap3A_554], %broadcast_in_dim3A_0 {strides = array<i32>} : memref<2x192xi32, #tpu.memory_space<vmem>>, vector<16xi32>,
              %swap3A_556 = arith.index_cast %sub3A_490 : i32 to index
              %swap3A_557 = arith.constant 80 : index
              %swap3A_558 = tpu.vector_load %arg14[%swap3A_556, %swap3A_557] {strides = array<i32>} : memref<2x192xi32, #tpu.memory_space<vmem>>, vector<16xi32>,
              tpu.vector_store %arg14[%swap3A_556, %swap3A_557], %broadcast_in_dim3A_0 {strides = array<i32>} : memref<2x192xi32, #tpu.memory_space<vmem>>, vector<16xi32>,
              %swap3A_559 = arith.index_cast %sub3A_490 : i32 to index
              %swap3A_560 = arith.constant 96 : index
              %swap3A_561 = tpu.vector_load %arg12[%swap3A_559, %swap3A_560] {strides = array<i32>} : memref<2x192xi32, #tpu.memory_space<vmem>>, vector<16xi32>,
              tpu.vector_store %arg12[%swap3A_559, %swap3A_560], %broadcast_in_dim3A_2 {strides = array<i32>} : memref<2x192xi32, #tpu.memory_space<vmem>>, vector<16xi32>,
              %swap3A_562 = arith.index_cast %sub3A_490 : i32 to index
              %swap3A_563 = arith.constant 96 : index
              %swap3A_564 = tpu.vector_load %arg13[%swap3A_562, %swap3A_563] {strides = array<i32>} : memref<2x192xi32, #tpu.memory_space<vmem>>, vector<16xi32>,
              tpu.vector_store %arg13[%swap3A_562, %swap3A_563], %broadcast_in_dim3A_0 {strides = array<i32>} : memref<2x192xi32, #tpu.memory_space<vmem>>, vector<16xi32>,
              %swap3A_565 = arith.index_cast %sub3A_490 : i32 to index
              %swap3A_566 = arith.constant 96 : index
              %swap3A_567 = tpu.vector_load %arg14[%swap3A_565, %swap3A_566] {strides = array<i32>} : memref<2x192xi32, #tpu.memory_space<vmem>>, vector<16xi32>,
              tpu.vector_store %arg14[%swap3A_565, %swap3A_566], %broadcast_in_dim3A_0 {strides = array<i32>} : memref<2x192xi32, #tpu.memory_space<vmem>>, vector<16xi32>,
              %swap3A_568 = arith.index_cast %sub3A_490 : i32 to index
              %swap3A_569 = arith.constant 112 : index
              %swap3A_570 = tpu.vector_load %arg12[%swap3A_568, %swap3A_569] {strides = array<i32>} : memref<2x192xi32, #tpu.memory_space<vmem>>, vector<16xi32>,
              tpu.vector_store %arg12[%swap3A_568, %swap3A_569], %broadcast_in_dim3A_2 {strides = array<i32>} : memref<2x192xi32, #tpu.memory_space<vmem>>, vector<16xi32>,
              %swap3A_571 = arith.index_cast %sub3A_490 : i32 to index
              %swap3A_572 = arith.constant 112 : index
              %swap3A_573 = tpu.vector_load %arg13[%swap3A_571, %swap3A_572] {strides = array<i32>} : memref<2x192xi32, #tpu.memory_space<vmem>>, vector<16xi32>,
              tpu.vector_store %arg13[%swap3A_571, %swap3A_572], %broadcast_in_dim3A_0 {strides = array<i32>} : memref<2x192xi32, #tpu.memory_space<vmem>>, vector<16xi32>,
              %swap3A_574 = arith.index_cast %sub3A_490 : i32 to index
              %swap3A_575 = arith.constant 112 : index
              %swap3A_576 = tpu.vector_load %arg14[%swap3A_574, %swap3A_575] {strides = array<i32>} : memref<2x192xi32, #tpu.memory_space<vmem>>, vector<16xi32>,
              tpu.vector_store %arg14[%swap3A_574, %swap3A_575], %broadcast_in_dim3A_0 {strides = array<i32>} : memref<2x192xi32, #tpu.memory_space<vmem>>, vector<16xi32>,
              %swap3A_577 = arith.index_cast %sub3A_490 : i32 to index
              %swap3A_578 = arith.constant 128 : index
              %swap3A_579 = tpu.vector_load %arg12[%swap3A_577, %swap3A_578] {strides = array<i32>} : memref<2x192xi32, #tpu.memory_space<vmem>>, vector<16xi32>,
              tpu.vector_store %arg12[%swap3A_577, %swap3A_578], %broadcast_in_dim3A_2 {strides = array<i32>} : memref<2x192xi32, #tpu.memory_space<vmem>>, vector<16xi32>,
              %swap3A_580 = arith.index_cast %sub3A_490 : i32 to index
              %swap3A_581 = arith.constant 128 : index
              %swap3A_582 = tpu.vector_load %arg13[%swap3A_580, %swap3A_581] {strides = array<i32>} : memref<2x192xi32, #tpu.memory_space<vmem>>, vector<16xi32>,
              tpu.vector_store %arg13[%swap3A_580, %swap3A_581], %broadcast_in_dim3A_0 {strides = array<i32>} : memref<2x192xi32, #tpu.memory_space<vmem>>, vector<16xi32>,
              %swap3A_583 = arith.index_cast %sub3A_490 : i32 to index
              %swap3A_584 = arith.constant 128 : index
              %swap3A_585 = tpu.vector_load %arg14[%swap3A_583, %swap3A_584] {strides = array<i32>} : memref<2x192xi32, #tpu.memory_space<vmem>>, vector<16xi32>,
              tpu.vector_store %arg14[%swap3A_583, %swap3A_584], %broadcast_in_dim3A_0 {strides = array<i32>} : memref<2x192xi32, #tpu.memory_space<vmem>>, vector<16xi32>,
              %swap3A_586 = arith.index_cast %sub3A_490 : i32 to index
              %swap3A_587 = arith.constant 144 : index
              %swap3A_588 = tpu.vector_load %arg12[%swap3A_586, %swap3A_587] {strides = array<i32>} : memref<2x192xi32, #tpu.memory_space<vmem>>, vector<16xi32>,
              tpu.vector_store %arg12[%swap3A_586, %swap3A_587], %broadcast_in_dim3A_2 {strides = array<i32>} : memref<2x192xi32, #tpu.memory_space<vmem>>, vector<16xi32>,
              %swap3A_589 = arith.index_cast %sub3A_490 : i32 to index
              %swap3A_590 = arith.constant 144 : index
              %swap3A_591 = tpu.vector_load %arg13[%swap3A_589, %swap3A_590] {strides = array<i32>} : memref<2x192xi32, #tpu.memory_space<vmem>>, vector<16xi32>,
              tpu.vector_store %arg13[%swap3A_589, %swap3A_590], %broadcast_in_dim3A_0 {strides = array<i32>} : memref<2x192xi32, #tpu.memory_space<vmem>>, vector<16xi32>,
              %swap3A_592 = arith.index_cast %sub3A_490 : i32 to index
              %swap3A_593 = arith.constant 144 : index
              %swap3A_594 = tpu.vector_load %arg14[%swap3A_592, %swap3A_593] {strides = array<i32>} : memref<2x192xi32, #tpu.memory_space<vmem>>, vector<16xi32>,
              tpu.vector_store %arg14[%swap3A_592, %swap3A_593], %broadcast_in_dim3A_0 {strides = array<i32>} : memref<2x192xi32, #tpu.memory_space<vmem>>, vector<16xi32>,
              %swap3A_595 = arith.index_cast %sub3A_490 : i32 to index
              %swap3A_596 = arith.constant 160 : index
              %swap3A_597 = tpu.vector_load %arg12[%swap3A_595, %swap3A_596] {strides = array<i32>} : memref<2x192xi32, #tpu.memory_space<vmem>>, vector<16xi32>,
              tpu.vector_store %arg12[%swap3A_595, %swap3A_596], %broadcast_in_dim3A_2 {strides = array<i32>} : memref<2x192xi32, #tpu.memory_space<vmem>>, vector<16xi32>,
              %swap3A_598 = arith.index_cast %sub3A_490 : i32 to index
              %swap3A_599 = arith.constant 160 : index
              %swap3A_600 = tpu.vector_load %arg13[%swap3A_598, %swap3A_599] {strides = array<i32>} : memref<2x192xi32, #tpu.memory_space<vmem>>, vector<16xi32>,
              tpu.vector_store %arg13[%swap3A_598, %swap3A_599], %broadcast_in_dim3A_0 {strides = array<i32>} : memref<2x192xi32, #tpu.memory_space<vmem>>, vector<16xi32>,
              %swap3A_601 = arith.index_cast %sub3A_490 : i32 to index
              %swap3A_602 = arith.constant 160 : index
              %swap3A_603 = tpu.vector_load %arg14[%swap3A_601, %swap3A_602] {strides = array<i32>} : memref<2x192xi32, #tpu.memory_space<vmem>>, vector<16xi32>,
              tpu.vector_store %arg14[%swap3A_601, %swap3A_602], %broadcast_in_dim3A_0 {strides = array<i32>} : memref<2x192xi32, #tpu.memory_space<vmem>>, vector<16xi32>,
              %swap3A_604 = arith.index_cast %sub3A_490 : i32 to index
              %swap3A_605 = arith.constant 176 : index
              %swap3A_606 = tpu.vector_load %arg12[%swap3A_604, %swap3A_605] {strides = array<i32>} : memref<2x192xi32, #tpu.memory_space<vmem>>, vector<16xi32>,
              tpu.vector_store %arg12[%swap3A_604, %swap3A_605], %broadcast_in_dim3A_2 {strides = array<i32>} : memref<2x192xi32, #tpu.memory_space<vmem>>, vector<16xi32>,
              %swap3A_607 = arith.index_cast %sub3A_490 : i32 to index
              %swap3A_608 = arith.constant 176 : index
              %swap3A_609 = tpu.vector_load %arg13[%swap3A_607, %swap3A_608] {strides = array<i32>} : memref<2x192xi32, #tpu.memory_space<vmem>>, vector<16xi32>,
              tpu.vector_store %arg13[%swap3A_607, %swap3A_608], %broadcast_in_dim3A_0 {strides = array<i32>} : memref<2x192xi32, #tpu.memory_space<vmem>>, vector<16xi32>,
              %swap3A_610 = arith.index_cast %sub3A_490 : i32 to index
              %swap3A_611 = arith.constant 176 : index
              %swap3A_612 = tpu.vector_load %arg14[%swap3A_610, %swap3A_611] {strides = array<i32>} : memref<2x192xi32, #tpu.memory_space<vmem>>, vector<16xi32>,
              tpu.vector_store %arg14[%swap3A_610, %swap3A_611], %broadcast_in_dim3A_0 {strides = array<i32>} : memref<2x192xi32, #tpu.memory_space<vmem>>, vector<16xi32>,
            } else {
            }
            %dma_start3A_477 = arith.constant 0 : i32
            %dma_start3A_478 = tpu.memref_slice %arg13[%scan3A_405, %dma_start3A_477] : memref<2x192xi32, #tpu.memory_space<vmem>> -> memref<1x192xi32, #tpu.memory_space<vmem>>
            %dma_start3A_479 = tpu.memref_squeeze %dma_start3A_478 : memref<1x192xi32, #tpu.memory_space<vmem>> -> memref<192xi32, #tpu.memory_space<vmem>>
            %dma_start3A_480 = arith.constant 0 : i32
            %dma_start3A_481 = arith.constant 0 : i32
            %dma_start3A_482 = tpu.memref_slice %arg2[%dma_start3A_480, %dma_start3A_481] : memref<320000x128xf32, #tpu.memory_space<hbm>> -> memref<320000x128xf32, #tpu.memory_space<hbm>>
            tpu.enqueue_indirect_dma source(%dma_start3A_482 : memref<320000x128xf32, #tpu.memory_space<hbm>>) target(%arg15 : memref<192x128xf32, #tpu.memory_space<vmem>>) offsets(%dma_start3A_479 : memref<192xi32, #tpu.memory_space<vmem>>) semaphore(%arg21 : memref<!tpu.dma_semaphore, #tpu.memory_space<semaphore_mem>>)
            %dma_start3A_483 = arith.constant 0 : i32
            %dma_start3A_484 = tpu.memref_slice %arg14[%scan3A_405, %dma_start3A_483] : memref<2x192xi32, #tpu.memory_space<vmem>> -> memref<1x192xi32, #tpu.memory_space<vmem>>
            %dma_start3A_485 = tpu.memref_squeeze %dma_start3A_484 : memref<1x192xi32, #tpu.memory_space<vmem>> -> memref<192xi32, #tpu.memory_space<vmem>>
            %dma_start3A_486 = arith.constant 0 : i32
            %dma_start3A_487 = arith.constant 0 : i32
            %dma_start3A_488 = tpu.memref_slice %arg3[%dma_start3A_486, %dma_start3A_487] : memref<320000x128xf32, #tpu.memory_space<hbm>> -> memref<320000x128xf32, #tpu.memory_space<hbm>>
            tpu.enqueue_indirect_dma source(%dma_start3A_488 : memref<320000x128xf32, #tpu.memory_space<hbm>>) target(%arg16 : memref<192x128xf32, #tpu.memory_space<vmem>>) offsets(%dma_start3A_485 : memref<192xi32, #tpu.memory_space<vmem>>) semaphore(%arg22 : memref<!tpu.dma_semaphore, #tpu.memory_space<semaphore_mem>>)
          } else {
          }
          %sub3A_426 = arith.constant 1 : i32
          %sub3A_427 = arith.subi %sub3A_426, %scan3A_405 : i32
          %select_n3A = arith.select %and3A, %sub3A_427, %scan3A_405 : i32
          %jit3A = arith.constant 1 : i32
          %select_n3A_428 = arith.select %and3A, %jit3A, %scan3A_406 : i32
          %jit3A_429 = arith.constant 0 : i32
          %select_n3A_430 = arith.select %and3A, %jit3A_429, %scan3A_404 : i32
          %convert_element_type3A_431 = arith.extui %gt3A_420 : i1 to i32
          %cond3A_432 = arith.constant 0 : i32
          %cond3A_433 = arith.cmpi ne, %convert_element_type3A_431, %cond3A_432 : i32
          scf.if %cond3A_433 {
            %masked_sort3A = arith.constant -2147483648 : i32
            %masked_sort3A_472 = vector.broadcast %masked_sort3A : i32 to vector<16xi32>
            %masked_sort3A_473 = arith.xori %iota3A, %masked_sort3A_472 : vector<16xi32>
            %masked_sort3A_474, %masked_sort3A_475, %masked_sort3A_476 = tpu.sort %masked_sort3A_473, %sub3A_415 masked %lt3A_418 : (vector<16xi32>, vector<16xi32>, vector<16xi1>) -> (vector<16xi1>, vector<16xi32>, vector<16xi32>)
            %masked_sort3A_477 = arith.xori %masked_sort3A_475, %masked_sort3A_472 : vector<16xi32>
            %get3A_478 = arith.index_cast %rem3A_361 : i32 to index
            %get3A_479 = arith.index_cast %mul3A_412 : i32 to index
            %get3A_480 = tpu.vector_load %arg10[%get3A_478, %get3A_479] {strides = array<i32>} : memref<2x1600xi32, #tpu.memory_space<vmem>>, vector<16xi32>,
            %masked_sort3A_481 = arith.constant -2147483648 : i32
            %masked_sort3A_482 = vector.broadcast %masked_sort3A_481 : i32 to vector<16xi32>
            %masked_sort3A_483 = arith.xori %iota3A, %masked_sort3A_482 : vector<16xi32>
            %masked_sort3A_484, %masked_sort3A_485, %masked_sort3A_486 = tpu.sort %masked_sort3A_483, %get3A_480 masked %lt3A_418 : (vector<16xi32>, vector<16xi32>, vector<16xi1>) -> (vector<16xi1>, vector<16xi32>, vector<16xi32>)
            %masked_sort3A_487 = arith.xori %masked_sort3A_485, %masked_sort3A_482 : vector<16xi32>
            %get3A_488 = arith.index_cast %rem3A_361 : i32 to index
            %get3A_489 = arith.index_cast %mul3A_412 : i32 to index
            %get3A_490 = tpu.vector_load %arg11[%get3A_488, %get3A_489] {strides = array<i32>} : memref<2x1600xi32, #tpu.memory_space<vmem>>, vector<16xi32>,
            %masked_sort3A_491 = arith.constant -2147483648 : i32
            %masked_sort3A_492 = vector.broadcast %masked_sort3A_491 : i32 to vector<16xi32>
            %masked_sort3A_493 = arith.xori %iota3A, %masked_sort3A_492 : vector<16xi32>
            %masked_sort3A_494, %masked_sort3A_495, %masked_sort3A_496 = tpu.sort %masked_sort3A_493, %get3A_490 masked %lt3A_418 : (vector<16xi32>, vector<16xi32>, vector<16xi1>) -> (vector<16xi1>, vector<16xi32>, vector<16xi32>)
            %masked_sort3A_497 = arith.xori %masked_sort3A_495, %masked_sort3A_492 : vector<16xi32>
            %jit3A_498 = arith.constant 8000 : i32
            %broadcast_in_dim3A_499 = vector.broadcast %jit3A_498 : i32 to vector<16xi32>
            %select_n3A_500 = arith.select %masked_sort3A_474, %masked_sort3A_476, %broadcast_in_dim3A_499 : vector<16xi1>, vector<16xi32>
            %swap3A_501 = arith.index_cast %select_n3A : i32 to index
            %swap3A_502 = arith.index_cast %select_n3A_430 : i32 to index
            %swap3A_503 = tpu.vector_load %arg12[%swap3A_501, %swap3A_502] {strides = array<i32>} : memref<2x192xi32, #tpu.memory_space<vmem>>, vector<16xi32>,
            tpu.vector_store %arg12[%swap3A_501, %swap3A_502], %select_n3A_500 {strides = array<i32>} : memref<2x192xi32, #tpu.memory_space<vmem>>, vector<16xi32>,
            %jit3A_504 = arith.constant 0 : i32
            %broadcast_in_dim3A_505 = vector.broadcast %jit3A_504 : i32 to vector<16xi32>
            %select_n3A_506 = arith.select %masked_sort3A_474, %masked_sort3A_486, %broadcast_in_dim3A_505 : vector<16xi1>, vector<16xi32>
            %swap3A_507 = arith.index_cast %select_n3A : i32 to index
            %swap3A_508 = arith.index_cast %select_n3A_430 : i32 to index
            %swap3A_509 = tpu.vector_load %arg13[%swap3A_507, %swap3A_508] {strides = array<i32>} : memref<2x192xi32, #tpu.memory_space<vmem>>, vector<16xi32>,
            tpu.vector_store %arg13[%swap3A_507, %swap3A_508], %select_n3A_506 {strides = array<i32>} : memref<2x192xi32, #tpu.memory_space<vmem>>, vector<16xi32>,
            %jit3A_510 = arith.constant 0 : i32
            %broadcast_in_dim3A_511 = vector.broadcast %jit3A_510 : i32 to vector<16xi32>
            %select_n3A_512 = arith.select %masked_sort3A_474, %masked_sort3A_496, %broadcast_in_dim3A_511 : vector<16xi1>, vector<16xi32>
            %swap3A_513 = arith.index_cast %select_n3A : i32 to index
            %swap3A_514 = arith.index_cast %select_n3A_430 : i32 to index
            %swap3A_515 = tpu.vector_load %arg14[%swap3A_513, %swap3A_514] {strides = array<i32>} : memref<2x192xi32, #tpu.memory_space<vmem>>, vector<16xi32>,
            tpu.vector_store %arg14[%swap3A_513, %swap3A_514], %select_n3A_512 {strides = array<i32>} : memref<2x192xi32, #tpu.memory_space<vmem>>, vector<16xi32>,
          } else {
          }
          %add3A_434 = arith.addi %select_n3A_430, %squeeze3A : i32
          %mul3A_435 = arith.constant 2 : i32
          %mul3A_436 = arith.muli %scan3A_403, %mul3A_435 : i32
          %add3A_437 = arith.constant 1 : i32
          %add3A_438 = arith.addi %mul3A_436, %add3A_437 : i32
          %mul3A_439 = arith.constant 16 : i32
          %mul3A_440 = arith.muli %add3A_438, %mul3A_439 : i32
          %get3A_441 = arith.index_cast %rem3A_361 : i32 to index
          %get3A_442 = arith.index_cast %mul3A_440 : i32 to index
          %get3A_443 = tpu.vector_load %arg9[%get3A_441, %get3A_442] {strides = array<i32>} : memref<2x1600xi32, #tpu.memory_space<vmem>>, vector<16xi32>,
          %sub3A_444 = vector.broadcast %mul3A_302 : i32 to vector<16xi32>
          %sub3A_445 = arith.subi %get3A_443, %sub3A_444 : vector<16xi32>
          %bitcast3A_446 = vector.bitcast %sub3A_445 : vector<16xi32> to vector<16xi32>
          %lt3A_447 = arith.constant 8000 : i32
          %lt3A_448 = vector.broadcast %lt3A_447 : i32 to vector<16xi32>
          %lt3A_449 = arith.cmpi ult, %bitcast3A_446, %lt3A_448 : vector<16xi32>
          %all_reduce_population_count3A_450 = tpu.all_reduce %lt3A_449 {dim = 0 : i64, kind = #tpu.reduction_kind<sum>} : vector<16xi1> -> vector<16xi32>
          %slice3A_451 = vector.extract_strided_slice %all_reduce_population_count3A_450 {offsets = [0], sizes = [1], strides = [1]} : vector<16xi32> to vector<1xi32>
          %squeeze3A_452 = vector.extract %slice3A_451[0] : i32 from vector<1xi32>
          %gt3A_453 = arith.constant 0 : i32
          %gt3A_454 = arith.cmpi sgt, %squeeze3A_452, %gt3A_453 : i32
          %gt3A_455 = arith.constant 176 : i32
          %gt3A_456 = arith.cmpi sgt, %add3A_434, %gt3A_455 : i32
          %and3A_457 = arith.andi %gt3A_454, %gt3A_456 : i1
          %convert_element_type3A_458 = arith.extui %and3A_457 : i1 to i32
          %cond3A_459 = arith.constant 0 : i32
          %cond3A_460 = arith.cmpi ne, %convert_element_type3A_458, %cond3A_459 : i32
          scf.if %cond3A_460 {
            %eq3A_472 = arith.constant 1 : i32
            %eq3A_473 = arith.cmpi eq, %select_n3A_428, %eq3A_472 : i32
            %convert_element_type3A_474 = arith.extui %eq3A_473 : i1 to i32
            %cond3A_475 = arith.constant 0 : i32
            %cond3A_476 = arith.cmpi ne, %convert_element_type3A_474, %cond3A_475 : i32
            scf.if %cond3A_476 {
              %sub3A_489 = arith.constant 1 : i32
              %sub3A_490 = arith.subi %sub3A_489, %select_n3A : i32
              %dma_wait3A_491 = arith.constant 0 : i32
              %dma_wait3A_492 = tpu.memref_slice %arg13[%sub3A_490, %dma_wait3A_491] : memref<2x192xi32, #tpu.memory_space<vmem>> -> memref<1x192xi32, #tpu.memory_space<vmem>>
              %dma_wait3A_493 = tpu.memref_squeeze %dma_wait3A_492 : memref<1x192xi32, #tpu.memory_space<vmem>> -> memref<192xi32, #tpu.memory_space<vmem>>
              %dma_wait3A_494 = arith.constant 0 : i32
              %dma_wait3A_495 = arith.constant 0 : i32
              %dma_wait3A_496 = tpu.memref_slice %arg2[%dma_wait3A_494, %dma_wait3A_495] : memref<320000x128xf32, #tpu.memory_space<hbm>> -> memref<320000x128xf32, #tpu.memory_space<hbm>>
              tpu.wait_indirect_dma semaphore(%arg21 : memref<!tpu.dma_semaphore, #tpu.memory_space<semaphore_mem>>) src(%dma_wait3A_496 : memref<320000x128xf32, #tpu.memory_space<hbm>>) dst(%arg15 : memref<192x128xf32, #tpu.memory_space<vmem>>)
              %dma_wait3A_497 = arith.constant 0 : i32
              %dma_wait3A_498 = tpu.memref_slice %arg14[%sub3A_490, %dma_wait3A_497] : memref<2x192xi32, #tpu.memory_space<vmem>> -> memref<1x192xi32, #tpu.memory_space<vmem>>
              %dma_wait3A_499 = tpu.memref_squeeze %dma_wait3A_498 : memref<1x192xi32, #tpu.memory_space<vmem>> -> memref<192xi32, #tpu.memory_space<vmem>>
              %dma_wait3A_500 = arith.constant 0 : i32
              %dma_wait3A_501 = arith.constant 0 : i32
              %dma_wait3A_502 = tpu.memref_slice %arg3[%dma_wait3A_500, %dma_wait3A_501] : memref<320000x128xf32, #tpu.memory_space<hbm>> -> memref<320000x128xf32, #tpu.memory_space<hbm>>
              tpu.wait_indirect_dma semaphore(%arg22 : memref<!tpu.dma_semaphore, #tpu.memory_space<semaphore_mem>>) src(%dma_wait3A_502 : memref<320000x128xf32, #tpu.memory_space<hbm>>) dst(%arg16 : memref<192x128xf32, #tpu.memory_space<vmem>>)
              %parallel_loop3A = arith.constant 0 : i32
              %parallel_loop3A_503 = arith.constant 192 : i32
              %parallel_loop3A_504 = arith.constant 1 : i32
              scf.for %parallel_loop3A_613 = %parallel_loop3A to %parallel_loop3A_503 step %parallel_loop3A_504  : i32 {
                %parallel_loop3A_614 = arith.index_cast %parallel_loop3A_613 : i32 to index
                %parallel_loop3A_615 = arith.constant 0 : index
                %parallel_loop3A_616 = tpu.vector_load %arg15[%parallel_loop3A_614, %parallel_loop3A_615] {strides = array<i32>} : memref<192x128xf32, #tpu.memory_space<vmem>>, vector<16xf32>,
                %parallel_loop3A_617 = arith.index_cast %parallel_loop3A_613 : i32 to index
                %parallel_loop3A_618 = arith.constant 0 : index
                %parallel_loop3A_619 = tpu.vector_load %arg16[%parallel_loop3A_617, %parallel_loop3A_618] {strides = array<i32>} : memref<192x128xf32, #tpu.memory_space<vmem>>, vector<16xf32>,
                %parallel_loop3A_620 = arith.mulf %parallel_loop3A_616, %parallel_loop3A_619 : vector<16xf32>
                %parallel_loop3A_621 = arith.index_cast %parallel_loop3A_613 : i32 to index
                %parallel_loop3A_622 = arith.constant 0 : index
                %parallel_loop3A_623 = tpu.vector_load %arg15[%parallel_loop3A_621, %parallel_loop3A_622] {strides = array<i32>} : memref<192x128xf32, #tpu.memory_space<vmem>>, vector<16xf32>,
                tpu.vector_store %arg15[%parallel_loop3A_621, %parallel_loop3A_622], %parallel_loop3A_620 {strides = array<i32>} : memref<192x128xf32, #tpu.memory_space<vmem>>, vector<16xf32>,
                %parallel_loop3A_624 = arith.index_cast %parallel_loop3A_613 : i32 to index
                %parallel_loop3A_625 = arith.constant 16 : index
                %parallel_loop3A_626 = tpu.vector_load %arg15[%parallel_loop3A_624, %parallel_loop3A_625] {strides = array<i32>} : memref<192x128xf32, #tpu.memory_space<vmem>>, vector<16xf32>,
                %parallel_loop3A_627 = arith.index_cast %parallel_loop3A_613 : i32 to index
                %parallel_loop3A_628 = arith.constant 16 : index
                %parallel_loop3A_629 = tpu.vector_load %arg16[%parallel_loop3A_627, %parallel_loop3A_628] {strides = array<i32>} : memref<192x128xf32, #tpu.memory_space<vmem>>, vector<16xf32>,
                %parallel_loop3A_630 = arith.mulf %parallel_loop3A_626, %parallel_loop3A_629 : vector<16xf32>
                %parallel_loop3A_631 = arith.index_cast %parallel_loop3A_613 : i32 to index
                %parallel_loop3A_632 = arith.constant 16 : index
                %parallel_loop3A_633 = tpu.vector_load %arg15[%parallel_loop3A_631, %parallel_loop3A_632] {strides = array<i32>} : memref<192x128xf32, #tpu.memory_space<vmem>>, vector<16xf32>,
                tpu.vector_store %arg15[%parallel_loop3A_631, %parallel_loop3A_632], %parallel_loop3A_630 {strides = array<i32>} : memref<192x128xf32, #tpu.memory_space<vmem>>, vector<16xf32>,
                %parallel_loop3A_634 = arith.index_cast %parallel_loop3A_613 : i32 to index
                %parallel_loop3A_635 = arith.constant 32 : index
                %parallel_loop3A_636 = tpu.vector_load %arg15[%parallel_loop3A_634, %parallel_loop3A_635] {strides = array<i32>} : memref<192x128xf32, #tpu.memory_space<vmem>>, vector<16xf32>,
                %parallel_loop3A_637 = arith.index_cast %parallel_loop3A_613 : i32 to index
                %parallel_loop3A_638 = arith.constant 32 : index
                %parallel_loop3A_639 = tpu.vector_load %arg16[%parallel_loop3A_637, %parallel_loop3A_638] {strides = array<i32>} : memref<192x128xf32, #tpu.memory_space<vmem>>, vector<16xf32>,
                %parallel_loop3A_640 = arith.mulf %parallel_loop3A_636, %parallel_loop3A_639 : vector<16xf32>
                %parallel_loop3A_641 = arith.index_cast %parallel_loop3A_613 : i32 to index
                %parallel_loop3A_642 = arith.constant 32 : index
                %parallel_loop3A_643 = tpu.vector_load %arg15[%parallel_loop3A_641, %parallel_loop3A_642] {strides = array<i32>} : memref<192x128xf32, #tpu.memory_space<vmem>>, vector<16xf32>,
                tpu.vector_store %arg15[%parallel_loop3A_641, %parallel_loop3A_642], %parallel_loop3A_640 {strides = array<i32>} : memref<192x128xf32, #tpu.memory_space<vmem>>, vector<16xf32>,
                %parallel_loop3A_644 = arith.index_cast %parallel_loop3A_613 : i32 to index
                %parallel_loop3A_645 = arith.constant 48 : index
                %parallel_loop3A_646 = tpu.vector_load %arg15[%parallel_loop3A_644, %parallel_loop3A_645] {strides = array<i32>} : memref<192x128xf32, #tpu.memory_space<vmem>>, vector<16xf32>,
                %parallel_loop3A_647 = arith.index_cast %parallel_loop3A_613 : i32 to index
                %parallel_loop3A_648 = arith.constant 48 : index
                %parallel_loop3A_649 = tpu.vector_load %arg16[%parallel_loop3A_647, %parallel_loop3A_648] {strides = array<i32>} : memref<192x128xf32, #tpu.memory_space<vmem>>, vector<16xf32>,
                %parallel_loop3A_650 = arith.mulf %parallel_loop3A_646, %parallel_loop3A_649 : vector<16xf32>
                %parallel_loop3A_651 = arith.index_cast %parallel_loop3A_613 : i32 to index
                %parallel_loop3A_652 = arith.constant 48 : index
                %parallel_loop3A_653 = tpu.vector_load %arg15[%parallel_loop3A_651, %parallel_loop3A_652] {strides = array<i32>} : memref<192x128xf32, #tpu.memory_space<vmem>>, vector<16xf32>,
                tpu.vector_store %arg15[%parallel_loop3A_651, %parallel_loop3A_652], %parallel_loop3A_650 {strides = array<i32>} : memref<192x128xf32, #tpu.memory_space<vmem>>, vector<16xf32>,
                %parallel_loop3A_654 = arith.index_cast %parallel_loop3A_613 : i32 to index
                %parallel_loop3A_655 = arith.constant 64 : index
                %parallel_loop3A_656 = tpu.vector_load %arg15[%parallel_loop3A_654, %parallel_loop3A_655] {strides = array<i32>} : memref<192x128xf32, #tpu.memory_space<vmem>>, vector<16xf32>,
                %parallel_loop3A_657 = arith.index_cast %parallel_loop3A_613 : i32 to index
                %parallel_loop3A_658 = arith.constant 64 : index
                %parallel_loop3A_659 = tpu.vector_load %arg16[%parallel_loop3A_657, %parallel_loop3A_658] {strides = array<i32>} : memref<192x128xf32, #tpu.memory_space<vmem>>, vector<16xf32>,
                %parallel_loop3A_660 = arith.mulf %parallel_loop3A_656, %parallel_loop3A_659 : vector<16xf32>
                %parallel_loop3A_661 = arith.index_cast %parallel_loop3A_613 : i32 to index
                %parallel_loop3A_662 = arith.constant 64 : index
                %parallel_loop3A_663 = tpu.vector_load %arg15[%parallel_loop3A_661, %parallel_loop3A_662] {strides = array<i32>} : memref<192x128xf32, #tpu.memory_space<vmem>>, vector<16xf32>,
                tpu.vector_store %arg15[%parallel_loop3A_661, %parallel_loop3A_662], %parallel_loop3A_660 {strides = array<i32>} : memref<192x128xf32, #tpu.memory_space<vmem>>, vector<16xf32>,
                %parallel_loop3A_664 = arith.index_cast %parallel_loop3A_613 : i32 to index
                %parallel_loop3A_665 = arith.constant 80 : index
                %parallel_loop3A_666 = tpu.vector_load %arg15[%parallel_loop3A_664, %parallel_loop3A_665] {strides = array<i32>} : memref<192x128xf32, #tpu.memory_space<vmem>>, vector<16xf32>,
                %parallel_loop3A_667 = arith.index_cast %parallel_loop3A_613 : i32 to index
                %parallel_loop3A_668 = arith.constant 80 : index
                %parallel_loop3A_669 = tpu.vector_load %arg16[%parallel_loop3A_667, %parallel_loop3A_668] {strides = array<i32>} : memref<192x128xf32, #tpu.memory_space<vmem>>, vector<16xf32>,
                %parallel_loop3A_670 = arith.mulf %parallel_loop3A_666, %parallel_loop3A_669 : vector<16xf32>
                %parallel_loop3A_671 = arith.index_cast %parallel_loop3A_613 : i32 to index
                %parallel_loop3A_672 = arith.constant 80 : index
                %parallel_loop3A_673 = tpu.vector_load %arg15[%parallel_loop3A_671, %parallel_loop3A_672] {strides = array<i32>} : memref<192x128xf32, #tpu.memory_space<vmem>>, vector<16xf32>,
                tpu.vector_store %arg15[%parallel_loop3A_671, %parallel_loop3A_672], %parallel_loop3A_670 {strides = array<i32>} : memref<192x128xf32, #tpu.memory_space<vmem>>, vector<16xf32>,
                %parallel_loop3A_674 = arith.index_cast %parallel_loop3A_613 : i32 to index
                %parallel_loop3A_675 = arith.constant 96 : index
                %parallel_loop3A_676 = tpu.vector_load %arg15[%parallel_loop3A_674, %parallel_loop3A_675] {strides = array<i32>} : memref<192x128xf32, #tpu.memory_space<vmem>>, vector<16xf32>,
                %parallel_loop3A_677 = arith.index_cast %parallel_loop3A_613 : i32 to index
                %parallel_loop3A_678 = arith.constant 96 : index
                %parallel_loop3A_679 = tpu.vector_load %arg16[%parallel_loop3A_677, %parallel_loop3A_678] {strides = array<i32>} : memref<192x128xf32, #tpu.memory_space<vmem>>, vector<16xf32>,
                %parallel_loop3A_680 = arith.mulf %parallel_loop3A_676, %parallel_loop3A_679 : vector<16xf32>
                %parallel_loop3A_681 = arith.index_cast %parallel_loop3A_613 : i32 to index
                %parallel_loop3A_682 = arith.constant 96 : index
                %parallel_loop3A_683 = tpu.vector_load %arg15[%parallel_loop3A_681, %parallel_loop3A_682] {strides = array<i32>} : memref<192x128xf32, #tpu.memory_space<vmem>>, vector<16xf32>,
                tpu.vector_store %arg15[%parallel_loop3A_681, %parallel_loop3A_682], %parallel_loop3A_680 {strides = array<i32>} : memref<192x128xf32, #tpu.memory_space<vmem>>, vector<16xf32>,
                %parallel_loop3A_684 = arith.index_cast %parallel_loop3A_613 : i32 to index
                %parallel_loop3A_685 = arith.constant 112 : index
                %parallel_loop3A_686 = tpu.vector_load %arg15[%parallel_loop3A_684, %parallel_loop3A_685] {strides = array<i32>} : memref<192x128xf32, #tpu.memory_space<vmem>>, vector<16xf32>,
                %parallel_loop3A_687 = arith.index_cast %parallel_loop3A_613 : i32 to index
                %parallel_loop3A_688 = arith.constant 112 : index
                %parallel_loop3A_689 = tpu.vector_load %arg16[%parallel_loop3A_687, %parallel_loop3A_688] {strides = array<i32>} : memref<192x128xf32, #tpu.memory_space<vmem>>, vector<16xf32>,
                %parallel_loop3A_690 = arith.mulf %parallel_loop3A_686, %parallel_loop3A_689 : vector<16xf32>
                %parallel_loop3A_691 = arith.index_cast %parallel_loop3A_613 : i32 to index
                %parallel_loop3A_692 = arith.constant 112 : index
                %parallel_loop3A_693 = tpu.vector_load %arg15[%parallel_loop3A_691, %parallel_loop3A_692] {strides = array<i32>} : memref<192x128xf32, #tpu.memory_space<vmem>>, vector<16xf32>,
                tpu.vector_store %arg15[%parallel_loop3A_691, %parallel_loop3A_692], %parallel_loop3A_690 {strides = array<i32>} : memref<192x128xf32, #tpu.memory_space<vmem>>, vector<16xf32>,
              } {sc.loop_unroll_factor = 8 : i64, sc.parallel_access}
              "tpu.region"() ({
                %run_scoped3A = tpu.sem_alloc : memref<!tpu.dma_semaphore, #tpu.memory_space<semaphore_mem>>
                %dma_start3A_613 = arith.constant 0 : i32
                %dma_start3A_614 = tpu.memref_slice %arg12[%sub3A_490, %dma_start3A_613] : memref<2x192xi32, #tpu.memory_space<vmem>> -> memref<1x192xi32, #tpu.memory_space<vmem>>
                %dma_start3A_615 = tpu.memref_squeeze %dma_start3A_614 : memref<1x192xi32, #tpu.memory_space<vmem>> -> memref<192xi32, #tpu.memory_space<vmem>>
                %dma_start3A_616 = arith.constant 0 : i32
                %dma_start3A_617 = arith.constant 0 : i32
                %dma_start3A_618 = tpu.memref_slice %arg17[%dma_start3A_616, %dma_start3A_617] : memref<8192x128xf32, #tpu.memory_space<vmem_shared>> -> memref<8192x128xf32, #tpu.memory_space<vmem_shared>>
                tpu.enqueue_indirect_dma source(%arg15 : memref<192x128xf32, #tpu.memory_space<vmem>>) target(%dma_start3A_618 : memref<8192x128xf32, #tpu.memory_space<vmem_shared>>) offsets(%dma_start3A_615 : memref<192xi32, #tpu.memory_space<vmem>>) semaphore(%run_scoped3A : memref<!tpu.dma_semaphore, #tpu.memory_space<semaphore_mem>>) {add = true}
                %dma_wait3A_619 = arith.constant 0 : i32
                %dma_wait3A_620 = tpu.memref_slice %arg12[%sub3A_490, %dma_wait3A_619] : memref<2x192xi32, #tpu.memory_space<vmem>> -> memref<1x192xi32, #tpu.memory_space<vmem>>
                %dma_wait3A_621 = tpu.memref_squeeze %dma_wait3A_620 : memref<1x192xi32, #tpu.memory_space<vmem>> -> memref<192xi32, #tpu.memory_space<vmem>>
                %dma_wait3A_622 = arith.constant 0 : i32
                %dma_wait3A_623 = arith.constant 0 : i32
                %dma_wait3A_624 = tpu.memref_slice %arg17[%dma_wait3A_622, %dma_wait3A_623] : memref<8192x128xf32, #tpu.memory_space<vmem_shared>> -> memref<8192x128xf32, #tpu.memory_space<vmem_shared>>
                tpu.wait_indirect_dma semaphore(%run_scoped3A : memref<!tpu.dma_semaphore, #tpu.memory_space<semaphore_mem>>) src(%arg15 : memref<192x128xf32, #tpu.memory_space<vmem>>) dst(%dma_wait3A_624 : memref<8192x128xf32, #tpu.memory_space<vmem_shared>>)
                tpu.yield
              }) : () -> ()
              %swap3A_505 = arith.index_cast %sub3A_490 : i32 to index
              %swap3A_506 = arith.constant 0 : index
              %swap3A_507 = tpu.vector_load %arg12[%swap3A_505, %swap3A_506] {strides = array<i32>} : memref<2x192xi32, #tpu.memory_space<vmem>>, vector<16xi32>,
              tpu.vector_store %arg12[%swap3A_505, %swap3A_506], %broadcast_in_dim3A_2 {strides = array<i32>} : memref<2x192xi32, #tpu.memory_space<vmem>>, vector<16xi32>,
              %swap3A_508 = arith.index_cast %sub3A_490 : i32 to index
              %swap3A_509 = arith.constant 0 : index
              %swap3A_510 = tpu.vector_load %arg13[%swap3A_508, %swap3A_509] {strides = array<i32>} : memref<2x192xi32, #tpu.memory_space<vmem>>, vector<16xi32>,
              tpu.vector_store %arg13[%swap3A_508, %swap3A_509], %broadcast_in_dim3A_0 {strides = array<i32>} : memref<2x192xi32, #tpu.memory_space<vmem>>, vector<16xi32>,
              %swap3A_511 = arith.index_cast %sub3A_490 : i32 to index
              %swap3A_512 = arith.constant 0 : index
              %swap3A_513 = tpu.vector_load %arg14[%swap3A_511, %swap3A_512] {strides = array<i32>} : memref<2x192xi32, #tpu.memory_space<vmem>>, vector<16xi32>,
              tpu.vector_store %arg14[%swap3A_511, %swap3A_512], %broadcast_in_dim3A_0 {strides = array<i32>} : memref<2x192xi32, #tpu.memory_space<vmem>>, vector<16xi32>,
              %swap3A_514 = arith.index_cast %sub3A_490 : i32 to index
              %swap3A_515 = arith.constant 16 : index
              %swap3A_516 = tpu.vector_load %arg12[%swap3A_514, %swap3A_515] {strides = array<i32>} : memref<2x192xi32, #tpu.memory_space<vmem>>, vector<16xi32>,
              tpu.vector_store %arg12[%swap3A_514, %swap3A_515], %broadcast_in_dim3A_2 {strides = array<i32>} : memref<2x192xi32, #tpu.memory_space<vmem>>, vector<16xi32>,
              %swap3A_517 = arith.index_cast %sub3A_490 : i32 to index
              %swap3A_518 = arith.constant 16 : index
              %swap3A_519 = tpu.vector_load %arg13[%swap3A_517, %swap3A_518] {strides = array<i32>} : memref<2x192xi32, #tpu.memory_space<vmem>>, vector<16xi32>,
              tpu.vector_store %arg13[%swap3A_517, %swap3A_518], %broadcast_in_dim3A_0 {strides = array<i32>} : memref<2x192xi32, #tpu.memory_space<vmem>>, vector<16xi32>,
              %swap3A_520 = arith.index_cast %sub3A_490 : i32 to index
              %swap3A_521 = arith.constant 16 : index
              %swap3A_522 = tpu.vector_load %arg14[%swap3A_520, %swap3A_521] {strides = array<i32>} : memref<2x192xi32, #tpu.memory_space<vmem>>, vector<16xi32>,
              tpu.vector_store %arg14[%swap3A_520, %swap3A_521], %broadcast_in_dim3A_0 {strides = array<i32>} : memref<2x192xi32, #tpu.memory_space<vmem>>, vector<16xi32>,
              %swap3A_523 = arith.index_cast %sub3A_490 : i32 to index
              %swap3A_524 = arith.constant 32 : index
              %swap3A_525 = tpu.vector_load %arg12[%swap3A_523, %swap3A_524] {strides = array<i32>} : memref<2x192xi32, #tpu.memory_space<vmem>>, vector<16xi32>,
              tpu.vector_store %arg12[%swap3A_523, %swap3A_524], %broadcast_in_dim3A_2 {strides = array<i32>} : memref<2x192xi32, #tpu.memory_space<vmem>>, vector<16xi32>,
              %swap3A_526 = arith.index_cast %sub3A_490 : i32 to index
              %swap3A_527 = arith.constant 32 : index
              %swap3A_528 = tpu.vector_load %arg13[%swap3A_526, %swap3A_527] {strides = array<i32>} : memref<2x192xi32, #tpu.memory_space<vmem>>, vector<16xi32>,
              tpu.vector_store %arg13[%swap3A_526, %swap3A_527], %broadcast_in_dim3A_0 {strides = array<i32>} : memref<2x192xi32, #tpu.memory_space<vmem>>, vector<16xi32>,
              %swap3A_529 = arith.index_cast %sub3A_490 : i32 to index
              %swap3A_530 = arith.constant 32 : index
              %swap3A_531 = tpu.vector_load %arg14[%swap3A_529, %swap3A_530] {strides = array<i32>} : memref<2x192xi32, #tpu.memory_space<vmem>>, vector<16xi32>,
              tpu.vector_store %arg14[%swap3A_529, %swap3A_530], %broadcast_in_dim3A_0 {strides = array<i32>} : memref<2x192xi32, #tpu.memory_space<vmem>>, vector<16xi32>,
              %swap3A_532 = arith.index_cast %sub3A_490 : i32 to index
              %swap3A_533 = arith.constant 48 : index
              %swap3A_534 = tpu.vector_load %arg12[%swap3A_532, %swap3A_533] {strides = array<i32>} : memref<2x192xi32, #tpu.memory_space<vmem>>, vector<16xi32>,
              tpu.vector_store %arg12[%swap3A_532, %swap3A_533], %broadcast_in_dim3A_2 {strides = array<i32>} : memref<2x192xi32, #tpu.memory_space<vmem>>, vector<16xi32>,
              %swap3A_535 = arith.index_cast %sub3A_490 : i32 to index
              %swap3A_536 = arith.constant 48 : index
              %swap3A_537 = tpu.vector_load %arg13[%swap3A_535, %swap3A_536] {strides = array<i32>} : memref<2x192xi32, #tpu.memory_space<vmem>>, vector<16xi32>,
              tpu.vector_store %arg13[%swap3A_535, %swap3A_536], %broadcast_in_dim3A_0 {strides = array<i32>} : memref<2x192xi32, #tpu.memory_space<vmem>>, vector<16xi32>,
              %swap3A_538 = arith.index_cast %sub3A_490 : i32 to index
              %swap3A_539 = arith.constant 48 : index
              %swap3A_540 = tpu.vector_load %arg14[%swap3A_538, %swap3A_539] {strides = array<i32>} : memref<2x192xi32, #tpu.memory_space<vmem>>, vector<16xi32>,
              tpu.vector_store %arg14[%swap3A_538, %swap3A_539], %broadcast_in_dim3A_0 {strides = array<i32>} : memref<2x192xi32, #tpu.memory_space<vmem>>, vector<16xi32>,
              %swap3A_541 = arith.index_cast %sub3A_490 : i32 to index
              %swap3A_542 = arith.constant 64 : index
              %swap3A_543 = tpu.vector_load %arg12[%swap3A_541, %swap3A_542] {strides = array<i32>} : memref<2x192xi32, #tpu.memory_space<vmem>>, vector<16xi32>,
              tpu.vector_store %arg12[%swap3A_541, %swap3A_542], %broadcast_in_dim3A_2 {strides = array<i32>} : memref<2x192xi32, #tpu.memory_space<vmem>>, vector<16xi32>,
              %swap3A_544 = arith.index_cast %sub3A_490 : i32 to index
              %swap3A_545 = arith.constant 64 : index
              %swap3A_546 = tpu.vector_load %arg13[%swap3A_544, %swap3A_545] {strides = array<i32>} : memref<2x192xi32, #tpu.memory_space<vmem>>, vector<16xi32>,
              tpu.vector_store %arg13[%swap3A_544, %swap3A_545], %broadcast_in_dim3A_0 {strides = array<i32>} : memref<2x192xi32, #tpu.memory_space<vmem>>, vector<16xi32>,
              %swap3A_547 = arith.index_cast %sub3A_490 : i32 to index
              %swap3A_548 = arith.constant 64 : index
              %swap3A_549 = tpu.vector_load %arg14[%swap3A_547, %swap3A_548] {strides = array<i32>} : memref<2x192xi32, #tpu.memory_space<vmem>>, vector<16xi32>,
              tpu.vector_store %arg14[%swap3A_547, %swap3A_548], %broadcast_in_dim3A_0 {strides = array<i32>} : memref<2x192xi32, #tpu.memory_space<vmem>>, vector<16xi32>,
              %swap3A_550 = arith.index_cast %sub3A_490 : i32 to index
              %swap3A_551 = arith.constant 80 : index
              %swap3A_552 = tpu.vector_load %arg12[%swap3A_550, %swap3A_551] {strides = array<i32>} : memref<2x192xi32, #tpu.memory_space<vmem>>, vector<16xi32>,
              tpu.vector_store %arg12[%swap3A_550, %swap3A_551], %broadcast_in_dim3A_2 {strides = array<i32>} : memref<2x192xi32, #tpu.memory_space<vmem>>, vector<16xi32>,
              %swap3A_553 = arith.index_cast %sub3A_490 : i32 to index
              %swap3A_554 = arith.constant 80 : index
              %swap3A_555 = tpu.vector_load %arg13[%swap3A_553, %swap3A_554] {strides = array<i32>} : memref<2x192xi32, #tpu.memory_space<vmem>>, vector<16xi32>,
              tpu.vector_store %arg13[%swap3A_553, %swap3A_554], %broadcast_in_dim3A_0 {strides = array<i32>} : memref<2x192xi32, #tpu.memory_space<vmem>>, vector<16xi32>,
              %swap3A_556 = arith.index_cast %sub3A_490 : i32 to index
              %swap3A_557 = arith.constant 80 : index
              %swap3A_558 = tpu.vector_load %arg14[%swap3A_556, %swap3A_557] {strides = array<i32>} : memref<2x192xi32, #tpu.memory_space<vmem>>, vector<16xi32>,
              tpu.vector_store %arg14[%swap3A_556, %swap3A_557], %broadcast_in_dim3A_0 {strides = array<i32>} : memref<2x192xi32, #tpu.memory_space<vmem>>, vector<16xi32>,
              %swap3A_559 = arith.index_cast %sub3A_490 : i32 to index
              %swap3A_560 = arith.constant 96 : index
              %swap3A_561 = tpu.vector_load %arg12[%swap3A_559, %swap3A_560] {strides = array<i32>} : memref<2x192xi32, #tpu.memory_space<vmem>>, vector<16xi32>,
              tpu.vector_store %arg12[%swap3A_559, %swap3A_560], %broadcast_in_dim3A_2 {strides = array<i32>} : memref<2x192xi32, #tpu.memory_space<vmem>>, vector<16xi32>,
              %swap3A_562 = arith.index_cast %sub3A_490 : i32 to index
              %swap3A_563 = arith.constant 96 : index
              %swap3A_564 = tpu.vector_load %arg13[%swap3A_562, %swap3A_563] {strides = array<i32>} : memref<2x192xi32, #tpu.memory_space<vmem>>, vector<16xi32>,
              tpu.vector_store %arg13[%swap3A_562, %swap3A_563], %broadcast_in_dim3A_0 {strides = array<i32>} : memref<2x192xi32, #tpu.memory_space<vmem>>, vector<16xi32>,
              %swap3A_565 = arith.index_cast %sub3A_490 : i32 to index
              %swap3A_566 = arith.constant 96 : index
              %swap3A_567 = tpu.vector_load %arg14[%swap3A_565, %swap3A_566] {strides = array<i32>} : memref<2x192xi32, #tpu.memory_space<vmem>>, vector<16xi32>,
              tpu.vector_store %arg14[%swap3A_565, %swap3A_566], %broadcast_in_dim3A_0 {strides = array<i32>} : memref<2x192xi32, #tpu.memory_space<vmem>>, vector<16xi32>,
              %swap3A_568 = arith.index_cast %sub3A_490 : i32 to index
              %swap3A_569 = arith.constant 112 : index
              %swap3A_570 = tpu.vector_load %arg12[%swap3A_568, %swap3A_569] {strides = array<i32>} : memref<2x192xi32, #tpu.memory_space<vmem>>, vector<16xi32>,
              tpu.vector_store %arg12[%swap3A_568, %swap3A_569], %broadcast_in_dim3A_2 {strides = array<i32>} : memref<2x192xi32, #tpu.memory_space<vmem>>, vector<16xi32>,
              %swap3A_571 = arith.index_cast %sub3A_490 : i32 to index
              %swap3A_572 = arith.constant 112 : index
              %swap3A_573 = tpu.vector_load %arg13[%swap3A_571, %swap3A_572] {strides = array<i32>} : memref<2x192xi32, #tpu.memory_space<vmem>>, vector<16xi32>,
              tpu.vector_store %arg13[%swap3A_571, %swap3A_572], %broadcast_in_dim3A_0 {strides = array<i32>} : memref<2x192xi32, #tpu.memory_space<vmem>>, vector<16xi32>,
              %swap3A_574 = arith.index_cast %sub3A_490 : i32 to index
              %swap3A_575 = arith.constant 112 : index
              %swap3A_576 = tpu.vector_load %arg14[%swap3A_574, %swap3A_575] {strides = array<i32>} : memref<2x192xi32, #tpu.memory_space<vmem>>, vector<16xi32>,
              tpu.vector_store %arg14[%swap3A_574, %swap3A_575], %broadcast_in_dim3A_0 {strides = array<i32>} : memref<2x192xi32, #tpu.memory_space<vmem>>, vector<16xi32>,
              %swap3A_577 = arith.index_cast %sub3A_490 : i32 to index
              %swap3A_578 = arith.constant 128 : index
              %swap3A_579 = tpu.vector_load %arg12[%swap3A_577, %swap3A_578] {strides = array<i32>} : memref<2x192xi32, #tpu.memory_space<vmem>>, vector<16xi32>,
              tpu.vector_store %arg12[%swap3A_577, %swap3A_578], %broadcast_in_dim3A_2 {strides = array<i32>} : memref<2x192xi32, #tpu.memory_space<vmem>>, vector<16xi32>,
              %swap3A_580 = arith.index_cast %sub3A_490 : i32 to index
              %swap3A_581 = arith.constant 128 : index
              %swap3A_582 = tpu.vector_load %arg13[%swap3A_580, %swap3A_581] {strides = array<i32>} : memref<2x192xi32, #tpu.memory_space<vmem>>, vector<16xi32>,
              tpu.vector_store %arg13[%swap3A_580, %swap3A_581], %broadcast_in_dim3A_0 {strides = array<i32>} : memref<2x192xi32, #tpu.memory_space<vmem>>, vector<16xi32>,
              %swap3A_583 = arith.index_cast %sub3A_490 : i32 to index
              %swap3A_584 = arith.constant 128 : index
              %swap3A_585 = tpu.vector_load %arg14[%swap3A_583, %swap3A_584] {strides = array<i32>} : memref<2x192xi32, #tpu.memory_space<vmem>>, vector<16xi32>,
              tpu.vector_store %arg14[%swap3A_583, %swap3A_584], %broadcast_in_dim3A_0 {strides = array<i32>} : memref<2x192xi32, #tpu.memory_space<vmem>>, vector<16xi32>,
              %swap3A_586 = arith.index_cast %sub3A_490 : i32 to index
              %swap3A_587 = arith.constant 144 : index
              %swap3A_588 = tpu.vector_load %arg12[%swap3A_586, %swap3A_587] {strides = array<i32>} : memref<2x192xi32, #tpu.memory_space<vmem>>, vector<16xi32>,
              tpu.vector_store %arg12[%swap3A_586, %swap3A_587], %broadcast_in_dim3A_2 {strides = array<i32>} : memref<2x192xi32, #tpu.memory_space<vmem>>, vector<16xi32>,
              %swap3A_589 = arith.index_cast %sub3A_490 : i32 to index
              %swap3A_590 = arith.constant 144 : index
              %swap3A_591 = tpu.vector_load %arg13[%swap3A_589, %swap3A_590] {strides = array<i32>} : memref<2x192xi32, #tpu.memory_space<vmem>>, vector<16xi32>,
              tpu.vector_store %arg13[%swap3A_589, %swap3A_590], %broadcast_in_dim3A_0 {strides = array<i32>} : memref<2x192xi32, #tpu.memory_space<vmem>>, vector<16xi32>,
              %swap3A_592 = arith.index_cast %sub3A_490 : i32 to index
              %swap3A_593 = arith.constant 144 : index
              %swap3A_594 = tpu.vector_load %arg14[%swap3A_592, %swap3A_593] {strides = array<i32>} : memref<2x192xi32, #tpu.memory_space<vmem>>, vector<16xi32>,
              tpu.vector_store %arg14[%swap3A_592, %swap3A_593], %broadcast_in_dim3A_0 {strides = array<i32>} : memref<2x192xi32, #tpu.memory_space<vmem>>, vector<16xi32>,
              %swap3A_595 = arith.index_cast %sub3A_490 : i32 to index
              %swap3A_596 = arith.constant 160 : index
              %swap3A_597 = tpu.vector_load %arg12[%swap3A_595, %swap3A_596] {strides = array<i32>} : memref<2x192xi32, #tpu.memory_space<vmem>>, vector<16xi32>,
              tpu.vector_store %arg12[%swap3A_595, %swap3A_596], %broadcast_in_dim3A_2 {strides = array<i32>} : memref<2x192xi32, #tpu.memory_space<vmem>>, vector<16xi32>,
              %swap3A_598 = arith.index_cast %sub3A_490 : i32 to index
              %swap3A_599 = arith.constant 160 : index
              %swap3A_600 = tpu.vector_load %arg13[%swap3A_598, %swap3A_599] {strides = array<i32>} : memref<2x192xi32, #tpu.memory_space<vmem>>, vector<16xi32>,
              tpu.vector_store %arg13[%swap3A_598, %swap3A_599], %broadcast_in_dim3A_0 {strides = array<i32>} : memref<2x192xi32, #tpu.memory_space<vmem>>, vector<16xi32>,
              %swap3A_601 = arith.index_cast %sub3A_490 : i32 to index
              %swap3A_602 = arith.constant 160 : index
              %swap3A_603 = tpu.vector_load %arg14[%swap3A_601, %swap3A_602] {strides = array<i32>} : memref<2x192xi32, #tpu.memory_space<vmem>>, vector<16xi32>,
              tpu.vector_store %arg14[%swap3A_601, %swap3A_602], %broadcast_in_dim3A_0 {strides = array<i32>} : memref<2x192xi32, #tpu.memory_space<vmem>>, vector<16xi32>,
              %swap3A_604 = arith.index_cast %sub3A_490 : i32 to index
              %swap3A_605 = arith.constant 176 : index
              %swap3A_606 = tpu.vector_load %arg12[%swap3A_604, %swap3A_605] {strides = array<i32>} : memref<2x192xi32, #tpu.memory_space<vmem>>, vector<16xi32>,
              tpu.vector_store %arg12[%swap3A_604, %swap3A_605], %broadcast_in_dim3A_2 {strides = array<i32>} : memref<2x192xi32, #tpu.memory_space<vmem>>, vector<16xi32>,
              %swap3A_607 = arith.index_cast %sub3A_490 : i32 to index
              %swap3A_608 = arith.constant 176 : index
              %swap3A_609 = tpu.vector_load %arg13[%swap3A_607, %swap3A_608] {strides = array<i32>} : memref<2x192xi32, #tpu.memory_space<vmem>>, vector<16xi32>,
              tpu.vector_store %arg13[%swap3A_607, %swap3A_608], %broadcast_in_dim3A_0 {strides = array<i32>} : memref<2x192xi32, #tpu.memory_space<vmem>>, vector<16xi32>,
              %swap3A_610 = arith.index_cast %sub3A_490 : i32 to index
              %swap3A_611 = arith.constant 176 : index
              %swap3A_612 = tpu.vector_load %arg14[%swap3A_610, %swap3A_611] {strides = array<i32>} : memref<2x192xi32, #tpu.memory_space<vmem>>, vector<16xi32>,
              tpu.vector_store %arg14[%swap3A_610, %swap3A_611], %broadcast_in_dim3A_0 {strides = array<i32>} : memref<2x192xi32, #tpu.memory_space<vmem>>, vector<16xi32>,
            } else {
            }
            %dma_start3A_477 = arith.constant 0 : i32
            %dma_start3A_478 = tpu.memref_slice %arg13[%select_n3A, %dma_start3A_477] : memref<2x192xi32, #tpu.memory_space<vmem>> -> memref<1x192xi32, #tpu.memory_space<vmem>>
            %dma_start3A_479 = tpu.memref_squeeze %dma_start3A_478 : memref<1x192xi32, #tpu.memory_space<vmem>> -> memref<192xi32, #tpu.memory_space<vmem>>
            %dma_start3A_480 = arith.constant 0 : i32
            %dma_start3A_481 = arith.constant 0 : i32
            %dma_start3A_482 = tpu.memref_slice %arg2[%dma_start3A_480, %dma_start3A_481] : memref<320000x128xf32, #tpu.memory_space<hbm>> -> memref<320000x128xf32, #tpu.memory_space<hbm>>
            tpu.enqueue_indirect_dma source(%dma_start3A_482 : memref<320000x128xf32, #tpu.memory_space<hbm>>) target(%arg15 : memref<192x128xf32, #tpu.memory_space<vmem>>) offsets(%dma_start3A_479 : memref<192xi32, #tpu.memory_space<vmem>>) semaphore(%arg21 : memref<!tpu.dma_semaphore, #tpu.memory_space<semaphore_mem>>)
            %dma_start3A_483 = arith.constant 0 : i32
            %dma_start3A_484 = tpu.memref_slice %arg14[%select_n3A, %dma_start3A_483] : memref<2x192xi32, #tpu.memory_space<vmem>> -> memref<1x192xi32, #tpu.memory_space<vmem>>
            %dma_start3A_485 = tpu.memref_squeeze %dma_start3A_484 : memref<1x192xi32, #tpu.memory_space<vmem>> -> memref<192xi32, #tpu.memory_space<vmem>>
            %dma_start3A_486 = arith.constant 0 : i32
            %dma_start3A_487 = arith.constant 0 : i32
            %dma_start3A_488 = tpu.memref_slice %arg3[%dma_start3A_486, %dma_start3A_487] : memref<320000x128xf32, #tpu.memory_space<hbm>> -> memref<320000x128xf32, #tpu.memory_space<hbm>>
            tpu.enqueue_indirect_dma source(%dma_start3A_488 : memref<320000x128xf32, #tpu.memory_space<hbm>>) target(%arg16 : memref<192x128xf32, #tpu.memory_space<vmem>>) offsets(%dma_start3A_485 : memref<192xi32, #tpu.memory_space<vmem>>) semaphore(%arg22 : memref<!tpu.dma_semaphore, #tpu.memory_space<semaphore_mem>>)
          } else {
          }
          %sub3A_461 = arith.constant 1 : i32
          %sub3A_462 = arith.subi %sub3A_461, %select_n3A : i32
          %select_n3A_463 = arith.select %and3A_457, %sub3A_462, %select_n3A : i32
          %jit3A_464 = arith.constant 1 : i32
          %select_n3A_465 = arith.select %and3A_457, %jit3A_464, %select_n3A_428 : i32
          %jit3A_466 = arith.constant 0 : i32
          %select_n3A_467 = arith.select %and3A_457, %jit3A_466, %add3A_434 : i32
          %convert_element_type3A_468 = arith.extui %gt3A_454 : i1 to i32
          %cond3A_469 = arith.constant 0 : i32
          %cond3A_470 = arith.cmpi ne, %convert_element_type3A_468, %cond3A_469 : i32
          scf.if %cond3A_470 {
            %masked_sort3A = arith.constant -2147483648 : i32
            %masked_sort3A_472 = vector.broadcast %masked_sort3A : i32 to vector<16xi32>
            %masked_sort3A_473 = arith.xori %iota3A, %masked_sort3A_472 : vector<16xi32>
            %masked_sort3A_474, %masked_sort3A_475, %masked_sort3A_476 = tpu.sort %masked_sort3A_473, %sub3A_445 masked %lt3A_449 : (vector<16xi32>, vector<16xi32>, vector<16xi1>) -> (vector<16xi1>, vector<16xi32>, vector<16xi32>)
            %masked_sort3A_477 = arith.xori %masked_sort3A_475, %masked_sort3A_472 : vector<16xi32>
            %get3A_478 = arith.index_cast %rem3A_361 : i32 to index
            %get3A_479 = arith.index_cast %mul3A_440 : i32 to index
            %get3A_480 = tpu.vector_load %arg10[%get3A_478, %get3A_479] {strides = array<i32>} : memref<2x1600xi32, #tpu.memory_space<vmem>>, vector<16xi32>,
            %masked_sort3A_481 = arith.constant -2147483648 : i32
            %masked_sort3A_482 = vector.broadcast %masked_sort3A_481 : i32 to vector<16xi32>
            %masked_sort3A_483 = arith.xori %iota3A, %masked_sort3A_482 : vector<16xi32>
            %masked_sort3A_484, %masked_sort3A_485, %masked_sort3A_486 = tpu.sort %masked_sort3A_483, %get3A_480 masked %lt3A_449 : (vector<16xi32>, vector<16xi32>, vector<16xi1>) -> (vector<16xi1>, vector<16xi32>, vector<16xi32>)
            %masked_sort3A_487 = arith.xori %masked_sort3A_485, %masked_sort3A_482 : vector<16xi32>
            %get3A_488 = arith.index_cast %rem3A_361 : i32 to index
            %get3A_489 = arith.index_cast %mul3A_440 : i32 to index
            %get3A_490 = tpu.vector_load %arg11[%get3A_488, %get3A_489] {strides = array<i32>} : memref<2x1600xi32, #tpu.memory_space<vmem>>, vector<16xi32>,
            %masked_sort3A_491 = arith.constant -2147483648 : i32
            %masked_sort3A_492 = vector.broadcast %masked_sort3A_491 : i32 to vector<16xi32>
            %masked_sort3A_493 = arith.xori %iota3A, %masked_sort3A_492 : vector<16xi32>
            %masked_sort3A_494, %masked_sort3A_495, %masked_sort3A_496 = tpu.sort %masked_sort3A_493, %get3A_490 masked %lt3A_449 : (vector<16xi32>, vector<16xi32>, vector<16xi1>) -> (vector<16xi1>, vector<16xi32>, vector<16xi32>)
            %masked_sort3A_497 = arith.xori %masked_sort3A_495, %masked_sort3A_492 : vector<16xi32>
            %jit3A_498 = arith.constant 8000 : i32
            %broadcast_in_dim3A_499 = vector.broadcast %jit3A_498 : i32 to vector<16xi32>
            %select_n3A_500 = arith.select %masked_sort3A_474, %masked_sort3A_476, %broadcast_in_dim3A_499 : vector<16xi1>, vector<16xi32>
            %swap3A_501 = arith.index_cast %select_n3A_463 : i32 to index
            %swap3A_502 = arith.index_cast %select_n3A_467 : i32 to index
            %swap3A_503 = tpu.vector_load %arg12[%swap3A_501, %swap3A_502] {strides = array<i32>} : memref<2x192xi32, #tpu.memory_space<vmem>>, vector<16xi32>,
            tpu.vector_store %arg12[%swap3A_501, %swap3A_502], %select_n3A_500 {strides = array<i32>} : memref<2x192xi32, #tpu.memory_space<vmem>>, vector<16xi32>,
            %jit3A_504 = arith.constant 0 : i32
            %broadcast_in_dim3A_505 = vector.broadcast %jit3A_504 : i32 to vector<16xi32>
            %select_n3A_506 = arith.select %masked_sort3A_474, %masked_sort3A_486, %broadcast_in_dim3A_505 : vector<16xi1>, vector<16xi32>
            %swap3A_507 = arith.index_cast %select_n3A_463 : i32 to index
            %swap3A_508 = arith.index_cast %select_n3A_467 : i32 to index
            %swap3A_509 = tpu.vector_load %arg13[%swap3A_507, %swap3A_508] {strides = array<i32>} : memref<2x192xi32, #tpu.memory_space<vmem>>, vector<16xi32>,
            tpu.vector_store %arg13[%swap3A_507, %swap3A_508], %select_n3A_506 {strides = array<i32>} : memref<2x192xi32, #tpu.memory_space<vmem>>, vector<16xi32>,
            %jit3A_510 = arith.constant 0 : i32
            %broadcast_in_dim3A_511 = vector.broadcast %jit3A_510 : i32 to vector<16xi32>
            %select_n3A_512 = arith.select %masked_sort3A_474, %masked_sort3A_496, %broadcast_in_dim3A_511 : vector<16xi1>, vector<16xi32>
            %swap3A_513 = arith.index_cast %select_n3A_463 : i32 to index
            %swap3A_514 = arith.index_cast %select_n3A_467 : i32 to index
            %swap3A_515 = tpu.vector_load %arg14[%swap3A_513, %swap3A_514] {strides = array<i32>} : memref<2x192xi32, #tpu.memory_space<vmem>>, vector<16xi32>,
            tpu.vector_store %arg14[%swap3A_513, %swap3A_514], %select_n3A_512 {strides = array<i32>} : memref<2x192xi32, #tpu.memory_space<vmem>>, vector<16xi32>,
          } else {
          }
          %add3A_471 = arith.addi %select_n3A_467, %squeeze3A_452 : i32
          scf.yield %add3A_471, %select_n3A_463, %select_n3A_465 : i32, i32, i32
        }
        %scan3A_402 = arith.constant 50 : i32
        scf.yield %scan3A_401#0, %scan3A_401#1, %scan3A_401#2 : i32, i32, i32
      }
      %scan3A_339 = arith.constant 50 : i32
      %eq3A = arith.constant 1 : i32
      %eq3A_340 = arith.cmpi eq, %scan3A_338#2, %eq3A : i32
      %convert_element_type3A = arith.extui %eq3A_340 : i1 to i32
      %cond3A = arith.constant 0 : i32
      %cond3A_341 = arith.cmpi ne, %convert_element_type3A, %cond3A : i32
      scf.if %cond3A_341 {
        %sub3A = arith.constant 1 : i32
        %sub3A_357 = arith.subi %sub3A, %scan3A_338#1 : i32
        %dma_wait3A = arith.constant 0 : i32
        %dma_wait3A_358 = tpu.memref_slice %arg13[%sub3A_357, %dma_wait3A] : memref<2x192xi32, #tpu.memory_space<vmem>> -> memref<1x192xi32, #tpu.memory_space<vmem>>
        %dma_wait3A_359 = tpu.memref_squeeze %dma_wait3A_358 : memref<1x192xi32, #tpu.memory_space<vmem>> -> memref<192xi32, #tpu.memory_space<vmem>>
        %dma_wait3A_360 = arith.constant 0 : i32
        %dma_wait3A_361 = arith.constant 0 : i32
        %dma_wait3A_362 = tpu.memref_slice %arg2[%dma_wait3A_360, %dma_wait3A_361] : memref<320000x128xf32, #tpu.memory_space<hbm>> -> memref<320000x128xf32, #tpu.memory_space<hbm>>
        tpu.wait_indirect_dma semaphore(%arg21 : memref<!tpu.dma_semaphore, #tpu.memory_space<semaphore_mem>>) src(%dma_wait3A_362 : memref<320000x128xf32, #tpu.memory_space<hbm>>) dst(%arg15 : memref<192x128xf32, #tpu.memory_space<vmem>>)
        %dma_wait3A_363 = arith.constant 0 : i32
        %dma_wait3A_364 = tpu.memref_slice %arg14[%sub3A_357, %dma_wait3A_363] : memref<2x192xi32, #tpu.memory_space<vmem>> -> memref<1x192xi32, #tpu.memory_space<vmem>>
        %dma_wait3A_365 = tpu.memref_squeeze %dma_wait3A_364 : memref<1x192xi32, #tpu.memory_space<vmem>> -> memref<192xi32, #tpu.memory_space<vmem>>
        %dma_wait3A_366 = arith.constant 0 : i32
        %dma_wait3A_367 = arith.constant 0 : i32
        %dma_wait3A_368 = tpu.memref_slice %arg3[%dma_wait3A_366, %dma_wait3A_367] : memref<320000x128xf32, #tpu.memory_space<hbm>> -> memref<320000x128xf32, #tpu.memory_space<hbm>>
        tpu.wait_indirect_dma semaphore(%arg22 : memref<!tpu.dma_semaphore, #tpu.memory_space<semaphore_mem>>) src(%dma_wait3A_368 : memref<320000x128xf32, #tpu.memory_space<hbm>>) dst(%arg16 : memref<192x128xf32, #tpu.memory_space<vmem>>)
        %parallel_loop3A = arith.constant 0 : i32
        %parallel_loop3A_369 = arith.constant 192 : i32
        %parallel_loop3A_370 = arith.constant 1 : i32
        scf.for %parallel_loop3A_479 = %parallel_loop3A to %parallel_loop3A_369 step %parallel_loop3A_370  : i32 {
          %parallel_loop3A_480 = arith.index_cast %parallel_loop3A_479 : i32 to index
          %parallel_loop3A_481 = arith.constant 0 : index
          %parallel_loop3A_482 = tpu.vector_load %arg15[%parallel_loop3A_480, %parallel_loop3A_481] {strides = array<i32>} : memref<192x128xf32, #tpu.memory_space<vmem>>, vector<16xf32>,
          %parallel_loop3A_483 = arith.index_cast %parallel_loop3A_479 : i32 to index
          %parallel_loop3A_484 = arith.constant 0 : index
          %parallel_loop3A_485 = tpu.vector_load %arg16[%parallel_loop3A_483, %parallel_loop3A_484] {strides = array<i32>} : memref<192x128xf32, #tpu.memory_space<vmem>>, vector<16xf32>,
          %parallel_loop3A_486 = arith.mulf %parallel_loop3A_482, %parallel_loop3A_485 : vector<16xf32>
          %parallel_loop3A_487 = arith.index_cast %parallel_loop3A_479 : i32 to index
          %parallel_loop3A_488 = arith.constant 0 : index
          %parallel_loop3A_489 = tpu.vector_load %arg15[%parallel_loop3A_487, %parallel_loop3A_488] {strides = array<i32>} : memref<192x128xf32, #tpu.memory_space<vmem>>, vector<16xf32>,
          tpu.vector_store %arg15[%parallel_loop3A_487, %parallel_loop3A_488], %parallel_loop3A_486 {strides = array<i32>} : memref<192x128xf32, #tpu.memory_space<vmem>>, vector<16xf32>,
          %parallel_loop3A_490 = arith.index_cast %parallel_loop3A_479 : i32 to index
          %parallel_loop3A_491 = arith.constant 16 : index
          %parallel_loop3A_492 = tpu.vector_load %arg15[%parallel_loop3A_490, %parallel_loop3A_491] {strides = array<i32>} : memref<192x128xf32, #tpu.memory_space<vmem>>, vector<16xf32>,
          %parallel_loop3A_493 = arith.index_cast %parallel_loop3A_479 : i32 to index
          %parallel_loop3A_494 = arith.constant 16 : index
          %parallel_loop3A_495 = tpu.vector_load %arg16[%parallel_loop3A_493, %parallel_loop3A_494] {strides = array<i32>} : memref<192x128xf32, #tpu.memory_space<vmem>>, vector<16xf32>,
          %parallel_loop3A_496 = arith.mulf %parallel_loop3A_492, %parallel_loop3A_495 : vector<16xf32>
          %parallel_loop3A_497 = arith.index_cast %parallel_loop3A_479 : i32 to index
          %parallel_loop3A_498 = arith.constant 16 : index
          %parallel_loop3A_499 = tpu.vector_load %arg15[%parallel_loop3A_497, %parallel_loop3A_498] {strides = array<i32>} : memref<192x128xf32, #tpu.memory_space<vmem>>, vector<16xf32>,
          tpu.vector_store %arg15[%parallel_loop3A_497, %parallel_loop3A_498], %parallel_loop3A_496 {strides = array<i32>} : memref<192x128xf32, #tpu.memory_space<vmem>>, vector<16xf32>,
          %parallel_loop3A_500 = arith.index_cast %parallel_loop3A_479 : i32 to index
          %parallel_loop3A_501 = arith.constant 32 : index
          %parallel_loop3A_502 = tpu.vector_load %arg15[%parallel_loop3A_500, %parallel_loop3A_501] {strides = array<i32>} : memref<192x128xf32, #tpu.memory_space<vmem>>, vector<16xf32>,
          %parallel_loop3A_503 = arith.index_cast %parallel_loop3A_479 : i32 to index
          %parallel_loop3A_504 = arith.constant 32 : index
          %parallel_loop3A_505 = tpu.vector_load %arg16[%parallel_loop3A_503, %parallel_loop3A_504] {strides = array<i32>} : memref<192x128xf32, #tpu.memory_space<vmem>>, vector<16xf32>,
          %parallel_loop3A_506 = arith.mulf %parallel_loop3A_502, %parallel_loop3A_505 : vector<16xf32>
          %parallel_loop3A_507 = arith.index_cast %parallel_loop3A_479 : i32 to index
          %parallel_loop3A_508 = arith.constant 32 : index
          %parallel_loop3A_509 = tpu.vector_load %arg15[%parallel_loop3A_507, %parallel_loop3A_508] {strides = array<i32>} : memref<192x128xf32, #tpu.memory_space<vmem>>, vector<16xf32>,
          tpu.vector_store %arg15[%parallel_loop3A_507, %parallel_loop3A_508], %parallel_loop3A_506 {strides = array<i32>} : memref<192x128xf32, #tpu.memory_space<vmem>>, vector<16xf32>,
          %parallel_loop3A_510 = arith.index_cast %parallel_loop3A_479 : i32 to index
          %parallel_loop3A_511 = arith.constant 48 : index
          %parallel_loop3A_512 = tpu.vector_load %arg15[%parallel_loop3A_510, %parallel_loop3A_511] {strides = array<i32>} : memref<192x128xf32, #tpu.memory_space<vmem>>, vector<16xf32>,
          %parallel_loop3A_513 = arith.index_cast %parallel_loop3A_479 : i32 to index
          %parallel_loop3A_514 = arith.constant 48 : index
          %parallel_loop3A_515 = tpu.vector_load %arg16[%parallel_loop3A_513, %parallel_loop3A_514] {strides = array<i32>} : memref<192x128xf32, #tpu.memory_space<vmem>>, vector<16xf32>,
          %parallel_loop3A_516 = arith.mulf %parallel_loop3A_512, %parallel_loop3A_515 : vector<16xf32>
          %parallel_loop3A_517 = arith.index_cast %parallel_loop3A_479 : i32 to index
          %parallel_loop3A_518 = arith.constant 48 : index
          %parallel_loop3A_519 = tpu.vector_load %arg15[%parallel_loop3A_517, %parallel_loop3A_518] {strides = array<i32>} : memref<192x128xf32, #tpu.memory_space<vmem>>, vector<16xf32>,
          tpu.vector_store %arg15[%parallel_loop3A_517, %parallel_loop3A_518], %parallel_loop3A_516 {strides = array<i32>} : memref<192x128xf32, #tpu.memory_space<vmem>>, vector<16xf32>,
          %parallel_loop3A_520 = arith.index_cast %parallel_loop3A_479 : i32 to index
          %parallel_loop3A_521 = arith.constant 64 : index
          %parallel_loop3A_522 = tpu.vector_load %arg15[%parallel_loop3A_520, %parallel_loop3A_521] {strides = array<i32>} : memref<192x128xf32, #tpu.memory_space<vmem>>, vector<16xf32>,
          %parallel_loop3A_523 = arith.index_cast %parallel_loop3A_479 : i32 to index
          %parallel_loop3A_524 = arith.constant 64 : index
          %parallel_loop3A_525 = tpu.vector_load %arg16[%parallel_loop3A_523, %parallel_loop3A_524] {strides = array<i32>} : memref<192x128xf32, #tpu.memory_space<vmem>>, vector<16xf32>,
          %parallel_loop3A_526 = arith.mulf %parallel_loop3A_522, %parallel_loop3A_525 : vector<16xf32>
          %parallel_loop3A_527 = arith.index_cast %parallel_loop3A_479 : i32 to index
          %parallel_loop3A_528 = arith.constant 64 : index
          %parallel_loop3A_529 = tpu.vector_load %arg15[%parallel_loop3A_527, %parallel_loop3A_528] {strides = array<i32>} : memref<192x128xf32, #tpu.memory_space<vmem>>, vector<16xf32>,
          tpu.vector_store %arg15[%parallel_loop3A_527, %parallel_loop3A_528], %parallel_loop3A_526 {strides = array<i32>} : memref<192x128xf32, #tpu.memory_space<vmem>>, vector<16xf32>,
          %parallel_loop3A_530 = arith.index_cast %parallel_loop3A_479 : i32 to index
          %parallel_loop3A_531 = arith.constant 80 : index
          %parallel_loop3A_532 = tpu.vector_load %arg15[%parallel_loop3A_530, %parallel_loop3A_531] {strides = array<i32>} : memref<192x128xf32, #tpu.memory_space<vmem>>, vector<16xf32>,
          %parallel_loop3A_533 = arith.index_cast %parallel_loop3A_479 : i32 to index
          %parallel_loop3A_534 = arith.constant 80 : index
          %parallel_loop3A_535 = tpu.vector_load %arg16[%parallel_loop3A_533, %parallel_loop3A_534] {strides = array<i32>} : memref<192x128xf32, #tpu.memory_space<vmem>>, vector<16xf32>,
          %parallel_loop3A_536 = arith.mulf %parallel_loop3A_532, %parallel_loop3A_535 : vector<16xf32>
          %parallel_loop3A_537 = arith.index_cast %parallel_loop3A_479 : i32 to index
          %parallel_loop3A_538 = arith.constant 80 : index
          %parallel_loop3A_539 = tpu.vector_load %arg15[%parallel_loop3A_537, %parallel_loop3A_538] {strides = array<i32>} : memref<192x128xf32, #tpu.memory_space<vmem>>, vector<16xf32>,
          tpu.vector_store %arg15[%parallel_loop3A_537, %parallel_loop3A_538], %parallel_loop3A_536 {strides = array<i32>} : memref<192x128xf32, #tpu.memory_space<vmem>>, vector<16xf32>,
          %parallel_loop3A_540 = arith.index_cast %parallel_loop3A_479 : i32 to index
          %parallel_loop3A_541 = arith.constant 96 : index
          %parallel_loop3A_542 = tpu.vector_load %arg15[%parallel_loop3A_540, %parallel_loop3A_541] {strides = array<i32>} : memref<192x128xf32, #tpu.memory_space<vmem>>, vector<16xf32>,
          %parallel_loop3A_543 = arith.index_cast %parallel_loop3A_479 : i32 to index
          %parallel_loop3A_544 = arith.constant 96 : index
          %parallel_loop3A_545 = tpu.vector_load %arg16[%parallel_loop3A_543, %parallel_loop3A_544] {strides = array<i32>} : memref<192x128xf32, #tpu.memory_space<vmem>>, vector<16xf32>,
          %parallel_loop3A_546 = arith.mulf %parallel_loop3A_542, %parallel_loop3A_545 : vector<16xf32>
          %parallel_loop3A_547 = arith.index_cast %parallel_loop3A_479 : i32 to index
          %parallel_loop3A_548 = arith.constant 96 : index
          %parallel_loop3A_549 = tpu.vector_load %arg15[%parallel_loop3A_547, %parallel_loop3A_548] {strides = array<i32>} : memref<192x128xf32, #tpu.memory_space<vmem>>, vector<16xf32>,
          tpu.vector_store %arg15[%parallel_loop3A_547, %parallel_loop3A_548], %parallel_loop3A_546 {strides = array<i32>} : memref<192x128xf32, #tpu.memory_space<vmem>>, vector<16xf32>,
          %parallel_loop3A_550 = arith.index_cast %parallel_loop3A_479 : i32 to index
          %parallel_loop3A_551 = arith.constant 112 : index
          %parallel_loop3A_552 = tpu.vector_load %arg15[%parallel_loop3A_550, %parallel_loop3A_551] {strides = array<i32>} : memref<192x128xf32, #tpu.memory_space<vmem>>, vector<16xf32>,
          %parallel_loop3A_553 = arith.index_cast %parallel_loop3A_479 : i32 to index
          %parallel_loop3A_554 = arith.constant 112 : index
          %parallel_loop3A_555 = tpu.vector_load %arg16[%parallel_loop3A_553, %parallel_loop3A_554] {strides = array<i32>} : memref<192x128xf32, #tpu.memory_space<vmem>>, vector<16xf32>,
          %parallel_loop3A_556 = arith.mulf %parallel_loop3A_552, %parallel_loop3A_555 : vector<16xf32>
          %parallel_loop3A_557 = arith.index_cast %parallel_loop3A_479 : i32 to index
          %parallel_loop3A_558 = arith.constant 112 : index
          %parallel_loop3A_559 = tpu.vector_load %arg15[%parallel_loop3A_557, %parallel_loop3A_558] {strides = array<i32>} : memref<192x128xf32, #tpu.memory_space<vmem>>, vector<16xf32>,
          tpu.vector_store %arg15[%parallel_loop3A_557, %parallel_loop3A_558], %parallel_loop3A_556 {strides = array<i32>} : memref<192x128xf32, #tpu.memory_space<vmem>>, vector<16xf32>,
        } {sc.loop_unroll_factor = 8 : i64, sc.parallel_access}
        "tpu.region"() ({
          %run_scoped3A = tpu.sem_alloc : memref<!tpu.dma_semaphore, #tpu.memory_space<semaphore_mem>>
          %dma_start3A_479 = arith.constant 0 : i32
          %dma_start3A_480 = tpu.memref_slice %arg12[%sub3A_357, %dma_start3A_479] : memref<2x192xi32, #tpu.memory_space<vmem>> -> memref<1x192xi32, #tpu.memory_space<vmem>>
          %dma_start3A_481 = tpu.memref_squeeze %dma_start3A_480 : memref<1x192xi32, #tpu.memory_space<vmem>> -> memref<192xi32, #tpu.memory_space<vmem>>
          %dma_start3A_482 = arith.constant 0 : i32
          %dma_start3A_483 = arith.constant 0 : i32
          %dma_start3A_484 = tpu.memref_slice %arg17[%dma_start3A_482, %dma_start3A_483] : memref<8192x128xf32, #tpu.memory_space<vmem_shared>> -> memref<8192x128xf32, #tpu.memory_space<vmem_shared>>
          tpu.enqueue_indirect_dma source(%arg15 : memref<192x128xf32, #tpu.memory_space<vmem>>) target(%dma_start3A_484 : memref<8192x128xf32, #tpu.memory_space<vmem_shared>>) offsets(%dma_start3A_481 : memref<192xi32, #tpu.memory_space<vmem>>) semaphore(%run_scoped3A : memref<!tpu.dma_semaphore, #tpu.memory_space<semaphore_mem>>) {add = true}
          %dma_wait3A_485 = arith.constant 0 : i32
          %dma_wait3A_486 = tpu.memref_slice %arg12[%sub3A_357, %dma_wait3A_485] : memref<2x192xi32, #tpu.memory_space<vmem>> -> memref<1x192xi32, #tpu.memory_space<vmem>>
          %dma_wait3A_487 = tpu.memref_squeeze %dma_wait3A_486 : memref<1x192xi32, #tpu.memory_space<vmem>> -> memref<192xi32, #tpu.memory_space<vmem>>
          %dma_wait3A_488 = arith.constant 0 : i32
          %dma_wait3A_489 = arith.constant 0 : i32
          %dma_wait3A_490 = tpu.memref_slice %arg17[%dma_wait3A_488, %dma_wait3A_489] : memref<8192x128xf32, #tpu.memory_space<vmem_shared>> -> memref<8192x128xf32, #tpu.memory_space<vmem_shared>>
          tpu.wait_indirect_dma semaphore(%run_scoped3A : memref<!tpu.dma_semaphore, #tpu.memory_space<semaphore_mem>>) src(%arg15 : memref<192x128xf32, #tpu.memory_space<vmem>>) dst(%dma_wait3A_490 : memref<8192x128xf32, #tpu.memory_space<vmem_shared>>)
          tpu.yield
        }) : () -> ()
        %swap3A_371 = arith.index_cast %sub3A_357 : i32 to index
        %swap3A_372 = arith.constant 0 : index
        %swap3A_373 = tpu.vector_load %arg12[%swap3A_371, %swap3A_372] {strides = array<i32>} : memref<2x192xi32, #tpu.memory_space<vmem>>, vector<16xi32>,
        tpu.vector_store %arg12[%swap3A_371, %swap3A_372], %broadcast_in_dim3A_2 {strides = array<i32>} : memref<2x192xi32, #tpu.memory_space<vmem>>, vector<16xi32>,
        %swap3A_374 = arith.index_cast %sub3A_357 : i32 to index
        %swap3A_375 = arith.constant 0 : index
        %swap3A_376 = tpu.vector_load %arg13[%swap3A_374, %swap3A_375] {strides = array<i32>} : memref<2x192xi32, #tpu.memory_space<vmem>>, vector<16xi32>,
        tpu.vector_store %arg13[%swap3A_374, %swap3A_375], %broadcast_in_dim3A_0 {strides = array<i32>} : memref<2x192xi32, #tpu.memory_space<vmem>>, vector<16xi32>,
        %swap3A_377 = arith.index_cast %sub3A_357 : i32 to index
        %swap3A_378 = arith.constant 0 : index
        %swap3A_379 = tpu.vector_load %arg14[%swap3A_377, %swap3A_378] {strides = array<i32>} : memref<2x192xi32, #tpu.memory_space<vmem>>, vector<16xi32>,
        tpu.vector_store %arg14[%swap3A_377, %swap3A_378], %broadcast_in_dim3A_0 {strides = array<i32>} : memref<2x192xi32, #tpu.memory_space<vmem>>, vector<16xi32>,
        %swap3A_380 = arith.index_cast %sub3A_357 : i32 to index
        %swap3A_381 = arith.constant 16 : index
        %swap3A_382 = tpu.vector_load %arg12[%swap3A_380, %swap3A_381] {strides = array<i32>} : memref<2x192xi32, #tpu.memory_space<vmem>>, vector<16xi32>,
        tpu.vector_store %arg12[%swap3A_380, %swap3A_381], %broadcast_in_dim3A_2 {strides = array<i32>} : memref<2x192xi32, #tpu.memory_space<vmem>>, vector<16xi32>,
        %swap3A_383 = arith.index_cast %sub3A_357 : i32 to index
        %swap3A_384 = arith.constant 16 : index
        %swap3A_385 = tpu.vector_load %arg13[%swap3A_383, %swap3A_384] {strides = array<i32>} : memref<2x192xi32, #tpu.memory_space<vmem>>, vector<16xi32>,
        tpu.vector_store %arg13[%swap3A_383, %swap3A_384], %broadcast_in_dim3A_0 {strides = array<i32>} : memref<2x192xi32, #tpu.memory_space<vmem>>, vector<16xi32>,
        %swap3A_386 = arith.index_cast %sub3A_357 : i32 to index
        %swap3A_387 = arith.constant 16 : index
        %swap3A_388 = tpu.vector_load %arg14[%swap3A_386, %swap3A_387] {strides = array<i32>} : memref<2x192xi32, #tpu.memory_space<vmem>>, vector<16xi32>,
        tpu.vector_store %arg14[%swap3A_386, %swap3A_387], %broadcast_in_dim3A_0 {strides = array<i32>} : memref<2x192xi32, #tpu.memory_space<vmem>>, vector<16xi32>,
        %swap3A_389 = arith.index_cast %sub3A_357 : i32 to index
        %swap3A_390 = arith.constant 32 : index
        %swap3A_391 = tpu.vector_load %arg12[%swap3A_389, %swap3A_390] {strides = array<i32>} : memref<2x192xi32, #tpu.memory_space<vmem>>, vector<16xi32>,
        tpu.vector_store %arg12[%swap3A_389, %swap3A_390], %broadcast_in_dim3A_2 {strides = array<i32>} : memref<2x192xi32, #tpu.memory_space<vmem>>, vector<16xi32>,
        %swap3A_392 = arith.index_cast %sub3A_357 : i32 to index
        %swap3A_393 = arith.constant 32 : index
        %swap3A_394 = tpu.vector_load %arg13[%swap3A_392, %swap3A_393] {strides = array<i32>} : memref<2x192xi32, #tpu.memory_space<vmem>>, vector<16xi32>,
        tpu.vector_store %arg13[%swap3A_392, %swap3A_393], %broadcast_in_dim3A_0 {strides = array<i32>} : memref<2x192xi32, #tpu.memory_space<vmem>>, vector<16xi32>,
        %swap3A_395 = arith.index_cast %sub3A_357 : i32 to index
        %swap3A_396 = arith.constant 32 : index
        %swap3A_397 = tpu.vector_load %arg14[%swap3A_395, %swap3A_396] {strides = array<i32>} : memref<2x192xi32, #tpu.memory_space<vmem>>, vector<16xi32>,
        tpu.vector_store %arg14[%swap3A_395, %swap3A_396], %broadcast_in_dim3A_0 {strides = array<i32>} : memref<2x192xi32, #tpu.memory_space<vmem>>, vector<16xi32>,
        %swap3A_398 = arith.index_cast %sub3A_357 : i32 to index
        %swap3A_399 = arith.constant 48 : index
        %swap3A_400 = tpu.vector_load %arg12[%swap3A_398, %swap3A_399] {strides = array<i32>} : memref<2x192xi32, #tpu.memory_space<vmem>>, vector<16xi32>,
        tpu.vector_store %arg12[%swap3A_398, %swap3A_399], %broadcast_in_dim3A_2 {strides = array<i32>} : memref<2x192xi32, #tpu.memory_space<vmem>>, vector<16xi32>,
        %swap3A_401 = arith.index_cast %sub3A_357 : i32 to index
        %swap3A_402 = arith.constant 48 : index
        %swap3A_403 = tpu.vector_load %arg13[%swap3A_401, %swap3A_402] {strides = array<i32>} : memref<2x192xi32, #tpu.memory_space<vmem>>, vector<16xi32>,
        tpu.vector_store %arg13[%swap3A_401, %swap3A_402], %broadcast_in_dim3A_0 {strides = array<i32>} : memref<2x192xi32, #tpu.memory_space<vmem>>, vector<16xi32>,
        %swap3A_404 = arith.index_cast %sub3A_357 : i32 to index
        %swap3A_405 = arith.constant 48 : index
        %swap3A_406 = tpu.vector_load %arg14[%swap3A_404, %swap3A_405] {strides = array<i32>} : memref<2x192xi32, #tpu.memory_space<vmem>>, vector<16xi32>,
        tpu.vector_store %arg14[%swap3A_404, %swap3A_405], %broadcast_in_dim3A_0 {strides = array<i32>} : memref<2x192xi32, #tpu.memory_space<vmem>>, vector<16xi32>,
        %swap3A_407 = arith.index_cast %sub3A_357 : i32 to index
        %swap3A_408 = arith.constant 64 : index
        %swap3A_409 = tpu.vector_load %arg12[%swap3A_407, %swap3A_408] {strides = array<i32>} : memref<2x192xi32, #tpu.memory_space<vmem>>, vector<16xi32>,
        tpu.vector_store %arg12[%swap3A_407, %swap3A_408], %broadcast_in_dim3A_2 {strides = array<i32>} : memref<2x192xi32, #tpu.memory_space<vmem>>, vector<16xi32>,
        %swap3A_410 = arith.index_cast %sub3A_357 : i32 to index
        %swap3A_411 = arith.constant 64 : index
        %swap3A_412 = tpu.vector_load %arg13[%swap3A_410, %swap3A_411] {strides = array<i32>} : memref<2x192xi32, #tpu.memory_space<vmem>>, vector<16xi32>,
        tpu.vector_store %arg13[%swap3A_410, %swap3A_411], %broadcast_in_dim3A_0 {strides = array<i32>} : memref<2x192xi32, #tpu.memory_space<vmem>>, vector<16xi32>,
        %swap3A_413 = arith.index_cast %sub3A_357 : i32 to index
        %swap3A_414 = arith.constant 64 : index
        %swap3A_415 = tpu.vector_load %arg14[%swap3A_413, %swap3A_414] {strides = array<i32>} : memref<2x192xi32, #tpu.memory_space<vmem>>, vector<16xi32>,
        tpu.vector_store %arg14[%swap3A_413, %swap3A_414], %broadcast_in_dim3A_0 {strides = array<i32>} : memref<2x192xi32, #tpu.memory_space<vmem>>, vector<16xi32>,
        %swap3A_416 = arith.index_cast %sub3A_357 : i32 to index
        %swap3A_417 = arith.constant 80 : index
        %swap3A_418 = tpu.vector_load %arg12[%swap3A_416, %swap3A_417] {strides = array<i32>} : memref<2x192xi32, #tpu.memory_space<vmem>>, vector<16xi32>,
        tpu.vector_store %arg12[%swap3A_416, %swap3A_417], %broadcast_in_dim3A_2 {strides = array<i32>} : memref<2x192xi32, #tpu.memory_space<vmem>>, vector<16xi32>,
        %swap3A_419 = arith.index_cast %sub3A_357 : i32 to index
        %swap3A_420 = arith.constant 80 : index
        %swap3A_421 = tpu.vector_load %arg13[%swap3A_419, %swap3A_420] {strides = array<i32>} : memref<2x192xi32, #tpu.memory_space<vmem>>, vector<16xi32>,
        tpu.vector_store %arg13[%swap3A_419, %swap3A_420], %broadcast_in_dim3A_0 {strides = array<i32>} : memref<2x192xi32, #tpu.memory_space<vmem>>, vector<16xi32>,
        %swap3A_422 = arith.index_cast %sub3A_357 : i32 to index
        %swap3A_423 = arith.constant 80 : index
        %swap3A_424 = tpu.vector_load %arg14[%swap3A_422, %swap3A_423] {strides = array<i32>} : memref<2x192xi32, #tpu.memory_space<vmem>>, vector<16xi32>,
        tpu.vector_store %arg14[%swap3A_422, %swap3A_423], %broadcast_in_dim3A_0 {strides = array<i32>} : memref<2x192xi32, #tpu.memory_space<vmem>>, vector<16xi32>,
        %swap3A_425 = arith.index_cast %sub3A_357 : i32 to index
        %swap3A_426 = arith.constant 96 : index
        %swap3A_427 = tpu.vector_load %arg12[%swap3A_425, %swap3A_426] {strides = array<i32>} : memref<2x192xi32, #tpu.memory_space<vmem>>, vector<16xi32>,
        tpu.vector_store %arg12[%swap3A_425, %swap3A_426], %broadcast_in_dim3A_2 {strides = array<i32>} : memref<2x192xi32, #tpu.memory_space<vmem>>, vector<16xi32>,
        %swap3A_428 = arith.index_cast %sub3A_357 : i32 to index
        %swap3A_429 = arith.constant 96 : index
        %swap3A_430 = tpu.vector_load %arg13[%swap3A_428, %swap3A_429] {strides = array<i32>} : memref<2x192xi32, #tpu.memory_space<vmem>>, vector<16xi32>,
        tpu.vector_store %arg13[%swap3A_428, %swap3A_429], %broadcast_in_dim3A_0 {strides = array<i32>} : memref<2x192xi32, #tpu.memory_space<vmem>>, vector<16xi32>,
        %swap3A_431 = arith.index_cast %sub3A_357 : i32 to index
        %swap3A_432 = arith.constant 96 : index
        %swap3A_433 = tpu.vector_load %arg14[%swap3A_431, %swap3A_432] {strides = array<i32>} : memref<2x192xi32, #tpu.memory_space<vmem>>, vector<16xi32>,
        tpu.vector_store %arg14[%swap3A_431, %swap3A_432], %broadcast_in_dim3A_0 {strides = array<i32>} : memref<2x192xi32, #tpu.memory_space<vmem>>, vector<16xi32>,
        %swap3A_434 = arith.index_cast %sub3A_357 : i32 to index
        %swap3A_435 = arith.constant 112 : index
        %swap3A_436 = tpu.vector_load %arg12[%swap3A_434, %swap3A_435] {strides = array<i32>} : memref<2x192xi32, #tpu.memory_space<vmem>>, vector<16xi32>,
        tpu.vector_store %arg12[%swap3A_434, %swap3A_435], %broadcast_in_dim3A_2 {strides = array<i32>} : memref<2x192xi32, #tpu.memory_space<vmem>>, vector<16xi32>,
        %swap3A_437 = arith.index_cast %sub3A_357 : i32 to index
        %swap3A_438 = arith.constant 112 : index
        %swap3A_439 = tpu.vector_load %arg13[%swap3A_437, %swap3A_438] {strides = array<i32>} : memref<2x192xi32, #tpu.memory_space<vmem>>, vector<16xi32>,
        tpu.vector_store %arg13[%swap3A_437, %swap3A_438], %broadcast_in_dim3A_0 {strides = array<i32>} : memref<2x192xi32, #tpu.memory_space<vmem>>, vector<16xi32>,
        %swap3A_440 = arith.index_cast %sub3A_357 : i32 to index
        %swap3A_441 = arith.constant 112 : index
        %swap3A_442 = tpu.vector_load %arg14[%swap3A_440, %swap3A_441] {strides = array<i32>} : memref<2x192xi32, #tpu.memory_space<vmem>>, vector<16xi32>,
        tpu.vector_store %arg14[%swap3A_440, %swap3A_441], %broadcast_in_dim3A_0 {strides = array<i32>} : memref<2x192xi32, #tpu.memory_space<vmem>>, vector<16xi32>,
        %swap3A_443 = arith.index_cast %sub3A_357 : i32 to index
        %swap3A_444 = arith.constant 128 : index
        %swap3A_445 = tpu.vector_load %arg12[%swap3A_443, %swap3A_444] {strides = array<i32>} : memref<2x192xi32, #tpu.memory_space<vmem>>, vector<16xi32>,
        tpu.vector_store %arg12[%swap3A_443, %swap3A_444], %broadcast_in_dim3A_2 {strides = array<i32>} : memref<2x192xi32, #tpu.memory_space<vmem>>, vector<16xi32>,
        %swap3A_446 = arith.index_cast %sub3A_357 : i32 to index
        %swap3A_447 = arith.constant 128 : index
        %swap3A_448 = tpu.vector_load %arg13[%swap3A_446, %swap3A_447] {strides = array<i32>} : memref<2x192xi32, #tpu.memory_space<vmem>>, vector<16xi32>,
        tpu.vector_store %arg13[%swap3A_446, %swap3A_447], %broadcast_in_dim3A_0 {strides = array<i32>} : memref<2x192xi32, #tpu.memory_space<vmem>>, vector<16xi32>,
        %swap3A_449 = arith.index_cast %sub3A_357 : i32 to index
        %swap3A_450 = arith.constant 128 : index
        %swap3A_451 = tpu.vector_load %arg14[%swap3A_449, %swap3A_450] {strides = array<i32>} : memref<2x192xi32, #tpu.memory_space<vmem>>, vector<16xi32>,
        tpu.vector_store %arg14[%swap3A_449, %swap3A_450], %broadcast_in_dim3A_0 {strides = array<i32>} : memref<2x192xi32, #tpu.memory_space<vmem>>, vector<16xi32>,
        %swap3A_452 = arith.index_cast %sub3A_357 : i32 to index
        %swap3A_453 = arith.constant 144 : index
        %swap3A_454 = tpu.vector_load %arg12[%swap3A_452, %swap3A_453] {strides = array<i32>} : memref<2x192xi32, #tpu.memory_space<vmem>>, vector<16xi32>,
        tpu.vector_store %arg12[%swap3A_452, %swap3A_453], %broadcast_in_dim3A_2 {strides = array<i32>} : memref<2x192xi32, #tpu.memory_space<vmem>>, vector<16xi32>,
        %swap3A_455 = arith.index_cast %sub3A_357 : i32 to index
        %swap3A_456 = arith.constant 144 : index
        %swap3A_457 = tpu.vector_load %arg13[%swap3A_455, %swap3A_456] {strides = array<i32>} : memref<2x192xi32, #tpu.memory_space<vmem>>, vector<16xi32>,
        tpu.vector_store %arg13[%swap3A_455, %swap3A_456], %broadcast_in_dim3A_0 {strides = array<i32>} : memref<2x192xi32, #tpu.memory_space<vmem>>, vector<16xi32>,
        %swap3A_458 = arith.index_cast %sub3A_357 : i32 to index
        %swap3A_459 = arith.constant 144 : index
        %swap3A_460 = tpu.vector_load %arg14[%swap3A_458, %swap3A_459] {strides = array<i32>} : memref<2x192xi32, #tpu.memory_space<vmem>>, vector<16xi32>,
        tpu.vector_store %arg14[%swap3A_458, %swap3A_459], %broadcast_in_dim3A_0 {strides = array<i32>} : memref<2x192xi32, #tpu.memory_space<vmem>>, vector<16xi32>,
        %swap3A_461 = arith.index_cast %sub3A_357 : i32 to index
        %swap3A_462 = arith.constant 160 : index
        %swap3A_463 = tpu.vector_load %arg12[%swap3A_461, %swap3A_462] {strides = array<i32>} : memref<2x192xi32, #tpu.memory_space<vmem>>, vector<16xi32>,
        tpu.vector_store %arg12[%swap3A_461, %swap3A_462], %broadcast_in_dim3A_2 {strides = array<i32>} : memref<2x192xi32, #tpu.memory_space<vmem>>, vector<16xi32>,
        %swap3A_464 = arith.index_cast %sub3A_357 : i32 to index
        %swap3A_465 = arith.constant 160 : index
        %swap3A_466 = tpu.vector_load %arg13[%swap3A_464, %swap3A_465] {strides = array<i32>} : memref<2x192xi32, #tpu.memory_space<vmem>>, vector<16xi32>,
        tpu.vector_store %arg13[%swap3A_464, %swap3A_465], %broadcast_in_dim3A_0 {strides = array<i32>} : memref<2x192xi32, #tpu.memory_space<vmem>>, vector<16xi32>,
        %swap3A_467 = arith.index_cast %sub3A_357 : i32 to index
        %swap3A_468 = arith.constant 160 : index
        %swap3A_469 = tpu.vector_load %arg14[%swap3A_467, %swap3A_468] {strides = array<i32>} : memref<2x192xi32, #tpu.memory_space<vmem>>, vector<16xi32>,
        tpu.vector_store %arg14[%swap3A_467, %swap3A_468], %broadcast_in_dim3A_0 {strides = array<i32>} : memref<2x192xi32, #tpu.memory_space<vmem>>, vector<16xi32>,
        %swap3A_470 = arith.index_cast %sub3A_357 : i32 to index
        %swap3A_471 = arith.constant 176 : index
        %swap3A_472 = tpu.vector_load %arg12[%swap3A_470, %swap3A_471] {strides = array<i32>} : memref<2x192xi32, #tpu.memory_space<vmem>>, vector<16xi32>,
        tpu.vector_store %arg12[%swap3A_470, %swap3A_471], %broadcast_in_dim3A_2 {strides = array<i32>} : memref<2x192xi32, #tpu.memory_space<vmem>>, vector<16xi32>,
        %swap3A_473 = arith.index_cast %sub3A_357 : i32 to index
        %swap3A_474 = arith.constant 176 : index
        %swap3A_475 = tpu.vector_load %arg13[%swap3A_473, %swap3A_474] {strides = array<i32>} : memref<2x192xi32, #tpu.memory_space<vmem>>, vector<16xi32>,
        tpu.vector_store %arg13[%swap3A_473, %swap3A_474], %broadcast_in_dim3A_0 {strides = array<i32>} : memref<2x192xi32, #tpu.memory_space<vmem>>, vector<16xi32>,
        %swap3A_476 = arith.index_cast %sub3A_357 : i32 to index
        %swap3A_477 = arith.constant 176 : index
        %swap3A_478 = tpu.vector_load %arg14[%swap3A_476, %swap3A_477] {strides = array<i32>} : memref<2x192xi32, #tpu.memory_space<vmem>>, vector<16xi32>,
        tpu.vector_store %arg14[%swap3A_476, %swap3A_477], %broadcast_in_dim3A_0 {strides = array<i32>} : memref<2x192xi32, #tpu.memory_space<vmem>>, vector<16xi32>,
      } else {
      }
      %gt3A = arith.constant 0 : i32
      %gt3A_342 = arith.cmpi sgt, %scan3A_338#0, %gt3A : i32
      %convert_element_type3A_343 = arith.extui %gt3A_342 : i1 to i32
      %cond3A_344 = arith.constant 0 : i32
      %cond3A_345 = arith.cmpi ne, %convert_element_type3A_343, %cond3A_344 : i32
      scf.if %cond3A_345 {
        %dma_start3A_357 = arith.constant 0 : i32
        %dma_start3A_358 = tpu.memref_slice %arg13[%scan3A_338#1, %dma_start3A_357] : memref<2x192xi32, #tpu.memory_space<vmem>> -> memref<1x192xi32, #tpu.memory_space<vmem>>
        %dma_start3A_359 = tpu.memref_squeeze %dma_start3A_358 : memref<1x192xi32, #tpu.memory_space<vmem>> -> memref<192xi32, #tpu.memory_space<vmem>>
        %dma_start3A_360 = arith.constant 0 : i32
        %dma_start3A_361 = arith.constant 0 : i32
        %dma_start3A_362 = tpu.memref_slice %arg2[%dma_start3A_360, %dma_start3A_361] : memref<320000x128xf32, #tpu.memory_space<hbm>> -> memref<320000x128xf32, #tpu.memory_space<hbm>>
        tpu.enqueue_indirect_dma source(%dma_start3A_362 : memref<320000x128xf32, #tpu.memory_space<hbm>>) target(%arg15 : memref<192x128xf32, #tpu.memory_space<vmem>>) offsets(%dma_start3A_359 : memref<192xi32, #tpu.memory_space<vmem>>) semaphore(%arg21 : memref<!tpu.dma_semaphore, #tpu.memory_space<semaphore_mem>>)
        %dma_start3A_363 = arith.constant 0 : i32
        %dma_start3A_364 = tpu.memref_slice %arg14[%scan3A_338#1, %dma_start3A_363] : memref<2x192xi32, #tpu.memory_space<vmem>> -> memref<1x192xi32, #tpu.memory_space<vmem>>
        %dma_start3A_365 = tpu.memref_squeeze %dma_start3A_364 : memref<1x192xi32, #tpu.memory_space<vmem>> -> memref<192xi32, #tpu.memory_space<vmem>>
        %dma_start3A_366 = arith.constant 0 : i32
        %dma_start3A_367 = arith.constant 0 : i32
        %dma_start3A_368 = tpu.memref_slice %arg3[%dma_start3A_366, %dma_start3A_367] : memref<320000x128xf32, #tpu.memory_space<hbm>> -> memref<320000x128xf32, #tpu.memory_space<hbm>>
        tpu.enqueue_indirect_dma source(%dma_start3A_368 : memref<320000x128xf32, #tpu.memory_space<hbm>>) target(%arg16 : memref<192x128xf32, #tpu.memory_space<vmem>>) offsets(%dma_start3A_365 : memref<192xi32, #tpu.memory_space<vmem>>) semaphore(%arg22 : memref<!tpu.dma_semaphore, #tpu.memory_space<semaphore_mem>>)
        %dma_wait3A = arith.constant 0 : i32
        %dma_wait3A_369 = tpu.memref_slice %arg13[%scan3A_338#1, %dma_wait3A] : memref<2x192xi32, #tpu.memory_space<vmem>> -> memref<1x192xi32, #tpu.memory_space<vmem>>
        %dma_wait3A_370 = tpu.memref_squeeze %dma_wait3A_369 : memref<1x192xi32, #tpu.memory_space<vmem>> -> memref<192xi32, #tpu.memory_space<vmem>>
        %dma_wait3A_371 = arith.constant 0 : i32
        %dma_wait3A_372 = arith.constant 0 : i32
        %dma_wait3A_373 = tpu.memref_slice %arg2[%dma_wait3A_371, %dma_wait3A_372] : memref<320000x128xf32, #tpu.memory_space<hbm>> -> memref<320000x128xf32, #tpu.memory_space<hbm>>
        tpu.wait_indirect_dma semaphore(%arg21 : memref<!tpu.dma_semaphore, #tpu.memory_space<semaphore_mem>>) src(%dma_wait3A_373 : memref<320000x128xf32, #tpu.memory_space<hbm>>) dst(%arg15 : memref<192x128xf32, #tpu.memory_space<vmem>>)
        %dma_wait3A_374 = arith.constant 0 : i32
        %dma_wait3A_375 = tpu.memref_slice %arg14[%scan3A_338#1, %dma_wait3A_374] : memref<2x192xi32, #tpu.memory_space<vmem>> -> memref<1x192xi32, #tpu.memory_space<vmem>>
        %dma_wait3A_376 = tpu.memref_squeeze %dma_wait3A_375 : memref<1x192xi32, #tpu.memory_space<vmem>> -> memref<192xi32, #tpu.memory_space<vmem>>
        %dma_wait3A_377 = arith.constant 0 : i32
        %dma_wait3A_378 = arith.constant 0 : i32
        %dma_wait3A_379 = tpu.memref_slice %arg3[%dma_wait3A_377, %dma_wait3A_378] : memref<320000x128xf32, #tpu.memory_space<hbm>> -> memref<320000x128xf32, #tpu.memory_space<hbm>>
        tpu.wait_indirect_dma semaphore(%arg22 : memref<!tpu.dma_semaphore, #tpu.memory_space<semaphore_mem>>) src(%dma_wait3A_379 : memref<320000x128xf32, #tpu.memory_space<hbm>>) dst(%arg16 : memref<192x128xf32, #tpu.memory_space<vmem>>)
        %parallel_loop3A = arith.constant 0 : i32
        %parallel_loop3A_380 = arith.constant 192 : i32
        %parallel_loop3A_381 = arith.constant 1 : i32
        scf.for %parallel_loop3A_490 = %parallel_loop3A to %parallel_loop3A_380 step %parallel_loop3A_381  : i32 {
          %parallel_loop3A_491 = arith.index_cast %parallel_loop3A_490 : i32 to index
          %parallel_loop3A_492 = arith.constant 0 : index
          %parallel_loop3A_493 = tpu.vector_load %arg15[%parallel_loop3A_491, %parallel_loop3A_492] {strides = array<i32>} : memref<192x128xf32, #tpu.memory_space<vmem>>, vector<16xf32>,
          %parallel_loop3A_494 = arith.index_cast %parallel_loop3A_490 : i32 to index
          %parallel_loop3A_495 = arith.constant 0 : index
          %parallel_loop3A_496 = tpu.vector_load %arg16[%parallel_loop3A_494, %parallel_loop3A_495] {strides = array<i32>} : memref<192x128xf32, #tpu.memory_space<vmem>>, vector<16xf32>,
          %parallel_loop3A_497 = arith.mulf %parallel_loop3A_493, %parallel_loop3A_496 : vector<16xf32>
          %parallel_loop3A_498 = arith.index_cast %parallel_loop3A_490 : i32 to index
          %parallel_loop3A_499 = arith.constant 0 : index
          %parallel_loop3A_500 = tpu.vector_load %arg15[%parallel_loop3A_498, %parallel_loop3A_499] {strides = array<i32>} : memref<192x128xf32, #tpu.memory_space<vmem>>, vector<16xf32>,
          tpu.vector_store %arg15[%parallel_loop3A_498, %parallel_loop3A_499], %parallel_loop3A_497 {strides = array<i32>} : memref<192x128xf32, #tpu.memory_space<vmem>>, vector<16xf32>,
          %parallel_loop3A_501 = arith.index_cast %parallel_loop3A_490 : i32 to index
          %parallel_loop3A_502 = arith.constant 16 : index
          %parallel_loop3A_503 = tpu.vector_load %arg15[%parallel_loop3A_501, %parallel_loop3A_502] {strides = array<i32>} : memref<192x128xf32, #tpu.memory_space<vmem>>, vector<16xf32>,
          %parallel_loop3A_504 = arith.index_cast %parallel_loop3A_490 : i32 to index
          %parallel_loop3A_505 = arith.constant 16 : index
          %parallel_loop3A_506 = tpu.vector_load %arg16[%parallel_loop3A_504, %parallel_loop3A_505] {strides = array<i32>} : memref<192x128xf32, #tpu.memory_space<vmem>>, vector<16xf32>,
          %parallel_loop3A_507 = arith.mulf %parallel_loop3A_503, %parallel_loop3A_506 : vector<16xf32>
          %parallel_loop3A_508 = arith.index_cast %parallel_loop3A_490 : i32 to index
          %parallel_loop3A_509 = arith.constant 16 : index
          %parallel_loop3A_510 = tpu.vector_load %arg15[%parallel_loop3A_508, %parallel_loop3A_509] {strides = array<i32>} : memref<192x128xf32, #tpu.memory_space<vmem>>, vector<16xf32>,
          tpu.vector_store %arg15[%parallel_loop3A_508, %parallel_loop3A_509], %parallel_loop3A_507 {strides = array<i32>} : memref<192x128xf32, #tpu.memory_space<vmem>>, vector<16xf32>,
          %parallel_loop3A_511 = arith.index_cast %parallel_loop3A_490 : i32 to index
          %parallel_loop3A_512 = arith.constant 32 : index
          %parallel_loop3A_513 = tpu.vector_load %arg15[%parallel_loop3A_511, %parallel_loop3A_512] {strides = array<i32>} : memref<192x128xf32, #tpu.memory_space<vmem>>, vector<16xf32>,
          %parallel_loop3A_514 = arith.index_cast %parallel_loop3A_490 : i32 to index
          %parallel_loop3A_515 = arith.constant 32 : index
          %parallel_loop3A_516 = tpu.vector_load %arg16[%parallel_loop3A_514, %parallel_loop3A_515] {strides = array<i32>} : memref<192x128xf32, #tpu.memory_space<vmem>>, vector<16xf32>,
          %parallel_loop3A_517 = arith.mulf %parallel_loop3A_513, %parallel_loop3A_516 : vector<16xf32>
          %parallel_loop3A_518 = arith.index_cast %parallel_loop3A_490 : i32 to index
          %parallel_loop3A_519 = arith.constant 32 : index
          %parallel_loop3A_520 = tpu.vector_load %arg15[%parallel_loop3A_518, %parallel_loop3A_519] {strides = array<i32>} : memref<192x128xf32, #tpu.memory_space<vmem>>, vector<16xf32>,
          tpu.vector_store %arg15[%parallel_loop3A_518, %parallel_loop3A_519], %parallel_loop3A_517 {strides = array<i32>} : memref<192x128xf32, #tpu.memory_space<vmem>>, vector<16xf32>,
          %parallel_loop3A_521 = arith.index_cast %parallel_loop3A_490 : i32 to index
          %parallel_loop3A_522 = arith.constant 48 : index
          %parallel_loop3A_523 = tpu.vector_load %arg15[%parallel_loop3A_521, %parallel_loop3A_522] {strides = array<i32>} : memref<192x128xf32, #tpu.memory_space<vmem>>, vector<16xf32>,
          %parallel_loop3A_524 = arith.index_cast %parallel_loop3A_490 : i32 to index
          %parallel_loop3A_525 = arith.constant 48 : index
          %parallel_loop3A_526 = tpu.vector_load %arg16[%parallel_loop3A_524, %parallel_loop3A_525] {strides = array<i32>} : memref<192x128xf32, #tpu.memory_space<vmem>>, vector<16xf32>,
          %parallel_loop3A_527 = arith.mulf %parallel_loop3A_523, %parallel_loop3A_526 : vector<16xf32>
          %parallel_loop3A_528 = arith.index_cast %parallel_loop3A_490 : i32 to index
          %parallel_loop3A_529 = arith.constant 48 : index
          %parallel_loop3A_530 = tpu.vector_load %arg15[%parallel_loop3A_528, %parallel_loop3A_529] {strides = array<i32>} : memref<192x128xf32, #tpu.memory_space<vmem>>, vector<16xf32>,
          tpu.vector_store %arg15[%parallel_loop3A_528, %parallel_loop3A_529], %parallel_loop3A_527 {strides = array<i32>} : memref<192x128xf32, #tpu.memory_space<vmem>>, vector<16xf32>,
          %parallel_loop3A_531 = arith.index_cast %parallel_loop3A_490 : i32 to index
          %parallel_loop3A_532 = arith.constant 64 : index
          %parallel_loop3A_533 = tpu.vector_load %arg15[%parallel_loop3A_531, %parallel_loop3A_532] {strides = array<i32>} : memref<192x128xf32, #tpu.memory_space<vmem>>, vector<16xf32>,
          %parallel_loop3A_534 = arith.index_cast %parallel_loop3A_490 : i32 to index
          %parallel_loop3A_535 = arith.constant 64 : index
          %parallel_loop3A_536 = tpu.vector_load %arg16[%parallel_loop3A_534, %parallel_loop3A_535] {strides = array<i32>} : memref<192x128xf32, #tpu.memory_space<vmem>>, vector<16xf32>,
          %parallel_loop3A_537 = arith.mulf %parallel_loop3A_533, %parallel_loop3A_536 : vector<16xf32>
          %parallel_loop3A_538 = arith.index_cast %parallel_loop3A_490 : i32 to index
          %parallel_loop3A_539 = arith.constant 64 : index
          %parallel_loop3A_540 = tpu.vector_load %arg15[%parallel_loop3A_538, %parallel_loop3A_539] {strides = array<i32>} : memref<192x128xf32, #tpu.memory_space<vmem>>, vector<16xf32>,
          tpu.vector_store %arg15[%parallel_loop3A_538, %parallel_loop3A_539], %parallel_loop3A_537 {strides = array<i32>} : memref<192x128xf32, #tpu.memory_space<vmem>>, vector<16xf32>,
          %parallel_loop3A_541 = arith.index_cast %parallel_loop3A_490 : i32 to index
          %parallel_loop3A_542 = arith.constant 80 : index
          %parallel_loop3A_543 = tpu.vector_load %arg15[%parallel_loop3A_541, %parallel_loop3A_542] {strides = array<i32>} : memref<192x128xf32, #tpu.memory_space<vmem>>, vector<16xf32>,
          %parallel_loop3A_544 = arith.index_cast %parallel_loop3A_490 : i32 to index
          %parallel_loop3A_545 = arith.constant 80 : index
          %parallel_loop3A_546 = tpu.vector_load %arg16[%parallel_loop3A_544, %parallel_loop3A_545] {strides = array<i32>} : memref<192x128xf32, #tpu.memory_space<vmem>>, vector<16xf32>,
          %parallel_loop3A_547 = arith.mulf %parallel_loop3A_543, %parallel_loop3A_546 : vector<16xf32>
          %parallel_loop3A_548 = arith.index_cast %parallel_loop3A_490 : i32 to index
          %parallel_loop3A_549 = arith.constant 80 : index
          %parallel_loop3A_550 = tpu.vector_load %arg15[%parallel_loop3A_548, %parallel_loop3A_549] {strides = array<i32>} : memref<192x128xf32, #tpu.memory_space<vmem>>, vector<16xf32>,
          tpu.vector_store %arg15[%parallel_loop3A_548, %parallel_loop3A_549], %parallel_loop3A_547 {strides = array<i32>} : memref<192x128xf32, #tpu.memory_space<vmem>>, vector<16xf32>,
          %parallel_loop3A_551 = arith.index_cast %parallel_loop3A_490 : i32 to index
          %parallel_loop3A_552 = arith.constant 96 : index
          %parallel_loop3A_553 = tpu.vector_load %arg15[%parallel_loop3A_551, %parallel_loop3A_552] {strides = array<i32>} : memref<192x128xf32, #tpu.memory_space<vmem>>, vector<16xf32>,
          %parallel_loop3A_554 = arith.index_cast %parallel_loop3A_490 : i32 to index
          %parallel_loop3A_555 = arith.constant 96 : index
          %parallel_loop3A_556 = tpu.vector_load %arg16[%parallel_loop3A_554, %parallel_loop3A_555] {strides = array<i32>} : memref<192x128xf32, #tpu.memory_space<vmem>>, vector<16xf32>,
          %parallel_loop3A_557 = arith.mulf %parallel_loop3A_553, %parallel_loop3A_556 : vector<16xf32>
          %parallel_loop3A_558 = arith.index_cast %parallel_loop3A_490 : i32 to index
          %parallel_loop3A_559 = arith.constant 96 : index
          %parallel_loop3A_560 = tpu.vector_load %arg15[%parallel_loop3A_558, %parallel_loop3A_559] {strides = array<i32>} : memref<192x128xf32, #tpu.memory_space<vmem>>, vector<16xf32>,
          tpu.vector_store %arg15[%parallel_loop3A_558, %parallel_loop3A_559], %parallel_loop3A_557 {strides = array<i32>} : memref<192x128xf32, #tpu.memory_space<vmem>>, vector<16xf32>,
          %parallel_loop3A_561 = arith.index_cast %parallel_loop3A_490 : i32 to index
          %parallel_loop3A_562 = arith.constant 112 : index
          %parallel_loop3A_563 = tpu.vector_load %arg15[%parallel_loop3A_561, %parallel_loop3A_562] {strides = array<i32>} : memref<192x128xf32, #tpu.memory_space<vmem>>, vector<16xf32>,
          %parallel_loop3A_564 = arith.index_cast %parallel_loop3A_490 : i32 to index
          %parallel_loop3A_565 = arith.constant 112 : index
          %parallel_loop3A_566 = tpu.vector_load %arg16[%parallel_loop3A_564, %parallel_loop3A_565] {strides = array<i32>} : memref<192x128xf32, #tpu.memory_space<vmem>>, vector<16xf32>,
          %parallel_loop3A_567 = arith.mulf %parallel_loop3A_563, %parallel_loop3A_566 : vector<16xf32>
          %parallel_loop3A_568 = arith.index_cast %parallel_loop3A_490 : i32 to index
          %parallel_loop3A_569 = arith.constant 112 : index
          %parallel_loop3A_570 = tpu.vector_load %arg15[%parallel_loop3A_568, %parallel_loop3A_569] {strides = array<i32>} : memref<192x128xf32, #tpu.memory_space<vmem>>, vector<16xf32>,
          tpu.vector_store %arg15[%parallel_loop3A_568, %parallel_loop3A_569], %parallel_loop3A_567 {strides = array<i32>} : memref<192x128xf32, #tpu.memory_space<vmem>>, vector<16xf32>,
        } {sc.loop_unroll_factor = 8 : i64, sc.parallel_access}
        "tpu.region"() ({
          %run_scoped3A = tpu.sem_alloc : memref<!tpu.dma_semaphore, #tpu.memory_space<semaphore_mem>>
          %dma_start3A_490 = arith.constant 0 : i32
          %dma_start3A_491 = tpu.memref_slice %arg12[%scan3A_338#1, %dma_start3A_490] : memref<2x192xi32, #tpu.memory_space<vmem>> -> memref<1x192xi32, #tpu.memory_space<vmem>>
          %dma_start3A_492 = tpu.memref_squeeze %dma_start3A_491 : memref<1x192xi32, #tpu.memory_space<vmem>> -> memref<192xi32, #tpu.memory_space<vmem>>
          %dma_start3A_493 = arith.constant 0 : i32
          %dma_start3A_494 = arith.constant 0 : i32
          %dma_start3A_495 = tpu.memref_slice %arg17[%dma_start3A_493, %dma_start3A_494] : memref<8192x128xf32, #tpu.memory_space<vmem_shared>> -> memref<8192x128xf32, #tpu.memory_space<vmem_shared>>
          tpu.enqueue_indirect_dma source(%arg15 : memref<192x128xf32, #tpu.memory_space<vmem>>) target(%dma_start3A_495 : memref<8192x128xf32, #tpu.memory_space<vmem_shared>>) offsets(%dma_start3A_492 : memref<192xi32, #tpu.memory_space<vmem>>) semaphore(%run_scoped3A : memref<!tpu.dma_semaphore, #tpu.memory_space<semaphore_mem>>) {add = true}
          %dma_wait3A_496 = arith.constant 0 : i32
          %dma_wait3A_497 = tpu.memref_slice %arg12[%scan3A_338#1, %dma_wait3A_496] : memref<2x192xi32, #tpu.memory_space<vmem>> -> memref<1x192xi32, #tpu.memory_space<vmem>>
          %dma_wait3A_498 = tpu.memref_squeeze %dma_wait3A_497 : memref<1x192xi32, #tpu.memory_space<vmem>> -> memref<192xi32, #tpu.memory_space<vmem>>
          %dma_wait3A_499 = arith.constant 0 : i32
          %dma_wait3A_500 = arith.constant 0 : i32
          %dma_wait3A_501 = tpu.memref_slice %arg17[%dma_wait3A_499, %dma_wait3A_500] : memref<8192x128xf32, #tpu.memory_space<vmem_shared>> -> memref<8192x128xf32, #tpu.memory_space<vmem_shared>>
          tpu.wait_indirect_dma semaphore(%run_scoped3A : memref<!tpu.dma_semaphore, #tpu.memory_space<semaphore_mem>>) src(%arg15 : memref<192x128xf32, #tpu.memory_space<vmem>>) dst(%dma_wait3A_501 : memref<8192x128xf32, #tpu.memory_space<vmem_shared>>)
          tpu.yield
        }) : () -> ()
        %swap3A_382 = arith.index_cast %scan3A_338#1 : i32 to index
        %swap3A_383 = arith.constant 0 : index
        %swap3A_384 = tpu.vector_load %arg12[%swap3A_382, %swap3A_383] {strides = array<i32>} : memref<2x192xi32, #tpu.memory_space<vmem>>, vector<16xi32>,
        tpu.vector_store %arg12[%swap3A_382, %swap3A_383], %broadcast_in_dim3A_2 {strides = array<i32>} : memref<2x192xi32, #tpu.memory_space<vmem>>, vector<16xi32>,
        %swap3A_385 = arith.index_cast %scan3A_338#1 : i32 to index
        %swap3A_386 = arith.constant 0 : index
        %swap3A_387 = tpu.vector_load %arg13[%swap3A_385, %swap3A_386] {strides = array<i32>} : memref<2x192xi32, #tpu.memory_space<vmem>>, vector<16xi32>,
        tpu.vector_store %arg13[%swap3A_385, %swap3A_386], %broadcast_in_dim3A_0 {strides = array<i32>} : memref<2x192xi32, #tpu.memory_space<vmem>>, vector<16xi32>,
        %swap3A_388 = arith.index_cast %scan3A_338#1 : i32 to index
        %swap3A_389 = arith.constant 0 : index
        %swap3A_390 = tpu.vector_load %arg14[%swap3A_388, %swap3A_389] {strides = array<i32>} : memref<2x192xi32, #tpu.memory_space<vmem>>, vector<16xi32>,
        tpu.vector_store %arg14[%swap3A_388, %swap3A_389], %broadcast_in_dim3A_0 {strides = array<i32>} : memref<2x192xi32, #tpu.memory_space<vmem>>, vector<16xi32>,
        %swap3A_391 = arith.index_cast %scan3A_338#1 : i32 to index
        %swap3A_392 = arith.constant 16 : index
        %swap3A_393 = tpu.vector_load %arg12[%swap3A_391, %swap3A_392] {strides = array<i32>} : memref<2x192xi32, #tpu.memory_space<vmem>>, vector<16xi32>,
        tpu.vector_store %arg12[%swap3A_391, %swap3A_392], %broadcast_in_dim3A_2 {strides = array<i32>} : memref<2x192xi32, #tpu.memory_space<vmem>>, vector<16xi32>,
        %swap3A_394 = arith.index_cast %scan3A_338#1 : i32 to index
        %swap3A_395 = arith.constant 16 : index
        %swap3A_396 = tpu.vector_load %arg13[%swap3A_394, %swap3A_395] {strides = array<i32>} : memref<2x192xi32, #tpu.memory_space<vmem>>, vector<16xi32>,
        tpu.vector_store %arg13[%swap3A_394, %swap3A_395], %broadcast_in_dim3A_0 {strides = array<i32>} : memref<2x192xi32, #tpu.memory_space<vmem>>, vector<16xi32>,
        %swap3A_397 = arith.index_cast %scan3A_338#1 : i32 to index
        %swap3A_398 = arith.constant 16 : index
        %swap3A_399 = tpu.vector_load %arg14[%swap3A_397, %swap3A_398] {strides = array<i32>} : memref<2x192xi32, #tpu.memory_space<vmem>>, vector<16xi32>,
        tpu.vector_store %arg14[%swap3A_397, %swap3A_398], %broadcast_in_dim3A_0 {strides = array<i32>} : memref<2x192xi32, #tpu.memory_space<vmem>>, vector<16xi32>,
        %swap3A_400 = arith.index_cast %scan3A_338#1 : i32 to index
        %swap3A_401 = arith.constant 32 : index
        %swap3A_402 = tpu.vector_load %arg12[%swap3A_400, %swap3A_401] {strides = array<i32>} : memref<2x192xi32, #tpu.memory_space<vmem>>, vector<16xi32>,
        tpu.vector_store %arg12[%swap3A_400, %swap3A_401], %broadcast_in_dim3A_2 {strides = array<i32>} : memref<2x192xi32, #tpu.memory_space<vmem>>, vector<16xi32>,
        %swap3A_403 = arith.index_cast %scan3A_338#1 : i32 to index
        %swap3A_404 = arith.constant 32 : index
        %swap3A_405 = tpu.vector_load %arg13[%swap3A_403, %swap3A_404] {strides = array<i32>} : memref<2x192xi32, #tpu.memory_space<vmem>>, vector<16xi32>,
        tpu.vector_store %arg13[%swap3A_403, %swap3A_404], %broadcast_in_dim3A_0 {strides = array<i32>} : memref<2x192xi32, #tpu.memory_space<vmem>>, vector<16xi32>,
        %swap3A_406 = arith.index_cast %scan3A_338#1 : i32 to index
        %swap3A_407 = arith.constant 32 : index
        %swap3A_408 = tpu.vector_load %arg14[%swap3A_406, %swap3A_407] {strides = array<i32>} : memref<2x192xi32, #tpu.memory_space<vmem>>, vector<16xi32>,
        tpu.vector_store %arg14[%swap3A_406, %swap3A_407], %broadcast_in_dim3A_0 {strides = array<i32>} : memref<2x192xi32, #tpu.memory_space<vmem>>, vector<16xi32>,
        %swap3A_409 = arith.index_cast %scan3A_338#1 : i32 to index
        %swap3A_410 = arith.constant 48 : index
        %swap3A_411 = tpu.vector_load %arg12[%swap3A_409, %swap3A_410] {strides = array<i32>} : memref<2x192xi32, #tpu.memory_space<vmem>>, vector<16xi32>,
        tpu.vector_store %arg12[%swap3A_409, %swap3A_410], %broadcast_in_dim3A_2 {strides = array<i32>} : memref<2x192xi32, #tpu.memory_space<vmem>>, vector<16xi32>,
        %swap3A_412 = arith.index_cast %scan3A_338#1 : i32 to index
        %swap3A_413 = arith.constant 48 : index
        %swap3A_414 = tpu.vector_load %arg13[%swap3A_412, %swap3A_413] {strides = array<i32>} : memref<2x192xi32, #tpu.memory_space<vmem>>, vector<16xi32>,
        tpu.vector_store %arg13[%swap3A_412, %swap3A_413], %broadcast_in_dim3A_0 {strides = array<i32>} : memref<2x192xi32, #tpu.memory_space<vmem>>, vector<16xi32>,
        %swap3A_415 = arith.index_cast %scan3A_338#1 : i32 to index
        %swap3A_416 = arith.constant 48 : index
        %swap3A_417 = tpu.vector_load %arg14[%swap3A_415, %swap3A_416] {strides = array<i32>} : memref<2x192xi32, #tpu.memory_space<vmem>>, vector<16xi32>,
        tpu.vector_store %arg14[%swap3A_415, %swap3A_416], %broadcast_in_dim3A_0 {strides = array<i32>} : memref<2x192xi32, #tpu.memory_space<vmem>>, vector<16xi32>,
        %swap3A_418 = arith.index_cast %scan3A_338#1 : i32 to index
        %swap3A_419 = arith.constant 64 : index
        %swap3A_420 = tpu.vector_load %arg12[%swap3A_418, %swap3A_419] {strides = array<i32>} : memref<2x192xi32, #tpu.memory_space<vmem>>, vector<16xi32>,
        tpu.vector_store %arg12[%swap3A_418, %swap3A_419], %broadcast_in_dim3A_2 {strides = array<i32>} : memref<2x192xi32, #tpu.memory_space<vmem>>, vector<16xi32>,
        %swap3A_421 = arith.index_cast %scan3A_338#1 : i32 to index
        %swap3A_422 = arith.constant 64 : index
        %swap3A_423 = tpu.vector_load %arg13[%swap3A_421, %swap3A_422] {strides = array<i32>} : memref<2x192xi32, #tpu.memory_space<vmem>>, vector<16xi32>,
        tpu.vector_store %arg13[%swap3A_421, %swap3A_422], %broadcast_in_dim3A_0 {strides = array<i32>} : memref<2x192xi32, #tpu.memory_space<vmem>>, vector<16xi32>,
        %swap3A_424 = arith.index_cast %scan3A_338#1 : i32 to index
        %swap3A_425 = arith.constant 64 : index
        %swap3A_426 = tpu.vector_load %arg14[%swap3A_424, %swap3A_425] {strides = array<i32>} : memref<2x192xi32, #tpu.memory_space<vmem>>, vector<16xi32>,
        tpu.vector_store %arg14[%swap3A_424, %swap3A_425], %broadcast_in_dim3A_0 {strides = array<i32>} : memref<2x192xi32, #tpu.memory_space<vmem>>, vector<16xi32>,
        %swap3A_427 = arith.index_cast %scan3A_338#1 : i32 to index
        %swap3A_428 = arith.constant 80 : index
        %swap3A_429 = tpu.vector_load %arg12[%swap3A_427, %swap3A_428] {strides = array<i32>} : memref<2x192xi32, #tpu.memory_space<vmem>>, vector<16xi32>,
        tpu.vector_store %arg12[%swap3A_427, %swap3A_428], %broadcast_in_dim3A_2 {strides = array<i32>} : memref<2x192xi32, #tpu.memory_space<vmem>>, vector<16xi32>,
        %swap3A_430 = arith.index_cast %scan3A_338#1 : i32 to index
        %swap3A_431 = arith.constant 80 : index
        %swap3A_432 = tpu.vector_load %arg13[%swap3A_430, %swap3A_431] {strides = array<i32>} : memref<2x192xi32, #tpu.memory_space<vmem>>, vector<16xi32>,
        tpu.vector_store %arg13[%swap3A_430, %swap3A_431], %broadcast_in_dim3A_0 {strides = array<i32>} : memref<2x192xi32, #tpu.memory_space<vmem>>, vector<16xi32>,
        %swap3A_433 = arith.index_cast %scan3A_338#1 : i32 to index
        %swap3A_434 = arith.constant 80 : index
        %swap3A_435 = tpu.vector_load %arg14[%swap3A_433, %swap3A_434] {strides = array<i32>} : memref<2x192xi32, #tpu.memory_space<vmem>>, vector<16xi32>,
        tpu.vector_store %arg14[%swap3A_433, %swap3A_434], %broadcast_in_dim3A_0 {strides = array<i32>} : memref<2x192xi32, #tpu.memory_space<vmem>>, vector<16xi32>,
        %swap3A_436 = arith.index_cast %scan3A_338#1 : i32 to index
        %swap3A_437 = arith.constant 96 : index
        %swap3A_438 = tpu.vector_load %arg12[%swap3A_436, %swap3A_437] {strides = array<i32>} : memref<2x192xi32, #tpu.memory_space<vmem>>, vector<16xi32>,
        tpu.vector_store %arg12[%swap3A_436, %swap3A_437], %broadcast_in_dim3A_2 {strides = array<i32>} : memref<2x192xi32, #tpu.memory_space<vmem>>, vector<16xi32>,
        %swap3A_439 = arith.index_cast %scan3A_338#1 : i32 to index
        %swap3A_440 = arith.constant 96 : index
        %swap3A_441 = tpu.vector_load %arg13[%swap3A_439, %swap3A_440] {strides = array<i32>} : memref<2x192xi32, #tpu.memory_space<vmem>>, vector<16xi32>,
        tpu.vector_store %arg13[%swap3A_439, %swap3A_440], %broadcast_in_dim3A_0 {strides = array<i32>} : memref<2x192xi32, #tpu.memory_space<vmem>>, vector<16xi32>,
        %swap3A_442 = arith.index_cast %scan3A_338#1 : i32 to index
        %swap3A_443 = arith.constant 96 : index
        %swap3A_444 = tpu.vector_load %arg14[%swap3A_442, %swap3A_443] {strides = array<i32>} : memref<2x192xi32, #tpu.memory_space<vmem>>, vector<16xi32>,
        tpu.vector_store %arg14[%swap3A_442, %swap3A_443], %broadcast_in_dim3A_0 {strides = array<i32>} : memref<2x192xi32, #tpu.memory_space<vmem>>, vector<16xi32>,
        %swap3A_445 = arith.index_cast %scan3A_338#1 : i32 to index
        %swap3A_446 = arith.constant 112 : index
        %swap3A_447 = tpu.vector_load %arg12[%swap3A_445, %swap3A_446] {strides = array<i32>} : memref<2x192xi32, #tpu.memory_space<vmem>>, vector<16xi32>,
        tpu.vector_store %arg12[%swap3A_445, %swap3A_446], %broadcast_in_dim3A_2 {strides = array<i32>} : memref<2x192xi32, #tpu.memory_space<vmem>>, vector<16xi32>,
        %swap3A_448 = arith.index_cast %scan3A_338#1 : i32 to index
        %swap3A_449 = arith.constant 112 : index
        %swap3A_450 = tpu.vector_load %arg13[%swap3A_448, %swap3A_449] {strides = array<i32>} : memref<2x192xi32, #tpu.memory_space<vmem>>, vector<16xi32>,
        tpu.vector_store %arg13[%swap3A_448, %swap3A_449], %broadcast_in_dim3A_0 {strides = array<i32>} : memref<2x192xi32, #tpu.memory_space<vmem>>, vector<16xi32>,
        %swap3A_451 = arith.index_cast %scan3A_338#1 : i32 to index
        %swap3A_452 = arith.constant 112 : index
        %swap3A_453 = tpu.vector_load %arg14[%swap3A_451, %swap3A_452] {strides = array<i32>} : memref<2x192xi32, #tpu.memory_space<vmem>>, vector<16xi32>,
        tpu.vector_store %arg14[%swap3A_451, %swap3A_452], %broadcast_in_dim3A_0 {strides = array<i32>} : memref<2x192xi32, #tpu.memory_space<vmem>>, vector<16xi32>,
        %swap3A_454 = arith.index_cast %scan3A_338#1 : i32 to index
        %swap3A_455 = arith.constant 128 : index
        %swap3A_456 = tpu.vector_load %arg12[%swap3A_454, %swap3A_455] {strides = array<i32>} : memref<2x192xi32, #tpu.memory_space<vmem>>, vector<16xi32>,
        tpu.vector_store %arg12[%swap3A_454, %swap3A_455], %broadcast_in_dim3A_2 {strides = array<i32>} : memref<2x192xi32, #tpu.memory_space<vmem>>, vector<16xi32>,
        %swap3A_457 = arith.index_cast %scan3A_338#1 : i32 to index
        %swap3A_458 = arith.constant 128 : index
        %swap3A_459 = tpu.vector_load %arg13[%swap3A_457, %swap3A_458] {strides = array<i32>} : memref<2x192xi32, #tpu.memory_space<vmem>>, vector<16xi32>,
        tpu.vector_store %arg13[%swap3A_457, %swap3A_458], %broadcast_in_dim3A_0 {strides = array<i32>} : memref<2x192xi32, #tpu.memory_space<vmem>>, vector<16xi32>,
        %swap3A_460 = arith.index_cast %scan3A_338#1 : i32 to index
        %swap3A_461 = arith.constant 128 : index
        %swap3A_462 = tpu.vector_load %arg14[%swap3A_460, %swap3A_461] {strides = array<i32>} : memref<2x192xi32, #tpu.memory_space<vmem>>, vector<16xi32>,
        tpu.vector_store %arg14[%swap3A_460, %swap3A_461], %broadcast_in_dim3A_0 {strides = array<i32>} : memref<2x192xi32, #tpu.memory_space<vmem>>, vector<16xi32>,
        %swap3A_463 = arith.index_cast %scan3A_338#1 : i32 to index
        %swap3A_464 = arith.constant 144 : index
        %swap3A_465 = tpu.vector_load %arg12[%swap3A_463, %swap3A_464] {strides = array<i32>} : memref<2x192xi32, #tpu.memory_space<vmem>>, vector<16xi32>,
        tpu.vector_store %arg12[%swap3A_463, %swap3A_464], %broadcast_in_dim3A_2 {strides = array<i32>} : memref<2x192xi32, #tpu.memory_space<vmem>>, vector<16xi32>,
        %swap3A_466 = arith.index_cast %scan3A_338#1 : i32 to index
        %swap3A_467 = arith.constant 144 : index
        %swap3A_468 = tpu.vector_load %arg13[%swap3A_466, %swap3A_467] {strides = array<i32>} : memref<2x192xi32, #tpu.memory_space<vmem>>, vector<16xi32>,
        tpu.vector_store %arg13[%swap3A_466, %swap3A_467], %broadcast_in_dim3A_0 {strides = array<i32>} : memref<2x192xi32, #tpu.memory_space<vmem>>, vector<16xi32>,
        %swap3A_469 = arith.index_cast %scan3A_338#1 : i32 to index
        %swap3A_470 = arith.constant 144 : index
        %swap3A_471 = tpu.vector_load %arg14[%swap3A_469, %swap3A_470] {strides = array<i32>} : memref<2x192xi32, #tpu.memory_space<vmem>>, vector<16xi32>,
        tpu.vector_store %arg14[%swap3A_469, %swap3A_470], %broadcast_in_dim3A_0 {strides = array<i32>} : memref<2x192xi32, #tpu.memory_space<vmem>>, vector<16xi32>,
        %swap3A_472 = arith.index_cast %scan3A_338#1 : i32 to index
        %swap3A_473 = arith.constant 160 : index
        %swap3A_474 = tpu.vector_load %arg12[%swap3A_472, %swap3A_473] {strides = array<i32>} : memref<2x192xi32, #tpu.memory_space<vmem>>, vector<16xi32>,
        tpu.vector_store %arg12[%swap3A_472, %swap3A_473], %broadcast_in_dim3A_2 {strides = array<i32>} : memref<2x192xi32, #tpu.memory_space<vmem>>, vector<16xi32>,
        %swap3A_475 = arith.index_cast %scan3A_338#1 : i32 to index
        %swap3A_476 = arith.constant 160 : index
        %swap3A_477 = tpu.vector_load %arg13[%swap3A_475, %swap3A_476] {strides = array<i32>} : memref<2x192xi32, #tpu.memory_space<vmem>>, vector<16xi32>,
        tpu.vector_store %arg13[%swap3A_475, %swap3A_476], %broadcast_in_dim3A_0 {strides = array<i32>} : memref<2x192xi32, #tpu.memory_space<vmem>>, vector<16xi32>,
        %swap3A_478 = arith.index_cast %scan3A_338#1 : i32 to index
        %swap3A_479 = arith.constant 160 : index
        %swap3A_480 = tpu.vector_load %arg14[%swap3A_478, %swap3A_479] {strides = array<i32>} : memref<2x192xi32, #tpu.memory_space<vmem>>, vector<16xi32>,
        tpu.vector_store %arg14[%swap3A_478, %swap3A_479], %broadcast_in_dim3A_0 {strides = array<i32>} : memref<2x192xi32, #tpu.memory_space<vmem>>, vector<16xi32>,
        %swap3A_481 = arith.index_cast %scan3A_338#1 : i32 to index
        %swap3A_482 = arith.constant 176 : index
        %swap3A_483 = tpu.vector_load %arg12[%swap3A_481, %swap3A_482] {strides = array<i32>} : memref<2x192xi32, #tpu.memory_space<vmem>>, vector<16xi32>,
        tpu.vector_store %arg12[%swap3A_481, %swap3A_482], %broadcast_in_dim3A_2 {strides = array<i32>} : memref<2x192xi32, #tpu.memory_space<vmem>>, vector<16xi32>,
        %swap3A_484 = arith.index_cast %scan3A_338#1 : i32 to index
        %swap3A_485 = arith.constant 176 : index
        %swap3A_486 = tpu.vector_load %arg13[%swap3A_484, %swap3A_485] {strides = array<i32>} : memref<2x192xi32, #tpu.memory_space<vmem>>, vector<16xi32>,
        tpu.vector_store %arg13[%swap3A_484, %swap3A_485], %broadcast_in_dim3A_0 {strides = array<i32>} : memref<2x192xi32, #tpu.memory_space<vmem>>, vector<16xi32>,
        %swap3A_487 = arith.index_cast %scan3A_338#1 : i32 to index
        %swap3A_488 = arith.constant 176 : index
        %swap3A_489 = tpu.vector_load %arg14[%swap3A_487, %swap3A_488] {strides = array<i32>} : memref<2x192xi32, #tpu.memory_space<vmem>>, vector<16xi32>,
        tpu.vector_store %arg14[%swap3A_487, %swap3A_488], %broadcast_in_dim3A_0 {strides = array<i32>} : memref<2x192xi32, #tpu.memory_space<vmem>>, vector<16xi32>,
      } else {
      }
      %barrier3A_346 = arith.constant 0 : index
      tpu.barrier barrier_id(%barrier3A_346)
      %mul3A_347 = arith.constant 500 : i32
      %mul3A_348 = arith.muli %arg1, %mul3A_347 : i32
      %mul3A_349 = arith.constant 500 : i32
      %mul3A_350 = arith.muli %arg1, %mul3A_349 : i32
      %add3A_351 = arith.addi %mul3A_302, %mul3A_350 : i32
      "tpu.region"() ({
        %run_scoped3A = tpu.sem_alloc : memref<!tpu.dma_semaphore, #tpu.memory_space<semaphore_mem>>
        %dma_start3A_357 = arith.constant 0 : i32
        %dma_start3A_358 = tpu.memref_slice %arg8[%add3A_351, %dma_start3A_357] : memref<320000x128xf32, #tpu.memory_space<hbm>> -> memref<500x128xf32, #tpu.memory_space<hbm>>
        %dma_start3A_359 = arith.constant 0 : i32
        %dma_start3A_360 = tpu.memref_slice %arg17[%mul3A_348, %dma_start3A_359] : memref<8192x128xf32, #tpu.memory_space<vmem_shared>> -> memref<500x128xf32, #tpu.memory_space<vmem_shared>>
        tpu.enqueue_dma source(%dma_start3A_360 : memref<500x128xf32, #tpu.memory_space<vmem_shared>>) target(%dma_start3A_358 : memref<500x128xf32, #tpu.memory_space<hbm>>) target_semaphore(%run_scoped3A : memref<!tpu.dma_semaphore, #tpu.memory_space<semaphore_mem>>)
        %dma_wait3A = arith.constant 0 : i32
        %dma_wait3A_361 = tpu.memref_slice %arg8[%add3A_351, %dma_wait3A] : memref<320000x128xf32, #tpu.memory_space<hbm>> -> memref<500x128xf32, #tpu.memory_space<hbm>>
        %dma_wait3A_362 = arith.constant 0 : i32
        %dma_wait3A_363 = tpu.memref_slice %arg17[%mul3A_348, %dma_wait3A_362] : memref<8192x128xf32, #tpu.memory_space<vmem_shared>> -> memref<500x128xf32, #tpu.memory_space<vmem_shared>>
        tpu.wait_dma2 semaphore(%run_scoped3A : memref<!tpu.dma_semaphore, #tpu.memory_space<semaphore_mem>>) src(%dma_wait3A_363 : memref<500x128xf32, #tpu.memory_space<vmem_shared>>) dst(%dma_wait3A_361 : memref<500x128xf32, #tpu.memory_space<hbm>>)
        tpu.yield
      }) : () -> ()
      %barrier3A_352 = arith.constant 0 : index
      tpu.barrier barrier_id(%barrier3A_352)
      %mul3A_353 = arith.constant 512 : i32
      %mul3A_354 = arith.muli %arg1, %mul3A_353 : i32
      "tpu.region"() ({
        %run_scoped3A = tpu.sem_alloc : memref<!tpu.dma_semaphore, #tpu.memory_space<semaphore_mem>>
        %dma_start3A_357 = arith.constant 0 : i32
        %dma_start3A_358 = tpu.memref_slice %arg17[%mul3A_354, %dma_start3A_357] : memref<8192x128xf32, #tpu.memory_space<vmem_shared>> -> memref<512x128xf32, #tpu.memory_space<vmem_shared>>
        tpu.enqueue_dma source(%arg7 : memref<512x128xf32, #tpu.memory_space<hbm>>) target(%dma_start3A_358 : memref<512x128xf32, #tpu.memory_space<vmem_shared>>) target_semaphore(%run_scoped3A : memref<!tpu.dma_semaphore, #tpu.memory_space<semaphore_mem>>)
        %dma_wait3A = arith.constant 0 : i32
        %dma_wait3A_359 = tpu.memref_slice %arg17[%mul3A_354, %dma_wait3A] : memref<8192x128xf32, #tpu.memory_space<vmem_shared>> -> memref<512x128xf32, #tpu.memory_space<vmem_shared>>
        tpu.wait_dma2 semaphore(%run_scoped3A : memref<!tpu.dma_semaphore, #tpu.memory_space<semaphore_mem>>) src(%arg7 : memref<512x128xf32, #tpu.memory_space<hbm>>) dst(%dma_wait3A_359 : memref<512x128xf32, #tpu.memory_space<vmem_shared>>)
        tpu.yield
      }) : () -> ()
      %barrier3A_355 = arith.constant 0 : index
      tpu.barrier barrier_id(%barrier3A_355)
      %scan3A_356 = arith.constant 0 : i32
      scf.yield %scan3A_356 : i32
    }
    %scan3A_296 = arith.constant 20 : i32
    return
  }
}

module attributes {stable_mosaic.version = 14 : i64} {
  func.func @_mlp_body(%arg0: i32, %arg1: memref<2000x128xf32, #tpu.memory_space<vmem>>, %arg2: memref<128x128xf32, #tpu.memory_space<vmem>>, %arg3: memref<1x128xf32, #tpu.memory_space<vmem>>, %arg4: memref<128x128xf32, #tpu.memory_space<vmem>>, %arg5: memref<1x128xf32, #tpu.memory_space<vmem>>, %arg6: memref<128x128xf32, #tpu.memory_space<vmem>>, %arg7: memref<1x128xf32, #tpu.memory_space<vmem>>, %arg8: memref<128x128xf32, #tpu.memory_space<vmem>>, %arg9: memref<1x128xf32, #tpu.memory_space<vmem>>, %arg10: memref<2000x128xf32, #tpu.memory_space<vmem>>, %arg11: memref<2000x128xf32, #tpu.memory_space<vmem>>) attributes {dimension_semantics = [#tpu.dimension_semantics<arbitrary>], iteration_bounds = array<i64: 160>, scalar_prefetch = 0 : i64, scratch_operands = 0 : i64, tpu.core_type = #tpu.core_type<tc>, window_params = [{transform_indices = @transform_0, window_bounds = array<i64: 2000, 128>}, {pipeline_mode = #tpu.pipeline_mode<synchronous>, transform_indices = @transform_1, window_bounds = array<i64: 128, 128>}, {pipeline_mode = #tpu.pipeline_mode<synchronous>, transform_indices = @transform_2, window_bounds = array<i64: 1, 128>}, {pipeline_mode = #tpu.pipeline_mode<synchronous>, transform_indices = @transform_3, window_bounds = array<i64: 128, 128>}, {pipeline_mode = #tpu.pipeline_mode<synchronous>, transform_indices = @transform_4, window_bounds = array<i64: 1, 128>}, {pipeline_mode = #tpu.pipeline_mode<synchronous>, transform_indices = @transform_5, window_bounds = array<i64: 128, 128>}, {pipeline_mode = #tpu.pipeline_mode<synchronous>, transform_indices = @transform_6, window_bounds = array<i64: 1, 128>}, {pipeline_mode = #tpu.pipeline_mode<synchronous>, transform_indices = @transform_7, window_bounds = array<i64: 128, 128>}, {pipeline_mode = #tpu.pipeline_mode<synchronous>, transform_indices = @transform_8, window_bounds = array<i64: 1, 128>}, {transform_indices = @transform_9, window_bounds = array<i64: 2000, 128>}, {transform_indices = @transform_10, window_bounds = array<i64: 2000, 128>}]} {
    %get3A = arith.constant 0 : index
    %get3A_0 = arith.constant 0 : index
    %get3A_1 = vector.load %arg1[%get3A, %get3A_0] : memref<2000x128xf32, #tpu.memory_space<vmem>>, vector<2000x128xf32>
    %get3A_2 = arith.constant 0 : index
    %get3A_3 = arith.constant 0 : index
    %get3A_4 = vector.load %arg2[%get3A_2, %get3A_3] : memref<128x128xf32, #tpu.memory_space<vmem>>, vector<128x128xf32>
    %dot_general3A = arith.constant dense<0.000000e+00> : vector<2000x128xf32>
    %dot_general3A_5 = tpu.matmul %get3A_1, %get3A_4, %dot_general3A {dimension_numbers = #tpu.dot_dimension_numbers<[1], [0], [0], [1], [0, 0, 1, 1], [], []>, transpose_lhs_hint = false} : vector<2000x128xf32>, vector<128x128xf32>, vector<2000x128xf32> -> vector<2000x128xf32>
    %get3A_6 = arith.constant 0 : index
    %get3A_7 = arith.constant 0 : index
    %get3A_8 = vector.load %arg3[%get3A_6, %get3A_7] : memref<1x128xf32, #tpu.memory_space<vmem>>, vector<1x128xf32>
    %add3A = vector.broadcast %get3A_8 : vector<1x128xf32> to vector<2000x128xf32>
    %add3A_9 = arith.addf %dot_general3A_5, %add3A : vector<2000x128xf32>
    %max3A = arith.constant 0.000000e+00 : f32
    %max3A_10 = vector.broadcast %max3A : f32 to vector<2000x128xf32>
    %max3A_11 = arith.maximumf %add3A_9, %max3A_10 : vector<2000x128xf32>
    %get3A_12 = arith.constant 0 : index
    %get3A_13 = arith.constant 0 : index
    %get3A_14 = vector.load %arg4[%get3A_12, %get3A_13] : memref<128x128xf32, #tpu.memory_space<vmem>>, vector<128x128xf32>
    %dot_general3A_15 = arith.constant dense<0.000000e+00> : vector<2000x128xf32>
    %dot_general3A_16 = tpu.matmul %max3A_11, %get3A_14, %dot_general3A_15 {dimension_numbers = #tpu.dot_dimension_numbers<[1], [0], [0], [1], [0, 0, 1, 1], [], []>, transpose_lhs_hint = false} : vector<2000x128xf32>, vector<128x128xf32>, vector<2000x128xf32> -> vector<2000x128xf32>
    %get3A_17 = arith.constant 0 : index
    %get3A_18 = arith.constant 0 : index
    %get3A_19 = vector.load %arg5[%get3A_17, %get3A_18] : memref<1x128xf32, #tpu.memory_space<vmem>>, vector<1x128xf32>
    %add3A_20 = vector.broadcast %get3A_19 : vector<1x128xf32> to vector<2000x128xf32>
    %add3A_21 = arith.addf %dot_general3A_16, %add3A_20 : vector<2000x128xf32>
    %swap3A = arith.constant 0 : index
    %swap3A_22 = arith.constant 0 : index
    %swap3A_23 = vector.load %arg10[%swap3A, %swap3A_22] : memref<2000x128xf32, #tpu.memory_space<vmem>>, vector<2000x128xf32>
    tpu.vector_store %arg10[%swap3A, %swap3A_22], %add3A_21 {strides = array<i32>} : memref<2000x128xf32, #tpu.memory_space<vmem>>, vector<2000x128xf32>,
    %get3A_24 = arith.constant 0 : index
    %get3A_25 = arith.constant 0 : index
    %get3A_26 = vector.load %arg6[%get3A_24, %get3A_25] : memref<128x128xf32, #tpu.memory_space<vmem>>, vector<128x128xf32>
    %dot_general3A_27 = arith.constant dense<0.000000e+00> : vector<2000x128xf32>
    %dot_general3A_28 = tpu.matmul %get3A_1, %get3A_26, %dot_general3A_27 {dimension_numbers = #tpu.dot_dimension_numbers<[1], [0], [0], [1], [0, 0, 1, 1], [], []>, transpose_lhs_hint = false} : vector<2000x128xf32>, vector<128x128xf32>, vector<2000x128xf32> -> vector<2000x128xf32>
    %get3A_29 = arith.constant 0 : index
    %get3A_30 = arith.constant 0 : index
    %get3A_31 = vector.load %arg7[%get3A_29, %get3A_30] : memref<1x128xf32, #tpu.memory_space<vmem>>, vector<1x128xf32>
    %add3A_32 = vector.broadcast %get3A_31 : vector<1x128xf32> to vector<2000x128xf32>
    %add3A_33 = arith.addf %dot_general3A_28, %add3A_32 : vector<2000x128xf32>
    %max3A_34 = arith.constant 0.000000e+00 : f32
    %max3A_35 = vector.broadcast %max3A_34 : f32 to vector<2000x128xf32>
    %max3A_36 = arith.maximumf %add3A_33, %max3A_35 : vector<2000x128xf32>
    %get3A_37 = arith.constant 0 : index
    %get3A_38 = arith.constant 0 : index
    %get3A_39 = vector.load %arg8[%get3A_37, %get3A_38] : memref<128x128xf32, #tpu.memory_space<vmem>>, vector<128x128xf32>
    %dot_general3A_40 = arith.constant dense<0.000000e+00> : vector<2000x128xf32>
    %dot_general3A_41 = tpu.matmul %max3A_36, %get3A_39, %dot_general3A_40 {dimension_numbers = #tpu.dot_dimension_numbers<[1], [0], [0], [1], [0, 0, 1, 1], [], []>, transpose_lhs_hint = false} : vector<2000x128xf32>, vector<128x128xf32>, vector<2000x128xf32> -> vector<2000x128xf32>
    %get3A_42 = arith.constant 0 : index
    %get3A_43 = arith.constant 0 : index
    %get3A_44 = vector.load %arg9[%get3A_42, %get3A_43] : memref<1x128xf32, #tpu.memory_space<vmem>>, vector<1x128xf32>
    %add3A_45 = vector.broadcast %get3A_44 : vector<1x128xf32> to vector<2000x128xf32>
    %add3A_46 = arith.addf %dot_general3A_41, %add3A_45 : vector<2000x128xf32>
    %swap3A_47 = arith.constant 0 : index
    %swap3A_48 = arith.constant 0 : index
    %swap3A_49 = vector.load %arg11[%swap3A_47, %swap3A_48] : memref<2000x128xf32, #tpu.memory_space<vmem>>, vector<2000x128xf32>
    tpu.vector_store %arg11[%swap3A_47, %swap3A_48], %add3A_46 {strides = array<i32>} : memref<2000x128xf32, #tpu.memory_space<vmem>>, vector<2000x128xf32>,
    return
  }
  func.func @transform_0(%arg0: i32) -> (i32, i32) {
    %c0_i32 = arith.constant 0 : i32
    %c0_i32_0 = arith.constant 0 : i32
    return %arg0, %c0_i32 : i32, i32
  }
  func.func @transform_1(%arg0: i32) -> (i32, i32) {
    %c0_i32 = arith.constant 0 : i32
    %c0_i32_0 = arith.constant 0 : i32
    %c0_i32_1 = arith.constant 0 : i32
    return %c0_i32, %c0_i32_0 : i32, i32
  }
  func.func @transform_2(%arg0: i32) -> (i32, i32) {
    %c0_i32 = arith.constant 0 : i32
    %c0_i32_0 = arith.constant 0 : i32
    %c0_i32_1 = arith.constant 0 : i32
    return %c0_i32, %c0_i32_0 : i32, i32
  }
  func.func @transform_3(%arg0: i32) -> (i32, i32) {
    %c0_i32 = arith.constant 0 : i32
    %c0_i32_0 = arith.constant 0 : i32
    %c0_i32_1 = arith.constant 0 : i32
    return %c0_i32, %c0_i32_0 : i32, i32
  }
  func.func @transform_4(%arg0: i32) -> (i32, i32) {
    %c0_i32 = arith.constant 0 : i32
    %c0_i32_0 = arith.constant 0 : i32
    %c0_i32_1 = arith.constant 0 : i32
    return %c0_i32, %c0_i32_0 : i32, i32
  }
  func.func @transform_5(%arg0: i32) -> (i32, i32) {
    %c0_i32 = arith.constant 0 : i32
    %c0_i32_0 = arith.constant 0 : i32
    %c0_i32_1 = arith.constant 0 : i32
    return %c0_i32, %c0_i32_0 : i32, i32
  }
  func.func @transform_6(%arg0: i32) -> (i32, i32) {
    %c0_i32 = arith.constant 0 : i32
    %c0_i32_0 = arith.constant 0 : i32
    %c0_i32_1 = arith.constant 0 : i32
    return %c0_i32, %c0_i32_0 : i32, i32
  }
  func.func @transform_7(%arg0: i32) -> (i32, i32) {
    %c0_i32 = arith.constant 0 : i32
    %c0_i32_0 = arith.constant 0 : i32
    %c0_i32_1 = arith.constant 0 : i32
    return %c0_i32, %c0_i32_0 : i32, i32
  }
  func.func @transform_8(%arg0: i32) -> (i32, i32) {
    %c0_i32 = arith.constant 0 : i32
    %c0_i32_0 = arith.constant 0 : i32
    %c0_i32_1 = arith.constant 0 : i32
    return %c0_i32, %c0_i32_0 : i32, i32
  }
  func.func @transform_9(%arg0: i32) -> (i32, i32) {
    %c0_i32 = arith.constant 0 : i32
    %c0_i32_0 = arith.constant 0 : i32
    return %arg0, %c0_i32 : i32, i32
  }
  func.func @transform_10(%arg0: i32) -> (i32, i32) {
    %c0_i32 = arith.constant 0 : i32
    %c0_i32_0 = arith.constant 0 : i32
    return %arg0, %c0_i32 : i32, i32
  }
}

</mosaic_0001>

<sc_bundles>
// kernel: kernel.4.cloned.1.call-start
scs
__scs_entry_jumppad:
0x0: {  	(pc) =	sbr.rel $0x88, $3  }
0x1: {  	(tag) =	ssettag $0x0;
	lr =	simm.s32 $0x1  }
0x2: {  	[smem:$0x3F95] =	sst lr;
	_ =	strace $0xD0000000  }
0x3: {  	_ = 	snop  }
0x4: {  	_ = 	snop  }
0x5: {  	_ = 	snop  }
0x6: {  	_ = 	snop  }
0x7: {  	_ = 	snop  }
__scs_overlays_trampoline_lowered:
0x8: {  	[smem:$0x3FA4] =	sst s0  }
0x9: {  	[smem:$0x3FA5] =	sst s1  }
0xa: {  	[smem:$0x3FA6] =	sst s2  }
0xb: {  	[smem:$0x3FA7] =	sst s3  }
0xc: {  	[smem:$0x3FA8] =	sst s4  }
0xd: {  	[smem:$0x3FA9] =	sst s5  }
0xe: {  	[smem:$0x3FAA] =	sst s6  }
0xf: {  	[smem:$0x3FAB] =	sst s7  }
0x10: {  	[smem:$0x3FAC] =	sst s8  }
0x11: {  	[smem:$0x3FAD] =	sst s9;
	s0 =	simm.s32 @!p0 $0x0  }
0x12: {  	s1 =	sld [smem:$0x3F93];
	s0 =	simm.s32 @p0 $0x1  }
0x13: {  	[smem:$0x3FAE] =	sst s0;
	s0 =	simm.s32 @!p1 $0x0  }
0x14: {  	s2 =	sld [smem:$0x3F92];
	s0 =	simm.s32 @p1 $0x1  }
0x15: {  	[smem:$0x3FAF] =	sst s0;
	s0 =	simm.s32 @!p2 $0x0  }
0x16: {  	s3 =	sld [smem:$0x3FDB];
	s0 =	simm.s32 @p2 $0x1  }
0x17: {  	s4 =	simm.s32 $0x1BF5;
	[smem:$0x3FB1] =	sst s0  }
0x18: {  	s0 =	sld [smem:$0x3F94];
	_ =	swait.ge [sflag:s4], $0x0  }
0x19: {  	s7 =	sld [smem:$0x3F95]  }
0x1a: {  	s8 =	sadd.s32 $0xFFFFE003, lr  }
0x1b: {  	s9 =	sadd.s32 $0xFFFFFEF7, lr;
	s5 =	simm.s32 $0xFFFFFFFF;
	p2 =	slt.u32 s8, $0xFFFFF086  }
0x1c: {  	p1 =	slt.u32 s9, $0xF7A;
	s5 =	simm.s32 @!p2 $0x0  }
0x1d: {  	s5 =	simm.s32 @p1 $0x1;
	p0 =	seq.s32 s7, s2  }
0x1e: {  	s7 =	smul.u32 @!p0 $0xF7A, s2;
	p2 =	seq.s32 @!p0 s5, $0x0  }
0x1f: {  	s9 =	smul.u32 $0xF7A, s1;
	s8 =	simm.s32 @!p0 $0x1BF5;
	p2 =	por !p2, p0  }
0x20: {  	[sflag:s8] =	ssyncset.s32 @!p0 $0xFFFFF086;
	s6 =	sadd.s32 @!p0 s3, s7;
	s7 =	simm.s32 @!p0 $0x108  }
0x21: {  	s3 =	sadd.s32 s3, s9;
	s6 =	sadd.s32 @!p0 $0x88, s6;
	s7 =	simm.s32 @p2 $0x1082  }
0x22: {  	[simem:s7], [sflag:s8] =	dma.local @!p0 [hbm:s6], $0xF7A  }
0x23: {  	s9 =	sor.u32 $0xD0000000, s2;
	s6 =	simm.s32 $0x108;
	_ =	swait.ge @!p0 [sflag:s8], $0x0  }
0x24: {  	s3 =	sadd.s32 $0x88, s3;
	s6 =	simm.s32 @!p1 $0x1082;
	[sflag:s4] =	ssyncset.s32 $0xFFFFF086  }
0x25: {  	[simem:s6], [sflag:s4] =	dma.local [hbm:s3], $0xF7A  }
0x26: {  	[smem:$0x3F95] =	sst s1;
	(tag) =	ssettag s2;
	_ =	strace s9  }
0x27: {  	s1 =	sld [smem:$0x3FA5]  }
0x28: {  	s2 =	sld [smem:$0x3FA6]  }
0x29: {  	s4 =	sld [smem:$0x3FA8]  }
0x2a: {  	p0 =	seq.s32 s5, $0x0;
	s5 =	sld [smem:$0x3FA9]  }
0x2b: {  	s6 =	sld [smem:$0x3FAA]  }
0x2c: {  	s7 =	sld [smem:$0x3FAB]  }
0x2d: {  	s3 =	simm.s32 $0x108;
	s8 =	sld [smem:$0x3FAC]  }
0x2e: {  	s3 =	simm.s32 @!p0 $0x1082;
	s9 =	sld [smem:$0x3FAD]  }
0x2f: {  	lr =	sadd.s32 s0, s3;
	s0 =	sld [smem:$0x3FA4]  }
0x30: {  	s3 =	sld [smem:$0x3FA7]  }
0x31: {  	[smem:$0x3FB0] =	sst s10  }
0x32: {  	s10 =	sld [smem:$0x3FAE];
	_ =	sdelay $0x3  }
0x33: {  	p0 =	seq.s32 s10, $0x1;
	s10 =	sld [smem:$0x3FB0];
	_ =	sdelay $0x3  }
0x34: {  	[smem:$0x3FB0] =	sst s10  }
0x35: {  	s10 =	sld [smem:$0x3FAF];
	_ =	sdelay $0x3  }
0x36: {  	p1 =	seq.s32 s10, $0x1;
	s10 =	sld [smem:$0x3FB0];
	_ =	sdelay $0x3  }
0x37: {  	[smem:$0x3FB0] =	sst s10  }
0x38: {  	s10 =	sld [smem:$0x3FB1]  }
0x39: {  	_ = 	snop;
	(pc) =	sbr.ind lr, $3  }
0x3a: {  	_ = 	snop  }
0x3b: {  	_ = 	snop  }
0x3c: {  	p2 =	seq.s32 s10, $0x1;
	s10 =	sld [smem:$0x3FB0]  }
0x3d: {  	_ =	shalt  }
0x3e: {  	_ =	shalt  }
0x3f: {  	_ =	shalt  }
0x40: {  	_ =	shalt  }
0x41: {  	_ =	shalt  }
0x42: {  	_ =	shalt  }
0x43: {  	_ =	shalt  }
0x44: {  	_ =	shalt  }
0x45: {  	_ =	shalt  }
0x46: {  	_ =	shalt  }
0x47: {  	_ =	shalt  }
0x48: {  	_ =	shalt  }
0x49: {  	_ =	shalt  }
0x4a: {  	_ =	shalt  }
0x4b: {  	_ =	shalt  }
0x4c: {  	_ =	shalt  }
0x4d: {  	_ =	shalt  }
0x4e: {  	_ =	shalt  }
0x4f: {  	_ =	shalt  }
0x50: {  	_ =	shalt  }
0x51: {  	_ =	shalt  }
0x52: {  	_ =	shalt  }
0x53: {  	_ =	shalt  }
0x54: {  	_ =	shalt  }
0x55: {  	_ =	shalt  }
0x56: {  	_ =	shalt  }
0x57: {  	_ =	shalt  }
0x58: {  	_ =	shalt  }
0x59: {  	_ =	shalt  }
0x5a: {  	_ =	shalt  }
0x5b: {  	_ =	shalt  }
0x5c: {  	_ =	shalt  }
0x5d: {  	_ =	shalt  }
0x5e: {  	_ =	shalt  }
0x5f: {  	_ =	shalt  }
0x60: {  	_ =	shalt  }
0x61: {  	_ =	shalt  }
0x62: {  	_ =	shalt  }
0x63: {  	_ =	shalt  }
0x64: {  	_ =	shalt  }
0x65: {  	_ =	shalt  }
0x66: {  	_ =	shalt  }
0x67: {  	_ =	shalt  }
0x68: {  	_ =	shalt  }
0x69: {  	_ =	shalt  }
0x6a: {  	_ =	shalt  }
0x6b: {  	_ =	shalt  }
0x6c: {  	_ =	shalt  }
0x6d: {  	_ =	shalt  }
0x6e: {  	_ =	shalt  }
0x6f: {  	_ =	shalt  }
0x70: {  	_ =	shalt  }
0x71: {  	_ =	shalt  }
0x72: {  	_ =	shalt  }
0x73: {  	_ =	shalt  }
0x74: {  	_ =	shalt  }
0x75: {  	_ =	shalt  }
0x76: {  	_ =	shalt  }
0x77: {  	_ =	shalt  }
0x78: {  	_ =	shalt  }
0x79: {  	_ =	shalt  }
0x7a: {  	_ =	shalt  }
0x7b: {  	_ =	shalt  }
0x7c: {  	_ =	shalt  }
0x7d: {  	_ =	shalt  }
0x7e: {  	_ =	shalt  }
0x7f: {  	_ =	shalt  }
0x80: {  	_ =	shalt  }
0x81: {  	_ =	shalt  }
0x82: {  	_ =	shalt  }
0x83: {  	_ =	shalt  }
0x84: {  	_ =	shalt  }
0x85: {  	_ =	shalt  }
0x86: {  	_ =	shalt  }
0x87: {  	_ =	shalt  }
.Lfunc_end0:
.L_simem_size_0:
called_computation_lowered:
.L_overlay_start_0:
0x88: {  	s2 =	sld [smem:$0x3FD9]  }
0x89: {  	s3 =	sld [smem:$0x3FFE];
	_ =	sdelay $0x1  }
0x8a: {  	s1 =	srdreg.scid  }
0x8b: {  	s0 =	sand.u32 $0x1, s1  }
0x8c: {  	s17 =	sshll.u32 s0, $0xA;
	s2 =	sadd.s32 s3, s2  }
0x8d: {  	s2 =	sadd.s32 s2, s17  }
0x8e: {  	[smem:$0x3FBC] =	sst s2  }
0x8f: {  	_ = 	snop  }
0x90: {  	s2 =	sld [smem:$0x3FC8]  }
0x91: {  	s18 =	sld [smem:$0x3FC7]  }
0x92: {  	s4 =	sld [smem:$0x3FC6]  }
0x93: {  	s5 =	sld [smem:$0x3FD0];
	(tm) =	ssettm $0x1  }
0x94: {  	s6 =	sld [smem:$0x3FFB];
	_ =	sdelay $0x3  }
0x95: {  	_ =	strace s6  }
0x96: {  	s6 =	sld [smem:$0x3FFC];
	_ =	sdelay $0x3  }
0x97: {  	_ =	strace s6  }
0x98: {  	s6 =	sld [smem:$0x3FFD];
	_ =	sdelay $0x3  }
0x99: {  	_ =	strace s6  }
0x9a: {  	_ =	strace $0x8FFFFFFF  }
0x9b: {  	s19 =	sld [smem:$0x3FDB];
	_ =	sdelay $0x1  }
0x9c: {  	s7 =	simm.s32 $_scs_section_size  }
0x9d: {  	s8 =	simm.s32 $_size__tile_overlayer_lowered;
	s9 =	simm.s32 $_tile_overlayer_lowered  }
0x9e: {  	s22 =	simm.s32 $0x1BFF;
	s21 =	sshll.u32 s9, $0x1;
	s6 =	sadd.s32 s7, s19  }
0x9f: {  	s10 =	simm.s32 $0x0;
	s20 =	sshll.u32 s8, $0x1;
	s8 =	sadd.s32 s21, s6  }
0xa0: {  	[timem:s10], [sflag:s22] =	dma.local [hbm:s8], s20  }
0xa1: {  	_ =	swait.ge [sflag:s22], s20  }
0xa2: {  	s7 =	ssub.s32 $0x0, s20;
	[sflag:s22] =	ssyncset.done $0x0  }
0xa3: {  	[sflag:s22] =	ssyncadd.s32 s7;
	_ =	sdelay $0x1  }
0xa4: {  	s23 =	simm.s32 $0x1B8B  }
0xa5: {  	_ =	swait.ge [sflag:s23], $0x1  }
0xa6: {  	[sflag:s23] =	ssyncset.done $0x0  }
0xa7: {  	s25 =	simm.s32 $0x1B8E;
	s24 =	sld [smem:$0x3FFE];
	[sflag:s23] =	ssyncadd.s32 $0xFFFFFFFF  }
0xa8: {  	s26 =	simm.s32 $execute0_lowered;
	[smem:$0x3FD2] =	sst s25  }
0xa9: {  	s8 =	sshll.u32 s26, $0x1;
	_ =	strace $0x80000046;
	[dreg:$0x1] =	wrdreg $0xFFFFFFFF  }
0xaa: {  	s28 =	simm.s32 $_size_execute0_lowered;
	s6 =	sadd.s32 s6, s8;
	[dreg:$0x0] =	wrdreg $0x0  }
0xab: {  	s8 =	sshll.u32 s28, $0x1;
	[dreg:$0x2] =	wrdreg s6  }
0xac: {  	[dreg:$0x3] =	wrdreg s8  }
0xad: {  	[dreg:$0x4] =	wrdreg $0xC0  }
0xae: {  	_ =	task [dreg:s10], $0x5FFFF  }
0xaf: {  	[dreg:$0x1] =	wrdreg $0xFFFFFFFF  }
0xb0: {  	[dreg:$0x0] =	wrdreg $0x60  }
0xb1: {  	[dreg:$0x2] =	wrdreg s24  }
0xb2: {  	[dreg:$0x3] =	wrdreg s2  }
0xb3: {  	[dreg:$0x4] =	wrdreg s18  }
0xb4: {  	[dreg:$0x5] =	wrdreg s4  }
0xb5: {  	[dreg:$0x6] =	wrdreg s5  }
0xb6: {  	[dreg:$0x7] =	wrdreg $0xEA000  }
0xb7: {  	[dreg:$0x8] =	wrdreg $0x9  }
0xb8: {  	_ =	task.clear_ibuf [dreg:s10], $0x9FFFF;
	_ =	strace $0x90000046  }
0xb9: {  	s29 =	simm.s32 $0x9;
	_ =	strace $0x80000048  }
0xba: {  	_ =	swait.ge [sflag:s29], $0x1  }
0xbb: {  	[sflag:s29] =	ssyncadd.s32 $0xFFFFFFFF  }
0xbc: {  	_ =	strace $0x90000048  }
0xbd: {  	_ =	sfence  }
0xbe: {  	s30 =	sld [smem:$0x0];
	_ =	sdelay $0x2  }
0xbf: {  	s31 =	sshll.u32 s1, $0xD;
	s1 =	sshrl.u32 s1, $0x2  }
0xc0: {  	s3 =	sand.u32 $0x4000, s31;
	s1 =	sadd.s32 s1, s30  }
0xc1: {  	s0 =	sor.u32 s3, s0;
	s1 =	sshll.u32 s1, $0x11  }
0xc2: {  	s0 =	sor.u32 s1, s0  }
0xc3: {  	s0 =	sadd.s32 $0x8F2B, s0  }
0xc4: {  	[sflag:s0] =	ssyncadd.remote.s32 $0x1  }
0xc5: {  	_ =	sfence.sel $0xFFFF  }
0xc6: {  	[dreg:$0x0] =	wrdreg $0xFFFFFFFF;
	(pc) =	sbr.abs _section_cstart, $3  }
0xc7: {  	[dreg:$0x1] =	wrdreg $0xFFFFFFFF  }
0xc8: {  	_ =	task.clear_ibuf [dreg:s10], $0x2FFFF;
	_ =	strace $0x9FFFFFFF  }
0xc9: {  	(tm) =	ssettm $0x7FFFFFFF  }
tec
execute0_lowered:
.L_overlay_start_1:
0x0: {  	(tag) =	ssettag $0x1  }
0x1: {  	s0 =	rddreg [dreg:$0x0]  }
0x2: {  	s1 =	rddreg [dreg:$0x1]  }
0x3: {  	s2 =	rddreg [dreg:$0x2]  }
0x4: {  	s3 =	rddreg [dreg:$0x3]  }
0x5: {  	s5 =	rddreg [dreg:$0x5];
	s13 =	simm.s32 $0x0;
	s4 =	srdreg.scid  }
0x6: {  	s14 =	stileid.u32;
	s28 =	simm.s32 $0x4;
	s29 =	simm.s32 $0x5  }
0x7: {  	s30 =	simm.s32 $0xC0;
	s31 =	simm.s32 $0x2A00;
	[smem:$0x7FF] =	sst s13  }
0x8: {  	s8 =	sadd.s32 $0x1600, s0;
	s9 =	sadd.s32 $0x4E3600, s0;
	s11 =	smul.u32 $0x13880, s14  }
0x9: {  	s4 =	sand.u32 $0x1, s4;
	s0 =	sadd.s32 $0x9C5600, s0;
	s10 =	smul.u32 $0x3E800, s14  }
0xa: {  	s7 =	sshll.u32 s14, $0x10;
	s19 =	sshll.u32 s14, $0x6;
	s24 =	smul.u32 $0x1F4, s14  }
0xb: {  	_ =	strace $0x80000047;
	[dreg:$0x8] =	wrdreg s0;
	s17 =	ssub.s32 $0x2, s4  }
0xc: {  	s18 =	sadd.s32 s7, s5;
	s12 =	sor.u32 $0x1C06, s19;
	s4 =	smul.u32 $0x14, s4  }
0xd: {  	s6 =	sshrl.u32 s17, $0x1;
	s20 =	sshrl.u32 s11, $0x3;
	[dreg:$0xd] =	wrdreg s24  }
0xe: {  	s25 =	sshrl.u32 s10, $0x2;
	s19 =	sshrl.u32 s18, $0x3;
	s24 =	simm.s32 $0x2  }
0xf: {  	s0 =	ssub.s32 s17, s6;
	[dreg:$0x9] =	wrdreg s4;
	s21 =	sadd.s32 s1, s20  }
.Ltmp0:
0x10: {  	s22 =	sadd.s32 s2, s20;
	[dreg:$0xa] =	wrdreg s21;
	(pc) =	sbr.rel .LBB2_1-.Ltmp0, $4  }
0x11: {  	s23 =	sadd.s32 s3, s20;
	s4 =	sadd.s32 s25, s5;
	[dreg:$0xb] =	wrdreg s22  }
0x12: {  	s20 =	simm.s32 $0x6;
	[dreg:$0xc] =	wrdreg s23;
	s0 =	smax.u32 s0, $0x1  }
0x13: {  	v2 =	vlaneseq.u32;
	s23 =	simm.s32 $0x1;
	s26 =	sshrl.u32 s4, $0x3;
	[dreg:$0xe] =	wrdreg s0  }
0x14: {  	v0 =	vimm.s32 $0x1F40;
	v1 =	vimm.s32 $0x0;
	v2 =	vor.u32 $0x80000000, v2;
	[dreg:$0xf] =	wrdreg s26;
	s26 =	simm.s32 $0x3;
	s0 =	simm.s32 $0x8A00  }
.LBB2_31:
0x15: {  	s13 =	rddreg [dreg:$0x7]  }
0x16: {  	s4 =	rddreg [dreg:$0xe];
	s13 =	sadd.s32 $0x1, s13  }
0x17: {  	p0 =	sne.s32 s13, s4  }
.Ltmp1:
0x18: {  	_ = 	snop;
	(pc) =	sbr.rel @!p0 .LBB2_32-.Ltmp1, $1  }
0x19: {  	_ =	sdelay $0x3  }
.LBB2_1:
0x1a: {  	[dreg:$0x7] =	wrdreg s13  }
0x1b: {  	s4 =	rddreg [dreg:$0x8]  }
0x1c: {  	[spmem:s19], [sflag:s12] =	dma.local [hbm:s4], $0x2000  }
0x1d: {  	_ =	swait.ge [sflag:s20], $0x2000  }
0x1e: {  	[sflag:s20] =	ssyncset.done $0x0  }
0x1f: {  	[sflag:s20] =	ssyncadd.s32 $0xFFFFE000  }
0x20: {  	[tilespmem:$0x2580] =	vst v0  }
0x21: {  	[tilespmem:$0x2700] =	vst v1  }
0x22: {  	[tilespmem:$0x2880] =	vst v1  }
0x23: {  	[tilespmem:$0x2590] =	vst v0  }
0x24: {  	[tilespmem:$0x2710] =	vst v1  }
0x25: {  	[tilespmem:$0x2890] =	vst v1  }
0x26: {  	[tilespmem:$0x25A0] =	vst v0  }
0x27: {  	[tilespmem:$0x2720] =	vst v1  }
0x28: {  	[tilespmem:$0x28A0] =	vst v1  }
0x29: {  	[tilespmem:$0x25B0] =	vst v0  }
0x2a: {  	[tilespmem:$0x2730] =	vst v1  }
0x2b: {  	[tilespmem:$0x28B0] =	vst v1  }
0x2c: {  	[tilespmem:$0x25C0] =	vst v0  }
0x2d: {  	[tilespmem:$0x2740] =	vst v1  }
0x2e: {  	[tilespmem:$0x28C0] =	vst v1  }
0x2f: {  	[tilespmem:$0x25D0] =	vst v0  }
0x30: {  	[tilespmem:$0x2750] =	vst v1  }
0x31: {  	[tilespmem:$0x28D0] =	vst v1  }
0x32: {  	[tilespmem:$0x25E0] =	vst v0  }
0x33: {  	[tilespmem:$0x2760] =	vst v1  }
0x34: {  	[tilespmem:$0x28E0] =	vst v1  }
0x35: {  	[tilespmem:$0x25F0] =	vst v0  }
0x36: {  	[tilespmem:$0x2770] =	vst v1  }
0x37: {  	[tilespmem:$0x28F0] =	vst v1  }
0x38: {  	[tilespmem:$0x2600] =	vst v0  }
0x39: {  	[tilespmem:$0x2780] =	vst v1  }
0x3a: {  	[tilespmem:$0x2900] =	vst v1  }
0x3b: {  	[tilespmem:$0x2610] =	vst v0  }
0x3c: {  	[tilespmem:$0x2790] =	vst v1  }
0x3d: {  	[tilespmem:$0x2910] =	vst v1  }
0x3e: {  	[tilespmem:$0x2620] =	vst v0  }
0x3f: {  	[tilespmem:$0x27A0] =	vst v1  }
0x40: {  	[tilespmem:$0x2920] =	vst v1  }
0x41: {  	[tilespmem:$0x2630] =	vst v0  }
0x42: {  	[tilespmem:$0x27B0] =	vst v1  }
0x43: {  	[tilespmem:$0x2930] =	vst v1  }
0x44: {  	[tilespmem:$0x2640] =	vst v0  }
0x45: {  	[tilespmem:$0x27C0] =	vst v1  }
0x46: {  	[tilespmem:$0x2940] =	vst v1  }
0x47: {  	[tilespmem:$0x2650] =	vst v0  }
0x48: {  	[tilespmem:$0x27D0] =	vst v1  }
0x49: {  	[tilespmem:$0x2950] =	vst v1  }
0x4a: {  	[tilespmem:$0x2660] =	vst v0  }
0x4b: {  	[tilespmem:$0x27E0] =	vst v1  }
0x4c: {  	[tilespmem:$0x2960] =	vst v1  }
0x4d: {  	[tilespmem:$0x2670] =	vst v0  }
0x4e: {  	[tilespmem:$0x27F0] =	vst v1  }
0x4f: {  	[tilespmem:$0x2970] =	vst v1  }
0x50: {  	[tilespmem:$0x2680] =	vst v0  }
0x51: {  	[tilespmem:$0x2800] =	vst v1  }
0x52: {  	[tilespmem:$0x2980] =	vst v1  }
0x53: {  	[tilespmem:$0x2690] =	vst v0  }
0x54: {  	[tilespmem:$0x2810] =	vst v1  }
0x55: {  	[tilespmem:$0x2990] =	vst v1  }
0x56: {  	[tilespmem:$0x26A0] =	vst v0  }
0x57: {  	[tilespmem:$0x2820] =	vst v1  }
0x58: {  	[tilespmem:$0x29A0] =	vst v1  }
0x59: {  	[tilespmem:$0x26B0] =	vst v0  }
0x5a: {  	[tilespmem:$0x2830] =	vst v1  }
0x5b: {  	[tilespmem:$0x29B0] =	vst v1  }
0x5c: {  	[tilespmem:$0x26C0] =	vst v0  }
0x5d: {  	[tilespmem:$0x2840] =	vst v1  }
0x5e: {  	[tilespmem:$0x29C0] =	vst v1  }
0x5f: {  	[tilespmem:$0x26D0] =	vst v0  }
0x60: {  	[tilespmem:$0x2850] =	vst v1  }
0x61: {  	[tilespmem:$0x29D0] =	vst v1  }
0x62: {  	[tilespmem:$0x26E0] =	vst v0  }
0x63: {  	[tilespmem:$0x2860] =	vst v1  }
0x64: {  	[tilespmem:$0x29E0] =	vst v1  }
.Ltmp2:
0x65: {  	[tilespmem:$0x26F0] =	vst v0;
	(pc) =	sbr.rel .LBB2_2-.Ltmp2, $4  }
0x66: {  	[tilespmem:$0x2870] =	vst v1  }
0x67: {  	[tilespmem:$0x29F0] =	vst v1  }
0x68: {  	[bflag:$0x0] =	sbarrier.arrive $0xFFFF  }
0x69: {  	s7 =	simm.s32 $0x0  }
.LBB2_30:
0x6a: {  	s4 =	rddreg [dreg:$0xd]  }
0x6b: {  	[bflag:$0x0] =	sbarrier.arrive $0xFFFF;
	s4 =	sadd.s32 s4, s18  }
0x6c: {  	s6 =	rddreg [dreg:$0x4];
	s4 =	sshll.u32 s4, $0x4  }
0x6d: {  	s22 =	rddreg [dreg:$0xf];
	s4 =	sadd.s32 s6, s4  }
0x6e: {  	[hbm:s4], [sflag:s12] =	dma.local [spmem:s22], $0x1F40  }
0x6f: {  	_ =	swait.ge [sflag:s20], $0x1F40  }
0x70: {  	[sflag:s20] =	ssyncset.done $0x0  }
0x71: {  	[sflag:s20] =	ssyncadd.s32 $0xFFFFE0C0  }
0x72: {  	s7 =	sadd.s32 $0x1, s7;
	[bflag:$0x0] =	sbarrier.arrive $0xFFFF  }
0x73: {  	p0 =	sne.s32 s7, $0x14;
	s25 =	rddreg [dreg:$0x8]  }
0x74: {  	[spmem:s19], [sflag:s12] =	dma.local [hbm:s25], $0x2000  }
.Ltmp3:
0x75: {  	_ =	swait.ge [sflag:s20], $0x2000;
	(pc) =	sbr.rel @!p0 .LBB2_31-.Ltmp3, $3  }
0x76: {  	[sflag:s20] =	ssyncset.done $0x0  }
0x77: {  	[sflag:s20] =	ssyncadd.s32 $0xFFFFE000  }
0x78: {  	[bflag:$0x0] =	sbarrier.arrive $0xFFFF;
	_ =	sdelay $0x1  }
.LBB2_2:
0x79: {  	s6 =	rddreg [dreg:$0xa]  }
0x7a: {  	s21 =	rddreg [dreg:$0x9]  }
0x7b: {  	s4 =	simm.s32 $0x0;
	s10 =	rddreg [dreg:$0xb]  }
0x7c: {  	[tilespmem:s4], [sflag:$0x1] =	stream.linear.gather [hbm4b:s6+s4], $0x640, $0x38;
	[tilespmem:$0x1EA00] =	vst v63  }
.Ltmp4:
0x7d: {  	s13 =	simm.s32 $0xC80;
	s6 =	sadd.s32 s21, s7;
	(pc) =	sbr.rel .LBB2_4-.Ltmp4, $4  }
0x7e: {  	s22 =	rddreg [dreg:$0xc];
	s25 =	simm.s32 $0x1900;
	s18 =	smul.u32 $0x1F40, s6  }
0x7f: {  	[tilespmem:s13], [sflag:$0x2] =	stream.linear.gather [hbm4b:s10+s4], $0x640, $0x38;
	[tilespmem:$0x1EA00] =	vst v63  }
0x80: {  	s6 =	simm.s32 $0x0;
	s10 =	simm.s32 $0x0;
	s13 =	simm.s32 $0x0  }
0x81: {  	v3 =	vmov s18;
	[tilespmem:s25], [sflag:$0x3] =	stream.linear.gather [hbm4b:s22+s4], $0x640, $0x38;
	[tilespmem:$0x1EA00] =	vst v63  }
.LBB2_3:
0x82: {  	p0 =	seq.s32 s4, $0x32  }
.Ltmp5:
0x83: {  	_ = 	snop;
	(pc) =	sbr.rel @p0 .LBB2_22-.Ltmp5, $1  }
0x84: {  	_ =	sdelay $0x3  }
.LBB2_4:
0x85: {  	_ =	swait.ge [sflag:s23], $0x640  }
0x86: {  	[sflag:s23] =	ssyncset.done $0x0  }
0x87: {  	s14 =	smov.u32 s4;
	[sflag:s23] =	ssyncadd.s32 $0xFFFFF9C0  }
0x88: {  	s4 =	sadd.s32 $0x1, s4;
	p0 =	seq.s32 s14, $0x31;
	_ =	swait.ge [sflag:s24], $0x640  }
0x89: {  	s15 =	smul.u32 @!p0 $0x640, s4;
	[sflag:s24] =	ssyncset.done $0x0  }
0x8a: {  	s14 =	sand.u32 $0x1, s14;
	[sflag:s24] =	ssyncadd.s32 $0xFFFFF9C0  }
0x8b: {  	s16 =	sxor.u32 @!p0 $0x1, s14;
	s15 =	sadd.s32 @!p0 s11, s15;
	_ =	swait.ge [sflag:s26], $0x640  }
0x8c: {  	s16 =	smul.u32 @!p0 $0x640, s16;
	s15 =	sshrl.u32 @!p0 s15, $0x3;
	[sflag:s26] =	ssyncset.done $0x0  }
0x8d: {  	s21 =	simm.s32 @!p0 $0x0;
	s17 =	sadd.s32 @!p0 s1, s15;
	[sflag:s26] =	ssyncadd.s32 $0xFFFFF9C0  }
0x8e: {  	[tilespmem:s16], [sflag:$0x1] =	stream.linear.gather @!p0 [hbm4b:s17+s21], $0x640, $0x38;
	[tilespmem:$0x1EA00] =	vst v63  }
0x8f: {  	s22 =	sadd.s32 @!p0 s2, s15;
	s17 =	sadd.s32 @!p0 $0xC80, s16  }
0x90: {  	[tilespmem:s17], [sflag:$0x2] =	stream.linear.gather @!p0 [hbm4b:s22+s21], $0x640, $0x38;
	[tilespmem:$0x1EA00] =	vst v63  }
.Ltmp6:
0x91: {  	s15 =	sadd.s32 @!p0 s3, s15;
	s16 =	sadd.s32 @!p0 $0x1900, s16;
	(pc) =	sbr.rel .LBB2_5-.Ltmp6, $3  }
0x92: {  	[tilespmem:s16], [sflag:$0x3] =	stream.linear.gather @!p0 [hbm4b:s15+s21], $0x640, $0x38;
	[tilespmem:$0x1EA00] =	vst v63  }
0x93: {  	s21 =	smul.u32 $0x640, s14;
	_ =	sdelay $0x1  }
0x94: {  	s22 =	simm.s32 $0x0;
	v4 =	vmov s21  }
.LBB2_18:
0x95: {  	s10 =	smul.u32 $0xC0, s6;
	_ =	sdelay $0x1  }
0x96: {  	s15 =	sadd.s32 $0x2700, s10  }
0x97: {  	[tilespmem:s31], [sflag:$0x4] =	stream.indirect.gather [hbm4b:s8+s30], $0x80, s15, s30, $0xb8;
	[tilespmem:$0x1EA00] =	vst v63  }
0x98: {  	s10 =	sadd.s32 $0x2880, s10  }
0x99: {  	[tilespmem:s0], [sflag:$0x5] =	stream.indirect.gather [hbm4b:s9+s30], $0x80, s10, s30, $0xb8;
	[tilespmem:$0x1EA00] =	vst v63  }
0x9a: {  	s6 =	sxor.u32 $0x1, s6;
	s15 =	simm.s32 $0x0;
	s10 =	simm.s32 $0x1  }
.LBB2_20:
0x9b: {  	s14 =	sadd.s32 $0x10, s14  }
0x9c: {  	v6 =	vld [tilespmem:s14+$0xC80]  }
0x9d: {  	v7 =	vld [tilespmem:s14+$0x1900];
	_ =	sdelay $0x2  }
0x9e: {  	(xrf1) =	vsort.ascd.msk.u32 vm0, v2, v5  }
0x9f: {  	(xrf1) =	vsort.ascd.msk.u32 vm0, v2, v6  }
0xa0: {  	(xrf1) =	vsort.ascd.msk.u32 vm0, v2, v7;
	_ =	sdelay $0x9  }
0xa1: {  	s25 =	smul.u32 $0xC0, s6  }
0xa2: {  	s16 =	sand.u32 $0xFFFFFFF8, s15  }
0xa3: {  	s17 =	sand.u32 $0x7, s15;
	s14 =	sadd.s32 s25, s16;
	_, v5, vm15 =	vpop (xrf1)  }
0xa4: {  	s14 =	sor.u32 s17, s14;
	v5 =	vnsel vm15, $0x1F40, v5;
	_, v6, _ =	vpop (xrf1)  }
0xa5: {  	[tilespmem:s14+$0x2580] =	vst v5;
	_, v7, _ =	vpop (xrf1);
	v5 =	vnsel vm15, $0x0, v6  }
0xa6: {  	[tilespmem:s14+$0x2700] =	vst v5;
	v5 =	vnsel vm15, $0x0, v7  }
0xa7: {  	[tilespmem:s14+$0x2880] =	vst v5  }
.LBB2_21:
0xa8: {  	s22 =	sadd.s32 $0x1, s22  }
0xa9: {  	p0 =	seq.s32 s22, $0x32  }
.Ltmp7:
0xaa: {  	_ = 	snop;
	(pc) =	sbr.rel @p0 .LBB2_3-.Ltmp7, $2  }
0xab: {  	_ =	sdelay $0x2  }
0xac: {  	s13 =	sadd.s32 s13, s15  }
.LBB2_5:
0xad: {  	_ =	sdelay $0x2  }
0xae: {  	s14 =	sshll.u32 s22, $0x5  }
0xaf: {  	v5 =	vld.idx.msk [tilespmem:v4+s14+$0x0 ss:$0x1], $0xffff;
	_ =	sdelay $0x4  }
0xb0: {  	v5 =	vsub.s32 v5, v3  }
0xb1: {  	vm0 =	vlt.u32 v5, $0x1F40  }
0xb2: {  	v6 =	vmpcnt.ones.xlane vm0;
	_ =	sdelay $0x1  }
0xb3: {  	(v2sf) =	vpush v6, $0x0;
	_ =	sdelay $0xe  }
0xb4: {  	p0 =	slt.s32 s13, $0xB1;
	s15 =	spop (v2sf)  }
0xb5: {  	p1 =	slt.s32 @!p0 s15, $0x1  }
0xb6: {  	p0 =	por p0, p1  }
.Ltmp8:
0xb7: {  	_ = 	snop;
	(pc) =	sbr.rel @p0 .LBB2_11-.Ltmp8, $2  }
0xb8: {  	_ =	sdelay $0x2  }
0xb9: {  	s16 =	sadd.s32 s21, s14  }
0xba: {  	p0 =	sne.s32 s10, $0x1  }
.Ltmp9:
0xbb: {  	_ = 	snop;
	(pc) =	sbr.rel @p0 .LBB2_10-.Ltmp9, $1  }
0xbc: {  	_ =	sdelay $0x3  }
0xbd: {  	_ =	swait.ge [sflag:s28], $0x6000  }
0xbe: {  	[sflag:s28] =	ssyncset.done $0x0  }
0xbf: {  	[sflag:s28] =	ssyncadd.s32 $0xFFFFA000  }
0xc0: {  	_ =	swait.ge [sflag:s29], $0x6000  }
0xc1: {  	[sflag:s29] =	ssyncset.done $0x0  }
0xc2: {  	s13 =	simm.s32 $0x2C00;
	[sflag:s29] =	ssyncadd.s32 $0xFFFFA000  }
0xc3: {  	s17 =	simm.s32 $0x8C00;
	v6 =	vld [tilespmem:s13+$0x180]  }
0xc4: {  	v7 =	vld [tilespmem:s17+$0x180]  }
0xc5: {  	v8 =	vld [tilespmem:s17+$0xFFFFFE00]  }
0xc6: {  	v9 =	vld [tilespmem:s13+$0xFFFFFE80]  }
0xc7: {  	v10 =	vld [tilespmem:s17+$0xFFFFFE80]  }
0xc8: {  	v11 =	vld [tilespmem:s13+$0xFFFFFF00]  }
0xc9: {  	v12 =	vld [tilespmem:s17+$0xFFFFFF00];
	v6 =	vmul.f32 v7, v6  }
0xca: {  	v13 =	vld [tilespmem:s17+$0xFFFFFF80]  }
0xcb: {  	[tilespmem:s13+$0x180] =	vst v6;
	v6 =	vld [tilespmem:s13+$0x190]  }
0xcc: {  	v7 =	vld [tilespmem:s17+$0x190]  }
0xcd: {  	v15 =	vld [tilespmem:s13+$0x0]  }
0xce: {  	v16 =	vld [tilespmem:s17+$0x0]  }
0xcf: {  	v17 =	vld [tilespmem:s13+$0x80]  }
0xd0: {  	v18 =	vld [tilespmem:s17+$0x80]  }
0xd1: {  	v6 =	vmul.f32 v7, v6;
	v7 =	vld [tilespmem:s13+$0xFFFFFF80]  }
0xd2: {  	v19 =	vld [tilespmem:s13+$0x100]  }
0xd3: {  	[tilespmem:s13+$0x190] =	vst v6;
	v6 =	vld [tilespmem:s13+$0x1A0]  }
0xd4: {  	v14 =	vld [tilespmem:s17+$0x1A0]  }
0xd5: {  	v20 =	vld [tilespmem:s13+$0xA0]  }
0xd6: {  	v9 =	vmul.f32 v10, v9;
	v10 =	vld [tilespmem:s13+$0xFFFFFE00];
	v7 =	vmul.f32 v13, v7  }
0xd7: {  	v63 =	vld [tilespmem:s13+$0xFFFFFE70]  }
0xd8: {  	[tilespmem:s13+$0xFFFFFF80] =	vst v7;
	v7 =	vmul.f32 v18, v17;
	v17 =	vld [tilespmem:s13+$0xFFFFFF10]  }
0xd9: {  	v18 =	vld [tilespmem:s13+$0xFFFFFF90];
	v6 =	vmul.f32 v14, v6  }
0xda: {  	[tilespmem:s13+$0xFFFFFE80] =	vst v9;
	v14 =	vld [tilespmem:s17+$0x100]  }
0xdb: {  	v8 =	vmul.f32 v8, v10;
	[tilespmem:s13+$0x1A0] =	vst v6;
	v6 =	vmul.f32 v12, v11;
	v11 =	vld [tilespmem:s13+$0x1B0]  }
0xdc: {  	[tilespmem:s13+$0x80] =	vst v7;
	v12 =	vld [tilespmem:s17+$0xFFFFFE90]  }
0xdd: {  	[tilespmem:s13+$0xFFFFFE00] =	vst v8;
	v8 =	vld [tilespmem:s17+$0x90]  }
0xde: {  	v9 =	vld [tilespmem:s17+$0x1B0]  }
0xdf: {  	[tilespmem:s13+$0xFFFFFF00] =	vst v6;
	v6 =	vmul.f32 v16, v15;
	v15 =	vld [tilespmem:s13+$0xFFFFFE10]  }
0xe0: {  	v16 =	vld [tilespmem:s13+$0xFFFFFE90]  }
0xe1: {  	v13 =	vld [tilespmem:s17+$0xFFFFFF10]  }
0xe2: {  	v10 =	vmul.f32 v14, v19;
	v19 =	vld [tilespmem:s13+$0x10]  }
0xe3: {  	[tilespmem:s13+$0x0] =	vst v6;
	v6 =	vld [tilespmem:s17+$0xFFFFFF90]  }
0xe4: {  	[tilespmem:s13+$0x100] =	vst v10;
	v10 =	vld [tilespmem:s17+$0xFFFFFE10]  }
0xe5: {  	v7 =	vld [tilespmem:s17+$0x10];
	v9 =	vmul.f32 v9, v11  }
0xe6: {  	v11 =	vld [tilespmem:s17+$0x110]  }
0xe7: {  	[tilespmem:s13+$0x1B0] =	vst v9;
	v9 =	vld [tilespmem:s13+$0x1C0]  }
0xe8: {  	v14 =	vld [tilespmem:s17+$0x1C0]  }
0xe9: {  	v10 =	vmul.f32 v10, v15;
	v15 =	vld [tilespmem:s13+$0x110]  }
0xea: {  	v6 =	vmul.f32 v6, v18;
	v18 =	vld [tilespmem:s13+$0xFFFFFFA0]  }
0xeb: {  	v7 =	vmul.f32 v7, v19;
	v19 =	vld [tilespmem:s13+$0x20]  }
0xec: {  	[tilespmem:s13+$0xFFFFFE10] =	vst v10;
	v10 =	vmul.f32 v13, v17;
	v17 =	vld [tilespmem:s13+$0xFFFFFF20]  }
0xed: {  	[tilespmem:s13+$0xFFFFFF90] =	vst v6;
	v9 =	vmul.f32 v14, v9;
	v14 =	vld [tilespmem:s13+$0x90]  }
0xee: {  	[tilespmem:s13+$0x10] =	vst v7;
	v7 =	vmul.f32 v11, v15;
	v11 =	vld [tilespmem:s17+$0xFFFFFFA0]  }
0xef: {  	v15 =	vld [tilespmem:s13+$0xFFFFFE20]  }
0xf0: {  	[tilespmem:s13+$0x1C0] =	vst v9;
	v9 =	vmul.f32 v12, v16;
	v12 =	vld [tilespmem:s13+$0x1D0]  }
0xf1: {  	v16 =	vld [tilespmem:s13+$0xFFFFFEA0]  }
0xf2: {  	v13 =	vld [tilespmem:s17+$0x1D0]  }
0xf3: {  	[tilespmem:s13+$0xFFFFFE90] =	vst v9;
	v9 =	vld [tilespmem:s17+$0xFFFFFE20]  }
0xf4: {  	[tilespmem:s13+$0xFFFFFF10] =	vst v10;
	v10 =	vld [tilespmem:s17+$0xFFFFFEA0];
	v6 =	vmul.f32 v8, v14  }
0xf5: {  	v8 =	vld [tilespmem:s17+$0xFFFFFF20]  }
0xf6: {  	v14 =	vld [tilespmem:s17+$0x20];
	[tilespmem:s13+$0x90] =	vst v6  }
0xf7: {  	[tilespmem:s13+$0x110] =	vst v7;
	v6 =	vmul.f32 v13, v12;
	v12 =	vld [tilespmem:s17+$0xA0]  }
0xf8: {  	v13 =	vld [tilespmem:s17+$0x120]  }
0xf9: {  	[tilespmem:s13+$0x1D0] =	vst v6;
	v6 =	vld [tilespmem:s13+$0x1E0]  }
0xfa: {  	v10 =	vmul.f32 v10, v16;
	v16 =	vld [tilespmem:s13+$0xFFFFFEB0]  }
0xfb: {  	v8 =	vmul.f32 v8, v17;
	v17 =	vld [tilespmem:s13+$0xFFFFFF30]  }
0xfc: {  	v7 =	vld [tilespmem:s17+$0x1E0]  }
0xfd: {  	[tilespmem:s13+$0xFFFFFEA0] =	vst v10;
	v10 =	vmul.f32 v11, v18;
	v18 =	vld [tilespmem:s13+$0xFFFFFFB0]  }
0xfe: {  	[tilespmem:s13+$0xFFFFFF20] =	vst v8;
	v8 =	vmul.f32 v14, v19;
	v19 =	vld [tilespmem:s13+$0x30]  }
0xff: {  	v14 =	vld [tilespmem:s17+$0xFFFFFEB0]  }
0x100: {  	[tilespmem:s13+$0xFFFFFFA0] =	vst v10;
	v10 =	vmul.f32 v12, v20;
	v12 =	vld [tilespmem:s17+$0xFFFFFF30]  }
0x101: {  	[tilespmem:s13+$0x20] =	vst v8;
	v8 =	vld [tilespmem:s17+$0xFFFFFFB0]  }
0x102: {  	v6 =	vmul.f32 v7, v6;
	v7 =	vmul.f32 v9, v15;
	v9 =	vld [tilespmem:s13+$0x120]  }
0x103: {  	[tilespmem:s13+$0xA0] =	vst v10;
	v10 =	vld [tilespmem:s17+$0x30]  }
0x104: {  	[tilespmem:s13+$0x1E0] =	vst v6;
	v6 =	vld [tilespmem:s13+$0x1F0]  }
0x105: {  	v14 =	vmul.f32 v14, v16;
	v16 =	vld [tilespmem:s13+$0x130]  }
0x106: {  	[tilespmem:s13+$0xFFFFFE20] =	vst v7;
	v7 =	vld [tilespmem:s17+$0x1F0]  }
0x107: {  	v11 =	vld [tilespmem:s17+$0xFFFFFE30]  }
0x108: {  	v8 =	vmul.f32 v8, v18;
	v18 =	vld [tilespmem:s13+$0xFFFFFFC0]  }
0x109: {  	[tilespmem:s13+$0xFFFFFEB0] =	vst v14;
	v9 =	vmul.f32 v13, v9;
	v13 =	vld [tilespmem:s17+$0xB0]  }
0x10a: {  	v14 =	vld [tilespmem:s17+$0xFFFFFEC0]  }
0x10b: {  	v12 =	vmul.f32 v12, v17;
	[tilespmem:s13+$0x120] =	vst v9;
	v9 =	vld [tilespmem:s13+$0xFFFFFE30]  }
0x10c: {  	v15 =	vld [tilespmem:s17+$0x130]  }
0x10d: {  	[tilespmem:s13+$0xFFFFFF30] =	vst v12;
	v10 =	vmul.f32 v10, v19;
	v19 =	vld [tilespmem:s13+$0xC0];
	v6 =	vmul.f32 v7, v6  }
0x10e: {  	v12 =	vld [tilespmem:s17+$0xFFFFFF40]  }
0x10f: {  	[tilespmem:s13+$0x1F0] =	vst v6;
	v6 =	vld [tilespmem:s13+$0xF0]  }
0x110: {  	v9 =	vmul.f32 v11, v9;
	v11 =	vld [tilespmem:s13+$0xB0]  }
0x111: {  	[tilespmem:s13+$0x30] =	vst v10;
	v10 =	vmul.f32 v15, v16;
	v15 =	vld [tilespmem:s13+$0xFFFFFEC0]  }
0x112: {  	v16 =	vld [tilespmem:s13+$0xFFFFFF40]  }
0x113: {  	[tilespmem:s13+$0xFFFFFE30] =	vst v9;
	v9 =	vld [tilespmem:s13+$0xFFFFFE40]  }
0x114: {  	v17 =	vld [tilespmem:s17+$0xFFFFFE40];
	[tilespmem:s13+$0x130] =	vst v10  }
0x115: {  	[tilespmem:s13+$0xFFFFFFB0] =	vst v8;
	v10 =	vld [tilespmem:s17+$0x140]  }
0x116: {  	v8 =	vmul.f32 v13, v11;
	v11 =	vld [tilespmem:s17+$0xFFFFFFC0]  }
0x117: {  	v13 =	vld [tilespmem:s17+$0x40]  }
0x118: {  	v12 =	vmul.f32 v12, v16;
	v16 =	vld [tilespmem:s13+$0xFFFFFE50];
	[tilespmem:s13+$0xB0] =	vst v8  }
0x119: {  	v8 =	vld [tilespmem:s17+$0xC0];
	v9 =	vmul.f32 v17, v9  }
0x11a: {  	v17 =	vld [tilespmem:s13+$0x40]  }
0x11b: {  	[tilespmem:s13+$0xFFFFFE40] =	vst v9;
	v9 =	vmul.f32 v14, v15;
	v14 =	vld [tilespmem:s13+$0x140]  }
0x11c: {  	v15 =	vld [tilespmem:s17+$0xFFFFFE50]  }
0x11d: {  	[tilespmem:s13+$0xFFFFFEC0] =	vst v9;
	v9 =	vmul.f32 v11, v18;
	v18 =	vld [tilespmem:s13+$0xFFFFFFD0]  }
0x11e: {  	[tilespmem:s13+$0xFFFFFF40] =	vst v12;
	v11 =	vld [tilespmem:s17+$0xFFFFFED0]  }
0x11f: {  	v12 =	vmul.f32 v13, v17;
	v13 =	vld [tilespmem:s17+$0xFFFFFF50]  }
0x120: {  	v17 =	vld [tilespmem:s13+$0xFFFFFF50]  }
0x121: {  	v8 =	vmul.f32 v8, v19;
	v19 =	vld [tilespmem:s13+$0xD0];
	[tilespmem:s13+$0xFFFFFFC0] =	vst v9  }
0x122: {  	v9 =	vld [tilespmem:s17+$0xFFFFFFD0]  }
0x123: {  	[tilespmem:s13+$0x40] =	vst v12;
	v10 =	vmul.f32 v10, v14;
	v14 =	vld [tilespmem:s13+$0xFFFFFED0]  }
0x124: {  	[tilespmem:s13+$0xC0] =	vst v8;
	v12 =	vld [tilespmem:s17+$0x50]  }
0x125: {  	v8 =	vld [tilespmem:s17+$0xD0]  }
0x126: {  	v15 =	vmul.f32 v15, v16;
	v16 =	vld [tilespmem:s13+$0x50];
	[tilespmem:s13+$0x140] =	vst v10  }
0x127: {  	v10 =	vld [tilespmem:s17+$0x150]  }
0x128: {  	[tilespmem:s13+$0xFFFFFE50] =	vst v15;
	v13 =	vmul.f32 v13, v17;
	v17 =	vld [tilespmem:s13+$0xFFFFFE60]  }
0x129: {  	v15 =	vld [tilespmem:s17+$0xFFFFFE60]  }
0x12a: {  	v11 =	vmul.f32 v11, v14;
	v14 =	vld [tilespmem:s13+$0x150]  }
0x12b: {  	v9 =	vmul.f32 v9, v18;
	[tilespmem:s13+$0xFFFFFF50] =	vst v13;
	v18 =	vld [tilespmem:s13+$0xFFFFFFE0]  }
0x12c: {  	v13 =	vld [tilespmem:s17+$0xFFFFFF60]  }
0x12d: {  	v12 =	vmul.f32 v12, v16;
	v16 =	vld [tilespmem:s13+$0xFFFFFF60]  }
0x12e: {  	v8 =	vmul.f32 v8, v19;
	v19 =	vld [tilespmem:s13+$0xE0];
	[tilespmem:s13+$0xFFFFFED0] =	vst v11  }
0x12f: {  	[tilespmem:s13+$0xFFFFFFD0] =	vst v9;
	v11 =	vld [tilespmem:s17+$0xFFFFFEE0]  }
0x130: {  	v9 =	vld [tilespmem:s17+$0xFFFFFFE0];
	[tilespmem:s13+$0x50] =	vst v12  }
0x131: {  	[tilespmem:s13+$0xD0] =	vst v8;
	v12 =	vld [tilespmem:s17+$0x60]  }
0x132: {  	v8 =	vld [tilespmem:s17+$0xE0]  }
0x133: {  	v15 =	vmul.f32 v15, v17;
	v10 =	vmul.f32 v10, v14;
	v14 =	vld [tilespmem:s13+$0xFFFFFEE0]  }
0x134: {  	v17 =	vld [tilespmem:s13+$0x60]  }
0x135: {  	[tilespmem:s13+$0xFFFFFE60] =	vst v15;
	v15 =	vld [tilespmem:s13+$0xFFFFFF70]  }
0x136: {  	v13 =	vmul.f32 v13, v16;
	[tilespmem:s13+$0x150] =	vst v10;
	v16 =	vld [tilespmem:s17+$0xFFFFFE70];
	v9 =	vmul.f32 v9, v18  }
0x137: {  	v10 =	vld [tilespmem:s17+$0x160]  }
0x138: {  	v11 =	vmul.f32 v11, v14;
	v14 =	vld [tilespmem:s13+$0x160];
	[tilespmem:s13+$0xFFFFFFE0] =	vst v9  }
0x139: {  	[tilespmem:s13+$0xFFFFFF60] =	vst v13;
	v9 =	vld [tilespmem:s17+$0xFFFFFFF0]  }
0x13a: {  	v8 =	vmul.f32 v8, v19;
	[tilespmem:s13+$0xFFFFFEE0] =	vst v11;
	v11 =	vmul.f32 v12, v17;
	v12 =	vld [tilespmem:s17+$0xFFFFFF70]  }
0x13b: {  	v17 =	vld [tilespmem:s13+$0xFFFFFEF0]  }
0x13c: {  	[tilespmem:s13+$0xE0] =	vst v8;
	v18 =	vld [tilespmem:s17+$0xFFFFFEF0]  }
0x13d: {  	[tilespmem:s13+$0x60] =	vst v11;
	v11 =	vld [tilespmem:s17+$0xF0]  }
0x13e: {  	v13 =	vmul.f32 v10, v14;
	v10 =	vld [tilespmem:s17+$0x70]  }
0x13f: {  	v7 =	vmul.f32 v16, v63;
	v14 =	vld [tilespmem:s13+$0xFFFFFFF0]  }
0x140: {  	[tilespmem:s13+$0x160] =	vst v13;
	v13 =	vld [tilespmem:s13+$0x70]  }
0x141: {  	[tilespmem:s13+$0xFFFFFE70] =	vst v7;
	v7 =	vld [tilespmem:s13+$0x170]  }
0x142: {  	s25 =	simm.s32 $0x0;
	s10 =	simm.s32 $0x3000;
	v8 =	vld [tilespmem:s17+$0x170];
	v16 =	vmul.f32 v18, v17  }
.LBB2_8:
0x143: {  	v17 =	vld [tilespmem:s10+$0x180];
	v12 =	vmul.f32 v12, v15;
	s17 =	sadd.s32 $0x400, s17  }
0x144: {  	s25 =	sadd.s32 $0x8, s25;
	v15 =	vld [tilespmem:s17+$0x180];
	[tilespmem:s13+$0xFFFFFEF0] =	vst v16;
	v9 =	vmul.f32 v9, v14  }
0x145: {  	p0 =	slt.u32 s25, $0xB8;
	v14 =	vld [tilespmem:s17+$0xFFFFFE00];
	[tilespmem:s13+$0xFFFFFF70] =	vst v12;
	v10 =	vmul.f32 v10, v13  }
0x146: {  	v12 =	vld [tilespmem:s10+$0xFFFFFE80];
	[tilespmem:s13+$0xFFFFFFF0] =	vst v9;
	v6 =	vmul.f32 v11, v6  }
0x147: {  	v9 =	vld [tilespmem:s17+$0xFFFFFE80];
	[tilespmem:s13+$0x70] =	vst v10;
	v7 =	vmul.f32 v8, v7  }
0x148: {  	v8 =	vld [tilespmem:s10+$0xFFFFFF00];
	[tilespmem:s13+$0xF0] =	vst v6  }
0x149: {  	v6 =	vld [tilespmem:s17+$0xFFFFFF00];
	v10 =	vmul.f32 v15, v17;
	[tilespmem:s13+$0x170] =	vst v7;
	s13 =	smov.u32 s10  }
0x14a: {  	v7 =	vld [tilespmem:s10+$0xFFFFFF80]  }
0x14b: {  	[tilespmem:s10+$0x180] =	vst v10;
	v10 =	vld [tilespmem:s10+$0x190]  }
0x14c: {  	v9 =	vmul.f32 v9, v12;
	v11 =	vld [tilespmem:s17+$0x190]  }
0x14d: {  	v12 =	vld [tilespmem:s17+$0xFFFFFF80]  }
0x14e: {  	[tilespmem:s10+$0xFFFFFE80] =	vst v9;
	v6 =	vmul.f32 v6, v8;
	v8 =	vld [tilespmem:s10+$0x0]  }
0x14f: {  	v9 =	vld [tilespmem:s17+$0x0]  }
0x150: {  	[tilespmem:s10+$0xFFFFFF00] =	vst v6;
	v6 =	vld [tilespmem:s10+$0x80]  }
0x151: {  	v13 =	vld [tilespmem:s17+$0x80];
	v10 =	vmul.f32 v11, v10  }
0x152: {  	v7 =	vmul.f32 v12, v7;
	v11 =	vld [tilespmem:s10+$0x100]  }
0x153: {  	[tilespmem:s10+$0x190] =	vst v10;
	v10 =	vld [tilespmem:s10+$0x1A0]  }
0x154: {  	[tilespmem:s10+$0xFFFFFF80] =	vst v7;
	v7 =	vmul.f32 v9, v8;
	v8 =	vld [tilespmem:s17+$0x1A0]  }
0x155: {  	v9 =	vld [tilespmem:s17+$0x100]  }
0x156: {  	v12 =	vld [tilespmem:s10+$0xFFFFFE00];
	[tilespmem:s10+$0x0] =	vst v7;
	v6 =	vmul.f32 v13, v6  }
0x157: {  	v7 =	vld [tilespmem:s17+$0xFFFFFE90]  }
0x158: {  	v13 =	vld [tilespmem:s17+$0xFFFFFF10];
	[tilespmem:s10+$0x80] =	vst v6  }
0x159: {  	v6 =	vld [tilespmem:s17+$0xFFFFFF90];
	v8 =	vmul.f32 v8, v10  }
0x15a: {  	v10 =	vld [tilespmem:s17+$0x10];
	v9 =	vmul.f32 v9, v11  }
0x15b: {  	v11 =	vmul.f32 v14, v12;
	[tilespmem:s10+$0x1A0] =	vst v8;
	v8 =	vld [tilespmem:s10+$0x1B0]  }
0x15c: {  	[tilespmem:s10+$0x100] =	vst v9;
	v9 =	vld [tilespmem:s17+$0x1B0]  }
0x15d: {  	[tilespmem:s10+$0xFFFFFE00] =	vst v11;
	v11 =	vld [tilespmem:s17+$0x90]  }
0x15e: {  	v12 =	vld [tilespmem:s17+$0xFFFFFE10]  }
0x15f: {  	v14 =	vld [tilespmem:s17+$0x110]  }
0x160: {  	v15 =	vld [tilespmem:s10+$0xFFFFFE10]  }
0x161: {  	v16 =	vld [tilespmem:s10+$0xFFFFFE90];
	v8 =	vmul.f32 v9, v8  }
0x162: {  	v9 =	vld [tilespmem:s10+$0xFFFFFF10]  }
0x163: {  	[tilespmem:s10+$0x1B0] =	vst v8;
	v8 =	vld [tilespmem:s10+$0x1C0]  }
0x164: {  	v17 =	vld [tilespmem:s17+$0x1C0]  }
0x165: {  	v12 =	vmul.f32 v12, v15;
	v15 =	vld [tilespmem:s10+$0xFFFFFF90]  }
0x166: {  	v7 =	vmul.f32 v7, v16;
	v16 =	vld [tilespmem:s10+$0x10]  }
0x167: {  	[tilespmem:s10+$0xFFFFFE10] =	vst v12;
	v9 =	vmul.f32 v13, v9;
	v12 =	vld [tilespmem:s10+$0x90]  }
0x168: {  	[tilespmem:s10+$0xFFFFFE90] =	vst v7;
	v7 =	vld [tilespmem:s10+$0x110]  }
0x169: {  	v13 =	vld [tilespmem:s17+$0xFFFFFE20];
	[tilespmem:s10+$0xFFFFFF10] =	vst v9;
	v8 =	vmul.f32 v17, v8  }
0x16a: {  	v9 =	vld [tilespmem:s17+$0xFFFFFEA0];
	v6 =	vmul.f32 v6, v15  }
0x16b: {  	v10 =	vmul.f32 v10, v16;
	[tilespmem:s10+$0x1C0] =	vst v8;
	v8 =	vld [tilespmem:s10+$0x1D0]  }
0x16c: {  	[tilespmem:s10+$0xFFFFFF90] =	vst v6;
	v6 =	vmul.f32 v11, v12;
	v11 =	vld [tilespmem:s17+$0x1D0]  }
0x16d: {  	v12 =	vld [tilespmem:s17+$0xFFFFFF20];
	[tilespmem:s10+$0x10] =	vst v10;
	v7 =	vmul.f32 v14, v7  }
0x16e: {  	v10 =	vld [tilespmem:s17+$0xFFFFFFA0];
	[tilespmem:s10+$0x90] =	vst v6  }
0x16f: {  	v6 =	vld [tilespmem:s17+$0x20];
	[tilespmem:s10+$0x110] =	vst v7  }
0x170: {  	v7 =	vld [tilespmem:s17+$0xA0]  }
0x171: {  	v14 =	vld [tilespmem:s17+$0x120];
	v8 =	vmul.f32 v11, v8  }
0x172: {  	v11 =	vld [tilespmem:s10+$0xFFFFFE20]  }
0x173: {  	[tilespmem:s10+$0x1D0] =	vst v8;
	v8 =	vld [tilespmem:s10+$0x1E0]  }
0x174: {  	v15 =	vld [tilespmem:s17+$0x1E0]  }
0x175: {  	v16 =	vld [tilespmem:s10+$0xFFFFFEA0]  }
0x176: {  	v17 =	vld [tilespmem:s10+$0xFFFFFF20]  }
0x177: {  	v11 =	vmul.f32 v13, v11;
	v13 =	vld [tilespmem:s10+$0xFFFFFFA0]  }
0x178: {  	v18 =	vld [tilespmem:s10+$0x20]  }
0x179: {  	[tilespmem:s10+$0xFFFFFE20] =	vst v11;
	v11 =	vld [tilespmem:s10+$0xA0];
	v8 =	vmul.f32 v15, v8  }
0x17a: {  	v9 =	vmul.f32 v9, v16;
	v15 =	vld [tilespmem:s10+$0x120]  }
0x17b: {  	v12 =	vmul.f32 v12, v17;
	[tilespmem:s10+$0x1E0] =	vst v8;
	v8 =	vld [tilespmem:s10+$0x1F0]  }
0x17c: {  	[tilespmem:s10+$0xFFFFFEA0] =	vst v9;
	v9 =	vmul.f32 v10, v13;
	v10 =	vld [tilespmem:s17+$0x1F0]  }
0x17d: {  	v13 =	vld [tilespmem:s17+$0xFFFFFE30];
	[tilespmem:s10+$0xFFFFFF20] =	vst v12;
	v6 =	vmul.f32 v6, v18  }
0x17e: {  	v12 =	vld [tilespmem:s17+$0xFFFFFEB0];
	[tilespmem:s10+$0xFFFFFFA0] =	vst v9;
	v7 =	vmul.f32 v7, v11  }
0x17f: {  	v9 =	vld [tilespmem:s17+$0xFFFFFF30];
	[tilespmem:s10+$0x20] =	vst v6;
	v6 =	vmul.f32 v14, v15  }
0x180: {  	v11 =	vld [tilespmem:s17+$0xFFFFFFB0];
	[tilespmem:s10+$0xA0] =	vst v7  }
0x181: {  	v7 =	vld [tilespmem:s17+$0x30];
	[tilespmem:s10+$0x120] =	vst v6;
	v6 =	vmul.f32 v10, v8  }
0x182: {  	v8 =	vld [tilespmem:s17+$0xB0]  }
0x183: {  	v10 =	vld [tilespmem:s17+$0x130];
	[tilespmem:s10+$0x1F0] =	vst v6  }
0x184: {  	v6 =	vld [tilespmem:s10+$0xFFFFFE30]  }
0x185: {  	v14 =	vld [tilespmem:s10+$0xFFFFFEB0]  }
0x186: {  	v15 =	vld [tilespmem:s10+$0xFFFFFF30]  }
0x187: {  	v16 =	vld [tilespmem:s10+$0xFFFFFFB0]  }
0x188: {  	v17 =	vld [tilespmem:s10+$0x30]  }
0x189: {  	v6 =	vmul.f32 v13, v6;
	v13 =	vld [tilespmem:s10+$0xB0]  }
0x18a: {  	v12 =	vmul.f32 v12, v14;
	v14 =	vld [tilespmem:s10+$0x130]  }
0x18b: {  	[tilespmem:s10+$0xFFFFFE30] =	vst v6;
	v6 =	vld [tilespmem:s10+$0xFFFFFE40];
	v9 =	vmul.f32 v9, v15  }
0x18c: {  	v15 =	vld [tilespmem:s17+$0xFFFFFE40];
	[tilespmem:s10+$0xFFFFFEB0] =	vst v12;
	v11 =	vmul.f32 v11, v16  }
0x18d: {  	v12 =	vld [tilespmem:s17+$0xFFFFFEC0];
	[tilespmem:s10+$0xFFFFFF30] =	vst v9;
	v7 =	vmul.f32 v7, v17  }
0x18e: {  	v9 =	vld [tilespmem:s17+$0xFFFFFF40];
	[tilespmem:s10+$0xFFFFFFB0] =	vst v11;
	v8 =	vmul.f32 v8, v13  }
0x18f: {  	v11 =	vld [tilespmem:s17+$0xFFFFFFC0];
	[tilespmem:s10+$0x30] =	vst v7;
	v7 =	vmul.f32 v10, v14  }
0x190: {  	v10 =	vld [tilespmem:s17+$0x40];
	[tilespmem:s10+$0xB0] =	vst v8  }
0x191: {  	v6 =	vmul.f32 v15, v6;
	v8 =	vld [tilespmem:s17+$0xC0];
	[tilespmem:s10+$0x130] =	vst v7  }
0x192: {  	v7 =	vld [tilespmem:s17+$0x140]  }
0x193: {  	[tilespmem:s10+$0xFFFFFE40] =	vst v6;
	v6 =	vld [tilespmem:s10+$0xFFFFFEC0]  }
0x194: {  	v13 =	vld [tilespmem:s10+$0xFFFFFF40]  }
0x195: {  	v14 =	vld [tilespmem:s10+$0xFFFFFFC0]  }
0x196: {  	v15 =	vld [tilespmem:s10+$0x40]  }
0x197: {  	v16 =	vld [tilespmem:s10+$0xC0]  }
0x198: {  	v6 =	vmul.f32 v12, v6;
	v12 =	vld [tilespmem:s10+$0x140]  }
0x199: {  	v17 =	vld [tilespmem:s17+$0xFFFFFE50];
	v9 =	vmul.f32 v9, v13  }
0x19a: {  	v13 =	vld [tilespmem:s10+$0xFFFFFE50];
	[tilespmem:s10+$0xFFFFFEC0] =	vst v6;
	v6 =	vmul.f32 v11, v14  }
0x19b: {  	v11 =	vld [tilespmem:s17+$0xFFFFFED0];
	[tilespmem:s10+$0xFFFFFF40] =	vst v9;
	v9 =	vmul.f32 v10, v15  }
0x19c: {  	v10 =	vld [tilespmem:s17+$0xFFFFFF50];
	[tilespmem:s10+$0xFFFFFFC0] =	vst v6;
	v6 =	vmul.f32 v8, v16  }
0x19d: {  	v8 =	vld [tilespmem:s17+$0xFFFFFFD0];
	[tilespmem:s10+$0x40] =	vst v9;
	v7 =	vmul.f32 v7, v12  }
0x19e: {  	v9 =	vld [tilespmem:s17+$0x50];
	[tilespmem:s10+$0xC0] =	vst v6  }
0x19f: {  	v6 =	vmul.f32 v17, v13;
	v12 =	vld [tilespmem:s17+$0xD0];
	[tilespmem:s10+$0x140] =	vst v7  }
0x1a0: {  	v7 =	vld [tilespmem:s17+$0x150]  }
0x1a1: {  	[tilespmem:s10+$0xFFFFFE50] =	vst v6;
	v6 =	vld [tilespmem:s10+$0xFFFFFED0]  }
0x1a2: {  	v13 =	vld [tilespmem:s10+$0xFFFFFF50]  }
0x1a3: {  	v14 =	vld [tilespmem:s10+$0xFFFFFFD0]  }
0x1a4: {  	v15 =	vld [tilespmem:s10+$0x50]  }
0x1a5: {  	v16 =	vld [tilespmem:s10+$0xD0]  }
0x1a6: {  	v6 =	vmul.f32 v11, v6;
	v11 =	vld [tilespmem:s10+$0x150]  }
0x1a7: {  	v17 =	vld [tilespmem:s17+$0xFFFFFE60];
	v10 =	vmul.f32 v10, v13  }
0x1a8: {  	v13 =	vld [tilespmem:s10+$0xFFFFFE60];
	[tilespmem:s10+$0xFFFFFED0] =	vst v6;
	v6 =	vmul.f32 v8, v14  }
0x1a9: {  	v8 =	vld [tilespmem:s17+$0xFFFFFEE0];
	[tilespmem:s10+$0xFFFFFF50] =	vst v10;
	v9 =	vmul.f32 v9, v15  }
0x1aa: {  	v10 =	vld [tilespmem:s17+$0xFFFFFF60];
	[tilespmem:s10+$0xFFFFFFD0] =	vst v6;
	v6 =	vmul.f32 v12, v16  }
0x1ab: {  	v12 =	vld [tilespmem:s17+$0xFFFFFFE0];
	[tilespmem:s10+$0x50] =	vst v9;
	v7 =	vmul.f32 v7, v11  }
0x1ac: {  	v9 =	vld [tilespmem:s17+$0x60];
	[tilespmem:s10+$0xD0] =	vst v6  }
0x1ad: {  	v6 =	vmul.f32 v17, v13;
	v11 =	vld [tilespmem:s17+$0xE0];
	[tilespmem:s10+$0x150] =	vst v7  }
0x1ae: {  	v7 =	vld [tilespmem:s17+$0x160]  }
0x1af: {  	[tilespmem:s10+$0xFFFFFE60] =	vst v6;
	v6 =	vld [tilespmem:s10+$0xFFFFFEE0]  }
0x1b0: {  	v13 =	vld [tilespmem:s10+$0xFFFFFF60]  }
0x1b1: {  	v14 =	vld [tilespmem:s10+$0xFFFFFFE0]  }
0x1b2: {  	v15 =	vld [tilespmem:s10+$0x60]  }
0x1b3: {  	v16 =	vld [tilespmem:s10+$0xE0]  }
0x1b4: {  	v6 =	vmul.f32 v8, v6;
	v8 =	vld [tilespmem:s10+$0x160]  }
0x1b5: {  	v17 =	vld [tilespmem:s17+$0xFFFFFE70];
	v10 =	vmul.f32 v10, v13  }
0x1b6: {  	v13 =	vld [tilespmem:s10+$0xFFFFFE70];
	[tilespmem:s10+$0xFFFFFEE0] =	vst v6;
	v6 =	vmul.f32 v12, v14  }
0x1b7: {  	v18 =	vld [tilespmem:s17+$0xFFFFFEF0];
	[tilespmem:s10+$0xFFFFFF60] =	vst v10;
	v10 =	vmul.f32 v9, v15  }
0x1b8: {  	v12 =	vld [tilespmem:s17+$0xFFFFFF70];
	[tilespmem:s10+$0xFFFFFFE0] =	vst v6;
	v6 =	vmul.f32 v11, v16  }
0x1b9: {  	v9 =	vld [tilespmem:s17+$0xFFFFFFF0];
	[tilespmem:s10+$0x60] =	vst v10;
	v7 =	vmul.f32 v7, v8  }
0x1ba: {  	v10 =	vld [tilespmem:s17+$0x70];
	[tilespmem:s10+$0xE0] =	vst v6  }
0x1bb: {  	v6 =	vmul.f32 v17, v13;
	v11 =	vld [tilespmem:s17+$0xF0];
	[tilespmem:s10+$0x160] =	vst v7  }
0x1bc: {  	v8 =	vld [tilespmem:s17+$0x170]  }
0x1bd: {  	[tilespmem:s10+$0xFFFFFE70] =	vst v6;
	v7 =	vld [tilespmem:s10+$0xFFFFFEF0]  }
.Ltmp10:
0x1be: {  	v15 =	vld [tilespmem:s10+$0xFFFFFF70];
	(pc) =	sbr.rel @p0 .LBB2_8-.Ltmp10, $4  }
0x1bf: {  	v14 =	vld [tilespmem:s10+$0xFFFFFFF0]  }
0x1c0: {  	v13 =	vld [tilespmem:s10+$0x70]  }
0x1c1: {  	v6 =	vld [tilespmem:s10+$0xF0]  }
0x1c2: {  	s10 =	sadd.s32 $0x400, s10;
	v16 =	vmul.f32 v18, v7;
	v7 =	vld [tilespmem:s13+$0x170]  }
0x1c3: {  	v12 =	vmul.f32 v12, v15  }
0x1c4: {  	[tilespmem:s13+$0xFFFFFEF0] =	vst v16;
	v9 =	vmul.f32 v9, v14  }
0x1c5: {  	[tilespmem:s13+$0xFFFFFF70] =	vst v12;
	v10 =	vmul.f32 v10, v13  }
0x1c6: {  	s10 =	sxor.u32 $0x1, s6;
	[tilespmem:s13+$0xFFFFFFF0] =	vst v9;
	v6 =	vmul.f32 v11, v6  }
0x1c7: {  	s10 =	smul.u32 $0xC0, s10;
	[tilespmem:s13+$0x70] =	vst v10;
	v7 =	vmul.f32 v8, v7  }
0x1c8: {  	[tilespmem:s13+$0xF0] =	vst v6  }
0x1c9: {  	s17 =	sadd.s32 $0x2580, s10;
	[tilespmem:s13+$0x170] =	vst v7  }
0x1ca: {  	[spmem:s5] =	stream.indirect.scatter.add.f32 [tilespmem:s31], [sflag:$0x6], $0x80, s17, s30, $0xb8;
	[tilespmem:$0x1EA00] =	vst v63  }
0x1cb: {  	_ =	swait.ge [sflag:s20], $0x6000  }
0x1cc: {  	[sflag:s20] =	ssyncset.done $0x0  }
0x1cd: {  	[sflag:s20] =	ssyncadd.s32 $0xFFFFA000  }
0x1ce: {  	[tilespmem:s10+$0x2580] =	vst v0  }
0x1cf: {  	s25 =	sor.u32 $0x2700, s10;
	[tilespmem:s10+$0x2770] =	vst v1  }
0x1d0: {  	[tilespmem:s25+$0x0] =	vst v1  }
0x1d1: {  	[tilespmem:s10+$0x2880] =	vst v1  }
0x1d2: {  	s17 =	sor.u32 $0x2710, s10;
	[tilespmem:s10+$0x2590] =	vst v0  }
0x1d3: {  	[tilespmem:s17+$0x0] =	vst v1  }
0x1d4: {  	[tilespmem:s10+$0x2890] =	vst v1  }
0x1d5: {  	s25 =	sor.u32 $0x2720, s10;
	[tilespmem:s10+$0x25A0] =	vst v0  }
0x1d6: {  	[tilespmem:s25+$0x0] =	vst v1  }
0x1d7: {  	[tilespmem:s10+$0x28A0] =	vst v1  }
0x1d8: {  	s17 =	sor.u32 $0x2730, s10;
	[tilespmem:s10+$0x25B0] =	vst v0  }
0x1d9: {  	[tilespmem:s17+$0x0] =	vst v1  }
0x1da: {  	[tilespmem:s10+$0x28B0] =	vst v1  }
0x1db: {  	[tilespmem:s10+$0x25C0] =	vst v0  }
0x1dc: {  	[tilespmem:s10+$0x2740] =	vst v1  }
0x1dd: {  	[tilespmem:s10+$0x28C0] =	vst v1  }
0x1de: {  	[tilespmem:s10+$0x25D0] =	vst v0  }
0x1df: {  	[tilespmem:s10+$0x2750] =	vst v1  }
0x1e0: {  	[tilespmem:s10+$0x28D0] =	vst v1  }
0x1e1: {  	[tilespmem:s10+$0x25E0] =	vst v0  }
0x1e2: {  	[tilespmem:s10+$0x2760] =	vst v1  }
0x1e3: {  	[tilespmem:s10+$0x28E0] =	vst v1  }
0x1e4: {  	[tilespmem:s10+$0x25F0] =	vst v0  }
0x1e5: {  	s25 =	sor.u32 $0x2600, s10;
	[tilespmem:s10+$0x28F0] =	vst v1  }
0x1e6: {  	[tilespmem:s25+$0x0] =	vst v0  }
0x1e7: {  	s17 =	sor.u32 $0x2900, s10;
	[tilespmem:s10+$0x2780] =	vst v1  }
0x1e8: {  	s25 =	sor.u32 $0x2610, s10;
	[tilespmem:s17+$0x0] =	vst v1  }
0x1e9: {  	[tilespmem:s25+$0x0] =	vst v0  }
0x1ea: {  	s17 =	sor.u32 $0x2910, s10;
	[tilespmem:s10+$0x2790] =	vst v1  }
0x1eb: {  	s25 =	sor.u32 $0x2620, s10;
	[tilespmem:s17+$0x0] =	vst v1  }
0x1ec: {  	[tilespmem:s25+$0x0] =	vst v0  }
0x1ed: {  	s17 =	sor.u32 $0x2920, s10;
	[tilespmem:s10+$0x27A0] =	vst v1  }
0x1ee: {  	s25 =	sor.u32 $0x2630, s10;
	[tilespmem:s17+$0x0] =	vst v1  }
0x1ef: {  	[tilespmem:s25+$0x0] =	vst v0  }
0x1f0: {  	[tilespmem:s10+$0x27B0] =	vst v1;
	s10 =	sor.u32 $0x2930, s10  }
0x1f1: {  	[tilespmem:s10+$0x0] =	vst v1  }
.LBB2_10:
0x1f2: {  	s10 =	smul.u32 $0xC0, s6;
	_ =	sdelay $0x1  }
.Ltmp11:
0x1f3: {  	s13 =	sadd.s32 $0x2700, s10;
	(pc) =	sbr.rel .LBB2_12-.Ltmp11, $4  }
0x1f4: {  	[tilespmem:s31], [sflag:$0x4] =	stream.indirect.gather [hbm4b:s8+s30], $0x80, s13, s30, $0xb8;
	[tilespmem:$0x1EA00] =	vst v63  }
0x1f5: {  	s10 =	sadd.s32 $0x2880, s10  }
0x1f6: {  	[tilespmem:s0], [sflag:$0x5] =	stream.indirect.gather [hbm4b:s9+s30], $0x80, s10, s30, $0xb8;
	[tilespmem:$0x1EA00] =	vst v63  }
0x1f7: {  	s6 =	sxor.u32 $0x1, s6;
	s13 =	simm.s32 $0x0;
	s10 =	simm.s32 $0x1  }
.LBB2_11:
0x1f8: {  	p0 =	slt.s32 s15, $0x1  }
.Ltmp12:
0x1f9: {  	_ = 	snop;
	(pc) =	sbr.rel @p0 .LBB2_13-.Ltmp12, $1  }
0x1fa: {  	_ =	sdelay $0x3  }
.LBB2_12:
0x1fb: {  	v6 =	vld [tilespmem:s16+$0xC80]  }
0x1fc: {  	v7 =	vld [tilespmem:s16+$0x1900];
	_ =	sdelay $0x2  }
0x1fd: {  	(xrf1) =	vsort.ascd.msk.u32 vm0, v2, v5  }
0x1fe: {  	(xrf1) =	vsort.ascd.msk.u32 vm0, v2, v6  }
0x1ff: {  	(xrf1) =	vsort.ascd.msk.u32 vm0, v2, v7;
	_ =	sdelay $0x9  }
0x200: {  	s16 =	smul.u32 $0xC0, s6  }
0x201: {  	s17 =	sand.u32 $0xFFFFFFF8, s13  }
0x202: {  	s25 =	sand.u32 $0x7, s13;
	s16 =	sadd.s32 s16, s17;
	_, v5, vm15 =	vpop (xrf1)  }
0x203: {  	s16 =	sor.u32 s25, s16;
	v5 =	vnsel vm15, $0x1F40, v5;
	_, v6, _ =	vpop (xrf1)  }
0x204: {  	[tilespmem:s16+$0x2580] =	vst v5;
	_, v7, _ =	vpop (xrf1);
	v5 =	vnsel vm15, $0x0, v6  }
0x205: {  	[tilespmem:s16+$0x2700] =	vst v5;
	v5 =	vnsel vm15, $0x0, v7  }
0x206: {  	[tilespmem:s16+$0x2880] =	vst v5  }
.LBB2_13:
0x207: {  	_ =	sdelay $0x3  }
0x208: {  	v5 =	vld.idx.msk [tilespmem:v4+s14+$0x10 ss:$0x1], $0xffff;
	_ =	sdelay $0x4  }
0x209: {  	v5 =	vsub.s32 v5, v3  }
0x20a: {  	vm0 =	vlt.u32 v5, $0x1F40  }
0x20b: {  	v6 =	vmpcnt.ones.xlane vm0;
	_ =	sdelay $0x1  }
0x20c: {  	(v2sf) =	vpush v6, $0x0;
	_ =	sdelay $0xd  }
0x20d: {  	s15 =	sadd.s32 s15, s13  }
0x20e: {  	p0 =	slt.s32 s15, $0xB1;
	s13 =	spop (v2sf)  }
0x20f: {  	p1 =	slt.s32 @!p0 s13, $0x1  }
0x210: {  	p0 =	por p0, p1  }
.Ltmp13:
0x211: {  	_ = 	snop;
	(pc) =	sbr.rel @p0 .LBB2_19-.Ltmp13, $2  }
0x212: {  	_ =	sdelay $0x2  }
0x213: {  	s14 =	sadd.s32 s14, s21  }
0x214: {  	p0 =	sne.s32 s10, $0x1  }
.Ltmp14:
0x215: {  	_ = 	snop;
	(pc) =	sbr.rel @p0 .LBB2_18-.Ltmp14, $1  }
0x216: {  	_ =	sdelay $0x3  }
0x217: {  	_ =	swait.ge [sflag:s28], $0x6000  }
0x218: {  	[sflag:s28] =	ssyncset.done $0x0  }
0x219: {  	[sflag:s28] =	ssyncadd.s32 $0xFFFFA000  }
0x21a: {  	_ =	swait.ge [sflag:s29], $0x6000  }
0x21b: {  	[sflag:s29] =	ssyncset.done $0x0  }
0x21c: {  	s15 =	simm.s32 $0x2C00;
	[sflag:s29] =	ssyncadd.s32 $0xFFFFA000  }
0x21d: {  	s16 =	simm.s32 $0x8C00;
	v6 =	vld [tilespmem:s15+$0x180]  }
0x21e: {  	v7 =	vld [tilespmem:s16+$0x180]  }
0x21f: {  	v8 =	vld [tilespmem:s16+$0xFFFFFE00]  }
0x220: {  	v9 =	vld [tilespmem:s15+$0xFFFFFE80]  }
0x221: {  	v10 =	vld [tilespmem:s16+$0xFFFFFE80]  }
0x222: {  	v11 =	vld [tilespmem:s15+$0xFFFFFF00]  }
0x223: {  	v12 =	vld [tilespmem:s16+$0xFFFFFF00];
	v6 =	vmul.f32 v7, v6  }
0x224: {  	v13 =	vld [tilespmem:s16+$0xFFFFFF80]  }
0x225: {  	[tilespmem:s15+$0x180] =	vst v6;
	v6 =	vld [tilespmem:s15+$0x190]  }
0x226: {  	v7 =	vld [tilespmem:s16+$0x190]  }
0x227: {  	v15 =	vld [tilespmem:s15+$0x0]  }
0x228: {  	v16 =	vld [tilespmem:s16+$0x0]  }
0x229: {  	v17 =	vld [tilespmem:s15+$0x80]  }
0x22a: {  	v18 =	vld [tilespmem:s16+$0x80]  }
0x22b: {  	v6 =	vmul.f32 v7, v6;
	v7 =	vld [tilespmem:s15+$0xFFFFFF80]  }
0x22c: {  	v19 =	vld [tilespmem:s15+$0x100]  }
0x22d: {  	[tilespmem:s15+$0x190] =	vst v6;
	v6 =	vld [tilespmem:s15+$0x1A0]  }
0x22e: {  	v14 =	vld [tilespmem:s16+$0x1A0]  }
0x22f: {  	v20 =	vld [tilespmem:s15+$0xA0]  }
0x230: {  	v9 =	vmul.f32 v10, v9;
	v10 =	vld [tilespmem:s15+$0xFFFFFE00];
	v7 =	vmul.f32 v13, v7  }
0x231: {  	v63 =	vld [tilespmem:s15+$0xFFFFFE70]  }
0x232: {  	[tilespmem:s15+$0xFFFFFF80] =	vst v7;
	v7 =	vmul.f32 v18, v17;
	v17 =	vld [tilespmem:s15+$0xFFFFFF10]  }
0x233: {  	v18 =	vld [tilespmem:s15+$0xFFFFFF90];
	v6 =	vmul.f32 v14, v6  }
0x234: {  	[tilespmem:s15+$0xFFFFFE80] =	vst v9;
	v14 =	vld [tilespmem:s16+$0x100]  }
0x235: {  	v8 =	vmul.f32 v8, v10;
	[tilespmem:s15+$0x1A0] =	vst v6;
	v6 =	vmul.f32 v12, v11;
	v11 =	vld [tilespmem:s15+$0x1B0]  }
0x236: {  	[tilespmem:s15+$0x80] =	vst v7;
	v12 =	vld [tilespmem:s16+$0xFFFFFE90]  }
0x237: {  	[tilespmem:s15+$0xFFFFFE00] =	vst v8;
	v8 =	vld [tilespmem:s16+$0x90]  }
0x238: {  	v9 =	vld [tilespmem:s16+$0x1B0]  }
0x239: {  	[tilespmem:s15+$0xFFFFFF00] =	vst v6;
	v6 =	vmul.f32 v16, v15;
	v15 =	vld [tilespmem:s15+$0xFFFFFE10]  }
0x23a: {  	v16 =	vld [tilespmem:s15+$0xFFFFFE90]  }
0x23b: {  	v13 =	vld [tilespmem:s16+$0xFFFFFF10]  }
0x23c: {  	v10 =	vmul.f32 v14, v19;
	v19 =	vld [tilespmem:s15+$0x10]  }
0x23d: {  	[tilespmem:s15+$0x0] =	vst v6;
	v6 =	vld [tilespmem:s16+$0xFFFFFF90]  }
0x23e: {  	[tilespmem:s15+$0x100] =	vst v10;
	v10 =	vld [tilespmem:s16+$0xFFFFFE10]  }
0x23f: {  	v7 =	vld [tilespmem:s16+$0x10];
	v9 =	vmul.f32 v9, v11  }
0x240: {  	v11 =	vld [tilespmem:s16+$0x110]  }
0x241: {  	[tilespmem:s15+$0x1B0] =	vst v9;
	v9 =	vld [tilespmem:s15+$0x1C0]  }
0x242: {  	v14 =	vld [tilespmem:s16+$0x1C0]  }
0x243: {  	v10 =	vmul.f32 v10, v15;
	v15 =	vld [tilespmem:s15+$0x110]  }
0x244: {  	v6 =	vmul.f32 v6, v18;
	v18 =	vld [tilespmem:s15+$0xFFFFFFA0]  }
0x245: {  	v7 =	vmul.f32 v7, v19;
	v19 =	vld [tilespmem:s15+$0x20]  }
0x246: {  	[tilespmem:s15+$0xFFFFFE10] =	vst v10;
	v10 =	vmul.f32 v13, v17;
	v17 =	vld [tilespmem:s15+$0xFFFFFF20]  }
0x247: {  	[tilespmem:s15+$0xFFFFFF90] =	vst v6;
	v9 =	vmul.f32 v14, v9;
	v14 =	vld [tilespmem:s15+$0x90]  }
0x248: {  	[tilespmem:s15+$0x10] =	vst v7;
	v7 =	vmul.f32 v11, v15;
	v11 =	vld [tilespmem:s16+$0xFFFFFFA0]  }
0x249: {  	v15 =	vld [tilespmem:s15+$0xFFFFFE20]  }
0x24a: {  	[tilespmem:s15+$0x1C0] =	vst v9;
	v9 =	vmul.f32 v12, v16;
	v12 =	vld [tilespmem:s15+$0x1D0]  }
0x24b: {  	v16 =	vld [tilespmem:s15+$0xFFFFFEA0]  }
0x24c: {  	v13 =	vld [tilespmem:s16+$0x1D0]  }
0x24d: {  	[tilespmem:s15+$0xFFFFFE90] =	vst v9;
	v9 =	vld [tilespmem:s16+$0xFFFFFE20]  }
0x24e: {  	[tilespmem:s15+$0xFFFFFF10] =	vst v10;
	v10 =	vld [tilespmem:s16+$0xFFFFFEA0];
	v6 =	vmul.f32 v8, v14  }
0x24f: {  	v8 =	vld [tilespmem:s16+$0xFFFFFF20]  }
0x250: {  	v14 =	vld [tilespmem:s16+$0x20];
	[tilespmem:s15+$0x90] =	vst v6  }
0x251: {  	[tilespmem:s15+$0x110] =	vst v7;
	v6 =	vmul.f32 v13, v12;
	v12 =	vld [tilespmem:s16+$0xA0]  }
0x252: {  	v13 =	vld [tilespmem:s16+$0x120]  }
0x253: {  	[tilespmem:s15+$0x1D0] =	vst v6;
	v6 =	vld [tilespmem:s15+$0x1E0]  }
0x254: {  	v10 =	vmul.f32 v10, v16;
	v16 =	vld [tilespmem:s15+$0xFFFFFEB0]  }
0x255: {  	v8 =	vmul.f32 v8, v17;
	v17 =	vld [tilespmem:s15+$0xFFFFFF30]  }
0x256: {  	v7 =	vld [tilespmem:s16+$0x1E0]  }
0x257: {  	[tilespmem:s15+$0xFFFFFEA0] =	vst v10;
	v10 =	vmul.f32 v11, v18;
	v18 =	vld [tilespmem:s15+$0xFFFFFFB0]  }
0x258: {  	[tilespmem:s15+$0xFFFFFF20] =	vst v8;
	v8 =	vmul.f32 v14, v19;
	v19 =	vld [tilespmem:s15+$0x30]  }
0x259: {  	v14 =	vld [tilespmem:s16+$0xFFFFFEB0]  }
0x25a: {  	[tilespmem:s15+$0xFFFFFFA0] =	vst v10;
	v10 =	vmul.f32 v12, v20;
	v12 =	vld [tilespmem:s16+$0xFFFFFF30]  }
0x25b: {  	[tilespmem:s15+$0x20] =	vst v8;
	v8 =	vld [tilespmem:s16+$0xFFFFFFB0]  }
0x25c: {  	v6 =	vmul.f32 v7, v6;
	v7 =	vmul.f32 v9, v15;
	v9 =	vld [tilespmem:s15+$0x120]  }
0x25d: {  	[tilespmem:s15+$0xA0] =	vst v10;
	v10 =	vld [tilespmem:s16+$0x30]  }
0x25e: {  	[tilespmem:s15+$0x1E0] =	vst v6;
	v6 =	vld [tilespmem:s15+$0x1F0]  }
0x25f: {  	v14 =	vmul.f32 v14, v16;
	v16 =	vld [tilespmem:s15+$0x130]  }
0x260: {  	[tilespmem:s15+$0xFFFFFE20] =	vst v7;
	v7 =	vld [tilespmem:s16+$0x1F0]  }
0x261: {  	v11 =	vld [tilespmem:s16+$0xFFFFFE30]  }
0x262: {  	v8 =	vmul.f32 v8, v18;
	v18 =	vld [tilespmem:s15+$0xFFFFFFC0]  }
0x263: {  	[tilespmem:s15+$0xFFFFFEB0] =	vst v14;
	v9 =	vmul.f32 v13, v9;
	v13 =	vld [tilespmem:s16+$0xB0]  }
0x264: {  	v14 =	vld [tilespmem:s16+$0xFFFFFEC0]  }
0x265: {  	v12 =	vmul.f32 v12, v17;
	[tilespmem:s15+$0x120] =	vst v9;
	v9 =	vld [tilespmem:s15+$0xFFFFFE30]  }
0x266: {  	v15 =	vld [tilespmem:s16+$0x130]  }
0x267: {  	[tilespmem:s15+$0xFFFFFF30] =	vst v12;
	v10 =	vmul.f32 v10, v19;
	v19 =	vld [tilespmem:s15+$0xC0];
	v6 =	vmul.f32 v7, v6  }
0x268: {  	v12 =	vld [tilespmem:s16+$0xFFFFFF40]  }
0x269: {  	[tilespmem:s15+$0x1F0] =	vst v6;
	v6 =	vld [tilespmem:s15+$0xF0]  }
0x26a: {  	v9 =	vmul.f32 v11, v9;
	v11 =	vld [tilespmem:s15+$0xB0]  }
0x26b: {  	[tilespmem:s15+$0x30] =	vst v10;
	v10 =	vmul.f32 v15, v16;
	v15 =	vld [tilespmem:s15+$0xFFFFFEC0]  }
0x26c: {  	v16 =	vld [tilespmem:s15+$0xFFFFFF40]  }
0x26d: {  	[tilespmem:s15+$0xFFFFFE30] =	vst v9;
	v9 =	vld [tilespmem:s15+$0xFFFFFE40]  }
0x26e: {  	v17 =	vld [tilespmem:s16+$0xFFFFFE40];
	[tilespmem:s15+$0x130] =	vst v10  }
0x26f: {  	[tilespmem:s15+$0xFFFFFFB0] =	vst v8;
	v10 =	vld [tilespmem:s16+$0x140]  }
0x270: {  	v8 =	vmul.f32 v13, v11;
	v11 =	vld [tilespmem:s16+$0xFFFFFFC0]  }
0x271: {  	v13 =	vld [tilespmem:s16+$0x40]  }
0x272: {  	v12 =	vmul.f32 v12, v16;
	v16 =	vld [tilespmem:s15+$0xFFFFFE50];
	[tilespmem:s15+$0xB0] =	vst v8  }
0x273: {  	v8 =	vld [tilespmem:s16+$0xC0];
	v9 =	vmul.f32 v17, v9  }
0x274: {  	v17 =	vld [tilespmem:s15+$0x40]  }
0x275: {  	[tilespmem:s15+$0xFFFFFE40] =	vst v9;
	v9 =	vmul.f32 v14, v15;
	v14 =	vld [tilespmem:s15+$0x140]  }
0x276: {  	v15 =	vld [tilespmem:s16+$0xFFFFFE50]  }
0x277: {  	[tilespmem:s15+$0xFFFFFEC0] =	vst v9;
	v9 =	vmul.f32 v11, v18;
	v18 =	vld [tilespmem:s15+$0xFFFFFFD0]  }
0x278: {  	[tilespmem:s15+$0xFFFFFF40] =	vst v12;
	v11 =	vld [tilespmem:s16+$0xFFFFFED0]  }
0x279: {  	v12 =	vmul.f32 v13, v17;
	v13 =	vld [tilespmem:s16+$0xFFFFFF50]  }
0x27a: {  	v17 =	vld [tilespmem:s15+$0xFFFFFF50]  }
0x27b: {  	v8 =	vmul.f32 v8, v19;
	v19 =	vld [tilespmem:s15+$0xD0];
	[tilespmem:s15+$0xFFFFFFC0] =	vst v9  }
0x27c: {  	v9 =	vld [tilespmem:s16+$0xFFFFFFD0]  }
0x27d: {  	[tilespmem:s15+$0x40] =	vst v12;
	v10 =	vmul.f32 v10, v14;
	v14 =	vld [tilespmem:s15+$0xFFFFFED0]  }
0x27e: {  	[tilespmem:s15+$0xC0] =	vst v8;
	v12 =	vld [tilespmem:s16+$0x50]  }
0x27f: {  	v8 =	vld [tilespmem:s16+$0xD0]  }
0x280: {  	v15 =	vmul.f32 v15, v16;
	v16 =	vld [tilespmem:s15+$0x50];
	[tilespmem:s15+$0x140] =	vst v10  }
0x281: {  	v10 =	vld [tilespmem:s16+$0x150]  }
0x282: {  	[tilespmem:s15+$0xFFFFFE50] =	vst v15;
	v13 =	vmul.f32 v13, v17;
	v17 =	vld [tilespmem:s15+$0xFFFFFE60]  }
0x283: {  	v15 =	vld [tilespmem:s16+$0xFFFFFE60]  }
0x284: {  	v11 =	vmul.f32 v11, v14;
	v14 =	vld [tilespmem:s15+$0x150]  }
0x285: {  	v9 =	vmul.f32 v9, v18;
	[tilespmem:s15+$0xFFFFFF50] =	vst v13;
	v18 =	vld [tilespmem:s15+$0xFFFFFFE0]  }
0x286: {  	v13 =	vld [tilespmem:s16+$0xFFFFFF60]  }
0x287: {  	v12 =	vmul.f32 v12, v16;
	v16 =	vld [tilespmem:s15+$0xFFFFFF60]  }
0x288: {  	v8 =	vmul.f32 v8, v19;
	v19 =	vld [tilespmem:s15+$0xE0];
	[tilespmem:s15+$0xFFFFFED0] =	vst v11  }
0x289: {  	[tilespmem:s15+$0xFFFFFFD0] =	vst v9;
	v11 =	vld [tilespmem:s16+$0xFFFFFEE0]  }
0x28a: {  	v9 =	vld [tilespmem:s16+$0xFFFFFFE0];
	[tilespmem:s15+$0x50] =	vst v12  }
0x28b: {  	[tilespmem:s15+$0xD0] =	vst v8;
	v12 =	vld [tilespmem:s16+$0x60]  }
0x28c: {  	v8 =	vld [tilespmem:s16+$0xE0]  }
0x28d: {  	v15 =	vmul.f32 v15, v17;
	v10 =	vmul.f32 v10, v14;
	v14 =	vld [tilespmem:s15+$0xFFFFFEE0]  }
0x28e: {  	v17 =	vld [tilespmem:s15+$0x60]  }
0x28f: {  	[tilespmem:s15+$0xFFFFFE60] =	vst v15;
	v15 =	vld [tilespmem:s15+$0xFFFFFF70]  }
0x290: {  	v13 =	vmul.f32 v13, v16;
	[tilespmem:s15+$0x150] =	vst v10;
	v16 =	vld [tilespmem:s16+$0xFFFFFE70];
	v9 =	vmul.f32 v9, v18  }
0x291: {  	v10 =	vld [tilespmem:s16+$0x160]  }
0x292: {  	v11 =	vmul.f32 v11, v14;
	v14 =	vld [tilespmem:s15+$0x160];
	[tilespmem:s15+$0xFFFFFFE0] =	vst v9  }
0x293: {  	[tilespmem:s15+$0xFFFFFF60] =	vst v13;
	v9 =	vld [tilespmem:s16+$0xFFFFFFF0]  }
0x294: {  	v8 =	vmul.f32 v8, v19;
	[tilespmem:s15+$0xFFFFFEE0] =	vst v11;
	v11 =	vmul.f32 v12, v17;
	v12 =	vld [tilespmem:s16+$0xFFFFFF70]  }
0x295: {  	v17 =	vld [tilespmem:s15+$0xFFFFFEF0]  }
0x296: {  	[tilespmem:s15+$0xE0] =	vst v8;
	v18 =	vld [tilespmem:s16+$0xFFFFFEF0]  }
0x297: {  	[tilespmem:s15+$0x60] =	vst v11;
	v11 =	vld [tilespmem:s16+$0xF0]  }
0x298: {  	v13 =	vmul.f32 v10, v14;
	v10 =	vld [tilespmem:s16+$0x70]  }
0x299: {  	v7 =	vmul.f32 v16, v63;
	v14 =	vld [tilespmem:s15+$0xFFFFFFF0]  }
0x29a: {  	[tilespmem:s15+$0x160] =	vst v13;
	v13 =	vld [tilespmem:s15+$0x70]  }
0x29b: {  	[tilespmem:s15+$0xFFFFFE70] =	vst v7;
	v7 =	vld [tilespmem:s15+$0x170]  }
0x29c: {  	s17 =	simm.s32 $0x0;
	s10 =	simm.s32 $0x3000;
	v8 =	vld [tilespmem:s16+$0x170];
	v16 =	vmul.f32 v18, v17  }
.LBB2_16:
0x29d: {  	v17 =	vld [tilespmem:s10+$0x180];
	v12 =	vmul.f32 v12, v15;
	s16 =	sadd.s32 $0x400, s16  }
0x29e: {  	s17 =	sadd.s32 $0x8, s17;
	v15 =	vld [tilespmem:s16+$0x180];
	[tilespmem:s15+$0xFFFFFEF0] =	vst v16;
	v9 =	vmul.f32 v9, v14  }
0x29f: {  	p0 =	slt.u32 s17, $0xB8;
	v14 =	vld [tilespmem:s16+$0xFFFFFE00];
	[tilespmem:s15+$0xFFFFFF70] =	vst v12;
	v10 =	vmul.f32 v10, v13  }
0x2a0: {  	v12 =	vld [tilespmem:s10+$0xFFFFFE80];
	[tilespmem:s15+$0xFFFFFFF0] =	vst v9;
	v6 =	vmul.f32 v11, v6  }
0x2a1: {  	v9 =	vld [tilespmem:s16+$0xFFFFFE80];
	[tilespmem:s15+$0x70] =	vst v10;
	v7 =	vmul.f32 v8, v7  }
0x2a2: {  	v8 =	vld [tilespmem:s10+$0xFFFFFF00];
	[tilespmem:s15+$0xF0] =	vst v6  }
0x2a3: {  	v6 =	vld [tilespmem:s16+$0xFFFFFF00];
	v10 =	vmul.f32 v15, v17;
	[tilespmem:s15+$0x170] =	vst v7;
	s15 =	smov.u32 s10  }
0x2a4: {  	v7 =	vld [tilespmem:s10+$0xFFFFFF80]  }
0x2a5: {  	[tilespmem:s10+$0x180] =	vst v10;
	v10 =	vld [tilespmem:s10+$0x190]  }
0x2a6: {  	v9 =	vmul.f32 v9, v12;
	v11 =	vld [tilespmem:s16+$0x190]  }
0x2a7: {  	v12 =	vld [tilespmem:s16+$0xFFFFFF80]  }
0x2a8: {  	[tilespmem:s10+$0xFFFFFE80] =	vst v9;
	v6 =	vmul.f32 v6, v8;
	v8 =	vld [tilespmem:s10+$0x0]  }
0x2a9: {  	v9 =	vld [tilespmem:s16+$0x0]  }
0x2aa: {  	[tilespmem:s10+$0xFFFFFF00] =	vst v6;
	v6 =	vld [tilespmem:s10+$0x80]  }
0x2ab: {  	v13 =	vld [tilespmem:s16+$0x80];
	v10 =	vmul.f32 v11, v10  }
0x2ac: {  	v7 =	vmul.f32 v12, v7;
	v11 =	vld [tilespmem:s10+$0x100]  }
0x2ad: {  	[tilespmem:s10+$0x190] =	vst v10;
	v10 =	vld [tilespmem:s10+$0x1A0]  }
0x2ae: {  	[tilespmem:s10+$0xFFFFFF80] =	vst v7;
	v7 =	vmul.f32 v9, v8;
	v8 =	vld [tilespmem:s16+$0x1A0]  }
0x2af: {  	v9 =	vld [tilespmem:s16+$0x100]  }
0x2b0: {  	v12 =	vld [tilespmem:s10+$0xFFFFFE00];
	[tilespmem:s10+$0x0] =	vst v7;
	v6 =	vmul.f32 v13, v6  }
0x2b1: {  	v7 =	vld [tilespmem:s16+$0xFFFFFE90]  }
0x2b2: {  	v13 =	vld [tilespmem:s16+$0xFFFFFF10];
	[tilespmem:s10+$0x80] =	vst v6  }
0x2b3: {  	v6 =	vld [tilespmem:s16+$0xFFFFFF90];
	v8 =	vmul.f32 v8, v10  }
0x2b4: {  	v10 =	vld [tilespmem:s16+$0x10];
	v9 =	vmul.f32 v9, v11  }
0x2b5: {  	v11 =	vmul.f32 v14, v12;
	[tilespmem:s10+$0x1A0] =	vst v8;
	v8 =	vld [tilespmem:s10+$0x1B0]  }
0x2b6: {  	[tilespmem:s10+$0x100] =	vst v9;
	v9 =	vld [tilespmem:s16+$0x1B0]  }
0x2b7: {  	[tilespmem:s10+$0xFFFFFE00] =	vst v11;
	v11 =	vld [tilespmem:s16+$0x90]  }
0x2b8: {  	v12 =	vld [tilespmem:s16+$0xFFFFFE10]  }
0x2b9: {  	v14 =	vld [tilespmem:s16+$0x110]  }
0x2ba: {  	v15 =	vld [tilespmem:s10+$0xFFFFFE10]  }
0x2bb: {  	v16 =	vld [tilespmem:s10+$0xFFFFFE90];
	v8 =	vmul.f32 v9, v8  }
0x2bc: {  	v9 =	vld [tilespmem:s10+$0xFFFFFF10]  }
0x2bd: {  	[tilespmem:s10+$0x1B0] =	vst v8;
	v8 =	vld [tilespmem:s10+$0x1C0]  }
0x2be: {  	v17 =	vld [tilespmem:s16+$0x1C0]  }
0x2bf: {  	v12 =	vmul.f32 v12, v15;
	v15 =	vld [tilespmem:s10+$0xFFFFFF90]  }
0x2c0: {  	v7 =	vmul.f32 v7, v16;
	v16 =	vld [tilespmem:s10+$0x10]  }
0x2c1: {  	[tilespmem:s10+$0xFFFFFE10] =	vst v12;
	v9 =	vmul.f32 v13, v9;
	v12 =	vld [tilespmem:s10+$0x90]  }
0x2c2: {  	[tilespmem:s10+$0xFFFFFE90] =	vst v7;
	v7 =	vld [tilespmem:s10+$0x110]  }
0x2c3: {  	v13 =	vld [tilespmem:s16+$0xFFFFFE20];
	[tilespmem:s10+$0xFFFFFF10] =	vst v9;
	v8 =	vmul.f32 v17, v8  }
0x2c4: {  	v9 =	vld [tilespmem:s16+$0xFFFFFEA0];
	v6 =	vmul.f32 v6, v15  }
0x2c5: {  	v10 =	vmul.f32 v10, v16;
	[tilespmem:s10+$0x1C0] =	vst v8;
	v8 =	vld [tilespmem:s10+$0x1D0]  }
0x2c6: {  	[tilespmem:s10+$0xFFFFFF90] =	vst v6;
	v6 =	vmul.f32 v11, v12;
	v11 =	vld [tilespmem:s16+$0x1D0]  }
0x2c7: {  	v12 =	vld [tilespmem:s16+$0xFFFFFF20];
	[tilespmem:s10+$0x10] =	vst v10;
	v7 =	vmul.f32 v14, v7  }
0x2c8: {  	v10 =	vld [tilespmem:s16+$0xFFFFFFA0];
	[tilespmem:s10+$0x90] =	vst v6  }
0x2c9: {  	v6 =	vld [tilespmem:s16+$0x20];
	[tilespmem:s10+$0x110] =	vst v7  }
0x2ca: {  	v7 =	vld [tilespmem:s16+$0xA0]  }
0x2cb: {  	v14 =	vld [tilespmem:s16+$0x120];
	v8 =	vmul.f32 v11, v8  }
0x2cc: {  	v11 =	vld [tilespmem:s10+$0xFFFFFE20]  }
0x2cd: {  	[tilespmem:s10+$0x1D0] =	vst v8;
	v8 =	vld [tilespmem:s10+$0x1E0]  }
0x2ce: {  	v15 =	vld [tilespmem:s16+$0x1E0]  }
0x2cf: {  	v16 =	vld [tilespmem:s10+$0xFFFFFEA0]  }
0x2d0: {  	v17 =	vld [tilespmem:s10+$0xFFFFFF20]  }
0x2d1: {  	v11 =	vmul.f32 v13, v11;
	v13 =	vld [tilespmem:s10+$0xFFFFFFA0]  }
0x2d2: {  	v18 =	vld [tilespmem:s10+$0x20]  }
0x2d3: {  	[tilespmem:s10+$0xFFFFFE20] =	vst v11;
	v11 =	vld [tilespmem:s10+$0xA0];
	v8 =	vmul.f32 v15, v8  }
0x2d4: {  	v9 =	vmul.f32 v9, v16;
	v15 =	vld [tilespmem:s10+$0x120]  }
0x2d5: {  	v12 =	vmul.f32 v12, v17;
	[tilespmem:s10+$0x1E0] =	vst v8;
	v8 =	vld [tilespmem:s10+$0x1F0]  }
0x2d6: {  	[tilespmem:s10+$0xFFFFFEA0] =	vst v9;
	v9 =	vmul.f32 v10, v13;
	v10 =	vld [tilespmem:s16+$0x1F0]  }
0x2d7: {  	v13 =	vld [tilespmem:s16+$0xFFFFFE30];
	[tilespmem:s10+$0xFFFFFF20] =	vst v12;
	v6 =	vmul.f32 v6, v18  }
0x2d8: {  	v12 =	vld [tilespmem:s16+$0xFFFFFEB0];
	[tilespmem:s10+$0xFFFFFFA0] =	vst v9;
	v7 =	vmul.f32 v7, v11  }
0x2d9: {  	v9 =	vld [tilespmem:s16+$0xFFFFFF30];
	[tilespmem:s10+$0x20] =	vst v6;
	v6 =	vmul.f32 v14, v15  }
0x2da: {  	v11 =	vld [tilespmem:s16+$0xFFFFFFB0];
	[tilespmem:s10+$0xA0] =	vst v7  }
0x2db: {  	v7 =	vld [tilespmem:s16+$0x30];
	[tilespmem:s10+$0x120] =	vst v6;
	v6 =	vmul.f32 v10, v8  }
0x2dc: {  	v8 =	vld [tilespmem:s16+$0xB0]  }
0x2dd: {  	v10 =	vld [tilespmem:s16+$0x130];
	[tilespmem:s10+$0x1F0] =	vst v6  }
0x2de: {  	v6 =	vld [tilespmem:s10+$0xFFFFFE30]  }
0x2df: {  	v14 =	vld [tilespmem:s10+$0xFFFFFEB0]  }
0x2e0: {  	v15 =	vld [tilespmem:s10+$0xFFFFFF30]  }
0x2e1: {  	v16 =	vld [tilespmem:s10+$0xFFFFFFB0]  }
0x2e2: {  	v17 =	vld [tilespmem:s10+$0x30]  }
0x2e3: {  	v6 =	vmul.f32 v13, v6;
	v13 =	vld [tilespmem:s10+$0xB0]  }
0x2e4: {  	v12 =	vmul.f32 v12, v14;
	v14 =	vld [tilespmem:s10+$0x130]  }
0x2e5: {  	[tilespmem:s10+$0xFFFFFE30] =	vst v6;
	v6 =	vld [tilespmem:s10+$0xFFFFFE40];
	v9 =	vmul.f32 v9, v15  }
0x2e6: {  	v15 =	vld [tilespmem:s16+$0xFFFFFE40];
	[tilespmem:s10+$0xFFFFFEB0] =	vst v12;
	v11 =	vmul.f32 v11, v16  }
0x2e7: {  	v12 =	vld [tilespmem:s16+$0xFFFFFEC0];
	[tilespmem:s10+$0xFFFFFF30] =	vst v9;
	v7 =	vmul.f32 v7, v17  }
0x2e8: {  	v9 =	vld [tilespmem:s16+$0xFFFFFF40];
	[tilespmem:s10+$0xFFFFFFB0] =	vst v11;
	v8 =	vmul.f32 v8, v13  }
0x2e9: {  	v11 =	vld [tilespmem:s16+$0xFFFFFFC0];
	[tilespmem:s10+$0x30] =	vst v7;
	v7 =	vmul.f32 v10, v14  }
0x2ea: {  	v10 =	vld [tilespmem:s16+$0x40];
	[tilespmem:s10+$0xB0] =	vst v8  }
0x2eb: {  	v6 =	vmul.f32 v15, v6;
	v8 =	vld [tilespmem:s16+$0xC0];
	[tilespmem:s10+$0x130] =	vst v7  }
0x2ec: {  	v7 =	vld [tilespmem:s16+$0x140]  }
0x2ed: {  	[tilespmem:s10+$0xFFFFFE40] =	vst v6;
	v6 =	vld [tilespmem:s10+$0xFFFFFEC0]  }
0x2ee: {  	v13 =	vld [tilespmem:s10+$0xFFFFFF40]  }
0x2ef: {  	v14 =	vld [tilespmem:s10+$0xFFFFFFC0]  }
0x2f0: {  	v15 =	vld [tilespmem:s10+$0x40]  }
0x2f1: {  	v16 =	vld [tilespmem:s10+$0xC0]  }
0x2f2: {  	v6 =	vmul.f32 v12, v6;
	v12 =	vld [tilespmem:s10+$0x140]  }
0x2f3: {  	v17 =	vld [tilespmem:s16+$0xFFFFFE50];
	v9 =	vmul.f32 v9, v13  }
0x2f4: {  	v13 =	vld [tilespmem:s10+$0xFFFFFE50];
	[tilespmem:s10+$0xFFFFFEC0] =	vst v6;
	v6 =	vmul.f32 v11, v14  }
0x2f5: {  	v11 =	vld [tilespmem:s16+$0xFFFFFED0];
	[tilespmem:s10+$0xFFFFFF40] =	vst v9;
	v9 =	vmul.f32 v10, v15  }
0x2f6: {  	v10 =	vld [tilespmem:s16+$0xFFFFFF50];
	[tilespmem:s10+$0xFFFFFFC0] =	vst v6;
	v6 =	vmul.f32 v8, v16  }
0x2f7: {  	v8 =	vld [tilespmem:s16+$0xFFFFFFD0];
	[tilespmem:s10+$0x40] =	vst v9;
	v7 =	vmul.f32 v7, v12  }
0x2f8: {  	v9 =	vld [tilespmem:s16+$0x50];
	[tilespmem:s10+$0xC0] =	vst v6  }
0x2f9: {  	v6 =	vmul.f32 v17, v13;
	v12 =	vld [tilespmem:s16+$0xD0];
	[tilespmem:s10+$0x140] =	vst v7  }
0x2fa: {  	v7 =	vld [tilespmem:s16+$0x150]  }
0x2fb: {  	[tilespmem:s10+$0xFFFFFE50] =	vst v6;
	v6 =	vld [tilespmem:s10+$0xFFFFFED0]  }
0x2fc: {  	v13 =	vld [tilespmem:s10+$0xFFFFFF50]  }
0x2fd: {  	v14 =	vld [tilespmem:s10+$0xFFFFFFD0]  }
0x2fe: {  	v15 =	vld [tilespmem:s10+$0x50]  }
0x2ff: {  	v16 =	vld [tilespmem:s10+$0xD0]  }
0x300: {  	v6 =	vmul.f32 v11, v6;
	v11 =	vld [tilespmem:s10+$0x150]  }
0x301: {  	v17 =	vld [tilespmem:s16+$0xFFFFFE60];
	v10 =	vmul.f32 v10, v13  }
0x302: {  	v13 =	vld [tilespmem:s10+$0xFFFFFE60];
	[tilespmem:s10+$0xFFFFFED0] =	vst v6;
	v6 =	vmul.f32 v8, v14  }
0x303: {  	v8 =	vld [tilespmem:s16+$0xFFFFFEE0];
	[tilespmem:s10+$0xFFFFFF50] =	vst v10;
	v9 =	vmul.f32 v9, v15  }
0x304: {  	v10 =	vld [tilespmem:s16+$0xFFFFFF60];
	[tilespmem:s10+$0xFFFFFFD0] =	vst v6;
	v6 =	vmul.f32 v12, v16  }
0x305: {  	v12 =	vld [tilespmem:s16+$0xFFFFFFE0];
	[tilespmem:s10+$0x50] =	vst v9;
	v7 =	vmul.f32 v7, v11  }
0x306: {  	v9 =	vld [tilespmem:s16+$0x60];
	[tilespmem:s10+$0xD0] =	vst v6  }
0x307: {  	v6 =	vmul.f32 v17, v13;
	v11 =	vld [tilespmem:s16+$0xE0];
	[tilespmem:s10+$0x150] =	vst v7  }
0x308: {  	v7 =	vld [tilespmem:s16+$0x160]  }
0x309: {  	[tilespmem:s10+$0xFFFFFE60] =	vst v6;
	v6 =	vld [tilespmem:s10+$0xFFFFFEE0]  }
0x30a: {  	v13 =	vld [tilespmem:s10+$0xFFFFFF60]  }
0x30b: {  	v14 =	vld [tilespmem:s10+$0xFFFFFFE0]  }
0x30c: {  	v15 =	vld [tilespmem:s10+$0x60]  }
0x30d: {  	v16 =	vld [tilespmem:s10+$0xE0]  }
0x30e: {  	v6 =	vmul.f32 v8, v6;
	v8 =	vld [tilespmem:s10+$0x160]  }
0x30f: {  	v17 =	vld [tilespmem:s16+$0xFFFFFE70];
	v10 =	vmul.f32 v10, v13  }
0x310: {  	v13 =	vld [tilespmem:s10+$0xFFFFFE70];
	[tilespmem:s10+$0xFFFFFEE0] =	vst v6;
	v6 =	vmul.f32 v12, v14  }
0x311: {  	v18 =	vld [tilespmem:s16+$0xFFFFFEF0];
	[tilespmem:s10+$0xFFFFFF60] =	vst v10;
	v10 =	vmul.f32 v9, v15  }
0x312: {  	v12 =	vld [tilespmem:s16+$0xFFFFFF70];
	[tilespmem:s10+$0xFFFFFFE0] =	vst v6;
	v6 =	vmul.f32 v11, v16  }
0x313: {  	v9 =	vld [tilespmem:s16+$0xFFFFFFF0];
	[tilespmem:s10+$0x60] =	vst v10;
	v7 =	vmul.f32 v7, v8  }
0x314: {  	v10 =	vld [tilespmem:s16+$0x70];
	[tilespmem:s10+$0xE0] =	vst v6  }
0x315: {  	v6 =	vmul.f32 v17, v13;
	v11 =	vld [tilespmem:s16+$0xF0];
	[tilespmem:s10+$0x160] =	vst v7  }
0x316: {  	v8 =	vld [tilespmem:s16+$0x170]  }
0x317: {  	[tilespmem:s10+$0xFFFFFE70] =	vst v6;
	v7 =	vld [tilespmem:s10+$0xFFFFFEF0]  }
.Ltmp15:
0x318: {  	v15 =	vld [tilespmem:s10+$0xFFFFFF70];
	(pc) =	sbr.rel @p0 .LBB2_16-.Ltmp15, $4  }
0x319: {  	v14 =	vld [tilespmem:s10+$0xFFFFFFF0]  }
0x31a: {  	v13 =	vld [tilespmem:s10+$0x70]  }
0x31b: {  	v6 =	vld [tilespmem:s10+$0xF0]  }
0x31c: {  	s10 =	sadd.s32 $0x400, s10;
	v16 =	vmul.f32 v18, v7;
	v7 =	vld [tilespmem:s15+$0x170]  }
0x31d: {  	v12 =	vmul.f32 v12, v15  }
0x31e: {  	[tilespmem:s15+$0xFFFFFEF0] =	vst v16;
	v9 =	vmul.f32 v9, v14  }
0x31f: {  	[tilespmem:s15+$0xFFFFFF70] =	vst v12;
	v10 =	vmul.f32 v10, v13  }
0x320: {  	s10 =	sxor.u32 $0x1, s6;
	[tilespmem:s15+$0xFFFFFFF0] =	vst v9;
	v6 =	vmul.f32 v11, v6  }
0x321: {  	s10 =	smul.u32 $0xC0, s10;
	[tilespmem:s15+$0x70] =	vst v10;
	v7 =	vmul.f32 v8, v7  }
0x322: {  	[tilespmem:s15+$0xF0] =	vst v6  }
0x323: {  	s16 =	sadd.s32 $0x2580, s10;
	[tilespmem:s15+$0x170] =	vst v7  }
0x324: {  	[spmem:s5] =	stream.indirect.scatter.add.f32 [tilespmem:s31], [sflag:$0x6], $0x80, s16, s30, $0xb8;
	[tilespmem:$0x1EA00] =	vst v63  }
0x325: {  	_ =	swait.ge [sflag:s20], $0x6000  }
0x326: {  	[sflag:s20] =	ssyncset.done $0x0  }
0x327: {  	[sflag:s20] =	ssyncadd.s32 $0xFFFFA000  }
0x328: {  	[tilespmem:s10+$0x2580] =	vst v0  }
0x329: {  	s17 =	sor.u32 $0x2700, s10;
	[tilespmem:s10+$0x2770] =	vst v1  }
0x32a: {  	[tilespmem:s17+$0x0] =	vst v1  }
0x32b: {  	[tilespmem:s10+$0x2880] =	vst v1  }
0x32c: {  	s25 =	sor.u32 $0x2710, s10;
	[tilespmem:s10+$0x2590] =	vst v0  }
0x32d: {  	[tilespmem:s25+$0x0] =	vst v1  }
0x32e: {  	[tilespmem:s10+$0x2890] =	vst v1  }
0x32f: {  	s16 =	sor.u32 $0x2720, s10;
	[tilespmem:s10+$0x25A0] =	vst v0  }
0x330: {  	[tilespmem:s16+$0x0] =	vst v1  }
0x331: {  	[tilespmem:s10+$0x28A0] =	vst v1  }
0x332: {  	s17 =	sor.u32 $0x2730, s10;
	[tilespmem:s10+$0x25B0] =	vst v0  }
0x333: {  	[tilespmem:s17+$0x0] =	vst v1  }
0x334: {  	[tilespmem:s10+$0x28B0] =	vst v1  }
0x335: {  	[tilespmem:s10+$0x25C0] =	vst v0  }
0x336: {  	[tilespmem:s10+$0x2740] =	vst v1  }
0x337: {  	[tilespmem:s10+$0x28C0] =	vst v1  }
0x338: {  	[tilespmem:s10+$0x25D0] =	vst v0  }
0x339: {  	[tilespmem:s10+$0x2750] =	vst v1  }
0x33a: {  	[tilespmem:s10+$0x28D0] =	vst v1  }
0x33b: {  	[tilespmem:s10+$0x25E0] =	vst v0  }
0x33c: {  	[tilespmem:s10+$0x2760] =	vst v1  }
0x33d: {  	[tilespmem:s10+$0x28E0] =	vst v1  }
0x33e: {  	[tilespmem:s10+$0x25F0] =	vst v0  }
0x33f: {  	s25 =	sor.u32 $0x2600, s10;
	[tilespmem:s10+$0x28F0] =	vst v1  }
0x340: {  	[tilespmem:s25+$0x0] =	vst v0  }
0x341: {  	s16 =	sor.u32 $0x2900, s10;
	[tilespmem:s10+$0x2780] =	vst v1  }
0x342: {  	s17 =	sor.u32 $0x2610, s10;
	[tilespmem:s16+$0x0] =	vst v1  }
0x343: {  	[tilespmem:s17+$0x0] =	vst v0  }
0x344: {  	s25 =	sor.u32 $0x2910, s10;
	[tilespmem:s10+$0x2790] =	vst v1  }
0x345: {  	s16 =	sor.u32 $0x2620, s10;
	[tilespmem:s25+$0x0] =	vst v1  }
0x346: {  	[tilespmem:s16+$0x0] =	vst v0  }
.Ltmp16:
0x347: {  	s17 =	sor.u32 $0x2920, s10;
	[tilespmem:s10+$0x27A0] =	vst v1;
	(pc) =	sbr.rel .LBB2_18-.Ltmp16, $4  }
0x348: {  	s25 =	sor.u32 $0x2630, s10;
	[tilespmem:s17+$0x0] =	vst v1  }
0x349: {  	[tilespmem:s25+$0x0] =	vst v0  }
0x34a: {  	[tilespmem:s10+$0x27B0] =	vst v1;
	s10 =	sor.u32 $0x2930, s10  }
0x34b: {  	[tilespmem:s10+$0x0] =	vst v1  }
.LBB2_19:
0x34c: {  	p0 =	slt.s32 s13, $0x1  }
.Ltmp17:
0x34d: {  	_ = 	snop;
	(pc) =	sbr.rel @!p0 .LBB2_20-.Ltmp17, $4  }
.Ltmp18:
0x34e: {  	_ = 	snop;
	(pc) =	sbr.rel @p0 .LBB2_21-.Ltmp18, $4  }
0x34f: {  	_ = 	snop  }
0x350: {  	_ = 	snop  }
0x351: {  	_ = 	snop  }
0x352: {  	_ = 	snop  }
.LBB2_22:
0x353: {  	p0 =	sne.s32 s10, $0x1  }
.Ltmp19:
0x354: {  	_ = 	snop;
	(pc) =	sbr.rel @p0 .LBB2_26-.Ltmp19, $1  }
0x355: {  	_ =	sdelay $0x3  }
0x356: {  	_ =	swait.ge [sflag:s28], $0x6000  }
0x357: {  	[sflag:s28] =	ssyncset.done $0x0  }
0x358: {  	[sflag:s28] =	ssyncadd.s32 $0xFFFFA000  }
0x359: {  	_ =	swait.ge [sflag:s29], $0x6000  }
0x35a: {  	[sflag:s29] =	ssyncset.done $0x0  }
0x35b: {  	s4 =	simm.s32 $0x2C00;
	[sflag:s29] =	ssyncadd.s32 $0xFFFFA000  }
0x35c: {  	s14 =	simm.s32 $0x8C00;
	v3 =	vld [tilespmem:s4+$0x180]  }
0x35d: {  	v4 =	vld [tilespmem:s14+$0x180]  }
0x35e: {  	v5 =	vld [tilespmem:s14+$0xFFFFFE00]  }
0x35f: {  	v6 =	vld [tilespmem:s4+$0xFFFFFE80]  }
0x360: {  	v7 =	vld [tilespmem:s14+$0xFFFFFE80]  }
0x361: {  	v8 =	vld [tilespmem:s4+$0xFFFFFF00]  }
0x362: {  	v9 =	vld [tilespmem:s14+$0xFFFFFF00]  }
0x363: {  	v10 =	vld [tilespmem:s14+$0xFFFFFF80]  }
0x364: {  	v12 =	vld [tilespmem:s4+$0x0]  }
0x365: {  	v13 =	vld [tilespmem:s14+$0x0]  }
0x366: {  	v14 =	vld [tilespmem:s4+$0x80]  }
0x367: {  	v15 =	vld [tilespmem:s14+$0x80]  }
0x368: {  	v16 =	vld [tilespmem:s4+$0x100];
	v3 =	vmul.f32 v4, v3  }
0x369: {  	v57 =	vld [tilespmem:s4+$0x10]  }
0x36a: {  	[tilespmem:s4+$0x180] =	vst v3;
	v3 =	vld [tilespmem:s4+$0x190]  }
0x36b: {  	v4 =	vld [tilespmem:s14+$0x190]  }
0x36c: {  	v58 =	vld [tilespmem:s4+$0x20]  }
0x36d: {  	v17 =	vld [tilespmem:s4+$0xA0]  }
0x36e: {  	v59 =	vld [tilespmem:s4+$0x30]  }
0x36f: {  	v60 =	vld [tilespmem:s4+$0xC0]  }
0x370: {  	v3 =	vmul.f32 v4, v3;
	v4 =	vld [tilespmem:s4+$0xFFFFFF80]  }
0x371: {  	v61 =	vld [tilespmem:s4+$0xD0]  }
0x372: {  	[tilespmem:s4+$0x190] =	vst v3;
	v3 =	vld [tilespmem:s4+$0x1A0]  }
0x373: {  	v11 =	vld [tilespmem:s14+$0x1A0]  }
0x374: {  	v62 =	vld [tilespmem:s4+$0xE0]  }
0x375: {  	v6 =	vmul.f32 v7, v6;
	v7 =	vld [tilespmem:s4+$0xFFFFFE00];
	v4 =	vmul.f32 v10, v4  }
0x376: {  	v63 =	vld [tilespmem:s4+$0xFFFFFE70]  }
0x377: {  	[tilespmem:s4+$0xFFFFFF80] =	vst v4;
	v4 =	vmul.f32 v15, v14;
	v14 =	vld [tilespmem:s4+$0xFFFFFF10]  }
0x378: {  	v15 =	vld [tilespmem:s4+$0xFFFFFF90];
	v3 =	vmul.f32 v11, v3  }
0x379: {  	[tilespmem:s4+$0xFFFFFE80] =	vst v6;
	v11 =	vld [tilespmem:s14+$0x100]  }
0x37a: {  	v5 =	vmul.f32 v5, v7;
	[tilespmem:s4+$0x1A0] =	vst v3;
	v3 =	vmul.f32 v9, v8;
	v8 =	vld [tilespmem:s4+$0x1B0]  }
0x37b: {  	[tilespmem:s4+$0x80] =	vst v4;
	v9 =	vld [tilespmem:s14+$0xFFFFFE90]  }
0x37c: {  	[tilespmem:s4+$0xFFFFFE00] =	vst v5;
	v5 =	vld [tilespmem:s14+$0x90]  }
0x37d: {  	v6 =	vld [tilespmem:s14+$0x1B0]  }
0x37e: {  	[tilespmem:s4+$0xFFFFFF00] =	vst v3;
	v3 =	vmul.f32 v13, v12;
	v12 =	vld [tilespmem:s4+$0xFFFFFE10]  }
0x37f: {  	v10 =	vld [tilespmem:s14+$0xFFFFFF10];
	v7 =	vmul.f32 v11, v16  }
0x380: {  	[tilespmem:s4+$0x0] =	vst v3;
	v3 =	vld [tilespmem:s14+$0xFFFFFF90]  }
0x381: {  	[tilespmem:s4+$0x100] =	vst v7;
	v7 =	vld [tilespmem:s14+$0xFFFFFE10]  }
0x382: {  	v4 =	vld [tilespmem:s14+$0x10];
	v6 =	vmul.f32 v6, v8  }
0x383: {  	v8 =	vld [tilespmem:s14+$0x110]  }
0x384: {  	[tilespmem:s4+$0x1B0] =	vst v6;
	v6 =	vld [tilespmem:s4+$0x1C0]  }
0x385: {  	v11 =	vld [tilespmem:s14+$0x1C0]  }
0x386: {  	v7 =	vmul.f32 v7, v12;
	v12 =	vld [tilespmem:s4+$0x110]  }
0x387: {  	v13 =	vld [tilespmem:s4+$0xFFFFFE90]  }
0x388: {  	v3 =	vmul.f32 v3, v15;
	v15 =	vld [tilespmem:s4+$0xFFFFFFA0]  }
0x389: {  	v4 =	vmul.f32 v4, v57;
	[tilespmem:s4+$0xFFFFFE10] =	vst v7;
	v7 =	vmul.f32 v10, v14;
	v14 =	vld [tilespmem:s4+$0xFFFFFF20]  }
0x38a: {  	[tilespmem:s4+$0xFFFFFF90] =	vst v3;
	v6 =	vmul.f32 v11, v6;
	v11 =	vld [tilespmem:s4+$0x90]  }
0x38b: {  	[tilespmem:s4+$0x10] =	vst v4;
	v4 =	vmul.f32 v8, v12;
	v8 =	vld [tilespmem:s14+$0xFFFFFFA0]  }
0x38c: {  	v12 =	vld [tilespmem:s4+$0xFFFFFE20]  }
0x38d: {  	[tilespmem:s4+$0x1C0] =	vst v6;
	v6 =	vmul.f32 v9, v13;
	v9 =	vld [tilespmem:s4+$0x1D0]  }
0x38e: {  	v13 =	vld [tilespmem:s4+$0xFFFFFEA0]  }
0x38f: {  	v10 =	vld [tilespmem:s14+$0x1D0]  }
0x390: {  	[tilespmem:s4+$0xFFFFFE90] =	vst v6;
	v6 =	vld [tilespmem:s14+$0xFFFFFE20]  }
0x391: {  	[tilespmem:s4+$0xFFFFFF10] =	vst v7;
	v7 =	vld [tilespmem:s14+$0xFFFFFEA0];
	v3 =	vmul.f32 v5, v11  }
0x392: {  	v5 =	vld [tilespmem:s14+$0xFFFFFF20]  }
0x393: {  	v11 =	vld [tilespmem:s14+$0x20];
	[tilespmem:s4+$0x90] =	vst v3  }
0x394: {  	[tilespmem:s4+$0x110] =	vst v4;
	v3 =	vmul.f32 v10, v9;
	v9 =	vld [tilespmem:s14+$0xA0]  }
0x395: {  	v10 =	vld [tilespmem:s14+$0x120]  }
0x396: {  	[tilespmem:s4+$0x1D0] =	vst v3;
	v3 =	vld [tilespmem:s4+$0x1E0]  }
0x397: {  	v7 =	vmul.f32 v7, v13;
	v13 =	vld [tilespmem:s4+$0xFFFFFEB0]  }
0x398: {  	v5 =	vmul.f32 v5, v14;
	v14 =	vld [tilespmem:s4+$0xFFFFFF30]  }
0x399: {  	v4 =	vld [tilespmem:s14+$0x1E0]  }
0x39a: {  	[tilespmem:s4+$0xFFFFFEA0] =	vst v7;
	v7 =	vmul.f32 v8, v15;
	v15 =	vld [tilespmem:s4+$0xFFFFFFB0]  }
0x39b: {  	[tilespmem:s4+$0xFFFFFF20] =	vst v5;
	v5 =	vmul.f32 v11, v58;
	v11 =	vld [tilespmem:s14+$0xFFFFFEB0]  }
0x39c: {  	[tilespmem:s4+$0xFFFFFFA0] =	vst v7;
	v7 =	vmul.f32 v9, v17;
	v9 =	vld [tilespmem:s14+$0xFFFFFF30]  }
0x39d: {  	[tilespmem:s4+$0x20] =	vst v5;
	v5 =	vld [tilespmem:s14+$0xFFFFFFB0]  }
0x39e: {  	v3 =	vmul.f32 v4, v3;
	v4 =	vmul.f32 v6, v12;
	v6 =	vld [tilespmem:s4+$0x120]  }
0x39f: {  	[tilespmem:s4+$0xA0] =	vst v7;
	v7 =	vld [tilespmem:s14+$0x30]  }
0x3a0: {  	[tilespmem:s4+$0x1E0] =	vst v3;
	v3 =	vld [tilespmem:s4+$0x1F0]  }
0x3a1: {  	v11 =	vmul.f32 v11, v13;
	v13 =	vld [tilespmem:s4+$0x130]  }
0x3a2: {  	[tilespmem:s4+$0xFFFFFE20] =	vst v4;
	v4 =	vld [tilespmem:s14+$0x1F0]  }
0x3a3: {  	v8 =	vld [tilespmem:s14+$0xFFFFFE30]  }
0x3a4: {  	v5 =	vmul.f32 v5, v15;
	v15 =	vld [tilespmem:s4+$0xFFFFFFC0];
	v6 =	vmul.f32 v10, v6  }
0x3a5: {  	v10 =	vld [tilespmem:s14+$0xB0]  }
0x3a6: {  	v9 =	vmul.f32 v9, v14;
	[tilespmem:s4+$0x120] =	vst v6;
	v6 =	vld [tilespmem:s4+$0xFFFFFE30]  }
0x3a7: {  	[tilespmem:s4+$0xFFFFFEB0] =	vst v11;
	v12 =	vld [tilespmem:s14+$0x130]  }
0x3a8: {  	v11 =	vld [tilespmem:s14+$0xFFFFFEC0];
	[tilespmem:s4+$0xFFFFFF30] =	vst v9;
	v3 =	vmul.f32 v4, v3  }
0x3a9: {  	v9 =	vld [tilespmem:s14+$0xFFFFFF40]  }
0x3aa: {  	v7 =	vmul.f32 v7, v59;
	[tilespmem:s4+$0x1F0] =	vst v3;
	v3 =	vld [tilespmem:s4+$0xF0]  }
0x3ab: {  	v6 =	vmul.f32 v8, v6;
	v8 =	vld [tilespmem:s4+$0xB0]  }
0x3ac: {  	[tilespmem:s4+$0x30] =	vst v7;
	v7 =	vmul.f32 v12, v13;
	v12 =	vld [tilespmem:s4+$0xFFFFFEC0]  }
0x3ad: {  	v13 =	vld [tilespmem:s4+$0xFFFFFF40]  }
0x3ae: {  	[tilespmem:s4+$0xFFFFFE30] =	vst v6;
	v6 =	vld [tilespmem:s4+$0xFFFFFE40]  }
0x3af: {  	v14 =	vld [tilespmem:s14+$0xFFFFFE40];
	[tilespmem:s4+$0x130] =	vst v7  }
0x3b0: {  	[tilespmem:s4+$0xFFFFFFB0] =	vst v5;
	v7 =	vld [tilespmem:s14+$0x140]  }
0x3b1: {  	v5 =	vmul.f32 v10, v8;
	v8 =	vld [tilespmem:s14+$0xFFFFFFC0]  }
0x3b2: {  	v10 =	vld [tilespmem:s14+$0x40]  }
0x3b3: {  	v9 =	vmul.f32 v9, v13;
	v13 =	vld [tilespmem:s4+$0xFFFFFE50];
	[tilespmem:s4+$0xB0] =	vst v5  }
0x3b4: {  	v5 =	vld [tilespmem:s14+$0xC0];
	v6 =	vmul.f32 v14, v6  }
0x3b5: {  	v14 =	vld [tilespmem:s4+$0x40]  }
0x3b6: {  	[tilespmem:s4+$0xFFFFFE40] =	vst v6;
	v6 =	vmul.f32 v11, v12;
	v11 =	vld [tilespmem:s4+$0x140]  }
0x3b7: {  	v12 =	vld [tilespmem:s14+$0xFFFFFE50]  }
0x3b8: {  	[tilespmem:s4+$0xFFFFFEC0] =	vst v6;
	v6 =	vmul.f32 v8, v15;
	v15 =	vld [tilespmem:s4+$0xFFFFFFD0]  }
0x3b9: {  	[tilespmem:s4+$0xFFFFFF40] =	vst v9;
	v8 =	vld [tilespmem:s14+$0xFFFFFED0]  }
0x3ba: {  	v9 =	vmul.f32 v10, v14;
	v10 =	vld [tilespmem:s14+$0xFFFFFF50]  }
0x3bb: {  	v14 =	vld [tilespmem:s4+$0xFFFFFF50];
	[tilespmem:s4+$0xFFFFFFC0] =	vst v6  }
0x3bc: {  	v5 =	vmul.f32 v5, v60;
	v6 =	vld [tilespmem:s14+$0xFFFFFFD0]  }
0x3bd: {  	[tilespmem:s4+$0x40] =	vst v9;
	v7 =	vmul.f32 v7, v11;
	v11 =	vld [tilespmem:s4+$0xFFFFFED0]  }
0x3be: {  	[tilespmem:s4+$0xC0] =	vst v5;
	v9 =	vld [tilespmem:s14+$0x50]  }
0x3bf: {  	v5 =	vld [tilespmem:s14+$0xD0]  }
0x3c0: {  	v12 =	vmul.f32 v12, v13;
	v13 =	vld [tilespmem:s4+$0x50];
	[tilespmem:s4+$0x140] =	vst v7  }
0x3c1: {  	v7 =	vld [tilespmem:s14+$0x150]  }
0x3c2: {  	[tilespmem:s4+$0xFFFFFE50] =	vst v12;
	v10 =	vmul.f32 v10, v14;
	v14 =	vld [tilespmem:s4+$0xFFFFFE60]  }
0x3c3: {  	v12 =	vld [tilespmem:s14+$0xFFFFFE60]  }
0x3c4: {  	v8 =	vmul.f32 v8, v11;
	v11 =	vld [tilespmem:s4+$0x150]  }
0x3c5: {  	v6 =	vmul.f32 v6, v15;
	[tilespmem:s4+$0xFFFFFF50] =	vst v10;
	v15 =	vld [tilespmem:s4+$0xFFFFFFE0]  }
0x3c6: {  	v10 =	vld [tilespmem:s14+$0xFFFFFF60]  }
0x3c7: {  	v9 =	vmul.f32 v9, v13;
	v13 =	vld [tilespmem:s4+$0xFFFFFF60];
	[tilespmem:s4+$0xFFFFFED0] =	vst v8  }
0x3c8: {  	v5 =	vmul.f32 v5, v61;
	[tilespmem:s4+$0xFFFFFFD0] =	vst v6;
	v8 =	vld [tilespmem:s14+$0xFFFFFEE0]  }
0x3c9: {  	v6 =	vld [tilespmem:s14+$0xFFFFFFE0];
	[tilespmem:s4+$0x50] =	vst v9  }
0x3ca: {  	[tilespmem:s4+$0xD0] =	vst v5;
	v9 =	vld [tilespmem:s14+$0x60]  }
0x3cb: {  	v5 =	vld [tilespmem:s14+$0xE0]  }
0x3cc: {  	v12 =	vmul.f32 v12, v14;
	v7 =	vmul.f32 v7, v11;
	v11 =	vld [tilespmem:s4+$0xFFFFFEE0]  }
0x3cd: {  	v14 =	vld [tilespmem:s4+$0x60]  }
0x3ce: {  	[tilespmem:s4+$0xFFFFFE60] =	vst v12;
	v12 =	vld [tilespmem:s4+$0xFFFFFF70]  }
0x3cf: {  	v10 =	vmul.f32 v10, v13;
	[tilespmem:s4+$0x150] =	vst v7;
	v13 =	vld [tilespmem:s14+$0xFFFFFE70];
	v6 =	vmul.f32 v6, v15  }
0x3d0: {  	v7 =	vld [tilespmem:s14+$0x160]  }
0x3d1: {  	v8 =	vmul.f32 v8, v11;
	v11 =	vld [tilespmem:s4+$0x160];
	[tilespmem:s4+$0xFFFFFFE0] =	vst v6  }
0x3d2: {  	[tilespmem:s4+$0xFFFFFF60] =	vst v10;
	v6 =	vld [tilespmem:s14+$0xFFFFFFF0]  }
0x3d3: {  	v5 =	vmul.f32 v5, v62;
	[tilespmem:s4+$0xFFFFFEE0] =	vst v8;
	v8 =	vmul.f32 v9, v14;
	v9 =	vld [tilespmem:s14+$0xFFFFFF70]  }
0x3d4: {  	v14 =	vld [tilespmem:s4+$0xFFFFFEF0]  }
0x3d5: {  	[tilespmem:s4+$0xE0] =	vst v5;
	v15 =	vld [tilespmem:s14+$0xFFFFFEF0]  }
0x3d6: {  	[tilespmem:s4+$0x60] =	vst v8;
	v8 =	vld [tilespmem:s14+$0xF0]  }
0x3d7: {  	v10 =	vmul.f32 v7, v11;
	v7 =	vld [tilespmem:s14+$0x70]  }
0x3d8: {  	v4 =	vmul.f32 v13, v63;
	v11 =	vld [tilespmem:s4+$0xFFFFFFF0]  }
0x3d9: {  	[tilespmem:s4+$0x160] =	vst v10;
	v10 =	vld [tilespmem:s4+$0x70]  }
0x3da: {  	[tilespmem:s4+$0xFFFFFE70] =	vst v4;
	v4 =	vld [tilespmem:s4+$0x170]  }
0x3db: {  	s15 =	simm.s32 $0x0;
	s10 =	simm.s32 $0x3000;
	v5 =	vld [tilespmem:s14+$0x170];
	v13 =	vmul.f32 v15, v14  }
.LBB2_24:
0x3dc: {  	v14 =	vld [tilespmem:s10+$0x180];
	v9 =	vmul.f32 v9, v12;
	s14 =	sadd.s32 $0x400, s14  }
0x3dd: {  	s15 =	sadd.s32 $0x8, s15;
	v12 =	vld [tilespmem:s14+$0x180];
	[tilespmem:s4+$0xFFFFFEF0] =	vst v13;
	v6 =	vmul.f32 v6, v11  }
0x3de: {  	p0 =	slt.u32 s15, $0xB8;
	v11 =	vld [tilespmem:s14+$0xFFFFFE00];
	[tilespmem:s4+$0xFFFFFF70] =	vst v9;
	v7 =	vmul.f32 v7, v10  }
0x3df: {  	v9 =	vld [tilespmem:s10+$0xFFFFFE80];
	[tilespmem:s4+$0xFFFFFFF0] =	vst v6;
	v3 =	vmul.f32 v8, v3  }
0x3e0: {  	v6 =	vld [tilespmem:s14+$0xFFFFFE80];
	[tilespmem:s4+$0x70] =	vst v7;
	v4 =	vmul.f32 v5, v4  }
0x3e1: {  	v5 =	vld [tilespmem:s10+$0xFFFFFF00];
	[tilespmem:s4+$0xF0] =	vst v3  }
0x3e2: {  	v3 =	vld [tilespmem:s14+$0xFFFFFF00];
	v7 =	vmul.f32 v12, v14;
	[tilespmem:s4+$0x170] =	vst v4;
	s4 =	smov.u32 s10  }
0x3e3: {  	v4 =	vld [tilespmem:s10+$0xFFFFFF80]  }
0x3e4: {  	[tilespmem:s10+$0x180] =	vst v7;
	v7 =	vld [tilespmem:s10+$0x190]  }
0x3e5: {  	v6 =	vmul.f32 v6, v9;
	v8 =	vld [tilespmem:s14+$0x190]  }
0x3e6: {  	v9 =	vld [tilespmem:s14+$0xFFFFFF80]  }
0x3e7: {  	[tilespmem:s10+$0xFFFFFE80] =	vst v6;
	v3 =	vmul.f32 v3, v5;
	v5 =	vld [tilespmem:s10+$0x0]  }
0x3e8: {  	v6 =	vld [tilespmem:s14+$0x0]  }
0x3e9: {  	[tilespmem:s10+$0xFFFFFF00] =	vst v3;
	v3 =	vld [tilespmem:s10+$0x80]  }
0x3ea: {  	v10 =	vld [tilespmem:s14+$0x80];
	v7 =	vmul.f32 v8, v7  }
0x3eb: {  	v4 =	vmul.f32 v9, v4;
	v8 =	vld [tilespmem:s10+$0x100]  }
0x3ec: {  	[tilespmem:s10+$0x190] =	vst v7;
	v7 =	vld [tilespmem:s10+$0x1A0]  }
0x3ed: {  	[tilespmem:s10+$0xFFFFFF80] =	vst v4;
	v4 =	vmul.f32 v6, v5;
	v5 =	vld [tilespmem:s14+$0x1A0]  }
0x3ee: {  	v6 =	vld [tilespmem:s14+$0x100]  }
0x3ef: {  	v9 =	vld [tilespmem:s10+$0xFFFFFE00];
	[tilespmem:s10+$0x0] =	vst v4;
	v3 =	vmul.f32 v10, v3  }
0x3f0: {  	v4 =	vld [tilespmem:s14+$0xFFFFFE90]  }
0x3f1: {  	v10 =	vld [tilespmem:s14+$0xFFFFFF10];
	[tilespmem:s10+$0x80] =	vst v3  }
0x3f2: {  	v3 =	vld [tilespmem:s14+$0xFFFFFF90];
	v5 =	vmul.f32 v5, v7  }
0x3f3: {  	v7 =	vld [tilespmem:s14+$0x10];
	v6 =	vmul.f32 v6, v8  }
0x3f4: {  	v8 =	vmul.f32 v11, v9;
	[tilespmem:s10+$0x1A0] =	vst v5;
	v5 =	vld [tilespmem:s10+$0x1B0]  }
0x3f5: {  	[tilespmem:s10+$0x100] =	vst v6;
	v6 =	vld [tilespmem:s14+$0x1B0]  }
0x3f6: {  	[tilespmem:s10+$0xFFFFFE00] =	vst v8;
	v8 =	vld [tilespmem:s14+$0x90]  }
0x3f7: {  	v9 =	vld [tilespmem:s14+$0xFFFFFE10]  }
0x3f8: {  	v11 =	vld [tilespmem:s14+$0x110]  }
0x3f9: {  	v12 =	vld [tilespmem:s10+$0xFFFFFE10]  }
0x3fa: {  	v13 =	vld [tilespmem:s10+$0xFFFFFE90];
	v5 =	vmul.f32 v6, v5  }
0x3fb: {  	v6 =	vld [tilespmem:s10+$0xFFFFFF10]  }
0x3fc: {  	[tilespmem:s10+$0x1B0] =	vst v5;
	v5 =	vld [tilespmem:s10+$0x1C0]  }
0x3fd: {  	v14 =	vld [tilespmem:s14+$0x1C0]  }
0x3fe: {  	v9 =	vmul.f32 v9, v12;
	v12 =	vld [tilespmem:s10+$0xFFFFFF90]  }
0x3ff: {  	v4 =	vmul.f32 v4, v13;
	v13 =	vld [tilespmem:s10+$0x10]  }
0x400: {  	[tilespmem:s10+$0xFFFFFE10] =	vst v9;
	v6 =	vmul.f32 v10, v6;
	v9 =	vld [tilespmem:s10+$0x90]  }
0x401: {  	[tilespmem:s10+$0xFFFFFE90] =	vst v4;
	v4 =	vld [tilespmem:s10+$0x110]  }
0x402: {  	v10 =	vld [tilespmem:s14+$0xFFFFFE20];
	[tilespmem:s10+$0xFFFFFF10] =	vst v6;
	v5 =	vmul.f32 v14, v5  }
0x403: {  	v6 =	vld [tilespmem:s14+$0xFFFFFEA0];
	v3 =	vmul.f32 v3, v12  }
0x404: {  	v7 =	vmul.f32 v7, v13;
	[tilespmem:s10+$0x1C0] =	vst v5;
	v5 =	vld [tilespmem:s10+$0x1D0]  }
0x405: {  	[tilespmem:s10+$0xFFFFFF90] =	vst v3;
	v3 =	vmul.f32 v8, v9;
	v8 =	vld [tilespmem:s14+$0x1D0]  }
0x406: {  	v9 =	vld [tilespmem:s14+$0xFFFFFF20];
	[tilespmem:s10+$0x10] =	vst v7;
	v4 =	vmul.f32 v11, v4  }
0x407: {  	v7 =	vld [tilespmem:s14+$0xFFFFFFA0];
	[tilespmem:s10+$0x90] =	vst v3  }
0x408: {  	v3 =	vld [tilespmem:s14+$0x20];
	[tilespmem:s10+$0x110] =	vst v4  }
0x409: {  	v4 =	vld [tilespmem:s14+$0xA0]  }
0x40a: {  	v11 =	vld [tilespmem:s14+$0x120];
	v5 =	vmul.f32 v8, v5  }
0x40b: {  	v8 =	vld [tilespmem:s10+$0xFFFFFE20]  }
0x40c: {  	[tilespmem:s10+$0x1D0] =	vst v5;
	v5 =	vld [tilespmem:s10+$0x1E0]  }
0x40d: {  	v12 =	vld [tilespmem:s14+$0x1E0]  }
0x40e: {  	v13 =	vld [tilespmem:s10+$0xFFFFFEA0]  }
0x40f: {  	v14 =	vld [tilespmem:s10+$0xFFFFFF20]  }
0x410: {  	v8 =	vmul.f32 v10, v8;
	v10 =	vld [tilespmem:s10+$0xFFFFFFA0]  }
0x411: {  	v15 =	vld [tilespmem:s10+$0x20]  }
0x412: {  	[tilespmem:s10+$0xFFFFFE20] =	vst v8;
	v8 =	vld [tilespmem:s10+$0xA0];
	v5 =	vmul.f32 v12, v5  }
0x413: {  	v6 =	vmul.f32 v6, v13;
	v12 =	vld [tilespmem:s10+$0x120]  }
0x414: {  	v9 =	vmul.f32 v9, v14;
	[tilespmem:s10+$0x1E0] =	vst v5;
	v5 =	vld [tilespmem:s10+$0x1F0]  }
0x415: {  	[tilespmem:s10+$0xFFFFFEA0] =	vst v6;
	v6 =	vmul.f32 v7, v10;
	v7 =	vld [tilespmem:s14+$0x1F0]  }
0x416: {  	v10 =	vld [tilespmem:s14+$0xFFFFFE30];
	[tilespmem:s10+$0xFFFFFF20] =	vst v9;
	v3 =	vmul.f32 v3, v15  }
0x417: {  	v9 =	vld [tilespmem:s14+$0xFFFFFEB0];
	[tilespmem:s10+$0xFFFFFFA0] =	vst v6;
	v4 =	vmul.f32 v4, v8  }
0x418: {  	v6 =	vld [tilespmem:s14+$0xFFFFFF30];
	[tilespmem:s10+$0x20] =	vst v3;
	v3 =	vmul.f32 v11, v12  }
0x419: {  	v8 =	vld [tilespmem:s14+$0xFFFFFFB0];
	[tilespmem:s10+$0xA0] =	vst v4  }
0x41a: {  	v4 =	vld [tilespmem:s14+$0x30];
	[tilespmem:s10+$0x120] =	vst v3;
	v3 =	vmul.f32 v7, v5  }
0x41b: {  	v5 =	vld [tilespmem:s14+$0xB0]  }
0x41c: {  	v7 =	vld [tilespmem:s14+$0x130];
	[tilespmem:s10+$0x1F0] =	vst v3  }
0x41d: {  	v3 =	vld [tilespmem:s10+$0xFFFFFE30]  }
0x41e: {  	v11 =	vld [tilespmem:s10+$0xFFFFFEB0]  }
0x41f: {  	v12 =	vld [tilespmem:s10+$0xFFFFFF30]  }
0x420: {  	v13 =	vld [tilespmem:s10+$0xFFFFFFB0]  }
0x421: {  	v14 =	vld [tilespmem:s10+$0x30]  }
0x422: {  	v3 =	vmul.f32 v10, v3;
	v10 =	vld [tilespmem:s10+$0xB0]  }
0x423: {  	v9 =	vmul.f32 v9, v11;
	v11 =	vld [tilespmem:s10+$0x130]  }
0x424: {  	[tilespmem:s10+$0xFFFFFE30] =	vst v3;
	v3 =	vld [tilespmem:s10+$0xFFFFFE40];
	v6 =	vmul.f32 v6, v12  }
0x425: {  	v12 =	vld [tilespmem:s14+$0xFFFFFE40];
	[tilespmem:s10+$0xFFFFFEB0] =	vst v9;
	v8 =	vmul.f32 v8, v13  }
0x426: {  	v9 =	vld [tilespmem:s14+$0xFFFFFEC0];
	[tilespmem:s10+$0xFFFFFF30] =	vst v6;
	v4 =	vmul.f32 v4, v14  }
0x427: {  	v6 =	vld [tilespmem:s14+$0xFFFFFF40];
	[tilespmem:s10+$0xFFFFFFB0] =	vst v8;
	v5 =	vmul.f32 v5, v10  }
0x428: {  	v8 =	vld [tilespmem:s14+$0xFFFFFFC0];
	[tilespmem:s10+$0x30] =	vst v4;
	v4 =	vmul.f32 v7, v11  }
0x429: {  	v7 =	vld [tilespmem:s14+$0x40];
	[tilespmem:s10+$0xB0] =	vst v5  }
0x42a: {  	v3 =	vmul.f32 v12, v3;
	v5 =	vld [tilespmem:s14+$0xC0];
	[tilespmem:s10+$0x130] =	vst v4  }
0x42b: {  	v4 =	vld [tilespmem:s14+$0x140]  }
0x42c: {  	[tilespmem:s10+$0xFFFFFE40] =	vst v3;
	v3 =	vld [tilespmem:s10+$0xFFFFFEC0]  }
0x42d: {  	v10 =	vld [tilespmem:s10+$0xFFFFFF40]  }
0x42e: {  	v11 =	vld [tilespmem:s10+$0xFFFFFFC0]  }
0x42f: {  	v12 =	vld [tilespmem:s10+$0x40]  }
0x430: {  	v13 =	vld [tilespmem:s10+$0xC0]  }
0x431: {  	v3 =	vmul.f32 v9, v3;
	v9 =	vld [tilespmem:s10+$0x140]  }
0x432: {  	v14 =	vld [tilespmem:s14+$0xFFFFFE50];
	v6 =	vmul.f32 v6, v10  }
0x433: {  	v10 =	vld [tilespmem:s10+$0xFFFFFE50];
	[tilespmem:s10+$0xFFFFFEC0] =	vst v3;
	v3 =	vmul.f32 v8, v11  }
0x434: {  	v8 =	vld [tilespmem:s14+$0xFFFFFED0];
	[tilespmem:s10+$0xFFFFFF40] =	vst v6;
	v6 =	vmul.f32 v7, v12  }
0x435: {  	v7 =	vld [tilespmem:s14+$0xFFFFFF50];
	[tilespmem:s10+$0xFFFFFFC0] =	vst v3;
	v3 =	vmul.f32 v5, v13  }
0x436: {  	v5 =	vld [tilespmem:s14+$0xFFFFFFD0];
	[tilespmem:s10+$0x40] =	vst v6;
	v4 =	vmul.f32 v4, v9  }
0x437: {  	v6 =	vld [tilespmem:s14+$0x50];
	[tilespmem:s10+$0xC0] =	vst v3  }
0x438: {  	v3 =	vmul.f32 v14, v10;
	v9 =	vld [tilespmem:s14+$0xD0];
	[tilespmem:s10+$0x140] =	vst v4  }
0x439: {  	v4 =	vld [tilespmem:s14+$0x150]  }
0x43a: {  	[tilespmem:s10+$0xFFFFFE50] =	vst v3;
	v3 =	vld [tilespmem:s10+$0xFFFFFED0]  }
0x43b: {  	v10 =	vld [tilespmem:s10+$0xFFFFFF50]  }
0x43c: {  	v11 =	vld [tilespmem:s10+$0xFFFFFFD0]  }
0x43d: {  	v12 =	vld [tilespmem:s10+$0x50]  }
0x43e: {  	v13 =	vld [tilespmem:s10+$0xD0]  }
0x43f: {  	v3 =	vmul.f32 v8, v3;
	v8 =	vld [tilespmem:s10+$0x150]  }
0x440: {  	v14 =	vld [tilespmem:s14+$0xFFFFFE60];
	v7 =	vmul.f32 v7, v10  }
0x441: {  	v10 =	vld [tilespmem:s10+$0xFFFFFE60];
	[tilespmem:s10+$0xFFFFFED0] =	vst v3;
	v3 =	vmul.f32 v5, v11  }
0x442: {  	v5 =	vld [tilespmem:s14+$0xFFFFFEE0];
	[tilespmem:s10+$0xFFFFFF50] =	vst v7;
	v6 =	vmul.f32 v6, v12  }
0x443: {  	v7 =	vld [tilespmem:s14+$0xFFFFFF60];
	[tilespmem:s10+$0xFFFFFFD0] =	vst v3;
	v3 =	vmul.f32 v9, v13  }
0x444: {  	v9 =	vld [tilespmem:s14+$0xFFFFFFE0];
	[tilespmem:s10+$0x50] =	vst v6;
	v4 =	vmul.f32 v4, v8  }
0x445: {  	v6 =	vld [tilespmem:s14+$0x60];
	[tilespmem:s10+$0xD0] =	vst v3  }
0x446: {  	v3 =	vmul.f32 v14, v10;
	v8 =	vld [tilespmem:s14+$0xE0];
	[tilespmem:s10+$0x150] =	vst v4  }
0x447: {  	v4 =	vld [tilespmem:s14+$0x160]  }
0x448: {  	[tilespmem:s10+$0xFFFFFE60] =	vst v3;
	v3 =	vld [tilespmem:s10+$0xFFFFFEE0]  }
0x449: {  	v10 =	vld [tilespmem:s10+$0xFFFFFF60]  }
0x44a: {  	v11 =	vld [tilespmem:s10+$0xFFFFFFE0]  }
0x44b: {  	v12 =	vld [tilespmem:s10+$0x60]  }
0x44c: {  	v13 =	vld [tilespmem:s10+$0xE0]  }
0x44d: {  	v3 =	vmul.f32 v5, v3;
	v5 =	vld [tilespmem:s10+$0x160]  }
0x44e: {  	v14 =	vld [tilespmem:s14+$0xFFFFFE70];
	v7 =	vmul.f32 v7, v10  }
0x44f: {  	v10 =	vld [tilespmem:s10+$0xFFFFFE70];
	[tilespmem:s10+$0xFFFFFEE0] =	vst v3;
	v3 =	vmul.f32 v9, v11  }
0x450: {  	v15 =	vld [tilespmem:s14+$0xFFFFFEF0];
	[tilespmem:s10+$0xFFFFFF60] =	vst v7;
	v7 =	vmul.f32 v6, v12  }
0x451: {  	v9 =	vld [tilespmem:s14+$0xFFFFFF70];
	[tilespmem:s10+$0xFFFFFFE0] =	vst v3;
	v3 =	vmul.f32 v8, v13  }
0x452: {  	v6 =	vld [tilespmem:s14+$0xFFFFFFF0];
	[tilespmem:s10+$0x60] =	vst v7;
	v4 =	vmul.f32 v4, v5  }
0x453: {  	v7 =	vld [tilespmem:s14+$0x70];
	[tilespmem:s10+$0xE0] =	vst v3  }
0x454: {  	v3 =	vmul.f32 v14, v10;
	v8 =	vld [tilespmem:s14+$0xF0];
	[tilespmem:s10+$0x160] =	vst v4  }
0x455: {  	v5 =	vld [tilespmem:s14+$0x170]  }
0x456: {  	[tilespmem:s10+$0xFFFFFE70] =	vst v3;
	v4 =	vld [tilespmem:s10+$0xFFFFFEF0]  }
.Ltmp20:
0x457: {  	v12 =	vld [tilespmem:s10+$0xFFFFFF70];
	(pc) =	sbr.rel @p0 .LBB2_24-.Ltmp20, $4  }
0x458: {  	v11 =	vld [tilespmem:s10+$0xFFFFFFF0]  }
0x459: {  	v10 =	vld [tilespmem:s10+$0x70]  }
0x45a: {  	v3 =	vld [tilespmem:s10+$0xF0]  }
0x45b: {  	s10 =	sadd.s32 $0x400, s10;
	v13 =	vmul.f32 v15, v4;
	v4 =	vld [tilespmem:s4+$0x170]  }
0x45c: {  	v9 =	vmul.f32 v9, v12  }
0x45d: {  	[tilespmem:s4+$0xFFFFFEF0] =	vst v13;
	v6 =	vmul.f32 v6, v11  }
0x45e: {  	[tilespmem:s4+$0xFFFFFF70] =	vst v9;
	v7 =	vmul.f32 v7, v10  }
0x45f: {  	s10 =	sxor.u32 $0x1, s6;
	[tilespmem:s4+$0xFFFFFFF0] =	vst v6;
	v3 =	vmul.f32 v8, v3  }
0x460: {  	s10 =	smul.u32 $0xC0, s10;
	[tilespmem:s4+$0x70] =	vst v7;
	v4 =	vmul.f32 v5, v4  }
0x461: {  	[tilespmem:s4+$0xF0] =	vst v3  }
0x462: {  	s15 =	sadd.s32 $0x2580, s10;
	[tilespmem:s4+$0x170] =	vst v4  }
0x463: {  	[spmem:s5] =	stream.indirect.scatter.add.f32 [tilespmem:s31], [sflag:$0x6], $0x80, s15, s30, $0xb8;
	[tilespmem:$0x1EA00] =	vst v63  }
0x464: {  	_ =	swait.ge [sflag:s20], $0x6000  }
0x465: {  	[sflag:s20] =	ssyncset.done $0x0  }
0x466: {  	[sflag:s20] =	ssyncadd.s32 $0xFFFFA000  }
0x467: {  	[tilespmem:s10+$0x2580] =	vst v0  }
0x468: {  	s16 =	sor.u32 $0x2700, s10;
	[tilespmem:s10+$0x2770] =	vst v1  }
0x469: {  	[tilespmem:s16+$0x0] =	vst v1  }
0x46a: {  	[tilespmem:s10+$0x2880] =	vst v1  }
0x46b: {  	s17 =	sor.u32 $0x2710, s10;
	[tilespmem:s10+$0x2590] =	vst v0  }
0x46c: {  	[tilespmem:s17+$0x0] =	vst v1  }
0x46d: {  	[tilespmem:s10+$0x2890] =	vst v1  }
0x46e: {  	s21 =	sor.u32 $0x2720, s10;
	[tilespmem:s10+$0x25A0] =	vst v0  }
0x46f: {  	[tilespmem:s21+$0x0] =	vst v1  }
0x470: {  	[tilespmem:s10+$0x28A0] =	vst v1  }
0x471: {  	s22 =	sor.u32 $0x2730, s10;
	[tilespmem:s10+$0x25B0] =	vst v0  }
0x472: {  	[tilespmem:s22+$0x0] =	vst v1  }
0x473: {  	[tilespmem:s10+$0x28B0] =	vst v1  }
0x474: {  	[tilespmem:s10+$0x25C0] =	vst v0  }
0x475: {  	[tilespmem:s10+$0x2740] =	vst v1  }
0x476: {  	[tilespmem:s10+$0x28C0] =	vst v1  }
0x477: {  	[tilespmem:s10+$0x25D0] =	vst v0  }
0x478: {  	[tilespmem:s10+$0x2750] =	vst v1  }
0x479: {  	[tilespmem:s10+$0x28D0] =	vst v1  }
0x47a: {  	[tilespmem:s10+$0x25E0] =	vst v0  }
0x47b: {  	[tilespmem:s10+$0x2760] =	vst v1  }
0x47c: {  	[tilespmem:s10+$0x28E0] =	vst v1  }
0x47d: {  	[tilespmem:s10+$0x25F0] =	vst v0  }
0x47e: {  	s25 =	sor.u32 $0x2600, s10;
	[tilespmem:s10+$0x28F0] =	vst v1  }
0x47f: {  	[tilespmem:s25+$0x0] =	vst v0  }
0x480: {  	s14 =	sor.u32 $0x2900, s10;
	[tilespmem:s10+$0x2780] =	vst v1  }
0x481: {  	s15 =	sor.u32 $0x2610, s10;
	[tilespmem:s14+$0x0] =	vst v1  }
0x482: {  	[tilespmem:s15+$0x0] =	vst v0  }
0x483: {  	s16 =	sor.u32 $0x2910, s10;
	[tilespmem:s10+$0x2790] =	vst v1  }
0x484: {  	s17 =	sor.u32 $0x2620, s10;
	[tilespmem:s16+$0x0] =	vst v1  }
0x485: {  	[tilespmem:s17+$0x0] =	vst v0  }
0x486: {  	s21 =	sor.u32 $0x2920, s10;
	[tilespmem:s10+$0x27A0] =	vst v1  }
0x487: {  	s22 =	sor.u32 $0x2630, s10;
	[tilespmem:s21+$0x0] =	vst v1  }
0x488: {  	[tilespmem:s22+$0x0] =	vst v0  }
0x489: {  	s25 =	sor.u32 $0x2930, s10;
	[tilespmem:s10+$0x27B0] =	vst v1  }
0x48a: {  	[tilespmem:s25+$0x0] =	vst v1  }
.LBB2_26:
0x48b: {  	p0 =	slt.s32 s13, $0x1  }
.Ltmp21:
0x48c: {  	_ = 	snop;
	(pc) =	sbr.rel @p0 .LBB2_30-.Ltmp21, $1  }
0x48d: {  	_ =	sdelay $0x3  }
0x48e: {  	s4 =	smul.u32 $0xC0, s6;
	_ =	sdelay $0x1  }
0x48f: {  	s6 =	sadd.s32 $0x2700, s4  }
0x490: {  	[tilespmem:s31], [sflag:$0x4] =	stream.indirect.gather [hbm4b:s8+s30], $0x80, s6, s30, $0xb8;
	[tilespmem:$0x1EA00] =	vst v63  }
0x491: {  	s25 =	sadd.s32 $0x2880, s4  }
0x492: {  	[tilespmem:s0], [sflag:$0x5] =	stream.indirect.gather [hbm4b:s9+s30], $0x80, s25, s30, $0xb8;
	[tilespmem:$0x1EA00] =	vst v63  }
0x493: {  	_ =	swait.ge [sflag:s28], $0x6000  }
0x494: {  	[sflag:s28] =	ssyncset.done $0x0  }
0x495: {  	[sflag:s28] =	ssyncadd.s32 $0xFFFFA000  }
0x496: {  	_ =	swait.ge [sflag:s29], $0x6000  }
0x497: {  	[sflag:s29] =	ssyncset.done $0x0  }
0x498: {  	s6 =	simm.s32 $0x2C00;
	[sflag:s29] =	ssyncadd.s32 $0xFFFFA000  }
0x499: {  	s13 =	simm.s32 $0x8C00;
	v3 =	vld [tilespmem:s6+$0x180]  }
0x49a: {  	v4 =	vld [tilespmem:s13+$0x180]  }
0x49b: {  	v5 =	vld [tilespmem:s13+$0xFFFFFE00]  }
0x49c: {  	v6 =	vld [tilespmem:s6+$0xFFFFFE80]  }
0x49d: {  	v7 =	vld [tilespmem:s13+$0xFFFFFE80]  }
0x49e: {  	v8 =	vld [tilespmem:s6+$0xFFFFFF00]  }
0x49f: {  	v9 =	vld [tilespmem:s13+$0xFFFFFF00]  }
0x4a0: {  	v10 =	vld [tilespmem:s13+$0xFFFFFF80]  }
0x4a1: {  	v12 =	vld [tilespmem:s6+$0x0]  }
0x4a2: {  	v13 =	vld [tilespmem:s13+$0x0]  }
0x4a3: {  	v14 =	vld [tilespmem:s6+$0x80]  }
0x4a4: {  	v15 =	vld [tilespmem:s13+$0x80]  }
0x4a5: {  	v16 =	vld [tilespmem:s6+$0x100];
	v3 =	vmul.f32 v4, v3  }
0x4a6: {  	v57 =	vld [tilespmem:s6+$0x10]  }
0x4a7: {  	[tilespmem:s6+$0x180] =	vst v3;
	v3 =	vld [tilespmem:s6+$0x190]  }
0x4a8: {  	v4 =	vld [tilespmem:s13+$0x190]  }
0x4a9: {  	v58 =	vld [tilespmem:s6+$0x20]  }
0x4aa: {  	v17 =	vld [tilespmem:s6+$0xA0]  }
0x4ab: {  	v59 =	vld [tilespmem:s6+$0x30]  }
0x4ac: {  	v60 =	vld [tilespmem:s6+$0xC0]  }
0x4ad: {  	v3 =	vmul.f32 v4, v3;
	v4 =	vld [tilespmem:s6+$0xFFFFFF80]  }
0x4ae: {  	v61 =	vld [tilespmem:s6+$0xD0]  }
0x4af: {  	[tilespmem:s6+$0x190] =	vst v3;
	v3 =	vld [tilespmem:s6+$0x1A0]  }
0x4b0: {  	v11 =	vld [tilespmem:s13+$0x1A0]  }
0x4b1: {  	v62 =	vld [tilespmem:s6+$0xE0]  }
0x4b2: {  	v6 =	vmul.f32 v7, v6;
	v7 =	vld [tilespmem:s6+$0xFFFFFE00];
	v4 =	vmul.f32 v10, v4  }
0x4b3: {  	v63 =	vld [tilespmem:s6+$0xFFFFFE70]  }
0x4b4: {  	[tilespmem:s6+$0xFFFFFF80] =	vst v4;
	v4 =	vmul.f32 v15, v14;
	v14 =	vld [tilespmem:s6+$0xFFFFFF10]  }
0x4b5: {  	v15 =	vld [tilespmem:s6+$0xFFFFFF90];
	v3 =	vmul.f32 v11, v3  }
0x4b6: {  	[tilespmem:s6+$0xFFFFFE80] =	vst v6;
	v11 =	vld [tilespmem:s13+$0x100]  }
0x4b7: {  	v5 =	vmul.f32 v5, v7;
	[tilespmem:s6+$0x1A0] =	vst v3;
	v3 =	vmul.f32 v9, v8;
	v8 =	vld [tilespmem:s6+$0x1B0]  }
0x4b8: {  	[tilespmem:s6+$0x80] =	vst v4;
	v9 =	vld [tilespmem:s13+$0xFFFFFE90]  }
0x4b9: {  	[tilespmem:s6+$0xFFFFFE00] =	vst v5;
	v5 =	vld [tilespmem:s13+$0x90]  }
0x4ba: {  	v6 =	vld [tilespmem:s13+$0x1B0]  }
0x4bb: {  	[tilespmem:s6+$0xFFFFFF00] =	vst v3;
	v3 =	vmul.f32 v13, v12;
	v12 =	vld [tilespmem:s6+$0xFFFFFE10]  }
0x4bc: {  	v10 =	vld [tilespmem:s13+$0xFFFFFF10];
	v7 =	vmul.f32 v11, v16  }
0x4bd: {  	[tilespmem:s6+$0x0] =	vst v3;
	v3 =	vld [tilespmem:s13+$0xFFFFFF90]  }
0x4be: {  	[tilespmem:s6+$0x100] =	vst v7;
	v7 =	vld [tilespmem:s13+$0xFFFFFE10]  }
0x4bf: {  	v4 =	vld [tilespmem:s13+$0x10];
	v6 =	vmul.f32 v6, v8  }
0x4c0: {  	v8 =	vld [tilespmem:s13+$0x110]  }
0x4c1: {  	[tilespmem:s6+$0x1B0] =	vst v6;
	v6 =	vld [tilespmem:s6+$0x1C0]  }
0x4c2: {  	v11 =	vld [tilespmem:s13+$0x1C0]  }
0x4c3: {  	v7 =	vmul.f32 v7, v12;
	v12 =	vld [tilespmem:s6+$0x110]  }
0x4c4: {  	v13 =	vld [tilespmem:s6+$0xFFFFFE90]  }
0x4c5: {  	v3 =	vmul.f32 v3, v15;
	v15 =	vld [tilespmem:s6+$0xFFFFFFA0]  }
0x4c6: {  	v4 =	vmul.f32 v4, v57;
	[tilespmem:s6+$0xFFFFFE10] =	vst v7;
	v7 =	vmul.f32 v10, v14;
	v14 =	vld [tilespmem:s6+$0xFFFFFF20]  }
0x4c7: {  	[tilespmem:s6+$0xFFFFFF90] =	vst v3;
	v6 =	vmul.f32 v11, v6;
	v11 =	vld [tilespmem:s6+$0x90]  }
0x4c8: {  	[tilespmem:s6+$0x10] =	vst v4;
	v4 =	vmul.f32 v8, v12;
	v8 =	vld [tilespmem:s13+$0xFFFFFFA0]  }
0x4c9: {  	v12 =	vld [tilespmem:s6+$0xFFFFFE20]  }
0x4ca: {  	[tilespmem:s6+$0x1C0] =	vst v6;
	v6 =	vmul.f32 v9, v13;
	v9 =	vld [tilespmem:s6+$0x1D0]  }
0x4cb: {  	v13 =	vld [tilespmem:s6+$0xFFFFFEA0]  }
0x4cc: {  	v10 =	vld [tilespmem:s13+$0x1D0]  }
0x4cd: {  	[tilespmem:s6+$0xFFFFFE90] =	vst v6;
	v6 =	vld [tilespmem:s13+$0xFFFFFE20]  }
0x4ce: {  	[tilespmem:s6+$0xFFFFFF10] =	vst v7;
	v7 =	vld [tilespmem:s13+$0xFFFFFEA0];
	v3 =	vmul.f32 v5, v11  }
0x4cf: {  	v5 =	vld [tilespmem:s13+$0xFFFFFF20]  }
0x4d0: {  	v11 =	vld [tilespmem:s13+$0x20];
	[tilespmem:s6+$0x90] =	vst v3  }
0x4d1: {  	[tilespmem:s6+$0x110] =	vst v4;
	v3 =	vmul.f32 v10, v9;
	v9 =	vld [tilespmem:s13+$0xA0]  }
0x4d2: {  	v10 =	vld [tilespmem:s13+$0x120]  }
0x4d3: {  	[tilespmem:s6+$0x1D0] =	vst v3;
	v3 =	vld [tilespmem:s6+$0x1E0]  }
0x4d4: {  	v7 =	vmul.f32 v7, v13;
	v13 =	vld [tilespmem:s6+$0xFFFFFEB0]  }
0x4d5: {  	v5 =	vmul.f32 v5, v14;
	v14 =	vld [tilespmem:s6+$0xFFFFFF30]  }
0x4d6: {  	v4 =	vld [tilespmem:s13+$0x1E0]  }
0x4d7: {  	[tilespmem:s6+$0xFFFFFEA0] =	vst v7;
	v7 =	vmul.f32 v8, v15;
	v15 =	vld [tilespmem:s6+$0xFFFFFFB0]  }
0x4d8: {  	[tilespmem:s6+$0xFFFFFF20] =	vst v5;
	v5 =	vmul.f32 v11, v58;
	v11 =	vld [tilespmem:s13+$0xFFFFFEB0]  }
0x4d9: {  	[tilespmem:s6+$0xFFFFFFA0] =	vst v7;
	v7 =	vmul.f32 v9, v17;
	v9 =	vld [tilespmem:s13+$0xFFFFFF30]  }
0x4da: {  	[tilespmem:s6+$0x20] =	vst v5;
	v5 =	vld [tilespmem:s13+$0xFFFFFFB0]  }
0x4db: {  	v3 =	vmul.f32 v4, v3;
	v4 =	vmul.f32 v6, v12;
	v6 =	vld [tilespmem:s6+$0x120]  }
0x4dc: {  	[tilespmem:s6+$0xA0] =	vst v7;
	v7 =	vld [tilespmem:s13+$0x30]  }
0x4dd: {  	[tilespmem:s6+$0x1E0] =	vst v3;
	v3 =	vld [tilespmem:s6+$0x1F0]  }
0x4de: {  	v11 =	vmul.f32 v11, v13;
	v13 =	vld [tilespmem:s6+$0x130]  }
0x4df: {  	[tilespmem:s6+$0xFFFFFE20] =	vst v4;
	v4 =	vld [tilespmem:s13+$0x1F0]  }
0x4e0: {  	v8 =	vld [tilespmem:s13+$0xFFFFFE30]  }
0x4e1: {  	v5 =	vmul.f32 v5, v15;
	v15 =	vld [tilespmem:s6+$0xFFFFFFC0];
	v6 =	vmul.f32 v10, v6  }
0x4e2: {  	v10 =	vld [tilespmem:s13+$0xB0]  }
0x4e3: {  	v9 =	vmul.f32 v9, v14;
	[tilespmem:s6+$0x120] =	vst v6;
	v6 =	vld [tilespmem:s6+$0xFFFFFE30]  }
0x4e4: {  	[tilespmem:s6+$0xFFFFFEB0] =	vst v11;
	v12 =	vld [tilespmem:s13+$0x130]  }
0x4e5: {  	v11 =	vld [tilespmem:s13+$0xFFFFFEC0];
	[tilespmem:s6+$0xFFFFFF30] =	vst v9;
	v3 =	vmul.f32 v4, v3  }
0x4e6: {  	v9 =	vld [tilespmem:s13+$0xFFFFFF40]  }
0x4e7: {  	v7 =	vmul.f32 v7, v59;
	[tilespmem:s6+$0x1F0] =	vst v3;
	v3 =	vld [tilespmem:s6+$0xF0]  }
0x4e8: {  	v6 =	vmul.f32 v8, v6;
	v8 =	vld [tilespmem:s6+$0xB0]  }
0x4e9: {  	[tilespmem:s6+$0x30] =	vst v7;
	v7 =	vmul.f32 v12, v13;
	v12 =	vld [tilespmem:s6+$0xFFFFFEC0]  }
0x4ea: {  	v13 =	vld [tilespmem:s6+$0xFFFFFF40]  }
0x4eb: {  	[tilespmem:s6+$0xFFFFFE30] =	vst v6;
	v6 =	vld [tilespmem:s6+$0xFFFFFE40]  }
0x4ec: {  	v14 =	vld [tilespmem:s13+$0xFFFFFE40];
	[tilespmem:s6+$0x130] =	vst v7  }
0x4ed: {  	[tilespmem:s6+$0xFFFFFFB0] =	vst v5;
	v7 =	vld [tilespmem:s13+$0x140]  }
0x4ee: {  	v5 =	vmul.f32 v10, v8;
	v8 =	vld [tilespmem:s13+$0xFFFFFFC0]  }
0x4ef: {  	v10 =	vld [tilespmem:s13+$0x40]  }
0x4f0: {  	v9 =	vmul.f32 v9, v13;
	v13 =	vld [tilespmem:s6+$0xFFFFFE50];
	[tilespmem:s6+$0xB0] =	vst v5  }
0x4f1: {  	v5 =	vld [tilespmem:s13+$0xC0];
	v6 =	vmul.f32 v14, v6  }
0x4f2: {  	v14 =	vld [tilespmem:s6+$0x40]  }
0x4f3: {  	[tilespmem:s6+$0xFFFFFE40] =	vst v6;
	v6 =	vmul.f32 v11, v12;
	v11 =	vld [tilespmem:s6+$0x140]  }
0x4f4: {  	v12 =	vld [tilespmem:s13+$0xFFFFFE50]  }
0x4f5: {  	[tilespmem:s6+$0xFFFFFEC0] =	vst v6;
	v6 =	vmul.f32 v8, v15;
	v15 =	vld [tilespmem:s6+$0xFFFFFFD0]  }
0x4f6: {  	[tilespmem:s6+$0xFFFFFF40] =	vst v9;
	v8 =	vld [tilespmem:s13+$0xFFFFFED0]  }
0x4f7: {  	v9 =	vmul.f32 v10, v14;
	v10 =	vld [tilespmem:s13+$0xFFFFFF50]  }
0x4f8: {  	v14 =	vld [tilespmem:s6+$0xFFFFFF50];
	[tilespmem:s6+$0xFFFFFFC0] =	vst v6  }
0x4f9: {  	v5 =	vmul.f32 v5, v60;
	v6 =	vld [tilespmem:s13+$0xFFFFFFD0]  }
0x4fa: {  	[tilespmem:s6+$0x40] =	vst v9;
	v7 =	vmul.f32 v7, v11;
	v11 =	vld [tilespmem:s6+$0xFFFFFED0]  }
0x4fb: {  	[tilespmem:s6+$0xC0] =	vst v5;
	v9 =	vld [tilespmem:s13+$0x50]  }
0x4fc: {  	v5 =	vld [tilespmem:s13+$0xD0]  }
0x4fd: {  	v12 =	vmul.f32 v12, v13;
	v13 =	vld [tilespmem:s6+$0x50];
	[tilespmem:s6+$0x140] =	vst v7  }
0x4fe: {  	v7 =	vld [tilespmem:s13+$0x150]  }
0x4ff: {  	[tilespmem:s6+$0xFFFFFE50] =	vst v12;
	v10 =	vmul.f32 v10, v14;
	v14 =	vld [tilespmem:s6+$0xFFFFFE60]  }
0x500: {  	v12 =	vld [tilespmem:s13+$0xFFFFFE60]  }
0x501: {  	v8 =	vmul.f32 v8, v11;
	v11 =	vld [tilespmem:s6+$0x150]  }
0x502: {  	v6 =	vmul.f32 v6, v15;
	[tilespmem:s6+$0xFFFFFF50] =	vst v10;
	v15 =	vld [tilespmem:s6+$0xFFFFFFE0]  }
0x503: {  	v10 =	vld [tilespmem:s13+$0xFFFFFF60]  }
0x504: {  	v9 =	vmul.f32 v9, v13;
	v13 =	vld [tilespmem:s6+$0xFFFFFF60];
	[tilespmem:s6+$0xFFFFFED0] =	vst v8  }
0x505: {  	v5 =	vmul.f32 v5, v61;
	[tilespmem:s6+$0xFFFFFFD0] =	vst v6;
	v8 =	vld [tilespmem:s13+$0xFFFFFEE0]  }
0x506: {  	v6 =	vld [tilespmem:s13+$0xFFFFFFE0];
	[tilespmem:s6+$0x50] =	vst v9  }
0x507: {  	[tilespmem:s6+$0xD0] =	vst v5;
	v9 =	vld [tilespmem:s13+$0x60]  }
0x508: {  	v5 =	vld [tilespmem:s13+$0xE0]  }
0x509: {  	v12 =	vmul.f32 v12, v14;
	v7 =	vmul.f32 v7, v11;
	v11 =	vld [tilespmem:s6+$0xFFFFFEE0]  }
0x50a: {  	v14 =	vld [tilespmem:s6+$0x60]  }
0x50b: {  	[tilespmem:s6+$0xFFFFFE60] =	vst v12;
	v12 =	vld [tilespmem:s6+$0xFFFFFF70]  }
0x50c: {  	v10 =	vmul.f32 v10, v13;
	[tilespmem:s6+$0x150] =	vst v7;
	v13 =	vld [tilespmem:s13+$0xFFFFFE70];
	v6 =	vmul.f32 v6, v15  }
0x50d: {  	v7 =	vld [tilespmem:s13+$0x160]  }
0x50e: {  	v8 =	vmul.f32 v8, v11;
	v11 =	vld [tilespmem:s6+$0x160];
	[tilespmem:s6+$0xFFFFFFE0] =	vst v6  }
0x50f: {  	[tilespmem:s6+$0xFFFFFF60] =	vst v10;
	v6 =	vld [tilespmem:s13+$0xFFFFFFF0]  }
0x510: {  	v5 =	vmul.f32 v5, v62;
	[tilespmem:s6+$0xFFFFFEE0] =	vst v8;
	v8 =	vmul.f32 v9, v14;
	v9 =	vld [tilespmem:s13+$0xFFFFFF70]  }
0x511: {  	v14 =	vld [tilespmem:s6+$0xFFFFFEF0]  }
0x512: {  	[tilespmem:s6+$0xE0] =	vst v5;
	v15 =	vld [tilespmem:s13+$0xFFFFFEF0]  }
0x513: {  	[tilespmem:s6+$0x60] =	vst v8;
	v8 =	vld [tilespmem:s13+$0xF0]  }
0x514: {  	v10 =	vmul.f32 v7, v11;
	v7 =	vld [tilespmem:s13+$0x70]  }
0x515: {  	v4 =	vmul.f32 v13, v63;
	v11 =	vld [tilespmem:s6+$0xFFFFFFF0]  }
0x516: {  	[tilespmem:s6+$0x160] =	vst v10;
	v10 =	vld [tilespmem:s6+$0x70]  }
0x517: {  	[tilespmem:s6+$0xFFFFFE70] =	vst v4;
	v4 =	vld [tilespmem:s6+$0x170]  }
0x518: {  	s14 =	simm.s32 $0x0;
	s10 =	simm.s32 $0x3000;
	v5 =	vld [tilespmem:s13+$0x170];
	v13 =	vmul.f32 v15, v14  }
.LBB2_28:
0x519: {  	v14 =	vld [tilespmem:s10+$0x180];
	v9 =	vmul.f32 v9, v12;
	s13 =	sadd.s32 $0x400, s13  }
0x51a: {  	s14 =	sadd.s32 $0x8, s14;
	v12 =	vld [tilespmem:s13+$0x180];
	[tilespmem:s6+$0xFFFFFEF0] =	vst v13;
	v6 =	vmul.f32 v6, v11  }
0x51b: {  	p0 =	slt.u32 s14, $0xB8;
	v11 =	vld [tilespmem:s13+$0xFFFFFE00];
	[tilespmem:s6+$0xFFFFFF70] =	vst v9;
	v7 =	vmul.f32 v7, v10  }
0x51c: {  	v9 =	vld [tilespmem:s10+$0xFFFFFE80];
	[tilespmem:s6+$0xFFFFFFF0] =	vst v6;
	v3 =	vmul.f32 v8, v3  }
0x51d: {  	v6 =	vld [tilespmem:s13+$0xFFFFFE80];
	[tilespmem:s6+$0x70] =	vst v7;
	v4 =	vmul.f32 v5, v4  }
0x51e: {  	v5 =	vld [tilespmem:s10+$0xFFFFFF00];
	[tilespmem:s6+$0xF0] =	vst v3  }
0x51f: {  	v3 =	vld [tilespmem:s13+$0xFFFFFF00];
	v7 =	vmul.f32 v12, v14;
	[tilespmem:s6+$0x170] =	vst v4;
	s6 =	smov.u32 s10  }
0x520: {  	v4 =	vld [tilespmem:s10+$0xFFFFFF80]  }
0x521: {  	[tilespmem:s10+$0x180] =	vst v7;
	v7 =	vld [tilespmem:s10+$0x190]  }
0x522: {  	v6 =	vmul.f32 v6, v9;
	v8 =	vld [tilespmem:s13+$0x190]  }
0x523: {  	v9 =	vld [tilespmem:s13+$0xFFFFFF80]  }
0x524: {  	[tilespmem:s10+$0xFFFFFE80] =	vst v6;
	v3 =	vmul.f32 v3, v5;
	v5 =	vld [tilespmem:s10+$0x0]  }
0x525: {  	v6 =	vld [tilespmem:s13+$0x0]  }
0x526: {  	[tilespmem:s10+$0xFFFFFF00] =	vst v3;
	v3 =	vld [tilespmem:s10+$0x80]  }
0x527: {  	v10 =	vld [tilespmem:s13+$0x80];
	v7 =	vmul.f32 v8, v7  }
0x528: {  	v4 =	vmul.f32 v9, v4;
	v8 =	vld [tilespmem:s10+$0x100]  }
0x529: {  	[tilespmem:s10+$0x190] =	vst v7;
	v7 =	vld [tilespmem:s10+$0x1A0]  }
0x52a: {  	[tilespmem:s10+$0xFFFFFF80] =	vst v4;
	v4 =	vmul.f32 v6, v5;
	v5 =	vld [tilespmem:s13+$0x1A0]  }
0x52b: {  	v6 =	vld [tilespmem:s13+$0x100]  }
0x52c: {  	v9 =	vld [tilespmem:s10+$0xFFFFFE00];
	[tilespmem:s10+$0x0] =	vst v4;
	v3 =	vmul.f32 v10, v3  }
0x52d: {  	v4 =	vld [tilespmem:s13+$0xFFFFFE90]  }
0x52e: {  	v10 =	vld [tilespmem:s13+$0xFFFFFF10];
	[tilespmem:s10+$0x80] =	vst v3  }
0x52f: {  	v3 =	vld [tilespmem:s13+$0xFFFFFF90];
	v5 =	vmul.f32 v5, v7  }
0x530: {  	v7 =	vld [tilespmem:s13+$0x10];
	v6 =	vmul.f32 v6, v8  }
0x531: {  	v8 =	vmul.f32 v11, v9;
	[tilespmem:s10+$0x1A0] =	vst v5;
	v5 =	vld [tilespmem:s10+$0x1B0]  }
0x532: {  	[tilespmem:s10+$0x100] =	vst v6;
	v6 =	vld [tilespmem:s13+$0x1B0]  }
0x533: {  	[tilespmem:s10+$0xFFFFFE00] =	vst v8;
	v8 =	vld [tilespmem:s13+$0x90]  }
0x534: {  	v9 =	vld [tilespmem:s13+$0xFFFFFE10]  }
0x535: {  	v11 =	vld [tilespmem:s13+$0x110]  }
0x536: {  	v12 =	vld [tilespmem:s10+$0xFFFFFE10]  }
0x537: {  	v13 =	vld [tilespmem:s10+$0xFFFFFE90];
	v5 =	vmul.f32 v6, v5  }
0x538: {  	v6 =	vld [tilespmem:s10+$0xFFFFFF10]  }
0x539: {  	[tilespmem:s10+$0x1B0] =	vst v5;
	v5 =	vld [tilespmem:s10+$0x1C0]  }
0x53a: {  	v14 =	vld [tilespmem:s13+$0x1C0]  }
0x53b: {  	v9 =	vmul.f32 v9, v12;
	v12 =	vld [tilespmem:s10+$0xFFFFFF90]  }
0x53c: {  	v4 =	vmul.f32 v4, v13;
	v13 =	vld [tilespmem:s10+$0x10]  }
0x53d: {  	[tilespmem:s10+$0xFFFFFE10] =	vst v9;
	v6 =	vmul.f32 v10, v6;
	v9 =	vld [tilespmem:s10+$0x90]  }
0x53e: {  	[tilespmem:s10+$0xFFFFFE90] =	vst v4;
	v4 =	vld [tilespmem:s10+$0x110]  }
0x53f: {  	v10 =	vld [tilespmem:s13+$0xFFFFFE20];
	[tilespmem:s10+$0xFFFFFF10] =	vst v6;
	v5 =	vmul.f32 v14, v5  }
0x540: {  	v6 =	vld [tilespmem:s13+$0xFFFFFEA0];
	v3 =	vmul.f32 v3, v12  }
0x541: {  	v7 =	vmul.f32 v7, v13;
	[tilespmem:s10+$0x1C0] =	vst v5;
	v5 =	vld [tilespmem:s10+$0x1D0]  }
0x542: {  	[tilespmem:s10+$0xFFFFFF90] =	vst v3;
	v3 =	vmul.f32 v8, v9;
	v8 =	vld [tilespmem:s13+$0x1D0]  }
0x543: {  	v9 =	vld [tilespmem:s13+$0xFFFFFF20];
	[tilespmem:s10+$0x10] =	vst v7;
	v4 =	vmul.f32 v11, v4  }
0x544: {  	v7 =	vld [tilespmem:s13+$0xFFFFFFA0];
	[tilespmem:s10+$0x90] =	vst v3  }
0x545: {  	v3 =	vld [tilespmem:s13+$0x20];
	[tilespmem:s10+$0x110] =	vst v4  }
0x546: {  	v4 =	vld [tilespmem:s13+$0xA0]  }
0x547: {  	v11 =	vld [tilespmem:s13+$0x120];
	v5 =	vmul.f32 v8, v5  }
0x548: {  	v8 =	vld [tilespmem:s10+$0xFFFFFE20]  }
0x549: {  	[tilespmem:s10+$0x1D0] =	vst v5;
	v5 =	vld [tilespmem:s10+$0x1E0]  }
0x54a: {  	v12 =	vld [tilespmem:s13+$0x1E0]  }
0x54b: {  	v13 =	vld [tilespmem:s10+$0xFFFFFEA0]  }
0x54c: {  	v14 =	vld [tilespmem:s10+$0xFFFFFF20]  }
0x54d: {  	v8 =	vmul.f32 v10, v8;
	v10 =	vld [tilespmem:s10+$0xFFFFFFA0]  }
0x54e: {  	v15 =	vld [tilespmem:s10+$0x20]  }
0x54f: {  	[tilespmem:s10+$0xFFFFFE20] =	vst v8;
	v8 =	vld [tilespmem:s10+$0xA0];
	v5 =	vmul.f32 v12, v5  }
0x550: {  	v6 =	vmul.f32 v6, v13;
	v12 =	vld [tilespmem:s10+$0x120]  }
0x551: {  	v9 =	vmul.f32 v9, v14;
	[tilespmem:s10+$0x1E0] =	vst v5;
	v5 =	vld [tilespmem:s10+$0x1F0]  }
0x552: {  	[tilespmem:s10+$0xFFFFFEA0] =	vst v6;
	v6 =	vmul.f32 v7, v10;
	v7 =	vld [tilespmem:s13+$0x1F0]  }
0x553: {  	v10 =	vld [tilespmem:s13+$0xFFFFFE30];
	[tilespmem:s10+$0xFFFFFF20] =	vst v9;
	v3 =	vmul.f32 v3, v15  }
0x554: {  	v9 =	vld [tilespmem:s13+$0xFFFFFEB0];
	[tilespmem:s10+$0xFFFFFFA0] =	vst v6;
	v4 =	vmul.f32 v4, v8  }
0x555: {  	v6 =	vld [tilespmem:s13+$0xFFFFFF30];
	[tilespmem:s10+$0x20] =	vst v3;
	v3 =	vmul.f32 v11, v12  }
0x556: {  	v8 =	vld [tilespmem:s13+$0xFFFFFFB0];
	[tilespmem:s10+$0xA0] =	vst v4  }
0x557: {  	v4 =	vld [tilespmem:s13+$0x30];
	[tilespmem:s10+$0x120] =	vst v3;
	v3 =	vmul.f32 v7, v5  }
0x558: {  	v5 =	vld [tilespmem:s13+$0xB0]  }
0x559: {  	v7 =	vld [tilespmem:s13+$0x130];
	[tilespmem:s10+$0x1F0] =	vst v3  }
0x55a: {  	v3 =	vld [tilespmem:s10+$0xFFFFFE30]  }
0x55b: {  	v11 =	vld [tilespmem:s10+$0xFFFFFEB0]  }
0x55c: {  	v12 =	vld [tilespmem:s10+$0xFFFFFF30]  }
0x55d: {  	v13 =	vld [tilespmem:s10+$0xFFFFFFB0]  }
0x55e: {  	v14 =	vld [tilespmem:s10+$0x30]  }
0x55f: {  	v3 =	vmul.f32 v10, v3;
	v10 =	vld [tilespmem:s10+$0xB0]  }
0x560: {  	v9 =	vmul.f32 v9, v11;
	v11 =	vld [tilespmem:s10+$0x130]  }
0x561: {  	[tilespmem:s10+$0xFFFFFE30] =	vst v3;
	v3 =	vld [tilespmem:s10+$0xFFFFFE40];
	v6 =	vmul.f32 v6, v12  }
0x562: {  	v12 =	vld [tilespmem:s13+$0xFFFFFE40];
	[tilespmem:s10+$0xFFFFFEB0] =	vst v9;
	v8 =	vmul.f32 v8, v13  }
0x563: {  	v9 =	vld [tilespmem:s13+$0xFFFFFEC0];
	[tilespmem:s10+$0xFFFFFF30] =	vst v6;
	v4 =	vmul.f32 v4, v14  }
0x564: {  	v6 =	vld [tilespmem:s13+$0xFFFFFF40];
	[tilespmem:s10+$0xFFFFFFB0] =	vst v8;
	v5 =	vmul.f32 v5, v10  }
0x565: {  	v8 =	vld [tilespmem:s13+$0xFFFFFFC0];
	[tilespmem:s10+$0x30] =	vst v4;
	v4 =	vmul.f32 v7, v11  }
0x566: {  	v7 =	vld [tilespmem:s13+$0x40];
	[tilespmem:s10+$0xB0] =	vst v5  }
0x567: {  	v3 =	vmul.f32 v12, v3;
	v5 =	vld [tilespmem:s13+$0xC0];
	[tilespmem:s10+$0x130] =	vst v4  }
0x568: {  	v4 =	vld [tilespmem:s13+$0x140]  }
0x569: {  	[tilespmem:s10+$0xFFFFFE40] =	vst v3;
	v3 =	vld [tilespmem:s10+$0xFFFFFEC0]  }
0x56a: {  	v10 =	vld [tilespmem:s10+$0xFFFFFF40]  }
0x56b: {  	v11 =	vld [tilespmem:s10+$0xFFFFFFC0]  }
0x56c: {  	v12 =	vld [tilespmem:s10+$0x40]  }
0x56d: {  	v13 =	vld [tilespmem:s10+$0xC0]  }
0x56e: {  	v3 =	vmul.f32 v9, v3;
	v9 =	vld [tilespmem:s10+$0x140]  }
0x56f: {  	v14 =	vld [tilespmem:s13+$0xFFFFFE50];
	v6 =	vmul.f32 v6, v10  }
0x570: {  	v10 =	vld [tilespmem:s10+$0xFFFFFE50];
	[tilespmem:s10+$0xFFFFFEC0] =	vst v3;
	v3 =	vmul.f32 v8, v11  }
0x571: {  	v8 =	vld [tilespmem:s13+$0xFFFFFED0];
	[tilespmem:s10+$0xFFFFFF40] =	vst v6;
	v6 =	vmul.f32 v7, v12  }
0x572: {  	v7 =	vld [tilespmem:s13+$0xFFFFFF50];
	[tilespmem:s10+$0xFFFFFFC0] =	vst v3;
	v3 =	vmul.f32 v5, v13  }
0x573: {  	v5 =	vld [tilespmem:s13+$0xFFFFFFD0];
	[tilespmem:s10+$0x40] =	vst v6;
	v4 =	vmul.f32 v4, v9  }
0x574: {  	v6 =	vld [tilespmem:s13+$0x50];
	[tilespmem:s10+$0xC0] =	vst v3  }
0x575: {  	v3 =	vmul.f32 v14, v10;
	v9 =	vld [tilespmem:s13+$0xD0];
	[tilespmem:s10+$0x140] =	vst v4  }
0x576: {  	v4 =	vld [tilespmem:s13+$0x150]  }
0x577: {  	[tilespmem:s10+$0xFFFFFE50] =	vst v3;
	v3 =	vld [tilespmem:s10+$0xFFFFFED0]  }
0x578: {  	v10 =	vld [tilespmem:s10+$0xFFFFFF50]  }
0x579: {  	v11 =	vld [tilespmem:s10+$0xFFFFFFD0]  }
0x57a: {  	v12 =	vld [tilespmem:s10+$0x50]  }
0x57b: {  	v13 =	vld [tilespmem:s10+$0xD0]  }
0x57c: {  	v3 =	vmul.f32 v8, v3;
	v8 =	vld [tilespmem:s10+$0x150]  }
0x57d: {  	v14 =	vld [tilespmem:s13+$0xFFFFFE60];
	v7 =	vmul.f32 v7, v10  }
0x57e: {  	v10 =	vld [tilespmem:s10+$0xFFFFFE60];
	[tilespmem:s10+$0xFFFFFED0] =	vst v3;
	v3 =	vmul.f32 v5, v11  }
0x57f: {  	v5 =	vld [tilespmem:s13+$0xFFFFFEE0];
	[tilespmem:s10+$0xFFFFFF50] =	vst v7;
	v6 =	vmul.f32 v6, v12  }
0x580: {  	v7 =	vld [tilespmem:s13+$0xFFFFFF60];
	[tilespmem:s10+$0xFFFFFFD0] =	vst v3;
	v3 =	vmul.f32 v9, v13  }
0x581: {  	v9 =	vld [tilespmem:s13+$0xFFFFFFE0];
	[tilespmem:s10+$0x50] =	vst v6;
	v4 =	vmul.f32 v4, v8  }
0x582: {  	v6 =	vld [tilespmem:s13+$0x60];
	[tilespmem:s10+$0xD0] =	vst v3  }
0x583: {  	v3 =	vmul.f32 v14, v10;
	v8 =	vld [tilespmem:s13+$0xE0];
	[tilespmem:s10+$0x150] =	vst v4  }
0x584: {  	v4 =	vld [tilespmem:s13+$0x160]  }
0x585: {  	[tilespmem:s10+$0xFFFFFE60] =	vst v3;
	v3 =	vld [tilespmem:s10+$0xFFFFFEE0]  }
0x586: {  	v10 =	vld [tilespmem:s10+$0xFFFFFF60]  }
0x587: {  	v11 =	vld [tilespmem:s10+$0xFFFFFFE0]  }
0x588: {  	v12 =	vld [tilespmem:s10+$0x60]  }
0x589: {  	v13 =	vld [tilespmem:s10+$0xE0]  }
0x58a: {  	v3 =	vmul.f32 v5, v3;
	v5 =	vld [tilespmem:s10+$0x160]  }
0x58b: {  	v14 =	vld [tilespmem:s13+$0xFFFFFE70];
	v7 =	vmul.f32 v7, v10  }
0x58c: {  	v10 =	vld [tilespmem:s10+$0xFFFFFE70];
	[tilespmem:s10+$0xFFFFFEE0] =	vst v3;
	v3 =	vmul.f32 v9, v11  }
0x58d: {  	v15 =	vld [tilespmem:s13+$0xFFFFFEF0];
	[tilespmem:s10+$0xFFFFFF60] =	vst v7;
	v7 =	vmul.f32 v6, v12  }
0x58e: {  	v9 =	vld [tilespmem:s13+$0xFFFFFF70];
	[tilespmem:s10+$0xFFFFFFE0] =	vst v3;
	v3 =	vmul.f32 v8, v13  }
0x58f: {  	v6 =	vld [tilespmem:s13+$0xFFFFFFF0];
	[tilespmem:s10+$0x60] =	vst v7;
	v4 =	vmul.f32 v4, v5  }
0x590: {  	v7 =	vld [tilespmem:s13+$0x70];
	[tilespmem:s10+$0xE0] =	vst v3  }
0x591: {  	v3 =	vmul.f32 v14, v10;
	v8 =	vld [tilespmem:s13+$0xF0];
	[tilespmem:s10+$0x160] =	vst v4  }
0x592: {  	v5 =	vld [tilespmem:s13+$0x170]  }
0x593: {  	[tilespmem:s10+$0xFFFFFE70] =	vst v3;
	v4 =	vld [tilespmem:s10+$0xFFFFFEF0]  }
.Ltmp22:
0x594: {  	v12 =	vld [tilespmem:s10+$0xFFFFFF70];
	(pc) =	sbr.rel @p0 .LBB2_28-.Ltmp22, $4  }
0x595: {  	v11 =	vld [tilespmem:s10+$0xFFFFFFF0]  }
0x596: {  	v10 =	vld [tilespmem:s10+$0x70]  }
0x597: {  	v3 =	vld [tilespmem:s10+$0xF0]  }
0x598: {  	s10 =	sadd.s32 $0x400, s10;
	v13 =	vmul.f32 v15, v4;
	v4 =	vld [tilespmem:s6+$0x170]  }
0x599: {  	v9 =	vmul.f32 v9, v12  }
0x59a: {  	[tilespmem:s6+$0xFFFFFEF0] =	vst v13;
	v6 =	vmul.f32 v6, v11  }
0x59b: {  	[tilespmem:s6+$0xFFFFFF70] =	vst v9;
	v7 =	vmul.f32 v7, v10  }
0x59c: {  	[tilespmem:s6+$0xFFFFFFF0] =	vst v6;
	v3 =	vmul.f32 v8, v3  }
0x59d: {  	[tilespmem:s6+$0x70] =	vst v7;
	v4 =	vmul.f32 v5, v4  }
0x59e: {  	[tilespmem:s6+$0xF0] =	vst v3  }
0x59f: {  	s25 =	sadd.s32 $0x2580, s4;
	[tilespmem:s6+$0x170] =	vst v4  }
0x5a0: {  	[spmem:s5] =	stream.indirect.scatter.add.f32 [tilespmem:s31], [sflag:$0x6], $0x80, s25, s30, $0xb8;
	[tilespmem:$0x1EA00] =	vst v63  }
0x5a1: {  	_ =	swait.ge [sflag:s20], $0x6000  }
0x5a2: {  	[sflag:s20] =	ssyncset.done $0x0  }
0x5a3: {  	[sflag:s20] =	ssyncadd.s32 $0xFFFFA000  }
0x5a4: {  	[tilespmem:s4+$0x2580] =	vst v0  }
0x5a5: {  	[tilespmem:s4+$0x2700] =	vst v1  }
0x5a6: {  	[tilespmem:s4+$0x2880] =	vst v1  }
0x5a7: {  	[tilespmem:s4+$0x2590] =	vst v0  }
0x5a8: {  	[tilespmem:s4+$0x2710] =	vst v1  }
0x5a9: {  	[tilespmem:s4+$0x2890] =	vst v1  }
0x5aa: {  	[tilespmem:s4+$0x25A0] =	vst v0  }
0x5ab: {  	[tilespmem:s4+$0x2720] =	vst v1  }
0x5ac: {  	[tilespmem:s4+$0x28A0] =	vst v1  }
0x5ad: {  	[tilespmem:s4+$0x25B0] =	vst v0  }
0x5ae: {  	[tilespmem:s4+$0x2730] =	vst v1  }
0x5af: {  	[tilespmem:s4+$0x28B0] =	vst v1  }
0x5b0: {  	[tilespmem:s4+$0x25C0] =	vst v0  }
0x5b1: {  	[tilespmem:s4+$0x2740] =	vst v1  }
0x5b2: {  	[tilespmem:s4+$0x28C0] =	vst v1  }
0x5b3: {  	[tilespmem:s4+$0x25D0] =	vst v0  }
0x5b4: {  	[tilespmem:s4+$0x2750] =	vst v1  }
0x5b5: {  	[tilespmem:s4+$0x28D0] =	vst v1  }
0x5b6: {  	[tilespmem:s4+$0x25E0] =	vst v0  }
0x5b7: {  	[tilespmem:s4+$0x2760] =	vst v1  }
0x5b8: {  	[tilespmem:s4+$0x28E0] =	vst v1  }
0x5b9: {  	[tilespmem:s4+$0x25F0] =	vst v0  }
0x5ba: {  	[tilespmem:s4+$0x2770] =	vst v1  }
0x5bb: {  	[tilespmem:s4+$0x28F0] =	vst v1  }
0x5bc: {  	[tilespmem:s4+$0x2600] =	vst v0  }
0x5bd: {  	[tilespmem:s4+$0x2780] =	vst v1  }
0x5be: {  	[tilespmem:s4+$0x2900] =	vst v1  }
0x5bf: {  	[tilespmem:s4+$0x2610] =	vst v0  }
0x5c0: {  	[tilespmem:s4+$0x2790] =	vst v1  }
0x5c1: {  	[tilespmem:s4+$0x2910] =	vst v1  }
0x5c2: {  	[tilespmem:s4+$0x2620] =	vst v0  }
.Ltmp23:
0x5c3: {  	[tilespmem:s4+$0x27A0] =	vst v1;
	(pc) =	sbr.rel .LBB2_30-.Ltmp23, $4  }
0x5c4: {  	[tilespmem:s4+$0x2920] =	vst v1  }
0x5c5: {  	[tilespmem:s4+$0x2630] =	vst v0  }
0x5c6: {  	[tilespmem:s4+$0x27B0] =	vst v1  }
0x5c7: {  	[tilespmem:s4+$0x2930] =	vst v1  }
.LBB2_32:
0x5c8: {  	_ =	sfence.sel $0x180000  }
0x5c9: {  	[bflag:$0x0] =	sbarrier.arrive $0xFFFF  }
0x5ca: {  	_ =	strace $0x90000047  }
0x5cb: {  	s0 =	stileid.u32;
	[bflag:$0x2] =	sbarrier.arrive $0xFFFF  }
0x5cc: {  	p0 =	sne.s32 s0, $0x0;
	s0 =	rddreg [dreg:$0x6]  }
0x5cd: {  	s0 =	sadd.s32 @!p0 $0x100000, s0  }
0x5ce: {  	[sflag:s0] =	ssyncadd.tile.s32 @!p0 $0x1;
	_ =	shalt  }
.Lfunc_end2:
_tile_overlayer_lowered:
.L_overlay_start_2:
0x5cf: {  	(tag) =	ssettag $0x2  }
0x5d0: {  	s0 =	rddreg [dreg:$0x0];
	s2 =	stileid.u32  }
0x5d1: {  	s1 =	rddreg [dreg:$0x1];
	p0 =	sne.s32 s2, $0x0  }
0x5d2: {  	s3 =	rddreg [dreg:$0x2];
	[bflag:$0x3] =	sbarrier.arrive $0xFFFF;
	s2 =	simm.s32 @!p0 $0x1C06  }
0x5d3: {  	[timem:s3], [sflag:s2] =	dma.local @!p0 [hbm:s0], s1  }
0x5d4: {  	s0 =	simm.s32 @!p0 $0x6  }
0x5d5: {  	_ =	swait.ge @!p0 [sflag:s0], s1  }
0x5d6: {  	s1 =	ssub.s32 @!p0 $0x0, s1;
	[sflag:s0] =	ssyncset.done @!p0 $0x0  }
0x5d7: {  	[sflag:s0] =	ssyncadd.s32 @!p0 s1  }
0x5d8: {  	[bflag:$0x3] =	sbarrier.arrive $0xFFFF  }
0x5d9: {  	_ =	shalt  }

</sc_bundles>
